<compile_context>
chip_gen: v7x
topology: tpu7x:2x2x1
jax: 0.10.2.dev20260603
libtpu: 0.0.44.dev20260713+nightly
codegen_flags: <defaults>
</compile_context>

<pallas_src>
import jax
import jax.numpy as jnp
from jax import lax
from jax.experimental import pallas as pl
from jax.experimental.pallas import tpu as pltpu

N = 10000
E = 320000
F_IN = 128
DIM = 256
L = 3
RES = 3
NUM_CODE = 1024
G = 128

TILE = 400
NTILES = N // TILE


def _rvq_body(m_ref, cbnt_ref, cb_ref, batch_ref,
              ids_ref, pool_ref, closs_ref,
              cbnt16_s, hi_s, mid_s, lo_s):
    i = pl.program_id(0)
    m = m_ref[...]

    @pl.when(i == 0)
    def _():
        pool_ref[...] = jnp.zeros_like(pool_ref)
        closs_ref[...] = jnp.zeros_like(closs_ref)
        for l in range(RES):
            cbnt16_s[l] = cbnt_ref[l].astype(jnp.bfloat16)
            cbl = cb_ref[l]
            hi = cbl.astype(jnp.bfloat16)
            hi_s[l] = hi
            r1 = cbl - hi.astype(jnp.float32)
            mid = r1.astype(jnp.bfloat16)
            mid_s[l] = mid
            lo_s[l] = (r1 - mid.astype(jnp.float32)).astype(jnp.bfloat16)

    r = m
    ids = []
    closs = jnp.zeros((), jnp.float32)
    code_iota = lax.broadcasted_iota(jnp.int32, (TILE, NUM_CODE), 1)
    for l in range(RES):
        nrm = jnp.sqrt(jnp.sum(r * r, axis=-1, keepdims=True))
        xn = r / (nrm + 1e-8)
        sim = jnp.dot(xn.astype(jnp.bfloat16), cbnt16_s[l],
                      preferred_element_type=jnp.float32)
        mx = jnp.max(sim, axis=-1, keepdims=True)
        idx = jnp.min(jnp.where(sim == mx, code_iota, NUM_CODE), axis=-1)
        ids.append(idx)
        oh = (code_iota == idx[:, None]).astype(jnp.bfloat16)
        q = ((jnp.dot(oh, hi_s[l], preferred_element_type=jnp.float32)
              + jnp.dot(oh, mid_s[l], preferred_element_type=jnp.float32))
             + jnp.dot(oh, lo_s[l], preferred_element_type=jnp.float32))
        d = q - r
        closs = closs + jnp.sum(d * d)
        r = r - q
    ids_ref[...] = jnp.concatenate([ix[:, None] for ix in ids], axis=1)

    onehot_b = (batch_ref[...] == lax.broadcasted_iota(
        jnp.int32, (TILE, G), 1)).astype(jnp.float32)
    pool_ref[...] += lax.dot_general(onehot_b, m, (((0,), (0,)), ((), ())),
                                     precision=lax.Precision.HIGHEST,
                                     preferred_element_type=jnp.float32)
    closs_ref[...] += closs[None, None]


def _rvq_call(m, cbnt, cb, batch2d):
    return pl.pallas_call(
        _rvq_body,
        grid=(NTILES,),
        in_specs=[
            pl.BlockSpec((TILE, DIM), lambda i: (i, 0)),
            pl.BlockSpec((RES, DIM, NUM_CODE), lambda i: (0, 0, 0)),
            pl.BlockSpec((RES, NUM_CODE, DIM), lambda i: (0, 0, 0)),
            pl.BlockSpec((TILE, 1), lambda i: (i, 0)),
        ],
        out_specs=[
            pl.BlockSpec((TILE, RES), lambda i: (i, 0)),
            pl.BlockSpec((G, DIM), lambda i: (0, 0)),
            pl.BlockSpec((1, 1), lambda i: (0, 0)),
        ],
        out_shape=[
            jax.ShapeDtypeStruct((N, RES), jnp.int32),
            jax.ShapeDtypeStruct((G, DIM), jnp.float32),
            jax.ShapeDtypeStruct((1, 1), jnp.float32),
        ],
        scratch_shapes=[
            pltpu.VMEM((RES, DIM, NUM_CODE), jnp.bfloat16),
            pltpu.VMEM((RES, NUM_CODE, DIM), jnp.bfloat16),
            pltpu.VMEM((RES, NUM_CODE, DIM), jnp.bfloat16),
            pltpu.VMEM((RES, NUM_CODE, DIM), jnp.bfloat16),
        ],
    )(m, cbnt, cb, batch2d)


def kernel(x, edge_index, batch, params):
    src = edge_index[0]
    dst = edge_index[1]
    batch2d = batch.reshape(N, 1)

    h = x
    xs, ids_list, pools, closs_parts = [], [], [], []
    for i in range(L):
        agg = jnp.zeros((h.shape[0], h.shape[1]), h.dtype).at[dst].add(
            jnp.take(h, src, axis=0))
        m = h + agg
        m = jnp.maximum(
            m @ params['W1_%d' % i] + params['b1_%d' % i], 0.0
        ) @ params['W2_%d' % i] + params['b2_%d' % i]
        m = jnp.maximum(m, 0.0)
        mean = jnp.mean(m, axis=0)
        var = jnp.var(m, axis=0)
        m = (m - mean) / jnp.sqrt(var + 1e-5) * params['gamma_%d' % i] \
            + params['beta_%d' % i]
        xs.append(m)

        cb = params['codebook_%d' % i]
        cbn = cb / (jnp.linalg.norm(cb, axis=-1, keepdims=True) + 1e-8)
        cbnt = cbn.transpose(0, 2, 1)
        ids, pool, closs = _rvq_call(m, cbnt, cb, batch2d)
        ids_list.append(ids)
        pools.append(pool)
        closs_parts.append(closs)
        h = m

    xs_cat = jnp.concatenate(xs, axis=1)
    xpool = jnp.concatenate(pools, axis=1)
    id_cat = jnp.concatenate(ids_list, axis=1)
    total_commit = ((closs_parts[0] + closs_parts[1] + closs_parts[2])[0, 0]
                    * (0.25 / (N * DIM)))
    return xpool, xs_cat, total_commit, id_cat

# --- scband reference (transcript-rebuilt; emitter-appended) ---
"""Pipeline reference for scband-encoder-13657996001662 (READ-ONLY COPY).

The authoritative reference and input builder live on the scoring server;
editing this copy changes nothing except your own understanding.
"""

import jax, jax.numpy as jnp
import numpy as np

N = 10000
E = 320000
F_IN = 128
DIM = 256
L = 3
RES = 3
NUM_CODE = 1024
G = 128


def _make_params(key):
    params = {}
    k = key
    for i in range(L):
        in_dim = F_IN if i == 0 else DIM
        k, k1, k2, k3 = jax.random.split(k, 4)
        params['W1_%d' % i] = jax.random.normal(k1, (in_dim, DIM), dtype=jnp.float32) * (1.0 / np.sqrt(in_dim))
        params['b1_%d' % i] = jnp.zeros((DIM,), jnp.float32)
        params['W2_%d' % i] = jax.random.normal(k2, (DIM, DIM), dtype=jnp.float32) * (1.0 / np.sqrt(DIM))
        params['b2_%d' % i] = jnp.zeros((DIM,), jnp.float32)
        params['gamma_%d' % i] = jnp.ones((DIM,), jnp.float32)
        params['beta_%d' % i] = jnp.zeros((DIM,), jnp.float32)
        params['codebook_%d' % i] = jax.random.normal(k3, (RES, NUM_CODE, DIM), dtype=jnp.float32)
    return params


def setup_inputs(seed: int = 0):
    key = jax.random.key(seed)
    kx, ke, kb, kp = jax.random.split(key, 4)
    x = jax.random.normal(kx, (N, F_IN), dtype=jnp.float32)
    edge_index = jax.random.randint(ke, (2, E), 0, N, dtype=jnp.int32)
    batch = jnp.sort(jax.random.randint(kb, (N,), 0, G, dtype=jnp.int32))
    params = _make_params(kp)
    return {'x': x, 'edge_index': edge_index, 'batch': batch, 'params': params}


def _rvq(x, codebooks):
    # ResidualVectorQuant: 3 residual layers, cosine-sim nearest code, commitment_weight=0.25
    residual = x
    qout = jnp.zeros_like(x)
    ids = []
    closs = 0.0
    for l in range(RES):
        cb = codebooks[l]
        xn = residual / (jnp.linalg.norm(residual, axis=-1, keepdims=True) + 1e-8)
        cbn = cb / (jnp.linalg.norm(cb, axis=-1, keepdims=True) + 1e-8)
        sim = xn @ cbn.T
        idx = jnp.argmax(sim, axis=-1)
        q = jnp.take(cb, idx, axis=0)
        closs = closs + 0.25 * jnp.mean((jax.lax.stop_gradient(q) - residual) ** 2)
        # straight-through quantized output accumulation
        qout = qout + residual + jax.lax.stop_gradient(q - residual)
        residual = residual - jax.lax.stop_gradient(q)
        ids.append(idx)
    return qout, jnp.stack(ids, axis=1), closs


def _forward(x, edge_index, batch, params):
    src = edge_index[0]
    dst = edge_index[1]
    xs = []
    id_list = []
    total_commit = 0.0
    h = x
    for i in range(L):
        # GINConv (eps=0): MLP(x + sum_{j in N(i)} x_j)
        agg = jnp.zeros((h.shape[0], h.shape[1]), h.dtype).at[dst].add(jnp.take(h, src, axis=0))
        m = h + agg
        m = jnp.maximum(m @ params['W1_%d' % i] + params['b1_%d' % i], 0.0) @ params['W2_%d' % i] + params['b2_%d' % i]
        m = jnp.maximum(m, 0.0)  # F.relu(conv(...))
        # BatchNorm1d (training-mode batch stats)
        mean = jnp.mean(m, axis=0)
        var = jnp.var(m, axis=0)
        m = (m - mean) / jnp.sqrt(var + 1e-5) * params['gamma_%d' % i] + params['beta_%d' % i]
        xs.append(m)
        qout, ids, closs = _rvq(m, params['codebook_%d' % i])
        id_list.append(ids)
        total_commit = total_commit + closs
        h = m
    id_cat = jnp.concatenate(id_list, axis=1)
    xpool = jnp.concatenate([jax.ops.segment_sum(t, batch, num_segments=G) for t in xs], axis=1)
    return xpool, jnp.concatenate(xs, axis=1), total_commit, id_cat


def reference(x, edge_index, batch, params):
    return _forward(x, edge_index, batch, params)

if __name__ == "__main__":
    import jax
    _d = setup_inputs()
    print(jax.jit(kernel)(*tuple(_d.values())))

</pallas_src>

<mosaic_0001>
module attributes {stable_mosaic.version = 14 : i64} {
  func.func @_rvq_body(%arg0: i32, %arg1: memref<400x256xf32, #tpu.memory_space<vmem>>, %arg2: memref<3x256x1024xf32, #tpu.memory_space<vmem>>, %arg3: memref<3x1024x256xf32, #tpu.memory_space<vmem>>, %arg4: memref<400x1xi32, #tpu.memory_space<vmem>>, %arg5: memref<400x3xi32, #tpu.memory_space<vmem>>, %arg6: memref<128x256xf32, #tpu.memory_space<vmem>>, %arg7: memref<1x1xf32, #tpu.memory_space<vmem>>, %arg8: memref<3x256x1024xbf16, #tpu.memory_space<vmem>>, %arg9: memref<3x1024x256xbf16, #tpu.memory_space<vmem>>, %arg10: memref<3x1024x256xbf16, #tpu.memory_space<vmem>>, %arg11: memref<3x1024x256xbf16, #tpu.memory_space<vmem>>) attributes {dimension_semantics = [#tpu.dimension_semantics<arbitrary>], iteration_bounds = array<i64: 25>, scalar_prefetch = 0 : i64, scratch_operands = 4 : i64, tpu.core_type = #tpu.core_type<tc>, window_params = [{transform_indices = @transform_0, window_bounds = array<i64: 400, 256>}, {pipeline_mode = #tpu.pipeline_mode<synchronous>, transform_indices = @transform_1, window_bounds = array<i64: 3, 256, 1024>}, {pipeline_mode = #tpu.pipeline_mode<synchronous>, transform_indices = @transform_2, window_bounds = array<i64: 3, 1024, 256>}, {transform_indices = @transform_3, window_bounds = array<i64: 400, 1>}, {transform_indices = @transform_4, window_bounds = array<i64: 400, 3>}, {pipeline_mode = #tpu.pipeline_mode<synchronous>, transform_indices = @transform_5, window_bounds = array<i64: 128, 256>}, {pipeline_mode = #tpu.pipeline_mode<synchronous>, transform_indices = @transform_6, window_bounds = array<i64: 1, 1>}]} {
    %get3A = arith.constant 0 : index
    %get3A_0 = arith.constant 0 : index
    %get3A_1 = vector.load %arg1[%get3A, %get3A_0] : memref<400x256xf32, #tpu.memory_space<vmem>>, vector<400x256xf32>
    %eq3A = arith.constant 0 : i32
    %eq3A_2 = arith.cmpi eq, %arg0, %eq3A : i32
    %convert_element_type3A = arith.extui %eq3A_2 : i1 to i32
    %cond3A = arith.constant 0 : i32
    %cond3A_3 = arith.cmpi ne, %convert_element_type3A, %cond3A : i32
    scf.if %cond3A_3 {
      %broadcast_in_dim3A_220 = arith.constant 0.000000e+00 : f32
      %broadcast_in_dim3A_221 = vector.broadcast %broadcast_in_dim3A_220 : f32 to vector<128x256xf32>
      %swap3A_222 = arith.constant 0 : index
      %swap3A_223 = arith.constant 0 : index
      %swap3A_224 = vector.load %arg6[%swap3A_222, %swap3A_223] : memref<128x256xf32, #tpu.memory_space<vmem>>, vector<128x256xf32>
      tpu.vector_store %arg6[%swap3A_222, %swap3A_223], %broadcast_in_dim3A_221 {strides = array<i32>} : memref<128x256xf32, #tpu.memory_space<vmem>>, vector<128x256xf32>,
      %broadcast_in_dim3A_225 = arith.constant 0.000000e+00 : f32
      %broadcast_in_dim3A_226 = vector.broadcast %broadcast_in_dim3A_225 : f32 to vector<1x1xf32>
      %swap3A_227 = arith.constant 0 : index
      %swap3A_228 = arith.constant 0 : index
      %swap3A_229 = vector.load %arg7[%swap3A_227, %swap3A_228] : memref<1x1xf32, #tpu.memory_space<vmem>>, vector<1x1xf32>
      tpu.vector_store %arg7[%swap3A_227, %swap3A_228], %broadcast_in_dim3A_226 {strides = array<i32>} : memref<1x1xf32, #tpu.memory_space<vmem>>, vector<1x1xf32>,
      %get3A_230 = arith.constant 0 : index
      %get3A_231 = arith.constant 0 : index
      %get3A_232 = arith.constant 0 : index
      %get3A_233 = vector.load %arg2[%get3A_230, %get3A_231, %get3A_232] : memref<3x256x1024xf32, #tpu.memory_space<vmem>>, vector<1x256x1024xf32>
      %get3A_234 = vector.shape_cast %get3A_233 : vector<1x256x1024xf32> to vector<256x1024xf32>
      %convert_element_type3A_235 = arith.truncf %get3A_234 : vector<256x1024xf32> to vector<256x1024xbf16>
      %swap3A_236 = arith.constant 0 : index
      %swap3A_237 = arith.constant 0 : index
      %swap3A_238 = arith.constant 0 : index
      %swap3A_239 = vector.load %arg8[%swap3A_236, %swap3A_237, %swap3A_238] : memref<3x256x1024xbf16, #tpu.memory_space<vmem>>, vector<1x256x1024xbf16>
      %swap3A_240 = vector.shape_cast %swap3A_239 : vector<1x256x1024xbf16> to vector<256x1024xbf16>
      %swap3A_241 = vector.shape_cast %convert_element_type3A_235 : vector<256x1024xbf16> to vector<1x256x1024xbf16>
      tpu.vector_store %arg8[%swap3A_236, %swap3A_237, %swap3A_238], %swap3A_241 {strides = array<i32>} : memref<3x256x1024xbf16, #tpu.memory_space<vmem>>, vector<1x256x1024xbf16>,
      %get3A_242 = arith.constant 0 : index
      %get3A_243 = arith.constant 0 : index
      %get3A_244 = arith.constant 0 : index
      %get3A_245 = vector.load %arg3[%get3A_242, %get3A_243, %get3A_244] : memref<3x1024x256xf32, #tpu.memory_space<vmem>>, vector<1x1024x256xf32>
      %get3A_246 = vector.shape_cast %get3A_245 : vector<1x1024x256xf32> to vector<1024x256xf32>
      %convert_element_type3A_247 = arith.truncf %get3A_246 : vector<1024x256xf32> to vector<1024x256xbf16>
      %swap3A_248 = arith.constant 0 : index
      %swap3A_249 = arith.constant 0 : index
      %swap3A_250 = arith.constant 0 : index
      %swap3A_251 = vector.load %arg9[%swap3A_248, %swap3A_249, %swap3A_250] : memref<3x1024x256xbf16, #tpu.memory_space<vmem>>, vector<1x1024x256xbf16>
      %swap3A_252 = vector.shape_cast %swap3A_251 : vector<1x1024x256xbf16> to vector<1024x256xbf16>
      %swap3A_253 = vector.shape_cast %convert_element_type3A_247 : vector<1024x256xbf16> to vector<1x1024x256xbf16>
      tpu.vector_store %arg9[%swap3A_248, %swap3A_249, %swap3A_250], %swap3A_253 {strides = array<i32>} : memref<3x1024x256xbf16, #tpu.memory_space<vmem>>, vector<1x1024x256xbf16>,
      %convert_element_type3A_254 = arith.extf %convert_element_type3A_247 : vector<1024x256xbf16> to vector<1024x256xf32>
      %sub3A_255 = arith.subf %get3A_246, %convert_element_type3A_254 : vector<1024x256xf32>
      %convert_element_type3A_256 = arith.truncf %sub3A_255 : vector<1024x256xf32> to vector<1024x256xbf16>
      %swap3A_257 = arith.constant 0 : index
      %swap3A_258 = arith.constant 0 : index
      %swap3A_259 = arith.constant 0 : index
      %swap3A_260 = vector.load %arg10[%swap3A_257, %swap3A_258, %swap3A_259] : memref<3x1024x256xbf16, #tpu.memory_space<vmem>>, vector<1x1024x256xbf16>
      %swap3A_261 = vector.shape_cast %swap3A_260 : vector<1x1024x256xbf16> to vector<1024x256xbf16>
      %swap3A_262 = vector.shape_cast %convert_element_type3A_256 : vector<1024x256xbf16> to vector<1x1024x256xbf16>
      tpu.vector_store %arg10[%swap3A_257, %swap3A_258, %swap3A_259], %swap3A_262 {strides = array<i32>} : memref<3x1024x256xbf16, #tpu.memory_space<vmem>>, vector<1x1024x256xbf16>,
      %convert_element_type3A_263 = arith.extf %convert_element_type3A_256 : vector<1024x256xbf16> to vector<1024x256xf32>
      %sub3A_264 = arith.subf %sub3A_255, %convert_element_type3A_263 : vector<1024x256xf32>
      %convert_element_type3A_265 = arith.truncf %sub3A_264 : vector<1024x256xf32> to vector<1024x256xbf16>
      %swap3A_266 = arith.constant 0 : index
      %swap3A_267 = arith.constant 0 : index
      %swap3A_268 = arith.constant 0 : index
      %swap3A_269 = vector.load %arg11[%swap3A_266, %swap3A_267, %swap3A_268] : memref<3x1024x256xbf16, #tpu.memory_space<vmem>>, vector<1x1024x256xbf16>
      %swap3A_270 = vector.shape_cast %swap3A_269 : vector<1x1024x256xbf16> to vector<1024x256xbf16>
      %swap3A_271 = vector.shape_cast %convert_element_type3A_265 : vector<1024x256xbf16> to vector<1x1024x256xbf16>
      tpu.vector_store %arg11[%swap3A_266, %swap3A_267, %swap3A_268], %swap3A_271 {strides = array<i32>} : memref<3x1024x256xbf16, #tpu.memory_space<vmem>>, vector<1x1024x256xbf16>,
      %get3A_272 = arith.constant 1 : index
      %get3A_273 = arith.constant 0 : index
      %get3A_274 = arith.constant 0 : index
      %get3A_275 = vector.load %arg2[%get3A_272, %get3A_273, %get3A_274] : memref<3x256x1024xf32, #tpu.memory_space<vmem>>, vector<1x256x1024xf32>
      %get3A_276 = vector.shape_cast %get3A_275 : vector<1x256x1024xf32> to vector<256x1024xf32>
      %convert_element_type3A_277 = arith.truncf %get3A_276 : vector<256x1024xf32> to vector<256x1024xbf16>
      %swap3A_278 = arith.constant 1 : index
      %swap3A_279 = arith.constant 0 : index
      %swap3A_280 = arith.constant 0 : index
      %swap3A_281 = vector.load %arg8[%swap3A_278, %swap3A_279, %swap3A_280] : memref<3x256x1024xbf16, #tpu.memory_space<vmem>>, vector<1x256x1024xbf16>
      %swap3A_282 = vector.shape_cast %swap3A_281 : vector<1x256x1024xbf16> to vector<256x1024xbf16>
      %swap3A_283 = vector.shape_cast %convert_element_type3A_277 : vector<256x1024xbf16> to vector<1x256x1024xbf16>
      tpu.vector_store %arg8[%swap3A_278, %swap3A_279, %swap3A_280], %swap3A_283 {strides = array<i32>} : memref<3x256x1024xbf16, #tpu.memory_space<vmem>>, vector<1x256x1024xbf16>,
      %get3A_284 = arith.constant 1 : index
      %get3A_285 = arith.constant 0 : index
      %get3A_286 = arith.constant 0 : index
      %get3A_287 = vector.load %arg3[%get3A_284, %get3A_285, %get3A_286] : memref<3x1024x256xf32, #tpu.memory_space<vmem>>, vector<1x1024x256xf32>
      %get3A_288 = vector.shape_cast %get3A_287 : vector<1x1024x256xf32> to vector<1024x256xf32>
      %convert_element_type3A_289 = arith.truncf %get3A_288 : vector<1024x256xf32> to vector<1024x256xbf16>
      %swap3A_290 = arith.constant 1 : index
      %swap3A_291 = arith.constant 0 : index
      %swap3A_292 = arith.constant 0 : index
      %swap3A_293 = vector.load %arg9[%swap3A_290, %swap3A_291, %swap3A_292] : memref<3x1024x256xbf16, #tpu.memory_space<vmem>>, vector<1x1024x256xbf16>
      %swap3A_294 = vector.shape_cast %swap3A_293 : vector<1x1024x256xbf16> to vector<1024x256xbf16>
      %swap3A_295 = vector.shape_cast %convert_element_type3A_289 : vector<1024x256xbf16> to vector<1x1024x256xbf16>
      tpu.vector_store %arg9[%swap3A_290, %swap3A_291, %swap3A_292], %swap3A_295 {strides = array<i32>} : memref<3x1024x256xbf16, #tpu.memory_space<vmem>>, vector<1x1024x256xbf16>,
      %convert_element_type3A_296 = arith.extf %convert_element_type3A_289 : vector<1024x256xbf16> to vector<1024x256xf32>
      %sub3A_297 = arith.subf %get3A_288, %convert_element_type3A_296 : vector<1024x256xf32>
      %convert_element_type3A_298 = arith.truncf %sub3A_297 : vector<1024x256xf32> to vector<1024x256xbf16>
      %swap3A_299 = arith.constant 1 : index
      %swap3A_300 = arith.constant 0 : index
      %swap3A_301 = arith.constant 0 : index
      %swap3A_302 = vector.load %arg10[%swap3A_299, %swap3A_300, %swap3A_301] : memref<3x1024x256xbf16, #tpu.memory_space<vmem>>, vector<1x1024x256xbf16>
      %swap3A_303 = vector.shape_cast %swap3A_302 : vector<1x1024x256xbf16> to vector<1024x256xbf16>
      %swap3A_304 = vector.shape_cast %convert_element_type3A_298 : vector<1024x256xbf16> to vector<1x1024x256xbf16>
      tpu.vector_store %arg10[%swap3A_299, %swap3A_300, %swap3A_301], %swap3A_304 {strides = array<i32>} : memref<3x1024x256xbf16, #tpu.memory_space<vmem>>, vector<1x1024x256xbf16>,
      %convert_element_type3A_305 = arith.extf %convert_element_type3A_298 : vector<1024x256xbf16> to vector<1024x256xf32>
      %sub3A_306 = arith.subf %sub3A_297, %convert_element_type3A_305 : vector<1024x256xf32>
      %convert_element_type3A_307 = arith.truncf %sub3A_306 : vector<1024x256xf32> to vector<1024x256xbf16>
      %swap3A_308 = arith.constant 1 : index
      %swap3A_309 = arith.constant 0 : index
      %swap3A_310 = arith.constant 0 : index
      %swap3A_311 = vector.load %arg11[%swap3A_308, %swap3A_309, %swap3A_310] : memref<3x1024x256xbf16, #tpu.memory_space<vmem>>, vector<1x1024x256xbf16>
      %swap3A_312 = vector.shape_cast %swap3A_311 : vector<1x1024x256xbf16> to vector<1024x256xbf16>
      %swap3A_313 = vector.shape_cast %convert_element_type3A_307 : vector<1024x256xbf16> to vector<1x1024x256xbf16>
      tpu.vector_store %arg11[%swap3A_308, %swap3A_309, %swap3A_310], %swap3A_313 {strides = array<i32>} : memref<3x1024x256xbf16, #tpu.memory_space<vmem>>, vector<1x1024x256xbf16>,
      %get3A_314 = arith.constant 2 : index
      %get3A_315 = arith.constant 0 : index
      %get3A_316 = arith.constant 0 : index
      %get3A_317 = vector.load %arg2[%get3A_314, %get3A_315, %get3A_316] : memref<3x256x1024xf32, #tpu.memory_space<vmem>>, vector<1x256x1024xf32>
      %get3A_318 = vector.shape_cast %get3A_317 : vector<1x256x1024xf32> to vector<256x1024xf32>
      %convert_element_type3A_319 = arith.truncf %get3A_318 : vector<256x1024xf32> to vector<256x1024xbf16>
      %swap3A_320 = arith.constant 2 : index
      %swap3A_321 = arith.constant 0 : index
      %swap3A_322 = arith.constant 0 : index
      %swap3A_323 = vector.load %arg8[%swap3A_320, %swap3A_321, %swap3A_322] : memref<3x256x1024xbf16, #tpu.memory_space<vmem>>, vector<1x256x1024xbf16>
      %swap3A_324 = vector.shape_cast %swap3A_323 : vector<1x256x1024xbf16> to vector<256x1024xbf16>
      %swap3A_325 = vector.shape_cast %convert_element_type3A_319 : vector<256x1024xbf16> to vector<1x256x1024xbf16>
      tpu.vector_store %arg8[%swap3A_320, %swap3A_321, %swap3A_322], %swap3A_325 {strides = array<i32>} : memref<3x256x1024xbf16, #tpu.memory_space<vmem>>, vector<1x256x1024xbf16>,
      %get3A_326 = arith.constant 2 : index
      %get3A_327 = arith.constant 0 : index
      %get3A_328 = arith.constant 0 : index
      %get3A_329 = vector.load %arg3[%get3A_326, %get3A_327, %get3A_328] : memref<3x1024x256xf32, #tpu.memory_space<vmem>>, vector<1x1024x256xf32>
      %get3A_330 = vector.shape_cast %get3A_329 : vector<1x1024x256xf32> to vector<1024x256xf32>
      %convert_element_type3A_331 = arith.truncf %get3A_330 : vector<1024x256xf32> to vector<1024x256xbf16>
      %swap3A_332 = arith.constant 2 : index
      %swap3A_333 = arith.constant 0 : index
      %swap3A_334 = arith.constant 0 : index
      %swap3A_335 = vector.load %arg9[%swap3A_332, %swap3A_333, %swap3A_334] : memref<3x1024x256xbf16, #tpu.memory_space<vmem>>, vector<1x1024x256xbf16>
      %swap3A_336 = vector.shape_cast %swap3A_335 : vector<1x1024x256xbf16> to vector<1024x256xbf16>
      %swap3A_337 = vector.shape_cast %convert_element_type3A_331 : vector<1024x256xbf16> to vector<1x1024x256xbf16>
      tpu.vector_store %arg9[%swap3A_332, %swap3A_333, %swap3A_334], %swap3A_337 {strides = array<i32>} : memref<3x1024x256xbf16, #tpu.memory_space<vmem>>, vector<1x1024x256xbf16>,
      %convert_element_type3A_338 = arith.extf %convert_element_type3A_331 : vector<1024x256xbf16> to vector<1024x256xf32>
      %sub3A_339 = arith.subf %get3A_330, %convert_element_type3A_338 : vector<1024x256xf32>
      %convert_element_type3A_340 = arith.truncf %sub3A_339 : vector<1024x256xf32> to vector<1024x256xbf16>
      %swap3A_341 = arith.constant 2 : index
      %swap3A_342 = arith.constant 0 : index
      %swap3A_343 = arith.constant 0 : index
      %swap3A_344 = vector.load %arg10[%swap3A_341, %swap3A_342, %swap3A_343] : memref<3x1024x256xbf16, #tpu.memory_space<vmem>>, vector<1x1024x256xbf16>
      %swap3A_345 = vector.shape_cast %swap3A_344 : vector<1x1024x256xbf16> to vector<1024x256xbf16>
      %swap3A_346 = vector.shape_cast %convert_element_type3A_340 : vector<1024x256xbf16> to vector<1x1024x256xbf16>
      tpu.vector_store %arg10[%swap3A_341, %swap3A_342, %swap3A_343], %swap3A_346 {strides = array<i32>} : memref<3x1024x256xbf16, #tpu.memory_space<vmem>>, vector<1x1024x256xbf16>,
      %convert_element_type3A_347 = arith.extf %convert_element_type3A_340 : vector<1024x256xbf16> to vector<1024x256xf32>
      %sub3A_348 = arith.subf %sub3A_339, %convert_element_type3A_347 : vector<1024x256xf32>
      %convert_element_type3A_349 = arith.truncf %sub3A_348 : vector<1024x256xf32> to vector<1024x256xbf16>
      %swap3A_350 = arith.constant 2 : index
      %swap3A_351 = arith.constant 0 : index
      %swap3A_352 = arith.constant 0 : index
      %swap3A_353 = vector.load %arg11[%swap3A_350, %swap3A_351, %swap3A_352] : memref<3x1024x256xbf16, #tpu.memory_space<vmem>>, vector<1x1024x256xbf16>
      %swap3A_354 = vector.shape_cast %swap3A_353 : vector<1x1024x256xbf16> to vector<1024x256xbf16>
      %swap3A_355 = vector.shape_cast %convert_element_type3A_349 : vector<1024x256xbf16> to vector<1x1024x256xbf16>
      tpu.vector_store %arg11[%swap3A_350, %swap3A_351, %swap3A_352], %swap3A_355 {strides = array<i32>} : memref<3x1024x256xbf16, #tpu.memory_space<vmem>>, vector<1x1024x256xbf16>,
    } else {
    }
    %iota3A = tpu.iota {dimensions = array<i32: 1>} : vector<400x1024xi32>
    %mul3A = arith.mulf %get3A_1, %get3A_1 : vector<400x256xf32>
    %reduce_sum3A = arith.constant dense<0.000000e+00> : vector<400xf32>
    %reduce_sum3A_4 = vector.multi_reduction <add>, %mul3A, %reduce_sum3A [1] : vector<400x256xf32> to vector<400xf32>
    %broadcast_in_dim3A = vector.shape_cast %reduce_sum3A_4 : vector<400xf32> to vector<400x1xf32>
    %sqrt3A = math.sqrt %broadcast_in_dim3A : vector<400x1xf32>
    %add3A = arith.constant 9.99999993E-9 : f32
    %add3A_5 = vector.broadcast %add3A : f32 to vector<400x1xf32>
    %add3A_6 = arith.addf %sqrt3A, %add3A_5 : vector<400x1xf32>
    %div3A = vector.broadcast %add3A_6 : vector<400x1xf32> to vector<400x256xf32>
    %div3A_7 = arith.divf %get3A_1, %div3A : vector<400x256xf32>
    %convert_element_type3A_8 = arith.truncf %div3A_7 : vector<400x256xf32> to vector<400x256xbf16>
    %get3A_9 = arith.constant 0 : index
    %get3A_10 = arith.constant 0 : index
    %get3A_11 = arith.constant 0 : index
    %get3A_12 = vector.load %arg8[%get3A_9, %get3A_10, %get3A_11] : memref<3x256x1024xbf16, #tpu.memory_space<vmem>>, vector<1x256x1024xbf16>
    %get3A_13 = vector.shape_cast %get3A_12 : vector<1x256x1024xbf16> to vector<256x1024xbf16>
    %dot_general3A = arith.constant dense<0.000000e+00> : vector<400x1024xf32>
    %dot_general3A_14 = tpu.matmul %convert_element_type3A_8, %get3A_13, %dot_general3A {dimension_numbers = #tpu.dot_dimension_numbers<[1], [0], [0], [1], [0, 0, 1, 1], [], []>, transpose_lhs_hint = false} : vector<400x256xbf16>, vector<256x1024xbf16>, vector<400x1024xf32> -> vector<400x1024xf32>
    %reduce_max3A = arith.constant dense<0xFF800000> : vector<400xf32>
    %reduce_max3A_15 = vector.multi_reduction <maximumf>, %dot_general3A_14, %reduce_max3A [1] : vector<400x1024xf32> to vector<400xf32>
    %broadcast_in_dim3A_16 = vector.shape_cast %reduce_max3A_15 : vector<400xf32> to vector<400x1xf32>
    %eq3A_17 = vector.broadcast %broadcast_in_dim3A_16 : vector<400x1xf32> to vector<400x1024xf32>
    %eq3A_18 = arith.cmpf oeq, %dot_general3A_14, %eq3A_17 : vector<400x1024xf32>
    %jit3A = arith.constant 1024 : i32
    %broadcast_in_dim3A_19 = vector.broadcast %jit3A : i32 to vector<400x1024xi32>
    %select_n3A = arith.select %eq3A_18, %iota3A, %broadcast_in_dim3A_19 : vector<400x1024xi1>, vector<400x1024xi32>
    %reduce_min3A = arith.constant dense<2147483647> : vector<400xi32>
    %reduce_min3A_20 = vector.multi_reduction <minsi>, %select_n3A, %reduce_min3A [1] : vector<400x1024xi32> to vector<400xi32>
    %broadcast_in_dim3A_21 = vector.shape_cast %reduce_min3A_20 : vector<400xi32> to vector<400x1xi32>
    %eq3A_22 = vector.broadcast %broadcast_in_dim3A_21 : vector<400x1xi32> to vector<400x1024xi32>
    %eq3A_23 = arith.cmpi eq, %iota3A, %eq3A_22 : vector<400x1024xi32>
    %convert_element_type3A_24 = arith.extui %eq3A_23 : vector<400x1024xi1> to vector<400x1024xi32>
    %convert_element_type3A_25 = arith.sitofp %convert_element_type3A_24 : vector<400x1024xi32> to vector<400x1024xf32>
    %convert_element_type3A_26 = arith.truncf %convert_element_type3A_25 : vector<400x1024xf32> to vector<400x1024xbf16>
    %get3A_27 = arith.constant 0 : index
    %get3A_28 = arith.constant 0 : index
    %get3A_29 = arith.constant 0 : index
    %get3A_30 = vector.load %arg9[%get3A_27, %get3A_28, %get3A_29] : memref<3x1024x256xbf16, #tpu.memory_space<vmem>>, vector<1x1024x256xbf16>
    %get3A_31 = vector.shape_cast %get3A_30 : vector<1x1024x256xbf16> to vector<1024x256xbf16>
    %dot_general3A_32 = arith.constant dense<0.000000e+00> : vector<400x256xf32>
    %dot_general3A_33 = tpu.matmul %convert_element_type3A_26, %get3A_31, %dot_general3A_32 {dimension_numbers = #tpu.dot_dimension_numbers<[1], [0], [0], [1], [0, 0, 1, 1], [], []>, transpose_lhs_hint = false} : vector<400x1024xbf16>, vector<1024x256xbf16>, vector<400x256xf32> -> vector<400x256xf32>
    %get3A_34 = arith.constant 0 : index
    %get3A_35 = arith.constant 0 : index
    %get3A_36 = arith.constant 0 : index
    %get3A_37 = vector.load %arg10[%get3A_34, %get3A_35, %get3A_36] : memref<3x1024x256xbf16, #tpu.memory_space<vmem>>, vector<1x1024x256xbf16>
    %get3A_38 = vector.shape_cast %get3A_37 : vector<1x1024x256xbf16> to vector<1024x256xbf16>
    %dot_general3A_39 = arith.constant dense<0.000000e+00> : vector<400x256xf32>
    %dot_general3A_40 = tpu.matmul %convert_element_type3A_26, %get3A_38, %dot_general3A_39 {dimension_numbers = #tpu.dot_dimension_numbers<[1], [0], [0], [1], [0, 0, 1, 1], [], []>, transpose_lhs_hint = false} : vector<400x1024xbf16>, vector<1024x256xbf16>, vector<400x256xf32> -> vector<400x256xf32>
    %add3A_41 = arith.addf %dot_general3A_33, %dot_general3A_40 : vector<400x256xf32>
    %get3A_42 = arith.constant 0 : index
    %get3A_43 = arith.constant 0 : index
    %get3A_44 = arith.constant 0 : index
    %get3A_45 = vector.load %arg11[%get3A_42, %get3A_43, %get3A_44] : memref<3x1024x256xbf16, #tpu.memory_space<vmem>>, vector<1x1024x256xbf16>
    %get3A_46 = vector.shape_cast %get3A_45 : vector<1x1024x256xbf16> to vector<1024x256xbf16>
    %dot_general3A_47 = arith.constant dense<0.000000e+00> : vector<400x256xf32>
    %dot_general3A_48 = tpu.matmul %convert_element_type3A_26, %get3A_46, %dot_general3A_47 {dimension_numbers = #tpu.dot_dimension_numbers<[1], [0], [0], [1], [0, 0, 1, 1], [], []>, transpose_lhs_hint = false} : vector<400x1024xbf16>, vector<1024x256xbf16>, vector<400x256xf32> -> vector<400x256xf32>
    %add3A_49 = arith.addf %add3A_41, %dot_general3A_48 : vector<400x256xf32>
    %sub3A = arith.subf %add3A_49, %get3A_1 : vector<400x256xf32>
    %mul3A_50 = arith.mulf %sub3A, %sub3A : vector<400x256xf32>
    %reduce_sum3A_51 = vector.shape_cast %mul3A_50 : vector<400x256xf32> to vector<1x400x256xf32>
    %reduce_sum3A_52 = arith.constant dense<0.000000e+00> : vector<1xf32>
    %reduce_sum3A_53 = vector.multi_reduction <add>, %reduce_sum3A_51, %reduce_sum3A_52 [1, 2] : vector<1x400x256xf32> to vector<1xf32>
    %reduce_sum3A_54 = vector.shape_cast %reduce_sum3A_53 : vector<1xf32> to vector<1x1x1xf32>
    %reduce_sum3A_55 = vector.extract %reduce_sum3A_54[0, 0, 0] : f32 from vector<1x1x1xf32>
    %add3A_56 = arith.constant 0.000000e+00 : f32
    %add3A_57 = arith.addf %add3A_56, %reduce_sum3A_55 : f32
    %sub3A_58 = arith.subf %get3A_1, %add3A_49 : vector<400x256xf32>
    %mul3A_59 = arith.mulf %sub3A_58, %sub3A_58 : vector<400x256xf32>
    %reduce_sum3A_60 = arith.constant dense<0.000000e+00> : vector<400xf32>
    %reduce_sum3A_61 = vector.multi_reduction <add>, %mul3A_59, %reduce_sum3A_60 [1] : vector<400x256xf32> to vector<400xf32>
    %broadcast_in_dim3A_62 = vector.shape_cast %reduce_sum3A_61 : vector<400xf32> to vector<400x1xf32>
    %sqrt3A_63 = math.sqrt %broadcast_in_dim3A_62 : vector<400x1xf32>
    %add3A_64 = arith.constant 9.99999993E-9 : f32
    %add3A_65 = vector.broadcast %add3A_64 : f32 to vector<400x1xf32>
    %add3A_66 = arith.addf %sqrt3A_63, %add3A_65 : vector<400x1xf32>
    %div3A_67 = vector.broadcast %add3A_66 : vector<400x1xf32> to vector<400x256xf32>
    %div3A_68 = arith.divf %sub3A_58, %div3A_67 : vector<400x256xf32>
    %convert_element_type3A_69 = arith.truncf %div3A_68 : vector<400x256xf32> to vector<400x256xbf16>
    %get3A_70 = arith.constant 1 : index
    %get3A_71 = arith.constant 0 : index
    %get3A_72 = arith.constant 0 : index
    %get3A_73 = vector.load %arg8[%get3A_70, %get3A_71, %get3A_72] : memref<3x256x1024xbf16, #tpu.memory_space<vmem>>, vector<1x256x1024xbf16>
    %get3A_74 = vector.shape_cast %get3A_73 : vector<1x256x1024xbf16> to vector<256x1024xbf16>
    %dot_general3A_75 = arith.constant dense<0.000000e+00> : vector<400x1024xf32>
    %dot_general3A_76 = tpu.matmul %convert_element_type3A_69, %get3A_74, %dot_general3A_75 {dimension_numbers = #tpu.dot_dimension_numbers<[1], [0], [0], [1], [0, 0, 1, 1], [], []>, transpose_lhs_hint = false} : vector<400x256xbf16>, vector<256x1024xbf16>, vector<400x1024xf32> -> vector<400x1024xf32>
    %reduce_max3A_77 = arith.constant dense<0xFF800000> : vector<400xf32>
    %reduce_max3A_78 = vector.multi_reduction <maximumf>, %dot_general3A_76, %reduce_max3A_77 [1] : vector<400x1024xf32> to vector<400xf32>
    %broadcast_in_dim3A_79 = vector.shape_cast %reduce_max3A_78 : vector<400xf32> to vector<400x1xf32>
    %eq3A_80 = vector.broadcast %broadcast_in_dim3A_79 : vector<400x1xf32> to vector<400x1024xf32>
    %eq3A_81 = arith.cmpf oeq, %dot_general3A_76, %eq3A_80 : vector<400x1024xf32>
    %jit3A_82 = arith.constant 1024 : i32
    %broadcast_in_dim3A_83 = vector.broadcast %jit3A_82 : i32 to vector<400x1024xi32>
    %select_n3A_84 = arith.select %eq3A_81, %iota3A, %broadcast_in_dim3A_83 : vector<400x1024xi1>, vector<400x1024xi32>
    %reduce_min3A_85 = arith.constant dense<2147483647> : vector<400xi32>
    %reduce_min3A_86 = vector.multi_reduction <minsi>, %select_n3A_84, %reduce_min3A_85 [1] : vector<400x1024xi32> to vector<400xi32>
    %broadcast_in_dim3A_87 = vector.shape_cast %reduce_min3A_86 : vector<400xi32> to vector<400x1xi32>
    %eq3A_88 = vector.broadcast %broadcast_in_dim3A_87 : vector<400x1xi32> to vector<400x1024xi32>
    %eq3A_89 = arith.cmpi eq, %iota3A, %eq3A_88 : vector<400x1024xi32>
    %convert_element_type3A_90 = arith.extui %eq3A_89 : vector<400x1024xi1> to vector<400x1024xi32>
    %convert_element_type3A_91 = arith.sitofp %convert_element_type3A_90 : vector<400x1024xi32> to vector<400x1024xf32>
    %convert_element_type3A_92 = arith.truncf %convert_element_type3A_91 : vector<400x1024xf32> to vector<400x1024xbf16>
    %get3A_93 = arith.constant 1 : index
    %get3A_94 = arith.constant 0 : index
    %get3A_95 = arith.constant 0 : index
    %get3A_96 = vector.load %arg9[%get3A_93, %get3A_94, %get3A_95] : memref<3x1024x256xbf16, #tpu.memory_space<vmem>>, vector<1x1024x256xbf16>
    %get3A_97 = vector.shape_cast %get3A_96 : vector<1x1024x256xbf16> to vector<1024x256xbf16>
    %dot_general3A_98 = arith.constant dense<0.000000e+00> : vector<400x256xf32>
    %dot_general3A_99 = tpu.matmul %convert_element_type3A_92, %get3A_97, %dot_general3A_98 {dimension_numbers = #tpu.dot_dimension_numbers<[1], [0], [0], [1], [0, 0, 1, 1], [], []>, transpose_lhs_hint = false} : vector<400x1024xbf16>, vector<1024x256xbf16>, vector<400x256xf32> -> vector<400x256xf32>
    %get3A_100 = arith.constant 1 : index
    %get3A_101 = arith.constant 0 : index
    %get3A_102 = arith.constant 0 : index
    %get3A_103 = vector.load %arg10[%get3A_100, %get3A_101, %get3A_102] : memref<3x1024x256xbf16, #tpu.memory_space<vmem>>, vector<1x1024x256xbf16>
    %get3A_104 = vector.shape_cast %get3A_103 : vector<1x1024x256xbf16> to vector<1024x256xbf16>
    %dot_general3A_105 = arith.constant dense<0.000000e+00> : vector<400x256xf32>
    %dot_general3A_106 = tpu.matmul %convert_element_type3A_92, %get3A_104, %dot_general3A_105 {dimension_numbers = #tpu.dot_dimension_numbers<[1], [0], [0], [1], [0, 0, 1, 1], [], []>, transpose_lhs_hint = false} : vector<400x1024xbf16>, vector<1024x256xbf16>, vector<400x256xf32> -> vector<400x256xf32>
    %add3A_107 = arith.addf %dot_general3A_99, %dot_general3A_106 : vector<400x256xf32>
    %get3A_108 = arith.constant 1 : index
    %get3A_109 = arith.constant 0 : index
    %get3A_110 = arith.constant 0 : index
    %get3A_111 = vector.load %arg11[%get3A_108, %get3A_109, %get3A_110] : memref<3x1024x256xbf16, #tpu.memory_space<vmem>>, vector<1x1024x256xbf16>
    %get3A_112 = vector.shape_cast %get3A_111 : vector<1x1024x256xbf16> to vector<1024x256xbf16>
    %dot_general3A_113 = arith.constant dense<0.000000e+00> : vector<400x256xf32>
    %dot_general3A_114 = tpu.matmul %convert_element_type3A_92, %get3A_112, %dot_general3A_113 {dimension_numbers = #tpu.dot_dimension_numbers<[1], [0], [0], [1], [0, 0, 1, 1], [], []>, transpose_lhs_hint = false} : vector<400x1024xbf16>, vector<1024x256xbf16>, vector<400x256xf32> -> vector<400x256xf32>
    %add3A_115 = arith.addf %add3A_107, %dot_general3A_114 : vector<400x256xf32>
    %sub3A_116 = arith.subf %add3A_115, %sub3A_58 : vector<400x256xf32>
    %mul3A_117 = arith.mulf %sub3A_116, %sub3A_116 : vector<400x256xf32>
    %reduce_sum3A_118 = vector.shape_cast %mul3A_117 : vector<400x256xf32> to vector<1x400x256xf32>
    %reduce_sum3A_119 = arith.constant dense<0.000000e+00> : vector<1xf32>
    %reduce_sum3A_120 = vector.multi_reduction <add>, %reduce_sum3A_118, %reduce_sum3A_119 [1, 2] : vector<1x400x256xf32> to vector<1xf32>
    %reduce_sum3A_121 = vector.shape_cast %reduce_sum3A_120 : vector<1xf32> to vector<1x1x1xf32>
    %reduce_sum3A_122 = vector.extract %reduce_sum3A_121[0, 0, 0] : f32 from vector<1x1x1xf32>
    %add3A_123 = arith.addf %add3A_57, %reduce_sum3A_122 : f32
    %sub3A_124 = arith.subf %sub3A_58, %add3A_115 : vector<400x256xf32>
    %mul3A_125 = arith.mulf %sub3A_124, %sub3A_124 : vector<400x256xf32>
    %reduce_sum3A_126 = arith.constant dense<0.000000e+00> : vector<400xf32>
    %reduce_sum3A_127 = vector.multi_reduction <add>, %mul3A_125, %reduce_sum3A_126 [1] : vector<400x256xf32> to vector<400xf32>
    %broadcast_in_dim3A_128 = vector.shape_cast %reduce_sum3A_127 : vector<400xf32> to vector<400x1xf32>
    %sqrt3A_129 = math.sqrt %broadcast_in_dim3A_128 : vector<400x1xf32>
    %add3A_130 = arith.constant 9.99999993E-9 : f32
    %add3A_131 = vector.broadcast %add3A_130 : f32 to vector<400x1xf32>
    %add3A_132 = arith.addf %sqrt3A_129, %add3A_131 : vector<400x1xf32>
    %div3A_133 = vector.broadcast %add3A_132 : vector<400x1xf32> to vector<400x256xf32>
    %div3A_134 = arith.divf %sub3A_124, %div3A_133 : vector<400x256xf32>
    %convert_element_type3A_135 = arith.truncf %div3A_134 : vector<400x256xf32> to vector<400x256xbf16>
    %get3A_136 = arith.constant 2 : index
    %get3A_137 = arith.constant 0 : index
    %get3A_138 = arith.constant 0 : index
    %get3A_139 = vector.load %arg8[%get3A_136, %get3A_137, %get3A_138] : memref<3x256x1024xbf16, #tpu.memory_space<vmem>>, vector<1x256x1024xbf16>
    %get3A_140 = vector.shape_cast %get3A_139 : vector<1x256x1024xbf16> to vector<256x1024xbf16>
    %dot_general3A_141 = arith.constant dense<0.000000e+00> : vector<400x1024xf32>
    %dot_general3A_142 = tpu.matmul %convert_element_type3A_135, %get3A_140, %dot_general3A_141 {dimension_numbers = #tpu.dot_dimension_numbers<[1], [0], [0], [1], [0, 0, 1, 1], [], []>, transpose_lhs_hint = false} : vector<400x256xbf16>, vector<256x1024xbf16>, vector<400x1024xf32> -> vector<400x1024xf32>
    %reduce_max3A_143 = arith.constant dense<0xFF800000> : vector<400xf32>
    %reduce_max3A_144 = vector.multi_reduction <maximumf>, %dot_general3A_142, %reduce_max3A_143 [1] : vector<400x1024xf32> to vector<400xf32>
    %broadcast_in_dim3A_145 = vector.shape_cast %reduce_max3A_144 : vector<400xf32> to vector<400x1xf32>
    %eq3A_146 = vector.broadcast %broadcast_in_dim3A_145 : vector<400x1xf32> to vector<400x1024xf32>
    %eq3A_147 = arith.cmpf oeq, %dot_general3A_142, %eq3A_146 : vector<400x1024xf32>
    %jit3A_148 = arith.constant 1024 : i32
    %broadcast_in_dim3A_149 = vector.broadcast %jit3A_148 : i32 to vector<400x1024xi32>
    %select_n3A_150 = arith.select %eq3A_147, %iota3A, %broadcast_in_dim3A_149 : vector<400x1024xi1>, vector<400x1024xi32>
    %reduce_min3A_151 = arith.constant dense<2147483647> : vector<400xi32>
    %reduce_min3A_152 = vector.multi_reduction <minsi>, %select_n3A_150, %reduce_min3A_151 [1] : vector<400x1024xi32> to vector<400xi32>
    %broadcast_in_dim3A_153 = vector.shape_cast %reduce_min3A_152 : vector<400xi32> to vector<400x1xi32>
    %eq3A_154 = vector.broadcast %broadcast_in_dim3A_153 : vector<400x1xi32> to vector<400x1024xi32>
    %eq3A_155 = arith.cmpi eq, %iota3A, %eq3A_154 : vector<400x1024xi32>
    %convert_element_type3A_156 = arith.extui %eq3A_155 : vector<400x1024xi1> to vector<400x1024xi32>
    %convert_element_type3A_157 = arith.sitofp %convert_element_type3A_156 : vector<400x1024xi32> to vector<400x1024xf32>
    %convert_element_type3A_158 = arith.truncf %convert_element_type3A_157 : vector<400x1024xf32> to vector<400x1024xbf16>
    %get3A_159 = arith.constant 2 : index
    %get3A_160 = arith.constant 0 : index
    %get3A_161 = arith.constant 0 : index
    %get3A_162 = vector.load %arg9[%get3A_159, %get3A_160, %get3A_161] : memref<3x1024x256xbf16, #tpu.memory_space<vmem>>, vector<1x1024x256xbf16>
    %get3A_163 = vector.shape_cast %get3A_162 : vector<1x1024x256xbf16> to vector<1024x256xbf16>
    %dot_general3A_164 = arith.constant dense<0.000000e+00> : vector<400x256xf32>
    %dot_general3A_165 = tpu.matmul %convert_element_type3A_158, %get3A_163, %dot_general3A_164 {dimension_numbers = #tpu.dot_dimension_numbers<[1], [0], [0], [1], [0, 0, 1, 1], [], []>, transpose_lhs_hint = false} : vector<400x1024xbf16>, vector<1024x256xbf16>, vector<400x256xf32> -> vector<400x256xf32>
    %get3A_166 = arith.constant 2 : index
    %get3A_167 = arith.constant 0 : index
    %get3A_168 = arith.constant 0 : index
    %get3A_169 = vector.load %arg10[%get3A_166, %get3A_167, %get3A_168] : memref<3x1024x256xbf16, #tpu.memory_space<vmem>>, vector<1x1024x256xbf16>
    %get3A_170 = vector.shape_cast %get3A_169 : vector<1x1024x256xbf16> to vector<1024x256xbf16>
    %dot_general3A_171 = arith.constant dense<0.000000e+00> : vector<400x256xf32>
    %dot_general3A_172 = tpu.matmul %convert_element_type3A_158, %get3A_170, %dot_general3A_171 {dimension_numbers = #tpu.dot_dimension_numbers<[1], [0], [0], [1], [0, 0, 1, 1], [], []>, transpose_lhs_hint = false} : vector<400x1024xbf16>, vector<1024x256xbf16>, vector<400x256xf32> -> vector<400x256xf32>
    %add3A_173 = arith.addf %dot_general3A_165, %dot_general3A_172 : vector<400x256xf32>
    %get3A_174 = arith.constant 2 : index
    %get3A_175 = arith.constant 0 : index
    %get3A_176 = arith.constant 0 : index
    %get3A_177 = vector.load %arg11[%get3A_174, %get3A_175, %get3A_176] : memref<3x1024x256xbf16, #tpu.memory_space<vmem>>, vector<1x1024x256xbf16>
    %get3A_178 = vector.shape_cast %get3A_177 : vector<1x1024x256xbf16> to vector<1024x256xbf16>
    %dot_general3A_179 = arith.constant dense<0.000000e+00> : vector<400x256xf32>
    %dot_general3A_180 = tpu.matmul %convert_element_type3A_158, %get3A_178, %dot_general3A_179 {dimension_numbers = #tpu.dot_dimension_numbers<[1], [0], [0], [1], [0, 0, 1, 1], [], []>, transpose_lhs_hint = false} : vector<400x1024xbf16>, vector<1024x256xbf16>, vector<400x256xf32> -> vector<400x256xf32>
    %add3A_181 = arith.addf %add3A_173, %dot_general3A_180 : vector<400x256xf32>
    %sub3A_182 = arith.subf %add3A_181, %sub3A_124 : vector<400x256xf32>
    %mul3A_183 = arith.mulf %sub3A_182, %sub3A_182 : vector<400x256xf32>
    %reduce_sum3A_184 = vector.shape_cast %mul3A_183 : vector<400x256xf32> to vector<1x400x256xf32>
    %reduce_sum3A_185 = arith.constant dense<0.000000e+00> : vector<1xf32>
    %reduce_sum3A_186 = vector.multi_reduction <add>, %reduce_sum3A_184, %reduce_sum3A_185 [1, 2] : vector<1x400x256xf32> to vector<1xf32>
    %reduce_sum3A_187 = vector.shape_cast %reduce_sum3A_186 : vector<1xf32> to vector<1x1x1xf32>
    %reduce_sum3A_188 = vector.extract %reduce_sum3A_187[0, 0, 0] : f32 from vector<1x1x1xf32>
    %add3A_189 = arith.addf %add3A_123, %reduce_sum3A_188 : f32
    %broadcast_in_dim3A_190 = vector.shape_cast %reduce_min3A_20 : vector<400xi32> to vector<400x1xi32>
    %broadcast_in_dim3A_191 = vector.shape_cast %reduce_min3A_86 : vector<400xi32> to vector<400x1xi32>
    %broadcast_in_dim3A_192 = vector.shape_cast %reduce_min3A_152 : vector<400xi32> to vector<400x1xi32>
    %concatenate3A = tpu.concatenate %broadcast_in_dim3A_190, %broadcast_in_dim3A_191, %broadcast_in_dim3A_192 in 1 : vector<400x1xi32>, vector<400x1xi32>, vector<400x1xi32> -> vector<400x3xi32>
    %swap3A = arith.constant 0 : index
    %swap3A_193 = arith.constant 0 : index
    %swap3A_194 = vector.load %arg5[%swap3A, %swap3A_193] : memref<400x3xi32, #tpu.memory_space<vmem>>, vector<400x3xi32>
    tpu.vector_store %arg5[%swap3A, %swap3A_193], %concatenate3A {strides = array<i32>} : memref<400x3xi32, #tpu.memory_space<vmem>>, vector<400x3xi32>,
    %get3A_195 = arith.constant 0 : index
    %get3A_196 = arith.constant 0 : index
    %get3A_197 = vector.load %arg4[%get3A_195, %get3A_196] : memref<400x1xi32, #tpu.memory_space<vmem>>, vector<400x1xi32>
    %iota3A_198 = tpu.iota {dimensions = array<i32: 1>} : vector<400x128xi32>
    %eq3A_199 = vector.broadcast %get3A_197 : vector<400x1xi32> to vector<400x128xi32>
    %eq3A_200 = arith.cmpi eq, %eq3A_199, %iota3A_198 : vector<400x128xi32>
    %convert_element_type3A_201 = arith.extui %eq3A_200 : vector<400x128xi1> to vector<400x128xi32>
    %convert_element_type3A_202 = arith.sitofp %convert_element_type3A_201 : vector<400x128xi32> to vector<400x128xf32>
    %get3A_203 = arith.constant 0 : index
    %get3A_204 = arith.constant 0 : index
    %get3A_205 = vector.load %arg6[%get3A_203, %get3A_204] : memref<128x256xf32, #tpu.memory_space<vmem>>, vector<128x256xf32>
    %dot_general3A_206 = arith.constant dense<0.000000e+00> : vector<128x256xf32>
    %dot_general3A_207 = tpu.matmul %convert_element_type3A_202, %get3A_1, %dot_general3A_206 {dimension_numbers = #tpu.dot_dimension_numbers<[0], [0], [1], [1], [0, 1, 1, 1], [], []>, precision = #tpu.contract_precision<fp32>, transpose_lhs_hint = false} : vector<400x128xf32>, vector<400x256xf32>, vector<128x256xf32> -> vector<128x256xf32>
    %add3A_208 = arith.addf %get3A_205, %dot_general3A_207 : vector<128x256xf32>
    %swap3A_209 = arith.constant 0 : index
    %swap3A_210 = arith.constant 0 : index
    %swap3A_211 = vector.load %arg6[%swap3A_209, %swap3A_210] : memref<128x256xf32, #tpu.memory_space<vmem>>, vector<128x256xf32>
    tpu.vector_store %arg6[%swap3A_209, %swap3A_210], %add3A_208 {strides = array<i32>} : memref<128x256xf32, #tpu.memory_space<vmem>>, vector<128x256xf32>,
    %get3A_212 = arith.constant 0 : index
    %get3A_213 = arith.constant 0 : index
    %get3A_214 = vector.load %arg7[%get3A_212, %get3A_213] : memref<1x1xf32, #tpu.memory_space<vmem>>, vector<1x1xf32>
    %broadcast_in_dim3A_215 = vector.broadcast %add3A_189 : f32 to vector<1x1xf32>
    %add3A_216 = arith.addf %get3A_214, %broadcast_in_dim3A_215 : vector<1x1xf32>
    %swap3A_217 = arith.constant 0 : index
    %swap3A_218 = arith.constant 0 : index
    %swap3A_219 = vector.load %arg7[%swap3A_217, %swap3A_218] : memref<1x1xf32, #tpu.memory_space<vmem>>, vector<1x1xf32>
    tpu.vector_store %arg7[%swap3A_217, %swap3A_218], %add3A_216 {strides = array<i32>} : memref<1x1xf32, #tpu.memory_space<vmem>>, vector<1x1xf32>,
    return
  }
  func.func @transform_0(%arg0: i32) -> (i32, i32) {
    %c0_i32 = arith.constant 0 : i32
    %c0_i32_0 = arith.constant 0 : i32
    return %arg0, %c0_i32 : i32, i32
  }
  func.func @transform_1(%arg0: i32) -> (i32, i32, i32) {
    %c0_i32 = arith.constant 0 : i32
    %c0_i32_0 = arith.constant 0 : i32
    %c0_i32_1 = arith.constant 0 : i32
    %c0_i32_2 = arith.constant 0 : i32
    return %c0_i32, %c0_i32_0, %c0_i32_1 : i32, i32, i32
  }
  func.func @transform_2(%arg0: i32) -> (i32, i32, i32) {
    %c0_i32 = arith.constant 0 : i32
    %c0_i32_0 = arith.constant 0 : i32
    %c0_i32_1 = arith.constant 0 : i32
    %c0_i32_2 = arith.constant 0 : i32
    return %c0_i32, %c0_i32_0, %c0_i32_1 : i32, i32, i32
  }
  func.func @transform_3(%arg0: i32) -> (i32, i32) {
    %c0_i32 = arith.constant 0 : i32
    %c0_i32_0 = arith.constant 0 : i32
    return %arg0, %c0_i32 : i32, i32
  }
  func.func @transform_4(%arg0: i32) -> (i32, i32) {
    %c0_i32 = arith.constant 0 : i32
    %c0_i32_0 = arith.constant 0 : i32
    return %arg0, %c0_i32 : i32, i32
  }
  func.func @transform_5(%arg0: i32) -> (i32, i32) {
    %c0_i32 = arith.constant 0 : i32
    %c0_i32_0 = arith.constant 0 : i32
    %c0_i32_1 = arith.constant 0 : i32
    return %c0_i32, %c0_i32_0 : i32, i32
  }
  func.func @transform_6(%arg0: i32) -> (i32, i32) {
    %c0_i32 = arith.constant 0 : i32
    %c0_i32_0 = arith.constant 0 : i32
    %c0_i32_1 = arith.constant 0 : i32
    return %c0_i32, %c0_i32_0 : i32, i32
  }
}

</mosaic_0001>

<sc_bundles>
// kernel: scatter_offload_async_start.1
scs
__scs_entry_jumppad:
0x0: {  	(pc) =	sbr.rel $0x88, $3  }
0x1: {  	(tag) =	ssettag $0x0;
	lr =	simm.s32 $0x1  }
0x2: {  	[smem:$0x3F89] =	sst lr;
	_ =	strace $0xD0000000  }
0x3: {  	_ = 	snop  }
0x4: {  	_ = 	snop  }
0x5: {  	_ = 	snop  }
0x6: {  	_ = 	snop  }
0x7: {  	_ = 	snop  }
__scs_overlays_trampoline_lowered:
0x8: {  	[smem:$0x3F98] =	sst s0  }
0x9: {  	[smem:$0x3F99] =	sst s1  }
0xa: {  	[smem:$0x3F9A] =	sst s2  }
0xb: {  	[smem:$0x3F9B] =	sst s3  }
0xc: {  	[smem:$0x3F9C] =	sst s4  }
0xd: {  	[smem:$0x3F9D] =	sst s5  }
0xe: {  	[smem:$0x3F9E] =	sst s6  }
0xf: {  	[smem:$0x3F9F] =	sst s7  }
0x10: {  	[smem:$0x3FA0] =	sst s8  }
0x11: {  	[smem:$0x3FA1] =	sst s9;
	s0 =	simm.s32 @!p0 $0x0  }
0x12: {  	s1 =	sld [smem:$0x3F87];
	s0 =	simm.s32 @p0 $0x1  }
0x13: {  	[smem:$0x3FA2] =	sst s0;
	s0 =	simm.s32 @!p1 $0x0  }
0x14: {  	s2 =	sld [smem:$0x3F86];
	s0 =	simm.s32 @p1 $0x1  }
0x15: {  	[smem:$0x3FA3] =	sst s0;
	s0 =	simm.s32 @!p2 $0x0  }
0x16: {  	s3 =	sld [smem:$0x3FDB];
	s0 =	simm.s32 @p2 $0x1  }
0x17: {  	s4 =	simm.s32 $0x1BF5;
	[smem:$0x3FA5] =	sst s0  }
0x18: {  	s0 =	sld [smem:$0x3F88];
	_ =	swait.ge [sflag:s4], $0x0  }
0x19: {  	s7 =	sld [smem:$0x3F89]  }
0x1a: {  	s8 =	sadd.s32 $0xFFFFE003, lr  }
0x1b: {  	s9 =	sadd.s32 $0xFFFFFEF7, lr;
	s5 =	simm.s32 $0xFFFFFFFF;
	p2 =	slt.u32 s8, $0xFFFFF086  }
0x1c: {  	p1 =	slt.u32 s9, $0xF7A;
	s5 =	simm.s32 @!p2 $0x0  }
0x1d: {  	s5 =	simm.s32 @p1 $0x1;
	p0 =	seq.s32 s7, s2  }
0x1e: {  	s7 =	smul.u32 @!p0 $0xF7A, s2;
	p2 =	seq.s32 @!p0 s5, $0x0  }
0x1f: {  	s9 =	smul.u32 $0xF7A, s1;
	s8 =	simm.s32 @!p0 $0x1BF5;
	p2 =	por !p2, p0  }
0x20: {  	[sflag:s8] =	ssyncset.s32 @!p0 $0xFFFFF086;
	s6 =	sadd.s32 @!p0 s3, s7;
	s7 =	simm.s32 @!p0 $0x108  }
0x21: {  	s3 =	sadd.s32 s3, s9;
	s6 =	sadd.s32 @!p0 $0x88, s6;
	s7 =	simm.s32 @p2 $0x1082  }
0x22: {  	[simem:s7], [sflag:s8] =	dma.local @!p0 [hbm:s6], $0xF7A  }
0x23: {  	s9 =	sor.u32 $0xD0000000, s2;
	s6 =	simm.s32 $0x108;
	_ =	swait.ge @!p0 [sflag:s8], $0x0  }
0x24: {  	s3 =	sadd.s32 $0x88, s3;
	s6 =	simm.s32 @!p1 $0x1082;
	[sflag:s4] =	ssyncset.s32 $0xFFFFF086  }
0x25: {  	[simem:s6], [sflag:s4] =	dma.local [hbm:s3], $0xF7A  }
0x26: {  	[smem:$0x3F89] =	sst s1;
	(tag) =	ssettag s2;
	_ =	strace s9  }
0x27: {  	s1 =	sld [smem:$0x3F99]  }
0x28: {  	s2 =	sld [smem:$0x3F9A]  }
0x29: {  	s4 =	sld [smem:$0x3F9C]  }
0x2a: {  	p0 =	seq.s32 s5, $0x0;
	s5 =	sld [smem:$0x3F9D]  }
0x2b: {  	s6 =	sld [smem:$0x3F9E]  }
0x2c: {  	s7 =	sld [smem:$0x3F9F]  }
0x2d: {  	s3 =	simm.s32 $0x108;
	s8 =	sld [smem:$0x3FA0]  }
0x2e: {  	s3 =	simm.s32 @!p0 $0x1082;
	s9 =	sld [smem:$0x3FA1]  }
0x2f: {  	lr =	sadd.s32 s0, s3;
	s0 =	sld [smem:$0x3F98]  }
0x30: {  	s3 =	sld [smem:$0x3F9B]  }
0x31: {  	[smem:$0x3FA4] =	sst s10  }
0x32: {  	s10 =	sld [smem:$0x3FA2];
	_ =	sdelay $0x3  }
0x33: {  	p0 =	seq.s32 s10, $0x1;
	s10 =	sld [smem:$0x3FA4];
	_ =	sdelay $0x3  }
0x34: {  	[smem:$0x3FA4] =	sst s10  }
0x35: {  	s10 =	sld [smem:$0x3FA3];
	_ =	sdelay $0x3  }
0x36: {  	p1 =	seq.s32 s10, $0x1;
	s10 =	sld [smem:$0x3FA4];
	_ =	sdelay $0x3  }
0x37: {  	[smem:$0x3FA4] =	sst s10  }
0x38: {  	s10 =	sld [smem:$0x3FA5]  }
0x39: {  	_ = 	snop;
	(pc) =	sbr.ind lr, $3  }
0x3a: {  	_ = 	snop  }
0x3b: {  	_ = 	snop  }
0x3c: {  	p2 =	seq.s32 s10, $0x1;
	s10 =	sld [smem:$0x3FA4]  }
0x3d: {  	_ =	shalt  }
0x3e: {  	_ =	shalt  }
0x3f: {  	_ =	shalt  }
0x40: {  	_ =	shalt  }
0x41: {  	_ =	shalt  }
0x42: {  	_ =	shalt  }
0x43: {  	_ =	shalt  }
0x44: {  	_ =	shalt  }
0x45: {  	_ =	shalt  }
0x46: {  	_ =	shalt  }
0x47: {  	_ =	shalt  }
0x48: {  	_ =	shalt  }
0x49: {  	_ =	shalt  }
0x4a: {  	_ =	shalt  }
0x4b: {  	_ =	shalt  }
0x4c: {  	_ =	shalt  }
0x4d: {  	_ =	shalt  }
0x4e: {  	_ =	shalt  }
0x4f: {  	_ =	shalt  }
0x50: {  	_ =	shalt  }
0x51: {  	_ =	shalt  }
0x52: {  	_ =	shalt  }
0x53: {  	_ =	shalt  }
0x54: {  	_ =	shalt  }
0x55: {  	_ =	shalt  }
0x56: {  	_ =	shalt  }
0x57: {  	_ =	shalt  }
0x58: {  	_ =	shalt  }
0x59: {  	_ =	shalt  }
0x5a: {  	_ =	shalt  }
0x5b: {  	_ =	shalt  }
0x5c: {  	_ =	shalt  }
0x5d: {  	_ =	shalt  }
0x5e: {  	_ =	shalt  }
0x5f: {  	_ =	shalt  }
0x60: {  	_ =	shalt  }
0x61: {  	_ =	shalt  }
0x62: {  	_ =	shalt  }
0x63: {  	_ =	shalt  }
0x64: {  	_ =	shalt  }
0x65: {  	_ =	shalt  }
0x66: {  	_ =	shalt  }
0x67: {  	_ =	shalt  }
0x68: {  	_ =	shalt  }
0x69: {  	_ =	shalt  }
0x6a: {  	_ =	shalt  }
0x6b: {  	_ =	shalt  }
0x6c: {  	_ =	shalt  }
0x6d: {  	_ =	shalt  }
0x6e: {  	_ =	shalt  }
0x6f: {  	_ =	shalt  }
0x70: {  	_ =	shalt  }
0x71: {  	_ =	shalt  }
0x72: {  	_ =	shalt  }
0x73: {  	_ =	shalt  }
0x74: {  	_ =	shalt  }
0x75: {  	_ =	shalt  }
0x76: {  	_ =	shalt  }
0x77: {  	_ =	shalt  }
0x78: {  	_ =	shalt  }
0x79: {  	_ =	shalt  }
0x7a: {  	_ =	shalt  }
0x7b: {  	_ =	shalt  }
0x7c: {  	_ =	shalt  }
0x7d: {  	_ =	shalt  }
0x7e: {  	_ =	shalt  }
0x7f: {  	_ =	shalt  }
0x80: {  	_ =	shalt  }
0x81: {  	_ =	shalt  }
0x82: {  	_ =	shalt  }
0x83: {  	_ =	shalt  }
0x84: {  	_ =	shalt  }
0x85: {  	_ =	shalt  }
0x86: {  	_ =	shalt  }
0x87: {  	_ =	shalt  }
.Lfunc_end0:
.L_simem_size_0:
called_computation.1_lowered:
.L_overlay_start_0:
0x88: {  	s2 =	sld [smem:$0x3FD9]  }
0x89: {  	s3 =	sld [smem:$0x3FFE];
	_ =	sdelay $0x1  }
0x8a: {  	s1 =	srdreg.scid  }
0x8b: {  	s0 =	sand.u32 $0x1, s1  }
0x8c: {  	s13 =	sshll.u32 s0, $0xA;
	s2 =	sadd.s32 s3, s2  }
0x8d: {  	s2 =	sadd.s32 s2, s13  }
0x8e: {  	[smem:$0x3FB0] =	sst s2  }
0x8f: {  	_ = 	snop  }
0x90: {  	s2 =	sld [smem:$0x3FD0];
	_ =	sdelay $0x2  }
0x91: {  	s14 =	simm.s32 $0xB;
	s4 =	simm.s32 $0x10  }
0x92: {  	[smem:s4], [sflag:s14] =	dma.local [hbm:s2], $0x1  }
0x93: {  	_ =	swait.eq [sflag:s14], $0x1  }
0x94: {  	[sflag:s14] =	ssyncset.done $0x0  }
0x95: {  	[sflag:s14] =	ssyncadd.s32 $0xFFFFFFFF  }
0x96: {  	s15 =	sld [smem:$0x11];
	(tm) =	ssettm $0x1  }
0x97: {  	s16 =	sld [smem:$0x3FFB];
	_ =	sdelay $0x3  }
0x98: {  	_ =	strace s16  }
0x99: {  	s2 =	sld [smem:$0x3FFC];
	_ =	sdelay $0x3  }
0x9a: {  	_ =	strace s2  }
0x9b: {  	s2 =	sld [smem:$0x3FFD];
	_ =	sdelay $0x3  }
0x9c: {  	_ =	strace s2  }
0x9d: {  	_ =	strace $0x8FFFFFFF  }
0x9e: {  	s17 =	sld [smem:$0x3FDB];
	_ =	sdelay $0x1  }
0x9f: {  	s18 =	simm.s32 $_scs_section_size  }
0xa0: {  	s5 =	simm.s32 $_size__tile_overlayer_lowered;
	s6 =	simm.s32 $_tile_overlayer_lowered  }
0xa1: {  	s7 =	simm.s32 $0x1BFF;
	s19 =	sshll.u32 s6, $0x1;
	s4 =	sadd.s32 s18, s17  }
0xa2: {  	s20 =	simm.s32 $0x0;
	s5 =	sshll.u32 s5, $0x1;
	s6 =	sadd.s32 s19, s4  }
0xa3: {  	[timem:s20], [sflag:s7] =	dma.local [hbm:s6], s5  }
0xa4: {  	_ =	swait.ge [sflag:s7], s5  }
0xa5: {  	s5 =	ssub.s32 $0x0, s5;
	[sflag:s7] =	ssyncset.done $0x0  }
0xa6: {  	[sflag:s7] =	ssyncadd.s32 s5;
	_ =	sdelay $0x1  }
0xa7: {  	s21 =	simm.s32 $0x1B8B  }
0xa8: {  	_ =	swait.ge [sflag:s21], $0x1  }
0xa9: {  	[sflag:s21] =	ssyncset.done $0x0  }
0xaa: {  	s22 =	sld [smem:$0x3FFE];
	[sflag:s21] =	ssyncadd.s32 $0xFFFFFFFF  }
0xab: {  	s24 =	simm.s32 $0x1B8E;
	s23 =	sld [smem:$0x0]  }
0xac: {  	s25 =	simm.s32 $execute0_lowered;
	[smem:$0x3FD2] =	sst s24  }
0xad: {  	s7 =	sshll.u32 s25, $0x1;
	_ =	strace $0x80000049;
	[dreg:$0x1] =	wrdreg $0xFFFFFFFF  }
0xae: {  	s8 =	simm.s32 $_size_execute0_lowered;
	s7 =	sadd.s32 s4, s7;
	[dreg:$0x0] =	wrdreg $0x0  }
0xaf: {  	s8 =	sshll.u32 s8, $0x1;
	[dreg:$0x2] =	wrdreg s7  }
0xb0: {  	[dreg:$0x3] =	wrdreg s8  }
0xb1: {  	[dreg:$0x4] =	wrdreg $0xC0  }
0xb2: {  	s26 =	simm.s32 $execute1_lowered;
	_ =	task [dreg:s20], $0x5FFFF  }
0xb3: {  	s7 =	sshll.u32 s26, $0x1;
	[dreg:$0x1] =	wrdreg $0xFFFFFFFF  }
0xb4: {  	s4 =	sadd.s32 s4, s7;
	[dreg:$0x0] =	wrdreg $0x60  }
0xb5: {  	[dreg:$0x2] =	wrdreg s4  }
0xb6: {  	[dreg:$0x3] =	wrdreg s15  }
0xb7: {  	[dreg:$0x4] =	wrdreg s22  }
0xb8: {  	[dreg:$0x5] =	wrdreg $0x9  }
0xb9: {  	_ =	task.clear_ibuf [dreg:s20], $0x6FFFF;
	_ =	strace $0x90000049  }
0xba: {  	s28 =	simm.s32 $0x9;
	_ =	strace $0x8000004B  }
0xbb: {  	_ =	swait.ge [sflag:s28], $0x1  }
0xbc: {  	[sflag:s28] =	ssyncadd.s32 $0xFFFFFFFF  }
0xbd: {  	_ =	strace $0x9000004B  }
0xbe: {  	s3 =	sld [smem:$0x0]  }
0xbf: {  	s4 =	sand.u32 $0xFFFFFFFE, s1  }
0xc0: {  	p0 =	sne.s32 s1, s4  }
0xc1: {  	s4 =	sshll.u32 @p0 s4, $0xE  }
0xc2: {  	s4 =	sadd.s32 @p0 $0x11BF3, s4;
	s7 =	sshll.u32 @p0 s3, $0x11  }
0xc3: {  	s4 =	sor.u32 @p0 s7, s4  }
0xc4: {  	[sflag:s4] =	ssyncadd.remote.s32 @p0 $0x1;
	_ =	sdelay $0x1  }
0xc5: {  	s4 =	simm.s32 @p0 $0x1BF3  }
0xc6: {  	_ =	swait.eq @p0 [sflag:s4], $0x1  }
0xc7: {  	[sflag:s4] =	ssyncadd.s32 @p0 $0xFFFFFFFF  }
0xc8: {  	s7 =	sshll.u32 @!p0 s1, $0xE  }
0xc9: {  	s7 =	sor.u32 @!p0 $0x4000, s7;
	s4 =	simm.s32 @!p0 $0x1BF3  }
0xca: {  	s3 =	sshll.u32 @!p0 s3, $0x11;
	s7 =	sadd.s32 @!p0 $0x11BF3, s7;
	_ =	swait.eq @!p0 [sflag:s4], $0x1  }
0xcb: {  	s3 =	sor.u32 @!p0 s3, s7;
	[sflag:s4] =	ssyncadd.s32 @!p0 $0xFFFFFFFF  }
0xcc: {  	[sflag:s3] =	ssyncadd.remote.s32 @!p0 $0x1  }
0xcd: {  	_ =	strace $0x8000004C;
	[dreg:$0x1] =	wrdreg $0xFFFFFFFF  }
0xce: {  	[dreg:$0x0] =	wrdreg $0x2030  }
0xcf: {  	[dreg:$0x2] =	wrdreg s22  }
0xd0: {  	[dreg:$0x3] =	wrdreg s1  }
0xd1: {  	[dreg:$0x4] =	wrdreg s23  }
0xd2: {  	[dreg:$0x5] =	wrdreg $0xA  }
0xd3: {  	_ =	task.clear_ibuf [dreg:s20], $0x6FFFF;
	_ =	strace $0x9000004C  }
0xd4: {  	s29 =	simm.s32 $0xA;
	_ =	strace $0x8000004E  }
0xd5: {  	_ =	swait.ge [sflag:s29], $0x1  }
0xd6: {  	[sflag:s29] =	ssyncadd.s32 $0xFFFFFFFF  }
0xd7: {  	_ =	strace $0x9000004E  }
0xd8: {  	_ =	sfence  }
0xd9: {  	s30 =	sld [smem:$0x0];
	_ =	sdelay $0x2  }
0xda: {  	s31 =	sshll.u32 s1, $0xD;
	s1 =	sshrl.u32 s1, $0x2  }
0xdb: {  	s4 =	sand.u32 $0x4000, s31;
	s1 =	sadd.s32 s1, s30  }
0xdc: {  	s0 =	sor.u32 s4, s0;
	s1 =	sshll.u32 s1, $0x11  }
0xdd: {  	s0 =	sor.u32 s1, s0  }
0xde: {  	s0 =	sadd.s32 $0x8F2B, s0  }
0xdf: {  	[sflag:s0] =	ssyncadd.remote.s32 $0x1  }
0xe0: {  	_ =	sfence.sel $0xFFFF  }
0xe1: {  	[dreg:$0x0] =	wrdreg $0xFFFFFFFF;
	(pc) =	sbr.abs _section_cstart, $3  }
0xe2: {  	[dreg:$0x1] =	wrdreg $0xFFFFFFFF  }
0xe3: {  	_ =	task.clear_ibuf [dreg:s20], $0x2FFFF;
	_ =	strace $0x9FFFFFFF  }
0xe4: {  	(tm) =	ssettm $0x7FFFFFFF  }
0xe5: {  	_ =	shalt  }
tec
execute0_lowered:
.L_overlay_start_1:
0x0: {  	(tag) =	ssettag $0x1  }
0x1: {  	s3 =	rddreg [dreg:$0x0]  }
0x2: {  	s25 =	rddreg [dreg:$0x1]  }
0x3: {  	s4 =	rddreg [dreg:$0x2];
	s5 =	stileid.u32;
	[bflag:$0x3] =	sbarrier.arrive $0xFFFF  }
0x4: {  	s1 =	simm.s32 $_size_execute1_lowered;
	s26 =	srdreg.scid;
	s29 =	simm.s32 $0x1  }
0x5: {  	s31 =	simm.s32 $0x2;
	p0 =	sne.s32 s5, $0x0;
	s0 =	sshll.u32 s1, $0x1  }
0x6: {  	s6 =	simm.s32 @!p0 $0x1C3F;
	s7 =	simm.s32 @!p0 $0x4060;
	[dreg:$0x4] =	wrdreg s0  }
0x7: {  	[timem:s7], [sflag:s6] =	dma.local @!p0 [hbm:s3], s0  }
0x8: {  	s12 =	simm.s32 $0x0;
	s10 =	simm.s32 $0x0;
	s3 =	sshll.u32 s26, $0x6  }
.Ltmp0:
0x9: {  	s5 =	sshll.u32 s5, $0x7;
	s3 =	sand.u32 $0x40, s3;
	(pc) =	sbr.rel .LBB2_1-.Ltmp0, $4  }
0xa: {  	s11 =	simm.s32 $0x0;
	_ =	strace $0x8000004A;
	s3 =	sor.u32 s5, s3  }
0xb: {  	s28 =	sadd.s32 $0x15000, s4;
	[sflag:s29] =	ssyncpa.u1 $0x0;
	s30 =	ssub.s32 $0x2700, s3  }
0xc: {  	[dreg:$0x5] =	wrdreg s28;
	[sflag:s31] =	ssyncpa.u1 $0x0;
	s6 =	sshrl.u32 s30, $0xB  }
0xd: {  	s9 =	smov.u32 s3;
	[dreg:$0x6] =	wrdreg s3;
	s7 =	sadd.s32 $0x2, s6  }
.LBB2_4:
0xe: {  	_ = 	snop  }
.LBB2_9:
0xf: {  	_ =	sdelay $0x3  }
0x10: {  	[tilespmem:v0+s23+$0x0 ss:$0x1] =	vst.idx.msk @p1 $0xffff, v2  }
0x11: {  	s0 =	sor.u32 s29, s28;
	v2 =	vld.idx.msk @p1 [tilespmem:v1+s15+$0x0 ss:$0x1], $0xffff;
	[tilespmem:v0+s22+$0x0 ss:$0x1] =	vst.idx.msk @p1 $0xffff, v3  }
0x12: {  	s1 =	sand.u32 $0x80, s18;
	v3 =	vld.idx.msk @p1 [tilespmem:v1+s16+$0x0 ss:$0x1], $0xffff;
	[tilespmem:v0+s19+$0x0 ss:$0x1] =	vst.idx.msk @p1 $0xffff, v6;
	s2 =	sand.u32 $0x3B00, s0  }
0x13: {  	v6 =	vld.idx.msk @p1 [tilespmem:v1+s17+$0x0 ss:$0x1], $0xffff;
	[tilespmem:v0+s24+$0x0 ss:$0x1] =	vst.idx.msk @p1 $0xffff, v4;
	s0 =	sand.u32 $0x3B80, s0;
	s1 =	sor.u32 s1, s2  }
0x14: {  	[tilespmem:v0+s21+$0x0 ss:$0x1] =	vst.idx.msk @p1 $0xffff, v5;
	s24 =	sor.u32 $0x410, s0;
	v48 =	vld.idx.msk [tilespmem:v1+s1+$0x0 ss:$0x1], $0xffff  }
0x15: {  	s26 =	sor.u32 $0x420, s0;
	[tilespmem:v0+s20+$0x0 ss:$0x1] =	vst.idx.msk @p1 $0xffff, v7;
	v57 =	vld.idx.msk [tilespmem:v1+s24+$0x0 ss:$0x1], $0xffff  }
0x16: {  	s28 =	sor.u32 $0x430, s0;
	v58 =	vld.idx.msk [tilespmem:v1+s26+$0x0 ss:$0x1], $0xffff;
	[tilespmem:v0+s15+$0x0 ss:$0x1] =	vst.idx.msk @p1 $0xffff, v2  }
0x17: {  	s29 =	sor.u32 $0x440, s0;
	v59 =	vld.idx.msk [tilespmem:v1+s28+$0x0 ss:$0x1], $0xffff;
	[tilespmem:v0+s16+$0x0 ss:$0x1] =	vst.idx.msk @p1 $0xffff, v3  }
0x18: {  	s30 =	sor.u32 $0x450, s0;
	v60 =	vld.idx.msk [tilespmem:v1+s29+$0x0 ss:$0x1], $0xffff;
	[tilespmem:v0+s17+$0x0 ss:$0x1] =	vst.idx.msk @p1 $0xffff, v6  }
0x19: {  	s31 =	sor.u32 $0x460, s0;
	v61 =	vld.idx.msk [tilespmem:v1+s30+$0x0 ss:$0x1], $0xffff;
	[tilespmem:v0+s1+$0x0 ss:$0x1] =	vst.idx.msk $0xffff, v48  }
0x1a: {  	s0 =	sor.u32 $0x470, s0;
	v62 =	vld.idx.msk [tilespmem:v1+s31+$0x0 ss:$0x1], $0xffff;
	[tilespmem:v0+s24+$0x0 ss:$0x1] =	vst.idx.msk $0xffff, v57  }
0x1b: {  	s2 =	sor.u32 $0x400, s1;
	v63 =	vld.idx.msk [tilespmem:v1+s0+$0x0 ss:$0x1], $0xffff;
	[tilespmem:v0+s26+$0x0 ss:$0x1] =	vst.idx.msk $0xffff, v58  }
0x1c: {  	s4 =	sor.u32 $0x10, s1;
	v49 =	vld.idx.msk [tilespmem:v1+s2+$0x0 ss:$0x1], $0xffff;
	[tilespmem:v0+s28+$0x0 ss:$0x1] =	vst.idx.msk $0xffff, v59  }
0x1d: {  	s5 =	sor.u32 $0x20, s1;
	v50 =	vld.idx.msk [tilespmem:v1+s4+$0x0 ss:$0x1], $0xffff;
	[tilespmem:v0+s29+$0x0 ss:$0x1] =	vst.idx.msk $0xffff, v60  }
0x1e: {  	s8 =	sor.u32 $0x30, s1;
	v51 =	vld.idx.msk [tilespmem:v1+s5+$0x0 ss:$0x1], $0xffff;
	[tilespmem:v0+s30+$0x0 ss:$0x1] =	vst.idx.msk $0xffff, v61  }
0x1f: {  	s21 =	sor.u32 $0x40, s1;
	v52 =	vld.idx.msk [tilespmem:v1+s8+$0x0 ss:$0x1], $0xffff;
	[tilespmem:v0+s31+$0x0 ss:$0x1] =	vst.idx.msk $0xffff, v62  }
0x20: {  	s22 =	sor.u32 $0x50, s1;
	v53 =	vld.idx.msk [tilespmem:v1+s21+$0x0 ss:$0x1], $0xffff;
	[tilespmem:v0+s0+$0x0 ss:$0x1] =	vst.idx.msk $0xffff, v63  }
0x21: {  	s23 =	sor.u32 $0x60, s1;
	v54 =	vld.idx.msk [tilespmem:v1+s22+$0x0 ss:$0x1], $0xffff;
	[tilespmem:v0+s2+$0x0 ss:$0x1] =	vst.idx.msk $0xffff, v49  }
0x22: {  	v55 =	vld.idx.msk [tilespmem:v1+s23+$0x0 ss:$0x1], $0xffff;
	s1 =	sor.u32 $0x70, s1;
	[tilespmem:v0+s4+$0x0 ss:$0x1] =	vst.idx.msk $0xffff, v50  }
0x23: {  	v56 =	vld.idx.msk [tilespmem:v1+s1+$0x0 ss:$0x1], $0xffff;
	[tilespmem:v0+s5+$0x0 ss:$0x1] =	vst.idx.msk $0xffff, v51  }
0x24: {  	[tilespmem:v0+s8+$0x0 ss:$0x1] =	vst.idx.msk $0xffff, v52  }
0x25: {  	[tilespmem:v0+s21+$0x0 ss:$0x1] =	vst.idx.msk $0xffff, v53  }
0x26: {  	[tilespmem:v0+s22+$0x0 ss:$0x1] =	vst.idx.msk $0xffff, v54  }
0x27: {  	[tilespmem:v0+s23+$0x0 ss:$0x1] =	vst.idx.msk $0xffff, v55  }
0x28: {  	[tilespmem:v0+s1+$0x0 ss:$0x1] =	vst.idx.msk $0xffff, v56  }
.LBB2_10:
0x29: {  	s0 =	sshll.u32 s10, $0x8;
	s1 =	sshll.u32 s10, $0x7  }
0x2a: {  	s0 =	sand.u32 $0xFFFFF800, s0;
	s1 =	sand.u32 $0x300, s1  }
0x2b: {  	s0 =	sor.u32 s1, s0  }
0x2c: {  	s0 =	sshrl.u32 s0, $0x8  }
0x2d: {  	s28 =	smulhi.u32 $0x1A36E3, s0;
	_ =	sdelay $0x1  }
0x2e: {  	s1 =	sshrl.u32 s28, $0x2  }
0x2f: {  	s1 =	smul.u32 $0x2710, s1  }
0x30: {  	s2 =	sshll.u32 s10, $0x4  }
0x31: {  	s30 =	rddreg [dreg:$0x5];
	s29 =	sand.u32 $0x10, s2;
	s0 =	ssub.s32 s0, s1  }
0x32: {  	s1 =	sadd.s32 s30, s29;
	s0 =	sshll.u32 s0, $0x5  }
0x33: {  	s31 =	simm.s32 $0x0;
	s0 =	sadd.s32 s0, s1  }
0x34: {  	[hbm4b:s0+s31] =	stream.linear.scatter [tilespmem:s14], [sflag:$0x2], s13, $0x38;
	[tilespmem:$0x10000] =	vst v63  }
.LBB2_11:
0x35: {  	p1 =	slt.u32 s11, $0x2  }
0x36: {  	p2 =	sgt.s32 @!p1 s12, $0x26D0  }
0x37: {  	s0 =	smov.u32 s12;
	s1 =	sshra.s32 @!p1 s12, $0x1F;
	p2 =	por !p2, p1  }
0x38: {  	s1 =	sand.u32 @!p1 s1, s12;
	s0 =	simm.s32 @p2 $0x26D0  }
0x39: {  	s0 =	ssub.s32 @!p1 s0, s1  }
0x3a: {  	s0 =	sadd.s32 @!p1 $0xFFFFD930, s0  }
0x3b: {  	s1 =	sshll.u32 @!p1 s0, $0xA  }
0x3c: {  	p2 =	sgt.s32 @!p1 s0, $0x3F;
	s0 =	ssub.s32 @!p1 $0x10000, s1  }
0x3d: {  	s2 =	sadd.s32 $0x800, s9;
	p2 =	por !p2, p1;
	s0 =	sshrl.u32 @!p1 s0, $0x2  }
0x3e: {  	s0 =	simm.s32 @!p2 $0x0;
	p2 =	sgt.s32 s2, $0x270F  }
0x3f: {  	s2 =	smov.u32 @p2 s3;
	p2 =	sne.s32 s11, s7  }
.Ltmp1:
0x40: {  	_ = 	snop;
	(pc) =	sbr.rel @!p2 .LBB2_12-.Ltmp1, $4  }
0x41: {  	s1 =	simm.s32 @!p1 $0x2  }
0x42: {  	s12 =	smov.u32 s10;
	_ =	swait.ge @!p1 [sflag:s1], s0  }
0x43: {  	s10 =	smov.u32 s9;
	s0 =	ssub.s32 @!p1 $0x0, s0;
	[sflag:s1] =	ssyncset.done @!p1 $0x0  }
0x44: {  	s11 =	sadd.s32 $0x1, s11;
	s9 =	smov.u32 s2;
	[sflag:s1] =	ssyncadd.s32 @!p1 s0  }
.LBB2_1:
0x45: {  	p1 =	sgt.u32 s11, s6  }
0x46: {  	s13 =	sshll.u32 @!p1 s9, $0x8;
	s14 =	sshll.u32 @!p1 s9, $0x7  }
0x47: {  	s13 =	sand.u32 @!p1 $0xFFFFF800, s13;
	s14 =	sand.u32 @!p1 $0x300, s14  }
0x48: {  	s13 =	sor.u32 @!p1 s14, s13  }
0x49: {  	s15 =	smov.u32 s9;
	p2 =	sgt.s32 @!p1 s9, $0x26D0;
	s13 =	sshrl.u32 @!p1 s13, $0x8  }
0x4a: {  	s16 =	sshra.s32 @!p1 s9, $0x1F;
	p2 =	por !p2, p1;
	s14 =	smulhi.u32 @!p1 $0x1A36E3, s13  }
0x4b: {  	s16 =	sand.u32 @!p1 s16, s9;
	s15 =	simm.s32 @p2 $0x26D0  }
0x4c: {  	s15 =	ssub.s32 @!p1 s15, s16;
	s16 =	sxor.u32 @!p1 $0xFFFFFFFF, s11;
	s14 =	sshrl.u32 @!p1 s14, $0x2  }
0x4d: {  	s15 =	sadd.s32 @!p1 $0xFFFFD930, s15;
	s16 =	sshll.u32 @!p1 s16, $0xE;
	s14 =	smul.u32 @!p1 $0x2710, s14  }
0x4e: {  	p2 =	sgt.s32 @!p1 s15, $0x3F;
	s16 =	sand.u32 @!p1 $0x4000, s16  }
0x4f: {  	s13 =	ssub.s32 @!p1 s13, s14;
	s14 =	sshll.u32 @!p1 s15, $0xA;
	s15 =	sshll.u32 @!p1 s9, $0x4  }
0x50: {  	p2 =	por !p2, p1;
	s14 =	ssub.s32 @!p1 $0x10000, s14;
	s15 =	sand.u32 @!p1 $0x10, s15  }
0x51: {  	s13 =	sshll.u32 @!p1 s13, $0x5;
	s14 =	sshrl.u32 @!p1 s14, $0x2;
	s15 =	sadd.s32 @!p1 s25, s15  }
0x52: {  	s14 =	simm.s32 @!p2 $0x0;
	s13 =	sadd.s32 @!p1 s13, s15;
	s15 =	simm.s32 @!p1 $0x0  }
0x53: {  	[tilespmem:s16], [sflag:$0x1] =	stream.linear.gather @!p1 [hbm4b:s13+s15], s14, $0x38;
	[tilespmem:$0x10000] =	vst v63  }
0x54: {  	p1 =	seq.s32 s11, $0x0  }
0x55: {  	p2 =	sge.u32 @!p1 s11, s7  }
0x56: {  	p1 =	por p1, p2  }
.Ltmp2:
0x57: {  	_ = 	snop;
	(pc) =	sbr.rel @p1 .LBB2_11-.Ltmp2, $1  }
0x58: {  	_ =	sdelay $0x3  }
0x59: {  	p1 =	sgt.s32 s10, $0x26D0;
	s13 =	smov.u32 s10;
	s14 =	sshra.s32 s10, $0x1F  }
0x5a: {  	s13 =	simm.s32 @!p1 $0x26D0;
	s14 =	sand.u32 s14, s10  }
0x5b: {  	s13 =	ssub.s32 s13, s14  }
0x5c: {  	s13 =	sadd.s32 $0xFFFFD930, s13  }
0x5d: {  	s31 =	sshll.u32 s13, $0xA  }
0x5e: {  	s14 =	ssub.s32 $0x10000, s31  }
0x5f: {  	p1 =	sgt.s32 s13, $0x3F;
	s13 =	sshrl.u32 s14, $0x2;
	s14 =	sadd.s32 $0x40, s10  }
0x60: {  	s13 =	simm.s32 @p1 $0x0;
	p1 =	slt.s32 s14, $0x2710  }
0x61: {  	s14 =	simm.s32 @!p1 $0x2710  }
0x62: {  	s15 =	ssub.s32 s14, s10  }
0x63: {  	p1 =	slt.s32 s15, $0x1  }
.Ltmp3:
0x64: {  	_ = 	snop;
	(pc) =	sbr.rel @p1 .LBB2_10-.Ltmp3, $4  }
0x65: {  	s0 =	simm.s32 $0x1  }
0x66: {  	s16 =	sshll.u32 s11, $0xE;
	_ =	swait.ge [sflag:s0], s13  }
0x67: {  	s16 =	sand.u32 $0x4000, s16;
	s17 =	ssub.s32 $0x0, s13;
	[sflag:s0] =	ssyncset.done $0x0  }
0x68: {  	s14 =	sor.u32 $0x8000, s16;
	[sflag:s0] =	ssyncadd.s32 s17  }
0x69: {  	p2 =	sne.s32 s15, $0x1  }
.Ltmp4:
0x6a: {  	v1 =	vmov s16;
	v0 =	vmov s14;
	(pc) =	sbr.rel @!p2 .LBB2_4-.Ltmp4, $3  }
0x6b: {  	_ =	sdelay $0x1  }
0x6c: {  	s18 =	simm.s32 $0x0;
	s26 =	sadd.s32 $0xFFFFFFFF, s15  }
0x6d: {  	p1 =	por $0x0, $0x0;
	s28 =	sand.u32 $0xFFFFF800, s18;
	s29 =	sand.u32 $0x380, s18  }
0x6e: {  	_ = 	snop  }
0x6f: {  	s15 =	sor.u32 s29, s28  }
0x70: {  	s16 =	sand.u32 $0x80, s18;
	s17 =	sand.u32 $0x3B00, s15  }
0x71: {  	s31 =	sand.u32 $0x3B80, s15;
	s16 =	sor.u32 s16, s17  }
0x72: {  	s19 =	sor.u32 $0x410, s31;
	v2 =	vld.idx.msk [tilespmem:v1+s16+$0x0 ss:$0x1], $0xffff  }
0x73: {  	s17 =	sor.u32 $0x400, s16;
	v6 =	vld.idx.msk [tilespmem:v1+s19+$0x0 ss:$0x1], $0xffff  }
0x74: {  	s5 =	sor.u32 $0x10, s16;
	v3 =	vld.idx.msk [tilespmem:v1+s17+$0x0 ss:$0x1], $0xffff  }
0x75: {  	s8 =	sor.u32 $0x20, s16;
	v4 =	vld.idx.msk [tilespmem:v1+s5+$0x0 ss:$0x1], $0xffff  }
0x76: {  	s28 =	sor.u32 $0x30, s16;
	v5 =	vld.idx.msk [tilespmem:v1+s8+$0x0 ss:$0x1], $0xffff  }
0x77: {  	s29 =	sor.u32 $0x40, s16;
	v7 =	vld.idx.msk [tilespmem:v1+s28+$0x0 ss:$0x1], $0xffff  }
0x78: {  	s30 =	sor.u32 $0x50, s16;
	v8 =	vld.idx.msk [tilespmem:v1+s29+$0x0 ss:$0x1], $0xffff;
	[tilespmem:v0+s16+$0x0 ss:$0x1] =	vst.idx.msk $0xffff, v2  }
0x79: {  	s3 =	smov.u32 s6;
	p2 =	sne.s32 s26, $0x1;
	s23 =	sor.u32 $0x60, s16;
	v9 =	vld.idx.msk [tilespmem:v1+s30+$0x0 ss:$0x1], $0xffff;
	[tilespmem:v0+s17+$0x0 ss:$0x1] =	vst.idx.msk $0xffff, v3  }
.Ltmp5:
0x7a: {  	s6 =	smov.u32 s25;
	s22 =	sor.u32 $0x70, s16;
	v2 =	vld.idx.msk [tilespmem:v1+s23+$0x0 ss:$0x1], $0xffff;
	[tilespmem:v0+s5+$0x0 ss:$0x1] =	vst.idx.msk $0xffff, v4;
	(pc) =	sbr.rel @!p2 .LBB2_6-.Ltmp5, $4  }
0x7b: {  	s25 =	simm.s32 $0x100;
	s18 =	simm.s32 $0x80;
	s24 =	sor.u32 $0x420, s31;
	v3 =	vld.idx.msk [tilespmem:v1+s22+$0x0 ss:$0x1], $0xffff;
	[tilespmem:v0+s8+$0x0 ss:$0x1] =	vst.idx.msk $0xffff, v5  }
0x7c: {  	s26 =	sadd.s32 $0xFFFFFFFF, s26;
	p1 =	por $0x1, $0x1;
	s21 =	sor.u32 $0x430, s31;
	[tilespmem:v0+s28+$0x0 ss:$0x1] =	vst.idx.msk $0xffff, v7;
	v4 =	vld.idx.msk [tilespmem:v1+s24+$0x0 ss:$0x1], $0xffff  }
0x7d: {  	s20 =	sor.u32 $0x440, s31;
	s15 =	sor.u32 $0x450, s31;
	s16 =	sor.u32 $0x460, s31;
	[tilespmem:v0+s29+$0x0 ss:$0x1] =	vst.idx.msk $0xffff, v8;
	v5 =	vld.idx.msk [tilespmem:v1+s21+$0x0 ss:$0x1], $0xffff  }
0x7e: {  	s17 =	sor.u32 $0x470, s31;
	s28 =	sand.u32 $0xFFFFF800, s25;
	s29 =	sand.u32 $0x380, s18;
	[tilespmem:v0+s30+$0x0 ss:$0x1] =	vst.idx.msk $0xffff, v9;
	v7 =	vld.idx.msk [tilespmem:v1+s20+$0x0 ss:$0x1], $0xffff  }
.LBB2_7:
0x7f: {  	p2 =	sne.s32 s26, $0x1;
	s28 =	sor.u32 s29, s28;
	[tilespmem:v0+s23+$0x0 ss:$0x1] =	vst.idx.msk $0xffff, v2;
	v2 =	vld.idx.msk [tilespmem:v1+s15+$0x0 ss:$0x1], $0xffff  }
0x80: {  	s23 =	sand.u32 $0x80, s18;
	s29 =	sand.u32 $0x3B00, s28;
	s28 =	sand.u32 $0x3B80, s28;
	[tilespmem:v0+s22+$0x0 ss:$0x1] =	vst.idx.msk $0xffff, v3;
	v3 =	vld.idx.msk [tilespmem:v1+s16+$0x0 ss:$0x1], $0xffff  }
0x81: {  	s29 =	sor.u32 s23, s29;
	s30 =	sor.u32 $0x420, s28;
	[tilespmem:v0+s19+$0x0 ss:$0x1] =	vst.idx.msk $0xffff, v6;
	s19 =	sor.u32 $0x410, s28;
	v6 =	vld.idx.msk [tilespmem:v1+s17+$0x0 ss:$0x1], $0xffff  }
0x82: {  	v8 =	vld.idx.msk [tilespmem:v1+s29+$0x0 ss:$0x1], $0xffff;
	s31 =	sor.u32 $0x10, s29;
	s0 =	sor.u32 $0x20, s29;
	s1 =	sor.u32 $0x400, s29;
	[tilespmem:v0+s24+$0x0 ss:$0x1] =	vst.idx.msk $0xffff, v4  }
0x83: {  	s8 =	sor.u32 $0x30, s29;
	s2 =	sor.u32 $0x40, s29;
	s4 =	sor.u32 $0x50, s29;
	v4 =	vld.idx.msk [tilespmem:v1+s1+$0x0 ss:$0x1], $0xffff;
	[tilespmem:v0+s21+$0x0 ss:$0x1] =	vst.idx.msk $0xffff, v5  }
0x84: {  	s23 =	sor.u32 $0x60, s29;
	s22 =	sor.u32 $0x70, s29;
	s21 =	sor.u32 $0x430, s28;
	v5 =	vld.idx.msk [tilespmem:v1+s31+$0x0 ss:$0x1], $0xffff;
	[tilespmem:v0+s20+$0x0 ss:$0x1] =	vst.idx.msk $0xffff, v7  }
0x85: {  	s5 =	sor.u32 $0x460, s28;
	s20 =	sor.u32 $0x440, s28;
	v7 =	vld.idx.msk [tilespmem:v1+s0+$0x0 ss:$0x1], $0xffff;
	[tilespmem:v0+s15+$0x0 ss:$0x1] =	vst.idx.msk $0xffff, v2;
	s15 =	sor.u32 $0x450, s28  }
0x86: {  	s24 =	smov.u32 s30;
	s28 =	sor.u32 $0x470, s28;
	v9 =	vld.idx.msk [tilespmem:v1+s8+$0x0 ss:$0x1], $0xffff;
	[tilespmem:v0+s16+$0x0 ss:$0x1] =	vst.idx.msk $0xffff, v3;
	s16 =	smov.u32 s5  }
0x87: {  	v10 =	vld.idx.msk [tilespmem:v1+s2+$0x0 ss:$0x1], $0xffff;
	[tilespmem:v0+s17+$0x0 ss:$0x1] =	vst.idx.msk $0xffff, v6;
	s17 =	smov.u32 s28  }
0x88: {  	[tilespmem:v0+s29+$0x0 ss:$0x1] =	vst.idx.msk $0xffff, v8;
	v8 =	vld.idx.msk [tilespmem:v1+s4+$0x0 ss:$0x1], $0xffff  }
0x89: {  	v2 =	vld.idx.msk [tilespmem:v1+s23+$0x0 ss:$0x1], $0xffff;
	[tilespmem:v0+s1+$0x0 ss:$0x1] =	vst.idx.msk $0xffff, v4  }
.Ltmp6:
0x8a: {  	[tilespmem:v0+s31+$0x0 ss:$0x1] =	vst.idx.msk $0xffff, v5;
	v3 =	vld.idx.msk [tilespmem:v1+s22+$0x0 ss:$0x1], $0xffff;
	(pc) =	sbr.rel @p2 .LBB2_7-.Ltmp6, $4  }
0x8b: {  	[tilespmem:v0+s0+$0x0 ss:$0x1] =	vst.idx.msk $0xffff, v7;
	v6 =	vld.idx.msk [tilespmem:v1+s19+$0x0 ss:$0x1], $0xffff  }
0x8c: {  	[tilespmem:v0+s8+$0x0 ss:$0x1] =	vst.idx.msk $0xffff, v9;
	v4 =	vld.idx.msk [tilespmem:v1+s24+$0x0 ss:$0x1], $0xffff  }
0x8d: {  	s18 =	sadd.s32 $0x80, s18;
	s25 =	sadd.s32 $0x100, s25;
	[tilespmem:v0+s2+$0x0 ss:$0x1] =	vst.idx.msk $0xffff, v10;
	v5 =	vld.idx.msk [tilespmem:v1+s21+$0x0 ss:$0x1], $0xffff  }
0x8e: {  	s26 =	sadd.s32 $0xFFFFFFFF, s26;
	s28 =	sand.u32 $0xFFFFF800, s25;
	s29 =	sand.u32 $0x380, s18;
	[tilespmem:v0+s4+$0x0 ss:$0x1] =	vst.idx.msk $0xffff, v8;
	v7 =	vld.idx.msk [tilespmem:v1+s20+$0x0 ss:$0x1], $0xffff  }
.Ltmp7:
0x8f: {  	(pc) =	sbr.rel .LBB2_9-.Ltmp7, $2  }
0x90: {  	_ =	sdelay $0x2  }
0x91: {  	s25 =	smov.u32 s6;
	s6 =	smov.u32 s3;
	s3 =	rddreg [dreg:$0x6]  }
.LBB2_6:
.Ltmp8:
0x92: {  	(pc) =	sbr.rel .LBB2_9-.Ltmp8, $2  }
0x93: {  	_ =	sdelay $0x2  }
0x94: {  	s25 =	smov.u32 s6;
	s6 =	smov.u32 s3;
	s3 =	rddreg [dreg:$0x6]  }
.LBB2_12:
0x95: {  	_ =	sfence.sel $0x180000  }
0x96: {  	s0 =	simm.s32 $0x1;
	[bflag:$0x0] =	sbarrier.arrive $0xFFFF  }
0x97: {  	s31 =	simm.s32 $0x2;
	[sflag:s0] =	ssyncpa.u1 $0x1  }
0x98: {  	[sflag:s31] =	ssyncpa.u1 $0x1  }
0x99: {  	_ =	strace $0x9000004A  }
0x9a: {  	[bflag:$0x2] =	sbarrier.arrive $0xFFFF  }
0x9b: {  	s0 =	rddreg [dreg:$0x3]  }
0x9c: {  	s0 =	sadd.s32 @!p0 $0x100000, s0  }
0x9d: {  	s1 =	rddreg [dreg:$0x4];
	[sflag:s0] =	ssyncadd.tile.s32 @!p0 $0x1;
	s0 =	simm.s32 @!p0 $0x3F  }
0x9e: {  	_ =	swait.ge @!p0 [sflag:s0], s1  }
0x9f: {  	s1 =	ssub.s32 @!p0 $0x0, s1;
	[sflag:s0] =	ssyncset.done @!p0 $0x0  }
0xa0: {  	[sflag:s0] =	ssyncadd.s32 @!p0 s1  }
0xa1: {  	[bflag:$0x3] =	sbarrier.arrive $0xFFFF  }
0xa2: {  	_ =	shalt  }
.Lfunc_end2:
execute1_lowered:
.L_overlay_start_2:
0xa3: {  	(tag) =	ssettag $0x2  }
0xa4: {  	s2 =	rddreg [dreg:$0x0]  }
0xa5: {  	s3 =	rddreg [dreg:$0x1];
	_ =	strace $0x8000004D;
	s0 =	simm.s32 $0x1  }
0xa6: {  	s5 =	simm.s32 $0x208;
	v0 =	vimm.s32 $0x0;
	[sflag:s0] =	ssyncpa.u1 $0x0  }
0xa7: {  	[tilespmem:s5+$0x70] =	vst v0  }
0xa8: {  	[tilespmem:s5+$0x60] =	vst v0  }
0xa9: {  	[tilespmem:s5+$0x50] =	vst v0  }
0xaa: {  	[tilespmem:s5+$0x40] =	vst v0  }
0xab: {  	[tilespmem:s5+$0x30] =	vst v0  }
0xac: {  	s1 =	sadd.s32 $0x15000, s2;
	s0 =	sadd.s32 $0xB200, s2;
	s6 =	sadd.s32 $0x500E00, s2;
	[tilespmem:s5+$0x20] =	vst v0  }
0xad: {  	s4 =	sadd.s32 $0x4F7000, s2;
	s10 =	sand.u32 $0x1, s3;
	s2 =	simm.s32 $0x40;
	[tilespmem:s5+$0x10] =	vst v0  }
.LBB3_1:
0xae: {  	s2 =	sadd.s32 $0x40, s2;
	[tilespmem:s5+$0x0] =	vst v0;
	s5 =	sadd.s32 $0x80, s5  }
0xaf: {  	p0 =	slt.u32 s2, $0x3880;
	[tilespmem:s5+$0x70] =	vst v0  }
0xb0: {  	[tilespmem:s5+$0x60] =	vst v0  }
.Ltmp9:
0xb1: {  	[tilespmem:s5+$0x50] =	vst v0;
	(pc) =	sbr.rel @p0 .LBB3_1-.Ltmp9, $4  }
0xb2: {  	[tilespmem:s5+$0x40] =	vst v0  }
0xb3: {  	[tilespmem:s5+$0x30] =	vst v0  }
0xb4: {  	[tilespmem:s5+$0x20] =	vst v0  }
0xb5: {  	[tilespmem:s5+$0x10] =	vst v0  }
0xb6: {  	s11 =	stileid.u32  }
0xb7: {  	s2 =	smul.u32 $0x59, s11  }
0xb8: {  	s3 =	smin.u32 s11, $0x5  }
0xb9: {  	s2 =	sadd.s32 s3, s2  }
0xba: {  	p0 =	slt.u32 s11, $0x5;
	s20 =	smul.u32 $0x70, s2;
	s2 =	simm.s32 $0x2760  }
0xbb: {  	s2 =	simm.s32 @!p0 $0x26F0  }
0xbc: {  	s2 =	sadd.s32 s2, s20  }
0xbd: {  	s8 =	smin.u32 s2, $0x27100  }
0xbe: {  	s26 =	simm.s32 $0x2;
	s2 =	ssub.s32 s8, s20  }
0xbf: {  	s9 =	simm.s32 $0x9;
	s29 =	simm.s32 $0xA;
	p0 =	sgt.s32 s2, $0x0  }
0xc0: {  	s30 =	simm.s32 $0xB;
	s31 =	smul.u32 $0x4E20, s10;
	s2 =	simm.s32 @!p0 $0x0  }
0xc1: {  	[dreg:$0x4] =	wrdreg s10;
	s12 =	simm.s32 $0x1;
	s25 =	smulhi.u32 $0x92492493, s2  }
0xc2: {  	s24 =	simm.s32 $0x0;
	p1 =	por $0x0, $0x0;
	s18 =	simm.s32 $0x80  }
0xc3: {  	s19 =	simm.s32 $0x400;
	s17 =	simm.s32 $0xC;
	s3 =	sshrl.u32 s25, $0x6  }
0xc4: {  	s21 =	simm.s32 $0x0;
	s23 =	simm.s32 $0x0;
	s28 =	smul.u32 $0x70, s3  }
.Ltmp10:
0xc5: {  	[tilespmem:s5+$0x0] =	vst v0;
	v0 =	vimm.s32 $0xFFFFFFFF;
	[sflag:s26] =	ssyncpa.u1 $0x0;
	s16 =	sshll.u32 s11, $0x9;
	(pc) =	sbr.rel .LBB3_3-.Ltmp10, $4  }
0xc6: {  	[tilespmem:$0xE408] =	vst v0;
	[sflag:s9] =	ssyncpa.u1 $0x0;
	p0 =	sne.s32 s2, s28;
	s2 =	simm.s32 $0x1  }
0xc7: {  	s14 =	sadd.s32 s31, s4;
	[sflag:s29] =	ssyncpa.u1 $0x0;
	s2 =	simm.s32 @!p0 $0x0  }
0xc8: {  	s15 =	sadd.s32 s31, s0;
	[sflag:s30] =	ssyncpa.u1 $0x0;
	s13 =	sadd.s32 s2, s3  }
0xc9: {  	v0 =	vlaneseq.u32;
	s22 =	smov.u32 s20;
	p0 =	por $0x1, $0x1;
	s11 =	sadd.s32 $0x1, s13  }
.LBB3_24:
0xca: {  	s2 =	sshrl.u32 s4, $0x2  }
.LBB3_26:
0xcb: {  	_ =	swait.ge [sflag:s17], s2  }
0xcc: {  	s31 =	ssub.s32 $0x0, s2;
	v1 =	vmov s26;
	vm0 =	veq.s32 v0, $0x0;
	[sflag:s17] =	ssyncset.done $0x0  }
0xcd: {  	vm15 =	veq.s32 v0, $0x2;
	v1 =	vsel vm0, s0, v1;
	[sflag:s17] =	ssyncadd.s32 s31  }
0xce: {  	v1 =	vsel vm15, s24, v1;
	[sflag:s17] =	ssyncpa.u1 $0x1  }
0xcf: {  	[tilespmem:$0xE408] =	vst v1  }
.LBB3_27:
0xd0: {  	s0 =	sadd.s32 $0x70, s22  }
0xd1: {  	s2 =	smov.u32 s20;
	p2 =	slt.s32 s0, s8  }
0xd2: {  	s2 =	smov.u32 @p2 s0;
	p2 =	sne.s32 s23, s11  }
.Ltmp11:
0xd3: {  	_ = 	snop;
	(pc) =	sbr.rel @!p2 .LBB3_28-.Ltmp11, $4  }
0xd4: {  	_ = 	snop  }
0xd5: {  	s24 =	smov.u32 s21  }
0xd6: {  	s31 =	sadd.s32 $0x1, s23;
	s21 =	smov.u32 s22;
	p0 =	por !p0, !p0  }
0xd7: {  	p1 =	por !p1, !p1;
	s23 =	smov.u32 s31;
	s22 =	smov.u32 s2  }
.LBB3_3:
0xd8: {  	p2 =	sge.u32 s23, s13  }
0xd9: {  	s0 =	smulhi.u32 @!p2 $0xAAAAAAAB, s23  }
0xda: {  	s2 =	smov.u32 s22;
	p3 =	sgt.s32 @!p2 s22, $0x27090  }
0xdb: {  	s3 =	sshra.s32 @!p2 s22, $0x1F;
	p3 =	por !p3, p2;
	s0 =	sshrl.u32 @!p2 s0, $0x1  }
0xdc: {  	s3 =	sand.u32 @!p2 s3, s22;
	s2 =	simm.s32 @p3 $0x27090;
	s0 =	smul.u32 @!p2 $0x3, s0  }
0xdd: {  	s2 =	ssub.s32 @!p2 s2, s3  }
0xde: {  	s2 =	sadd.s32 @!p2 $0xFFFD8F70, s2;
	s0 =	ssub.s32 @!p2 s23, s0  }
0xdf: {  	s3 =	sshll.u32 @!p2 s2, $0x2;
	p3 =	sgt.s32 @!p2 s2, $0x6F;
	s0 =	smul.u32 @!p2 $0x1C0, s0  }
0xe0: {  	s4 =	sand.u32 @!p2 $0x7, s22;
	s2 =	ssub.s32 @!p2 $0x1C0, s3;
	p3 =	por !p3, p2  }
0xe1: {  	s3 =	sshrl.u32 @!p2 s22, $0x3;
	s2 =	sshrl.u32 @!p2 s2, $0x2;
	s0 =	sshrl.u32 @!p2 s0, $0x2  }
0xe2: {  	s3 =	sadd.s32 @!p2 s3, s14;
	s2 =	simm.s32 @!p3 $0x0;
	s0 =	sadd.s32 @!p2 $0x10448, s0  }
0xe3: {  	[tilespmem:s0], [sflag:$0xA] =	stream.linear.gather @!p2 [hbm4b:s3+s4], s2, $0x38;
	[tilespmem:$0x1E678] =	vst v63  }
0xe4: {  	s2 =	sadd.s32 $0xFFFFFFFF, s23  }
0xe5: {  	p2 =	sge.u32 s2, s13  }
0xe6: {  	p3 =	sgt.s32 @!p2 s21, $0x27090  }
0xe7: {  	s0 =	smov.u32 s21;
	s3 =	sshra.s32 @!p2 s21, $0x1F;
	p3 =	por !p3, p2  }
0xe8: {  	s3 =	sand.u32 @!p2 s3, s21;
	s0 =	simm.s32 @p3 $0x27090  }
0xe9: {  	s0 =	ssub.s32 @!p2 s0, s3  }
0xea: {  	s0 =	sadd.s32 @!p2 $0xFFFD8F70, s0  }
0xeb: {  	s3 =	sshll.u32 @!p2 s0, $0x2  }
0xec: {  	p3 =	sgt.s32 @!p2 s0, $0x6F;
	s0 =	ssub.s32 @!p2 $0x1C0, s3  }
0xed: {  	p3 =	por !p3, p2;
	s0 =	sshrl.u32 @!p2 s0, $0x2  }
0xee: {  	s4 =	simm.s32 @!p2 $0xA;
	s3 =	sand.u32 @!p2 $0x1, s2;
	s0 =	simm.s32 @!p3 $0x0  }
0xef: {  	s3 =	smul.u32 @!p2 $0x1C0, s3;
	_ =	swait.ge @!p2 [sflag:s4], s0  }
0xf0: {  	s5 =	ssub.s32 @!p2 $0x0, s0;
	[sflag:s4] =	ssyncset.done @!p2 $0x0  }
0xf1: {  	s3 =	sshrl.u32 @!p2 s3, $0x2;
	[sflag:s4] =	ssyncadd.s32 @!p2 s5;
	s4 =	sshrl.u32 @!p2 s21, $0x3  }
0xf2: {  	s3 =	sadd.s32 @!p2 $0x10598, s3;
	s5 =	sand.u32 @!p2 $0x7, s21;
	s4 =	sadd.s32 @!p2 s4, s15  }
0xf3: {  	[tilespmem:s3], [sflag:$0xB] =	stream.linear.gather @!p2 [hbm4b:s4+s5], s0, $0x38;
	[tilespmem:$0x1E678] =	vst v63  }
0xf4: {  	s0 =	ssub.s32 @!p2 $0x27100, s21  }
0xf5: {  	p3 =	slt.s32 @!p2 s0, $0x1  }
0xf6: {  	p3 =	por p2, p3  }
.Ltmp12:
0xf7: {  	_ = 	snop;
	(pc) =	sbr.rel @p3 .LBB3_9-.Ltmp12, $1  }
0xf8: {  	_ =	sdelay $0x3  }
0xf9: {  	s3 =	smulhi.u32 $0xAAAAAAAB, s2;
	_ =	sdelay $0x1  }
0xfa: {  	s3 =	sshrl.u32 s3, $0x1  }
0xfb: {  	s3 =	smul.u32 $0x3, s3;
	_ =	sdelay $0x1  }
0xfc: {  	s30 =	ssub.s32 s2, s3  }
0xfd: {  	s4 =	simm.s32 $0x1;
	s2 =	smul.u32 $0x1C0, s30  }
.Ltmp13:
0xfe: {  	s4 =	simm.s32 @!p0 $0x0;
	(pc) =	sbr.rel .LBB3_6-.Ltmp13, $4  }
0xff: {  	s31 =	smul.u32 $0x1C000, s4  }
0x100: {  	p3 =	slt.s32 @!p2 s0, $0x70;
	s2 =	sshrl.u32 s2, $0x2  }
0x101: {  	p2 =	por !p3, p2;
	s3 =	sshrl.u32 s31, $0x2;
	s5 =	sadd.s32 $0x10448, s2  }
0x102: {  	s0 =	simm.s32 @p2 $0x70;
	s4 =	sor.u32 $0x10678, s3;
	s2 =	simm.s32 $0x0;
	v1 =	vmov s5  }
.LBB3_5:
0x103: {  	p2 =	sge.s32 s2, s0  }
.Ltmp14:
0x104: {  	_ = 	snop;
	(pc) =	sbr.rel @p2 .LBB3_9-.Ltmp14, $2  }
0x105: {  	_ =	sdelay $0x2  }
0x106: {  	s4 =	sadd.s32 $0x1000, s4  }
.LBB3_6:
0x107: {  	p2 =	sle.s32 s0, s2  }
.Ltmp15:
0x108: {  	_ = 	snop;
	(pc) =	sbr.rel @p2 .LBB3_5-.Ltmp15, $2  }
0x109: {  	_ =	sdelay $0x2  }
0x10a: {  	s5 =	smov.u32 s2;
	s2 =	sadd.s32 $0x10, s2  }
0x10b: {  	s3 =	ssub.s32 s0, s5  }
0x10c: {  	p2 =	slt.s32 s3, $0x10  }
0x10d: {  	s3 =	simm.s32 @!p2 $0x10  }
0x10e: {  	v2 =	vmov s3  }
0x10f: {  	vm0 =	vgt.s32 v2, v0;
	_ =	sdelay $0x5  }
0x110: {  	v2 =	vld.idx.msk [tilespmem:v1+s5+$0x0 ss:$0x1], vm0;
	_ =	sdelay $0x2  }
0x111: {  	p2 =	slt.s32 s2, s0;
	s3 =	smov.u32 s0  }
0x112: {  	s9 =	smov.u32 s4;
	s25 =	simm.s32 $0x0;
	s3 =	smov.u32 @p2 s2  }
.LBB3_8:
0x113: {  	(v2sf) =	vpush v2, s25;
	_ =	sdelay $0xe  }
0x114: {  	s25 =	sadd.s32 $0x1, s25;
	s10 =	spop (v2sf)  }
0x115: {  	s31 =	sadd.s32 s25, s5;
	s26 =	sshll.u32 s10, $0x8;
	s10 =	sshll.u32 s10, $0x7  }
0x116: {  	p2 =	slt.s32 s31, s3;
	s26 =	sand.u32 $0xFFFFF800, s26;
	s10 =	sand.u32 $0x380, s10  }
.Ltmp16:
0x117: {  	s10 =	sor.u32 s10, s26;
	(pc) =	sbr.rel @p2 .LBB3_8-.Ltmp16, $4  }
0x118: {  	s10 =	sshrl.u32 s10, $0x3  }
0x119: {  	s10 =	sadd.s32 s6, s10  }
0x11a: {  	[tilespmem:s9], [sflag:$0x9] =	stream.strided.gather [hbm4b:s10+s18], $0x100, s19, s18, $0x38;
	[tilespmem:$0x1E678] =	vst v63  }
0x11b: {  	s9 =	sadd.s32 $0x100, s9  }
.Ltmp17:
0x11c: {  	_ = 	snop;
	(pc) =	sbr.rel .LBB3_5-.Ltmp17, $1  }
0x11d: {  	_ =	sdelay $0x3  }
.LBB3_9:
0x11e: {  	p2 =	slt.u32 s23, $0x2  }
.Ltmp18:
0x11f: {  	_ = 	snop;
	(pc) =	sbr.rel @p2 .LBB3_27-.Ltmp18, $1  }
0x120: {  	_ =	sdelay $0x3  }
0x121: {  	p2 =	sgt.s32 s24, $0x27090  }
0x122: {  	s0 =	smov.u32 s24;
	s2 =	sshra.s32 s24, $0x1F;
	s3 =	ssub.s32 $0x27100, s24  }
0x123: {  	s0 =	simm.s32 @!p2 $0x27090;
	s2 =	sand.u32 s2, s24;
	p2 =	slt.s32 s3, $0x70  }
0x124: {  	s0 =	ssub.s32 s0, s2;
	s3 =	simm.s32 @!p2 $0x70  }
0x125: {  	s0 =	sadd.s32 $0xFFFD8F70, s0;
	s9 =	sshll.u32 s3, $0x8  }
0x126: {  	s26 =	simm.s32 $0x9;
	s10 =	sshll.u32 s0, $0x2;
	s2 =	sand.u32 $0x3FFFFF00, s9  }
0x127: {  	p2 =	sgt.s32 s0, $0x6F;
	s25 =	ssub.s32 $0x1C0, s10;
	_ =	swait.ge [sflag:s26], s2  }
0x128: {  	s2 =	ssub.s32 $0x0, s2;
	[sflag:s26] =	ssyncset.done $0x0;
	s0 =	sshrl.u32 s25, $0x2  }
0x129: {  	s29 =	simm.s32 $0xB;
	[sflag:s26] =	ssyncadd.s32 s2;
	s0 =	simm.s32 @p2 $0x0  }
0x12a: {  	_ =	swait.ge [sflag:s29], s0  }
0x12b: {  	s0 =	ssub.s32 $0x0, s0;
	[sflag:s29] =	ssyncset.done $0x0  }
0x12c: {  	[sflag:s29] =	ssyncadd.s32 s0  }
0x12d: {  	v1 =	vld [tilespmem:$0xE408];
	_ =	sdelay $0x4  }
0x12e: {  	(v2sf) =	vpush v1, $0x0  }
0x12f: {  	(v2sf) =	vpush v1, $0x1  }
0x130: {  	(v2sf) =	vpush v1, $0x2;
	_ =	sdelay $0x3  }
0x131: {  	s0 =	sadd.s32 $0x70, s24  }
0x132: {  	s2 =	ssub.s32 $0x4E200, s24;
	p2 =	slt.s32 s8, s0  }
0x133: {  	s0 =	smov.u32 @p2 s8;
	p2 =	sgt.s32 s2, $0x0  }
0x134: {  	s0 =	ssub.s32 s0, s24;
	s2 =	simm.s32 @!p2 $0x0  }
0x135: {  	p2 =	slt.s32 s2, s0  }
0x136: {  	s0 =	smov.u32 @p2 s2  }
0x137: {  	s4 =	simm.s32 $0x1;
	p2 =	slt.s32 s0, $0x1  }
.Ltmp19:
0x138: {  	s4 =	simm.s32 @!p1 $0x0;
	(pc) =	sbr.rel @p2 .LBB3_14-.Ltmp19, $4  }
0x139: {  	s30 =	smul.u32 $0x1C0, s4  }
0x13a: {  	s5 =	spop (v2sf)  }
0x13b: {  	s31 =	sshrl.u32 s30, $0x2;
	s28 =	spop (v2sf)  }
0x13c: {  	s25 =	sadd.s32 $0x10598, s31;
	s24 =	spop (v2sf)  }
0x13d: {  	s2 =	smin.u32 s0, $0x10  }
0x13e: {  	v1 =	vmov s2  }
0x13f: {  	vm1 =	vgt.u32 v1, v0  }
0x140: {  	p3 =	sgt.s32 s0, $0x10  }
.Ltmp20:
0x141: {  	_ = 	snop;
	(pc) =	sbr.rel @!p3 .LBB3_13-.Ltmp20, $2  }
0x142: {  	_ =	sdelay $0x2  }
0x143: {  	s26 =	simm.s32 $0x10;
	s29 =	sadd.s32 $0xFFFFFFF0, s0;
	s2 =	smov.u32 s25;
	vm0 =	vmmov vm1;
	v1 =	vld.msk [tilespmem:s25+$0x0 ss:$0x1], vm1  }
.LBB3_12:
0x144: {  	s3 =	smin.u32 s29, $0x10;
	s26 =	sadd.s32 $0x10, s26  }
0x145: {  	v2 =	vmov s3;
	p3 =	slt.s32 s26, s0  }
0x146: {  	vm1 =	vgt.u32 v2, v0;
	_ =	sdelay $0x1  }
0x147: {  	v2 =	vshll.u32 v1, $0x5;
	v1 =	vshll.u32 v1, $0x4  }
.Ltmp21:
0x148: {  	v2 =	vand.u32 $0xFFFFFF00, v2;
	v1 =	vand.u32 $0x70, v1;
	(pc) =	sbr.rel @p3 .LBB3_12-.Ltmp21, $4  }
0x149: {  	v1 =	vor.u32 v1, v2  }
0x14a: {  	[tilespmem:s2+$0x0] =	vst.msk vm0, v1;
	s2 =	sadd.s32 $0x10, s2;
	vm0 =	vmmov vm1  }
0x14b: {  	v1 =	vld.msk [tilespmem:s2+$0x0 ss:$0x1], vm1  }
0x14c: {  	s29 =	sadd.s32 $0xFFFFFFF0, s29  }
.LBB3_13:
0x14d: {  	_ =	sdelay $0x3  }
0x14e: {  	v2 =	vshll.u32 v1, $0x5;
	v1 =	vshll.u32 v1, $0x4  }
0x14f: {  	v2 =	vand.u32 $0xFFFFFF00, v2;
	v1 =	vand.u32 $0x70, v1  }
0x150: {  	v1 =	vor.u32 v1, v2  }
0x151: {  	[tilespmem:s2+$0x0] =	vst.msk vm0, v1  }
.LBB3_14:
0x152: {  	s2 =	sand.u32 $0x1, s23  }
0x153: {  	s2 =	smul.u32 $0x70, s2  }
0x154: {  	p3 =	sne.s32 s28, $0xFFFFFFFF  }
0x155: {  	v1 =	vld.msk @!p3 [tilespmem:s2+$0x10598], $0x1;
	_ =	sdelay $0x4  }
0x156: {  	(v2sf) =	vpush @!p3 v1, $0x0;
	_ =	sdelay $0xc  }
.Ltmp22:
0x157: {  	_ = 	snop;
	(pc) =	sbr.rel @p2 .LBB3_25-.Ltmp22, $4  }
0x158: {  	_ = 	snop  }
0x159: {  	s31 =	spop @!p3 (v2sf)  }
0x15a: {  	s24 =	simm.s32 @!p3 $0x0;
	s26 =	smov.u32 s31  }
0x15b: {  	[sflag:s17] =	ssyncpa.u1 $0x0;
	s31 =	smov.u32 @p3 s5;
	s26 =	smov.u32 @p3 s28  }
0x15c: {  	v1 =	vld.msk [tilespmem:s25+$0x0], $0x1;
	_ =	sdelay $0x4  }
0x15d: {  	(v2sf) =	vpush v1, $0x0;
	_ =	sdelay $0xe  }
0x15e: {  	s7 =	smov.u32 s11;
	s5 =	spop (v2sf)  }
0x15f: {  	s17 =	smov.u32 s15;
	s2 =	smul.u32 $0x1C000, s4;
	p2 =	seq.s32 s31, s5  }
0x160: {  	s3 =	smov.u32 s31;
	s29 =	ssub.s32 $0x0, s0;
	p3 =	sgt.s32 @!p2 s31, $0x0  }
0x161: {  	s30 =	simm.s32 $0x0;
	s2 =	sshrl.u32 s2, $0x2;
	p3 =	por !p3, p2  }
0x162: {  	s0 =	sadd.s32 $0x1, s29;
	s28 =	sor.u32 $0x106F8, s2;
	s3 =	simm.s32 @p3 $0x0  }
0x163: {  	s2 =	simm.s32 @!p2 $0x1;
	p3 =	seq.s32 s0, $0x0;
	s3 =	smin.u32 @!p2 s3, $0x4E170  }
.Ltmp23:
0x164: {  	s4 =	simm.s32 @!p2 $0x7308;
	s9 =	sand.u32 @!p2 $0x7FFF8, s3;
	(pc) =	sbr.rel @p3 .LBB3_17-.Ltmp23, $4  }
0x165: {  	s10 =	sadd.s32 @!p2 $0x80, s3;
	s11 =	sadd.s32 @!p2 s1, s9;
	s9 =	sand.u32 @!p2 $0x7, s3  }
0x166: {  	[tilespmem:s4], [sflag:$0x2] =	stream.linear.gather @!p2 [hbm4b:s11+s9], $0x80, $0x38;
	[tilespmem:$0x1E678] =	vst v63  }
0x167: {  	s15 =	smov.u32 s14;
	s2 =	smov.u32 @p2 s30;
	s4 =	sand.u32 @!p2 $0xFFFF8, s10  }
0x168: {  	s3 =	simm.s32 @!p2 $0x7388;
	s10 =	sadd.s32 @!p2 s1, s4;
	s4 =	sadd.s32 $0x1, s25  }
.LBB3_16:
0x169: {  	s11 =	smov.u32 s2  }
0x16a: {  	[tilespmem:s3], [sflag:$0x2] =	stream.linear.gather @!p2 [hbm4b:s10+s9], $0x80, $0x38;
	[tilespmem:$0x1E678] =	vst v63  }
0x16b: {  	s0 =	sadd.s32 $0x1, s0;
	s9 =	smov.u32 s5;
	v1 =	vld.msk [tilespmem:s4+$0x0], $0x1  }
0x16c: {  	p3 =	seq.s32 s0, $0x0;
	_ =	sdelay $0x3  }
0x16d: {  	(v2sf) =	vpush v1, $0x0;
	_ =	sdelay $0xe  }
0x16e: {  	s5 =	spop (v2sf)  }
0x16f: {  	p2 =	seq.s32 s9, s5  }
0x170: {  	p4 =	sgt.s32 @!p2 s9, $0x0;
	s3 =	sshll.u32 @!p2 s2, $0xA;
	s2 =	sadd.s32 @!p2 $0x1, s2  }
0x171: {  	p4 =	por !p4, p2;
	s3 =	sshra.s32 @!p2 s3, $0x2;
	s2 =	smov.u32 @p2 s11  }
0x172: {  	s9 =	simm.s32 @p4 $0x0;
	s10 =	sadd.s32 @!p2 $0x7308, s3;
	s3 =	sadd.s32 @!p2 $0x7388, s3  }
.Ltmp24:
0x173: {  	s9 =	smin.u32 @!p2 s9, $0x4E170;
	(pc) =	sbr.rel @!p3 .LBB3_16-.Ltmp24, $4  }
0x174: {  	s11 =	sand.u32 @!p2 $0x7FFF8, s9;
	s14 =	sadd.s32 @!p2 $0x80, s9  }
0x175: {  	s9 =	sand.u32 @!p2 $0x7, s9;
	s11 =	sadd.s32 @!p2 s1, s11;
	s14 =	sand.u32 @!p2 $0xFFFF8, s14  }
0x176: {  	[tilespmem:s10], [sflag:$0x2] =	stream.linear.gather @!p2 [hbm4b:s11+s9], $0x80, $0x38;
	[tilespmem:$0x1E678] =	vst v63  }
0x177: {  	s4 =	sadd.s32 $0x1, s4;
	s10 =	sadd.s32 @!p2 s1, s14  }
.LBB3_17:
0x178: {  	[tilespmem:s3], [sflag:$0x2] =	stream.linear.gather @!p2 [hbm4b:s10+s9], $0x80, $0x38;
	[tilespmem:$0x1E678] =	vst v63  }
0x179: {  	s0 =	sshll.u32 s2, $0x8  }
.Ltmp25:
0x17a: {  	s14 =	simm.s32 $0x2;
	s0 =	sand.u32 $0x3FFFFF00, s0;
	(pc) =	sbr.rel .LBB3_18-.Ltmp25, $4  }
0x17b: {  	_ =	swait.ge [sflag:s14], s0  }
0x17c: {  	s0 =	ssub.s32 $0x0, s0;
	[sflag:s14] =	ssyncset.done $0x0  }
0x17d: {  	s4 =	simm.s32 $0x0;
	s11 =	smov.u32 s7;
	[sflag:s14] =	ssyncadd.s32 s0  }
0x17e: {  	s14 =	smov.u32 s15;
	s15 =	smov.u32 s17;
	s17 =	simm.s32 $0xC  }
.LBB3_19:
0x17f: {  	v1 =	vld [tilespmem:s28+$0xFFFFFF80];
	_ =	sdelay $0x4  }
0x180: {  	[tilespmem:s5+$0x208] =	vst.add.f32.msk $0xffff, v1  }
0x181: {  	v1 =	vld [tilespmem:s28+$0xFFFFFF90];
	_ =	sdelay $0x4  }
0x182: {  	[tilespmem:s5+$0x218] =	vst.add.f32.msk $0xffff, v1  }
0x183: {  	v1 =	vld [tilespmem:s28+$0xFFFFFFA0];
	_ =	sdelay $0x4  }
0x184: {  	[tilespmem:s5+$0x228] =	vst.add.f32.msk $0xffff, v1  }
0x185: {  	v1 =	vld [tilespmem:s28+$0xFFFFFFB0];
	_ =	sdelay $0x4  }
0x186: {  	[tilespmem:s5+$0x238] =	vst.add.f32.msk $0xffff, v1  }
0x187: {  	v1 =	vld [tilespmem:s28+$0xFFFFFFC0];
	_ =	sdelay $0x4  }
0x188: {  	[tilespmem:s5+$0x248] =	vst.add.f32.msk $0xffff, v1  }
0x189: {  	v1 =	vld [tilespmem:s28+$0xFFFFFFD0];
	_ =	sdelay $0x4  }
0x18a: {  	[tilespmem:s5+$0x258] =	vst.add.f32.msk $0xffff, v1  }
0x18b: {  	v1 =	vld [tilespmem:s28+$0xFFFFFFE0];
	_ =	sdelay $0x4  }
0x18c: {  	[tilespmem:s5+$0x268] =	vst.add.f32.msk $0xffff, v1  }
0x18d: {  	v1 =	vld [tilespmem:s28+$0xFFFFFFF0];
	_ =	sdelay $0x4  }
0x18e: {  	[tilespmem:s5+$0x278] =	vst.add.f32.msk $0xffff, v1  }
0x18f: {  	v1 =	vld [tilespmem:s28+$0x0];
	_ =	sdelay $0x4  }
0x190: {  	[tilespmem:s5+$0x288] =	vst.add.f32.msk $0xffff, v1  }
0x191: {  	v1 =	vld [tilespmem:s28+$0x10];
	_ =	sdelay $0x4  }
0x192: {  	[tilespmem:s5+$0x298] =	vst.add.f32.msk $0xffff, v1  }
0x193: {  	v1 =	vld [tilespmem:s28+$0x20];
	_ =	sdelay $0x4  }
0x194: {  	[tilespmem:s5+$0x2A8] =	vst.add.f32.msk $0xffff, v1  }
0x195: {  	v1 =	vld [tilespmem:s28+$0x30];
	_ =	sdelay $0x4  }
0x196: {  	[tilespmem:s5+$0x2B8] =	vst.add.f32.msk $0xffff, v1  }
0x197: {  	v1 =	vld [tilespmem:s28+$0x40];
	_ =	sdelay $0x4  }
0x198: {  	[tilespmem:s5+$0x2C8] =	vst.add.f32.msk $0xffff, v1  }
0x199: {  	v1 =	vld [tilespmem:s28+$0x50];
	_ =	sdelay $0x4  }
0x19a: {  	[tilespmem:s5+$0x2D8] =	vst.add.f32.msk $0xffff, v1  }
0x19b: {  	v1 =	vld [tilespmem:s28+$0x60];
	_ =	sdelay $0x4  }
0x19c: {  	[tilespmem:s5+$0x2E8] =	vst.add.f32.msk $0xffff, v1  }
0x19d: {  	v1 =	vld [tilespmem:s28+$0x70];
	_ =	sdelay $0x4  }
0x19e: {  	[tilespmem:s5+$0x2F8] =	vst.add.f32.msk $0xffff, v1  }
.LBB3_23:
0x19f: {  	s29 =	sadd.s32 $0x1, s29  }
0x1a0: {  	p2 =	seq.s32 s29, $0x0  }
.Ltmp26:
0x1a1: {  	_ = 	snop;
	(pc) =	sbr.rel @p2 .LBB3_24-.Ltmp26, $2  }
0x1a2: {  	_ =	sdelay $0x2  }
0x1a3: {  	s25 =	sadd.s32 $0x1, s25;
	s28 =	sadd.s32 $0x100, s28;
	s31 =	smov.u32 s0  }
.LBB3_18:
0x1a4: {  	v1 =	vld.msk [tilespmem:s25+$0x0], $0x1;
	_ =	sdelay $0x4  }
0x1a5: {  	(v2sf) =	vpush v1, $0x0;
	_ =	sdelay $0xe  }
0x1a6: {  	s0 =	spop (v2sf)  }
0x1a7: {  	p2 =	sne.s32 s31, s0  }
.Ltmp27:
0x1a8: {  	_ = 	snop;
	(pc) =	sbr.rel @!p2 .LBB3_19-.Ltmp27, $3  }
0x1a9: {  	_ =	sdelay $0x1  }
0x1aa: {  	s2 =	sshll.u32 s24, $0xA  }
0x1ab: {  	s5 =	sshra.s32 s2, $0x2  }
0x1ac: {  	p2 =	seq.s32 s31, s26  }
.Ltmp28:
0x1ad: {  	_ = 	snop;
	(pc) =	sbr.rel @!p2 .LBB3_21-.Ltmp28, $1  }
0x1ae: {  	_ =	sdelay $0x3  }
.Ltmp29:
0x1af: {  	s2 =	sadd.s32 $0x208, s5;
	(pc) =	sbr.rel .LBB3_22-.Ltmp29, $4  }
0x1b0: {  	[spmem:s16] =	stream.linear.scatter [tilespmem:s2], [sflag:$0x1], $0x100, $0x38;
	[tilespmem:$0x1E678] =	vst v63  }
0x1b1: {  	_ =	swait.ge [sflag:s12], $0x100  }
0x1b2: {  	[sflag:s12] =	ssyncset.done $0x0  }
0x1b3: {  	[sflag:s12] =	ssyncadd.s32 $0xFFFFFF00  }
.LBB3_21:
0x1b4: {  	s2 =	sshll.u32 s30, $0xA  }
0x1b5: {  	s2 =	sshra.s32 s2, $0x2  }
0x1b6: {  	v1 =	vld [tilespmem:s2+$0x7308];
	_ =	sdelay $0x4  }
0x1b7: {  	[tilespmem:s5+$0x208] =	vst.add.f32.msk $0xffff, v1  }
0x1b8: {  	v1 =	vld [tilespmem:s2+$0x7318];
	_ =	sdelay $0x4  }
0x1b9: {  	[tilespmem:s5+$0x218] =	vst.add.f32.msk $0xffff, v1  }
0x1ba: {  	v1 =	vld [tilespmem:s2+$0x7328];
	_ =	sdelay $0x4  }
0x1bb: {  	[tilespmem:s5+$0x228] =	vst.add.f32.msk $0xffff, v1  }
0x1bc: {  	v1 =	vld [tilespmem:s2+$0x7338];
	_ =	sdelay $0x4  }
0x1bd: {  	[tilespmem:s5+$0x238] =	vst.add.f32.msk $0xffff, v1  }
0x1be: {  	v1 =	vld [tilespmem:s2+$0x7348];
	_ =	sdelay $0x4  }
0x1bf: {  	[tilespmem:s5+$0x248] =	vst.add.f32.msk $0xffff, v1  }
0x1c0: {  	v1 =	vld [tilespmem:s2+$0x7358];
	_ =	sdelay $0x4  }
0x1c1: {  	[tilespmem:s5+$0x258] =	vst.add.f32.msk $0xffff, v1  }
0x1c2: {  	v1 =	vld [tilespmem:s2+$0x7368];
	_ =	sdelay $0x4  }
0x1c3: {  	[tilespmem:s5+$0x268] =	vst.add.f32.msk $0xffff, v1  }
0x1c4: {  	v1 =	vld [tilespmem:s2+$0x7378];
	_ =	sdelay $0x4  }
0x1c5: {  	[tilespmem:s5+$0x278] =	vst.add.f32.msk $0xffff, v1  }
0x1c6: {  	v1 =	vld [tilespmem:s2+$0x7388];
	_ =	sdelay $0x4  }
0x1c7: {  	[tilespmem:s5+$0x288] =	vst.add.f32.msk $0xffff, v1  }
0x1c8: {  	v1 =	vld [tilespmem:s2+$0x7398];
	_ =	sdelay $0x4  }
0x1c9: {  	[tilespmem:s5+$0x298] =	vst.add.f32.msk $0xffff, v1  }
0x1ca: {  	v1 =	vld [tilespmem:s2+$0x73A8];
	_ =	sdelay $0x4  }
0x1cb: {  	[tilespmem:s5+$0x2A8] =	vst.add.f32.msk $0xffff, v1  }
0x1cc: {  	v1 =	vld [tilespmem:s2+$0x73B8];
	_ =	sdelay $0x4  }
0x1cd: {  	[tilespmem:s5+$0x2B8] =	vst.add.f32.msk $0xffff, v1  }
0x1ce: {  	v1 =	vld [tilespmem:s2+$0x73C8];
	_ =	sdelay $0x4  }
0x1cf: {  	[tilespmem:s5+$0x2C8] =	vst.add.f32.msk $0xffff, v1  }
0x1d0: {  	v1 =	vld [tilespmem:s2+$0x73D8];
	_ =	sdelay $0x4  }
0x1d1: {  	[tilespmem:s5+$0x2D8] =	vst.add.f32.msk $0xffff, v1  }
0x1d2: {  	v1 =	vld [tilespmem:s2+$0x73E8];
	_ =	sdelay $0x4  }
0x1d3: {  	[tilespmem:s5+$0x2E8] =	vst.add.f32.msk $0xffff, v1  }
0x1d4: {  	v1 =	vld [tilespmem:s2+$0x73F8];
	_ =	sdelay $0x2  }
0x1d5: {  	p2 =	sgt.u32 s31, $0x4E170  }
0x1d6: {  	s2 =	sand.u32 @!p2 $0x7FFF8, s31  }
0x1d7: {  	s3 =	sadd.s32 $0x208, s5;
	s9 =	sand.u32 @!p2 $0x7, s31;
	s2 =	sadd.s32 @!p2 s1, s2;
	[tilespmem:s5+$0x2F8] =	vst.add.f32.msk $0xffff, v1  }
0x1d8: {  	[hbm4b:s2+s9] =	stream.linear.scatter @!p2 [tilespmem:s3], [sflag:$0xC], $0x80, $0x38;
	[tilespmem:$0x1E678] =	vst v63  }
0x1d9: {  	s2 =	sadd.s32 @!p2 $0x80, s31  }
0x1da: {  	s2 =	sand.u32 @!p2 $0xFFFF8, s2  }
0x1db: {  	s3 =	sadd.s32 $0x288, s5;
	s2 =	sadd.s32 @!p2 s1, s2  }
0x1dc: {  	[hbm4b:s2+s9] =	stream.linear.scatter @!p2 [tilespmem:s3], [sflag:$0xC], $0x80, $0x38;
	[tilespmem:$0x1E678] =	vst v63  }
0x1dd: {  	s2 =	simm.s32 $0x0  }
0x1de: {  	s2 =	simm.s32 @!p2 $0x400  }
0x1df: {  	s4 =	sadd.s32 s2, s4  }
.LBB3_22:
0x1e0: {  	s2 =	sadd.s32 $0x1, s24  }
0x1e1: {  	s3 =	sshrl.u32 s2, $0x4  }
0x1e2: {  	s3 =	smulhi.u32 $0x24924925, s3  }
0x1e3: {  	v1 =	vld [tilespmem:s28+$0xFFFFFF80]  }
0x1e4: {  	s3 =	smul.u32 $0x70, s3;
	_ =	sdelay $0x1  }
0x1e5: {  	s24 =	ssub.s32 s2, s3  }
0x1e6: {  	s2 =	sshll.u32 s24, $0x8  }
0x1e7: {  	[tilespmem:s2+$0x208] =	vst v1  }
0x1e8: {  	v1 =	vld [tilespmem:s28+$0xFFFFFF90];
	_ =	sdelay $0x4  }
0x1e9: {  	[tilespmem:s2+$0x218] =	vst v1  }
0x1ea: {  	v1 =	vld [tilespmem:s28+$0xFFFFFFA0];
	_ =	sdelay $0x4  }
0x1eb: {  	[tilespmem:s2+$0x228] =	vst v1  }
0x1ec: {  	v1 =	vld [tilespmem:s28+$0xFFFFFFB0];
	_ =	sdelay $0x4  }
0x1ed: {  	[tilespmem:s2+$0x238] =	vst v1  }
0x1ee: {  	v1 =	vld [tilespmem:s28+$0xFFFFFFC0];
	_ =	sdelay $0x4  }
0x1ef: {  	[tilespmem:s2+$0x248] =	vst v1  }
0x1f0: {  	v1 =	vld [tilespmem:s28+$0xFFFFFFD0];
	_ =	sdelay $0x4  }
0x1f1: {  	[tilespmem:s2+$0x258] =	vst v1  }
0x1f2: {  	v1 =	vld [tilespmem:s28+$0xFFFFFFE0];
	_ =	sdelay $0x4  }
0x1f3: {  	[tilespmem:s2+$0x268] =	vst v1  }
0x1f4: {  	v1 =	vld [tilespmem:s28+$0xFFFFFFF0];
	_ =	sdelay $0x4  }
0x1f5: {  	[tilespmem:s2+$0x278] =	vst v1  }
0x1f6: {  	v1 =	vld [tilespmem:s28+$0x0];
	_ =	sdelay $0x4  }
0x1f7: {  	[tilespmem:s2+$0x288] =	vst v1  }
0x1f8: {  	v1 =	vld [tilespmem:s28+$0x10];
	_ =	sdelay $0x4  }
0x1f9: {  	[tilespmem:s2+$0x298] =	vst v1  }
0x1fa: {  	v1 =	vld [tilespmem:s28+$0x20];
	_ =	sdelay $0x4  }
0x1fb: {  	[tilespmem:s2+$0x2A8] =	vst v1  }
0x1fc: {  	v1 =	vld [tilespmem:s28+$0x30];
	_ =	sdelay $0x4  }
0x1fd: {  	[tilespmem:s2+$0x2B8] =	vst v1  }
0x1fe: {  	v1 =	vld [tilespmem:s28+$0x40];
	_ =	sdelay $0x4  }
0x1ff: {  	[tilespmem:s2+$0x2C8] =	vst v1  }
0x200: {  	v1 =	vld [tilespmem:s28+$0x50];
	_ =	sdelay $0x4  }
0x201: {  	[tilespmem:s2+$0x2D8] =	vst v1  }
0x202: {  	v1 =	vld [tilespmem:s28+$0x60];
	_ =	sdelay $0x4  }
0x203: {  	[tilespmem:s2+$0x2E8] =	vst v1  }
0x204: {  	v1 =	vld [tilespmem:s28+$0x70]  }
.Ltmp30:
0x205: {  	_ = 	snop;
	(pc) =	sbr.rel .LBB3_23-.Ltmp30, $2  }
0x206: {  	_ =	sdelay $0x2  }
0x207: {  	s30 =	sadd.s32 $0x1, s30;
	[tilespmem:s2+$0x2F8] =	vst v1  }
.LBB3_25:
.Ltmp31:
0x208: {  	(pc) =	sbr.rel .LBB3_26-.Ltmp31, $4  }
0x209: {  	_ = 	snop  }
0x20a: {  	s0 =	simm.s32 $0x2  }
0x20b: {  	_ =	swait.ge [sflag:s0], $0x0  }
0x20c: {  	s2 =	simm.s32 $0x0;
	[sflag:s0] =	ssyncset.done $0x0;
	s0 =	smov.u32 s31  }
.LBB3_28:
0x20d: {  	_ =	sfence.sel $0x180000  }
0x20e: {  	s0 =	simm.s32 $0x9;
	[bflag:$0x0] =	sbarrier.arrive $0xFFFF  }
0x20f: {  	s24 =	simm.s32 $0xA;
	[sflag:s0] =	ssyncpa.u1 $0x1  }
0x210: {  	s25 =	simm.s32 $0xB;
	[sflag:s24] =	ssyncpa.u1 $0x1  }
0x211: {  	s26 =	simm.s32 $0x2;
	[sflag:s25] =	ssyncpa.u1 $0x1  }
0x212: {  	[sflag:s26] =	ssyncpa.u1 $0x1  }
0x213: {  	v0 =	vld [tilespmem:$0xE408];
	_ =	sdelay $0x4  }
0x214: {  	(v2sf) =	vpush v0, $0x0  }
0x215: {  	(v2sf) =	vpush v0, $0x1;
	_ =	sdelay $0x1  }
0x216: {  	(v2sf) =	vpush v0, $0x2;
	_ =	sdelay $0xb  }
0x217: {  	s0 =	spop (v2sf)  }
0x218: {  	s2 =	spop (v2sf)  }
0x219: {  	s3 =	smov.u32 s0;
	p0 =	sne.s32 s0, s2  }
0x21a: {  	s4 =	spop (v2sf);
	s3 =	simm.s32 @!p0 $0xFFFFFFFF  }
0x21b: {  	v2 =	vimm.s32 $0x1;
	v3 =	vlaneseq.u32;
	p0 =	seq.s32 s4, $0xFFFFFFFF;
	v1 =	vmov s3  }
0x21c: {  	s15 =	stileid.u32;
	v0 =	vperm.xlane v0, v2;
	p1 =	sne.s32 @!p0 s0, s2;
	v1 =	vperm.xlane v1, v3  }
0x21d: {  	vm0 =	vcmask $0x3F04;
	s6 =	simm.s32 $0xE408;
	s0 =	simm.s32 @!p0 $0x1;
	p1 =	por !p1, p0  }
0x21e: {  	s3 =	sshll.u32 s15, $0x1;
	s2 =	sshll.u32 @!p0 s4, $0xA;
	s0 =	simm.s32 @p1 $0x0;
	v0 =	vsel vm0, v1, v0  }
0x21f: {  	s5 =	sor.u32 $0x2000, s3;
	s2 =	sshra.s32 @!p0 s2, $0x2;
	s0 =	sor.u32 @!p0 s0, s3;
	[tilespmem:$0xE408] =	vst v0  }
0x220: {  	[spmem:s5] =	stream.linear.scatter [tilespmem:s6], [sflag:$0x1], $0x2, $0x38;
	[tilespmem:$0x1E678] =	vst v63  }
0x221: {  	s2 =	sadd.s32 @!p0 $0x208, s2;
	s0 =	sshll.u32 @!p0 s0, $0x8  }
0x222: {  	[spmem:s0] =	stream.linear.scatter @!p0 [tilespmem:s2], [sflag:$0x1], $0x100, $0x38;
	[tilespmem:$0x1E678] =	vst v63  }
0x223: {  	s0 =	simm.s32 @!p0 $0x102  }
0x224: {  	s28 =	simm.s32 $0x1;
	s0 =	simm.s32 @p0 $0x2  }
0x225: {  	_ =	swait.ge [sflag:s28], s0  }
0x226: {  	s0 =	ssub.s32 $0x0, s0;
	[sflag:s28] =	ssyncset.done $0x0  }
0x227: {  	p0 =	sne.s32 s15, $0x0;
	[sflag:s28] =	ssyncadd.s32 s0  }
.Ltmp32:
0x228: {  	_ =	sfence.stream.spmem;
	(pc) =	sbr.rel @p0 .LBB3_45-.Ltmp32, $4  }
0x229: {  	s29 =	simm.s32 $0x3;
	[bflag:$0x0] =	sbarrier.arrive $0xFFFF  }
0x22a: {  	s30 =	simm.s32 $0x4;
	[sflag:s29] =	ssyncpa.u1 $0x1  }
0x22b: {  	s31 =	simm.s32 $0x3C;
	[sflag:s30] =	ssyncpa.u1 $0x1  }
0x22c: {  	s14 =	rddreg [dreg:$0x4];
	[sflag:s31] =	ssyncpa.u1 $0x1  }
0x22d: {  	_ =	sfence.stream.spmem;
	s0 =	simm.s32 $0x5  }
0x22e: {  	s2 =	simm.s32 $0x2000;
	s3 =	simm.s32 $0xE418;
	[sflag:s0] =	ssyncpa.u1 $0x0  }
0x22f: {  	[tilespmem:s3], [sflag:$0x5] =	stream.linear.gather [spmem:s2], $0x20, $0x38;
	[tilespmem:$0x1E678] =	vst v63  }
0x230: {  	s26 =	simm.s32 $0x0;
	s28 =	simm.s32 $0xE438  }
0x231: {  	[tilespmem:s28], [sflag:$0x5] =	stream.linear.gather [spmem:s26], $0x2000, $0x38;
	[tilespmem:$0x1E678] =	vst v63  }
0x232: {  	_ =	swait.ge [sflag:s0], $0x2020  }
0x233: {  	[sflag:s0] =	ssyncset.done $0x0  }
0x234: {  	s29 =	simm.s32 $0x0;
	[sflag:s0] =	ssyncadd.s32 $0xFFFFDFE0  }
0x235: {  	v0 =	vld.msk [tilespmem:s29+$0xE418], $0x1;
	_ =	sdelay $0x1  }
0x236: {  	s30 =	simm.s32 $0x1  }
0x237: {  	v1 =	vld.msk [tilespmem:s30+$0xE418], $0x1;
	_ =	sdelay $0x1  }
0x238: {  	(v2sf) =	vpush v0, $0x0;
	_ =	sdelay $0x2  }
0x239: {  	(v2sf) =	vpush v1, $0x0;
	_ =	sdelay $0x2  }
0x23a: {  	s31 =	simm.s32 $0x2  }
0x23b: {  	v0 =	vld.msk [tilespmem:s31+$0xE418], $0x1;
	_ =	sdelay $0x2  }
0x23c: {  	s2 =	simm.s32 $0xFFFFFFFF;
	s3 =	simm.s32 $0xFFFFFFFF;
	s0 =	simm.s32 $0xC  }
.LBB3_30:
0x23d: {  	s4 =	smov.u32 s3;
	s5 =	smov.u32 s2  }
0x23e: {  	s2 =	sshra.s32 s0, $0x2;
	p1 =	sne.s32 s0, $0x7C;
	s0 =	sadd.s32 $0x4, s0;
	(v2sf) =	vpush v0, $0x0  }
0x23f: {  	v0 =	vld.msk [tilespmem:s2+$0xE418], $0x1  }
.Ltmp33:
0x240: {  	(pc) =	sbr.rel @p1 .LBB3_30-.Ltmp33, $4  }
0x241: {  	s3 =	spop (v2sf)  }
0x242: {  	p2 =	sne.s32 s5, $0xFFFFFFFF;
	s2 =	smov.u32 s3  }
0x243: {  	p3 =	seq.s32 s3, $0xFFFFFFFF;
	s2 =	smov.u32 @p2 s5  }
0x244: {  	s3 =	smov.u32 @p3 s4;
	s2 =	smov.u32 @p3 s5  }
0x245: {  	(v2sf) =	vpush v0, $0x0;
	_ =	sdelay $0x8  }
0x246: {  	s0 =	spop (v2sf)  }
0x247: {  	p1 =	sne.s32 s2, $0xFFFFFFFF;
	s9 =	simm.s32 $0x6;
	s4 =	smov.u32 s0  }
0x248: {  	s6 =	simm.s32 $0x0;
	p2 =	seq.s32 s0, $0xFFFFFFFF;
	s4 =	smov.u32 @p1 s2  }
0x249: {  	s10 =	simm.s32 $0xE308;
	s4 =	smov.u32 @p2 s2;
	s2 =	spop (v2sf)  }
0x24a: {  	s0 =	smov.u32 @p2 s3;
	p1 =	sne.s32 s4, $0xFFFFFFFF;
	s5 =	smov.u32 s2  }
.Ltmp34:
0x24b: {  	p2 =	seq.s32 s2, $0xFFFFFFFF;
	s5 =	smov.u32 @p1 s4;
	(pc) =	sbr.rel .LBB3_32-.Ltmp34, $4  }
0x24c: {  	s11 =	simm.s32 $0xE388;
	s5 =	smov.u32 @p2 s4;
	s7 =	spop (v2sf)  }
0x24d: {  	s12 =	simm.s32 $0x0;
	p1 =	sne.s32 s5, $0xFFFFFFFF;
	s8 =	smov.u32 s7  }
0x24e: {  	s2 =	smov.u32 @p2 s0;
	p2 =	seq.s32 s7, $0xFFFFFFFF;
	s8 =	smov.u32 @p1 s5  }
0x24f: {  	[sflag:s9] =	ssyncpa.u1 $0x0;
	s7 =	smov.u32 @p2 s2;
	s8 =	smov.u32 @p2 s5  }
.LBB3_38:
0x250: {  	p1 =	sgt.u32 s0, $0x4E170  }
0x251: {  	p2 =	seq.s32 @!p1 s0, s8  }
0x252: {  	p1 =	por p1, p2  }
0x253: {  	p2 =	sne.s32 @!p1 s0, s7  }
0x254: {  	p1 =	por p1, !p2  }
0x255: {  	s0 =	sshll.u32 @p1 s12, $0xA  }
0x256: {  	s2 =	sand.u32 @!p1 $0x7FFF8, s0;
	s3 =	sand.u32 @!p1 $0x7, s0;
	s0 =	sadd.s32 @!p1 $0x80, s0  }
0x257: {  	s2 =	sadd.s32 @!p1 s1, s2;
	s0 =	sand.u32 @!p1 $0xFFFF8, s0  }
0x258: {  	[tilespmem:s10], [sflag:$0x6] =	stream.linear.gather @!p1 [hbm4b:s2+s3], $0x80, $0x38;
	[tilespmem:$0x1E678] =	vst v63  }
0x259: {  	s0 =	sadd.s32 @!p1 s1, s0  }
0x25a: {  	[tilespmem:s11], [sflag:$0x6] =	stream.linear.gather @!p1 [hbm4b:s0+s3], $0x80, $0x38;
	[tilespmem:$0x1E678] =	vst v63  }
0x25b: {  	_ =	swait.ge @!p1 [sflag:s9], $0x100  }
0x25c: {  	[sflag:s9] =	ssyncset.done @!p1 $0x0  }
0x25d: {  	[sflag:s9] =	ssyncadd.s32 @!p1 $0xFFFFFF00  }
0x25e: {  	v1 =	vld @!p1 [tilespmem:$0xE308];
	_ =	sdelay $0x2  }
0x25f: {  	s0 =	sshll.u32 @!p1 s12, $0xA  }
0x260: {  	s2 =	sshrl.u32 @!p1 s0, $0x2  }
0x261: {  	[tilespmem:s2+$0xE438] =	vst.add.f32.msk @!p1 $0xffff, v1  }
0x262: {  	v1 =	vld @!p1 [tilespmem:$0xE318];
	_ =	sdelay $0x4  }
0x263: {  	[tilespmem:s2+$0xE448] =	vst.add.f32.msk @!p1 $0xffff, v1  }
0x264: {  	v1 =	vld @!p1 [tilespmem:$0xE328];
	_ =	sdelay $0x4  }
0x265: {  	[tilespmem:s2+$0xE458] =	vst.add.f32.msk @!p1 $0xffff, v1  }
0x266: {  	v1 =	vld @!p1 [tilespmem:$0xE338];
	_ =	sdelay $0x4  }
0x267: {  	[tilespmem:s2+$0xE468] =	vst.add.f32.msk @!p1 $0xffff, v1  }
0x268: {  	v1 =	vld @!p1 [tilespmem:$0xE348];
	_ =	sdelay $0x4  }
0x269: {  	[tilespmem:s2+$0xE478] =	vst.add.f32.msk @!p1 $0xffff, v1  }
0x26a: {  	v1 =	vld @!p1 [tilespmem:$0xE358];
	_ =	sdelay $0x4  }
0x26b: {  	[tilespmem:s2+$0xE488] =	vst.add.f32.msk @!p1 $0xffff, v1  }
0x26c: {  	v1 =	vld @!p1 [tilespmem:$0xE368];
	_ =	sdelay $0x4  }
0x26d: {  	[tilespmem:s2+$0xE498] =	vst.add.f32.msk @!p1 $0xffff, v1  }
0x26e: {  	v1 =	vld @!p1 [tilespmem:$0xE378];
	_ =	sdelay $0x4  }
0x26f: {  	[tilespmem:s2+$0xE4A8] =	vst.add.f32.msk @!p1 $0xffff, v1  }
0x270: {  	v1 =	vld @!p1 [tilespmem:$0xE388];
	_ =	sdelay $0x4  }
0x271: {  	[tilespmem:s2+$0xE4B8] =	vst.add.f32.msk @!p1 $0xffff, v1  }
0x272: {  	v1 =	vld @!p1 [tilespmem:$0xE398];
	_ =	sdelay $0x4  }
0x273: {  	[tilespmem:s2+$0xE4C8] =	vst.add.f32.msk @!p1 $0xffff, v1  }
0x274: {  	v1 =	vld @!p1 [tilespmem:$0xE3A8];
	_ =	sdelay $0x4  }
0x275: {  	[tilespmem:s2+$0xE4D8] =	vst.add.f32.msk @!p1 $0xffff, v1  }
0x276: {  	v1 =	vld @!p1 [tilespmem:$0xE3B8];
	_ =	sdelay $0x4  }
0x277: {  	[tilespmem:s2+$0xE4E8] =	vst.add.f32.msk @!p1 $0xffff, v1  }
0x278: {  	v1 =	vld @!p1 [tilespmem:$0xE3C8];
	_ =	sdelay $0x4  }
0x279: {  	[tilespmem:s2+$0xE4F8] =	vst.add.f32.msk @!p1 $0xffff, v1  }
0x27a: {  	v1 =	vld @!p1 [tilespmem:$0xE3D8];
	_ =	sdelay $0x4  }
0x27b: {  	[tilespmem:s2+$0xE508] =	vst.add.f32.msk @!p1 $0xffff, v1  }
0x27c: {  	v1 =	vld @!p1 [tilespmem:$0xE3E8];
	_ =	sdelay $0x4  }
0x27d: {  	[tilespmem:s2+$0xE518] =	vst.add.f32.msk @!p1 $0xffff, v1  }
0x27e: {  	v1 =	vld @!p1 [tilespmem:$0xE3F8];
	_ =	sdelay $0x4  }
0x27f: {  	[tilespmem:s2+$0xE528] =	vst.add.f32.msk @!p1 $0xffff, v1  }
0x280: {  	s0 =	sshrl.u32 s0, $0x2;
	[tilespmem:s6+$0xE418] =	vst.msk $0x1, v0  }
0x281: {  	v0 =	vld [tilespmem:s0+$0xE438];
	_ =	sdelay $0x2  }
0x282: {  	s31 =	sshll.u32 s6, $0xA  }
0x283: {  	s2 =	sshra.s32 s31, $0x2  }
0x284: {  	[tilespmem:s2+$0xE438] =	vst v0  }
0x285: {  	v0 =	vld [tilespmem:s0+$0xE448];
	_ =	sdelay $0x4  }
0x286: {  	[tilespmem:s2+$0xE448] =	vst v0  }
0x287: {  	v0 =	vld [tilespmem:s0+$0xE458];
	_ =	sdelay $0x4  }
0x288: {  	[tilespmem:s2+$0xE458] =	vst v0  }
0x289: {  	v0 =	vld [tilespmem:s0+$0xE468];
	_ =	sdelay $0x4  }
0x28a: {  	[tilespmem:s2+$0xE468] =	vst v0  }
0x28b: {  	v0 =	vld [tilespmem:s0+$0xE478];
	_ =	sdelay $0x4  }
0x28c: {  	[tilespmem:s2+$0xE478] =	vst v0  }
0x28d: {  	v0 =	vld [tilespmem:s0+$0xE488];
	_ =	sdelay $0x4  }
0x28e: {  	[tilespmem:s2+$0xE488] =	vst v0  }
0x28f: {  	v0 =	vld [tilespmem:s0+$0xE498];
	_ =	sdelay $0x4  }
0x290: {  	[tilespmem:s2+$0xE498] =	vst v0  }
0x291: {  	v0 =	vld [tilespmem:s0+$0xE4A8];
	_ =	sdelay $0x4  }
0x292: {  	[tilespmem:s2+$0xE4A8] =	vst v0  }
0x293: {  	v0 =	vld [tilespmem:s0+$0xE4B8];
	_ =	sdelay $0x4  }
0x294: {  	[tilespmem:s2+$0xE4B8] =	vst v0  }
0x295: {  	v0 =	vld [tilespmem:s0+$0xE4C8];
	_ =	sdelay $0x4  }
0x296: {  	[tilespmem:s2+$0xE4C8] =	vst v0  }
0x297: {  	v0 =	vld [tilespmem:s0+$0xE4D8];
	_ =	sdelay $0x4  }
0x298: {  	[tilespmem:s2+$0xE4D8] =	vst v0  }
0x299: {  	v0 =	vld [tilespmem:s0+$0xE4E8];
	_ =	sdelay $0x4  }
0x29a: {  	[tilespmem:s2+$0xE4E8] =	vst v0  }
0x29b: {  	v0 =	vld [tilespmem:s0+$0xE4F8];
	_ =	sdelay $0x4  }
0x29c: {  	[tilespmem:s2+$0xE4F8] =	vst v0  }
0x29d: {  	v0 =	vld [tilespmem:s0+$0xE508];
	_ =	sdelay $0x4  }
0x29e: {  	[tilespmem:s2+$0xE508] =	vst v0  }
0x29f: {  	v0 =	vld [tilespmem:s0+$0xE518];
	_ =	sdelay $0x4  }
0x2a0: {  	[tilespmem:s2+$0xE518] =	vst v0  }
0x2a1: {  	v0 =	vld [tilespmem:s0+$0xE528];
	_ =	sdelay $0x4  }
0x2a2: {  	s6 =	sadd.s32 $0x1, s6;
	[tilespmem:s2+$0xE528] =	vst v0  }
.LBB3_39:
0x2a3: {  	s12 =	sadd.s32 $0x1, s12  }
0x2a4: {  	p1 =	sne.s32 s12, $0x20  }
.Ltmp35:
0x2a5: {  	_ = 	snop;
	(pc) =	sbr.rel @!p1 .LBB3_40-.Ltmp35, $1  }
0x2a6: {  	_ =	sdelay $0x3  }
.LBB3_32:
0x2a7: {  	v0 =	vld.msk [tilespmem:s12+$0xE418], $0x1;
	_ =	sdelay $0x4  }
0x2a8: {  	(v2sf) =	vpush v0, $0x0;
	_ =	sdelay $0xe  }
0x2a9: {  	s0 =	spop (v2sf)  }
0x2aa: {  	p1 =	seq.s32 s0, $0xFFFFFFFF  }
.Ltmp36:
0x2ab: {  	_ = 	snop;
	(pc) =	sbr.rel @p1 .LBB3_39-.Ltmp36, $1  }
0x2ac: {  	_ =	sdelay $0x3  }
0x2ad: {  	p1 =	slt.s32 s6, $0x1  }
.Ltmp37:
0x2ae: {  	_ = 	snop;
	(pc) =	sbr.rel @p1 .LBB3_38-.Ltmp37, $1  }
0x2af: {  	_ =	sdelay $0x3  }
0x2b0: {  	s4 =	simm.s32 $0xE418;
	p1 =	por $0x0, $0x0  }
0x2b1: {  	v1 =	vld.msk @!p1 [tilespmem:s4+$0x0], $0x1;
	_ =	sdelay $0x4  }
0x2b2: {  	(v2sf) =	vpush @!p1 v1, $0x0;
	_ =	sdelay $0xd  }
0x2b3: {  	p3 =	sne.s32 s6, $0x1  }
.Ltmp38:
0x2b4: {  	s2 =	spop @!p1 (v2sf);
	(pc) =	sbr.rel @!p3 .LBB3_36-.Ltmp38, $4  }
0x2b5: {  	p2 =	seq.s32 @!p1 s0, s2  }
0x2b6: {  	s5 =	simm.s32 $0x0;
	p2 =	por !p2, p1  }
0x2b7: {  	s2 =	simm.s32 $0xFFFFFFFF;
	s5 =	simm.s32 @p2 $0xFFFFFFFF  }
0x2b8: {  	s13 =	simm.s32 $0x1;
	s5 =	smov.u32 @p1 s2  }
.LBB3_35:
0x2b9: {  	s2 =	smov.u32 s5;
	p1 =	sne.s32 s5, $0xFFFFFFFF  }
0x2ba: {  	s4 =	sadd.s32 $0x1, s4;
	s5 =	smov.u32 s13;
	s13 =	sadd.s32 $0x1, s13  }
0x2bb: {  	p2 =	sne.s32 s6, s13;
	v1 =	vld.msk @!p1 [tilespmem:s4+$0x0], $0x1;
	_ =	sdelay $0x4  }
0x2bc: {  	(v2sf) =	vpush @!p1 v1, $0x0;
	_ =	sdelay $0xe  }
.Ltmp39:
0x2bd: {  	s3 =	spop @!p1 (v2sf);
	(pc) =	sbr.rel @p2 .LBB3_35-.Ltmp39, $4  }
0x2be: {  	p3 =	seq.s32 @!p1 s0, s3  }
0x2bf: {  	p3 =	por !p3, p1  }
0x2c0: {  	s5 =	simm.s32 @p3 $0xFFFFFFFF  }
0x2c1: {  	s5 =	smov.u32 @p1 s2  }
.LBB3_36:
0x2c2: {  	p1 =	seq.s32 s5, $0xFFFFFFFF  }
.Ltmp40:
0x2c3: {  	_ = 	snop;
	(pc) =	sbr.rel @p1 .LBB3_38-.Ltmp40, $1  }
0x2c4: {  	_ =	sdelay $0x3  }
0x2c5: {  	s0 =	sshll.u32 s12, $0x8  }
0x2c6: {  	s0 =	sand.u32 $0x3FFFFF00, s0  }
0x2c7: {  	v0 =	vld [tilespmem:s0+$0xE438];
	_ =	sdelay $0x2  }
0x2c8: {  	s2 =	sshll.u32 s5, $0xA  }
0x2c9: {  	s2 =	sshra.s32 s2, $0x2  }
0x2ca: {  	[tilespmem:s2+$0xE438] =	vst.add.f32.msk $0xffff, v0  }
0x2cb: {  	v0 =	vld [tilespmem:s0+$0xE448];
	_ =	sdelay $0x4  }
0x2cc: {  	[tilespmem:s2+$0xE448] =	vst.add.f32.msk $0xffff, v0  }
0x2cd: {  	v0 =	vld [tilespmem:s0+$0xE458];
	_ =	sdelay $0x4  }
0x2ce: {  	[tilespmem:s2+$0xE458] =	vst.add.f32.msk $0xffff, v0  }
0x2cf: {  	v0 =	vld [tilespmem:s0+$0xE468];
	_ =	sdelay $0x4  }
0x2d0: {  	[tilespmem:s2+$0xE468] =	vst.add.f32.msk $0xffff, v0  }
0x2d1: {  	v0 =	vld [tilespmem:s0+$0xE478];
	_ =	sdelay $0x4  }
0x2d2: {  	[tilespmem:s2+$0xE478] =	vst.add.f32.msk $0xffff, v0  }
0x2d3: {  	v0 =	vld [tilespmem:s0+$0xE488];
	_ =	sdelay $0x4  }
0x2d4: {  	[tilespmem:s2+$0xE488] =	vst.add.f32.msk $0xffff, v0  }
0x2d5: {  	v0 =	vld [tilespmem:s0+$0xE498];
	_ =	sdelay $0x4  }
0x2d6: {  	[tilespmem:s2+$0xE498] =	vst.add.f32.msk $0xffff, v0  }
0x2d7: {  	v0 =	vld [tilespmem:s0+$0xE4A8];
	_ =	sdelay $0x4  }
0x2d8: {  	[tilespmem:s2+$0xE4A8] =	vst.add.f32.msk $0xffff, v0  }
0x2d9: {  	v0 =	vld [tilespmem:s0+$0xE4B8];
	_ =	sdelay $0x4  }
0x2da: {  	[tilespmem:s2+$0xE4B8] =	vst.add.f32.msk $0xffff, v0  }
0x2db: {  	v0 =	vld [tilespmem:s0+$0xE4C8];
	_ =	sdelay $0x4  }
0x2dc: {  	[tilespmem:s2+$0xE4C8] =	vst.add.f32.msk $0xffff, v0  }
0x2dd: {  	v0 =	vld [tilespmem:s0+$0xE4D8];
	_ =	sdelay $0x4  }
0x2de: {  	[tilespmem:s2+$0xE4D8] =	vst.add.f32.msk $0xffff, v0  }
0x2df: {  	v0 =	vld [tilespmem:s0+$0xE4E8];
	_ =	sdelay $0x4  }
0x2e0: {  	[tilespmem:s2+$0xE4E8] =	vst.add.f32.msk $0xffff, v0  }
0x2e1: {  	v0 =	vld [tilespmem:s0+$0xE4F8];
	_ =	sdelay $0x4  }
0x2e2: {  	[tilespmem:s2+$0xE4F8] =	vst.add.f32.msk $0xffff, v0  }
0x2e3: {  	v0 =	vld [tilespmem:s0+$0xE508];
	_ =	sdelay $0x4  }
0x2e4: {  	[tilespmem:s2+$0xE508] =	vst.add.f32.msk $0xffff, v0  }
0x2e5: {  	v0 =	vld [tilespmem:s0+$0xE518];
	_ =	sdelay $0x4  }
0x2e6: {  	[tilespmem:s2+$0xE518] =	vst.add.f32.msk $0xffff, v0  }
0x2e7: {  	v0 =	vld [tilespmem:s0+$0xE528]  }
.Ltmp41:
0x2e8: {  	_ = 	snop;
	(pc) =	sbr.rel .LBB3_39-.Ltmp41, $2  }
0x2e9: {  	_ =	sdelay $0x2  }
0x2ea: {  	[tilespmem:s2+$0xE528] =	vst.add.f32.msk $0xffff, v0  }
.LBB3_40:
0x2eb: {  	s0 =	simm.s32 $0x6;
	p1 =	seq.s32 s6, $0x0  }
0x2ec: {  	[sflag:s0] =	ssyncpa.u1 $0x1;
	v0 =	vimm.s32 @p1 $0xFFFFFFFF  }
0x2ed: {  	s0 =	sadd.s32 $0xFFFFFFFF, s6;
	[tilespmem:$0x10438] =	vst @p1 v0  }
0x2ee: {  	v0 =	vld.msk @!p1 [tilespmem:s0+$0xE418], $0x1;
	_ =	sdelay $0x1  }
0x2ef: {  	v1 =	vld.msk @!p1 [tilespmem:$0xE418], $0x1;
	_ =	sdelay $0x2  }
0x2f0: {  	p2 =	seq.s32 @!p1 s0, $0x0;
	v0 =	vbroadcast @!p1 v0, $0x0  }
0x2f1: {  	vm0 =	vmmov @!p1 $0x1;
	p2 =	por !p2, p1  }
0x2f2: {  	v1 =	vnsel @!p1 vm0, $0xFFFFFFFF, v1;
	vm0 =	vcmask @!p1 $0x308;
	v0 =	vpsel !p2, $0xFFFFFFFF, v0  }
0x2f3: {  	p2 =	sne.s32 @!p1 s8, s7;
	v0 =	vsel @!p1 vm0, v1, v0  }
0x2f4: {  	s2 =	simm.s32 @!p1 $0xE438;
	s3 =	simm.s32 @!p1 $0x0;
	p3 =	por !p2, p1;
	[tilespmem:$0x10438] =	vst @!p1 v0  }
0x2f5: {  	[spmem:s3] =	stream.linear.scatter @!p1 [tilespmem:s2], [sflag:$0x1], $0x100, $0x38;
	[tilespmem:$0x1E678] =	vst v63  }
0x2f6: {  	s2 =	sshll.u32 @!p3 s0, $0xA  }
0x2f7: {  	s2 =	sshra.s32 @!p3 s2, $0x2  }
0x2f8: {  	s3 =	simm.s32 @!p3 $0x100;
	s2 =	sadd.s32 @!p3 $0xE438, s2  }
0x2f9: {  	[spmem:s3] =	stream.linear.scatter @!p3 [tilespmem:s2], [sflag:$0x1], $0x100, $0x38;
	[tilespmem:$0x1E678] =	vst v63  }
0x2fa: {  	s2 =	simm.s32 @!p3 $0x1  }
0x2fb: {  	_ =	swait.ge @!p3 [sflag:s2], $0x200  }
0x2fc: {  	p1 =	por p2, p1;
	[sflag:s2] =	ssyncset.done @!p3 $0x0  }
0x2fd: {  	[sflag:s2] =	ssyncadd.s32 @!p3 $0xFFFFFE00;
	s2 =	simm.s32 @!p1 $0x1  }
0x2fe: {  	_ =	swait.ge @!p1 [sflag:s2], $0x100  }
0x2ff: {  	s29 =	simm.s32 $0x10438;
	[sflag:s2] =	ssyncset.done @!p1 $0x0  }
0x300: {  	s30 =	simm.s32 $0x2000;
	s31 =	simm.s32 $0x1;
	[sflag:s2] =	ssyncadd.s32 @!p1 $0xFFFFFF00  }
0x301: {  	[spmem:s30] =	stream.linear.scatter [tilespmem:s29], [sflag:$0x1], $0x10, $0x38;
	[tilespmem:$0x1E678] =	vst v63  }
0x302: {  	_ =	swait.ge [sflag:s31], $0x10  }
0x303: {  	[sflag:s31] =	ssyncset.done $0x0  }
0x304: {  	p1 =	seq.s32 s14, $0x0;
	s9 =	rddreg [dreg:$0x1];
	[sflag:s31] =	ssyncadd.s32 $0xFFFFFFF0  }
0x305: {  	s3 =	sshll.u32 @p1 s9, $0xE;
	s8 =	rddreg [dreg:$0x2]  }
0x306: {  	s2 =	sadd.s32 @p1 $0x15C3C, s3;
	s3 =	sshll.u32 @p1 s8, $0x11  }
0x307: {  	_ =	sfence.stream.spmem;
	s2 =	sor.u32 @p1 s3, s2  }
0x308: {  	[sflag:s2] =	ssyncadd.remote.s32 @p1 $0x1;
	s2 =	simm.s32 @p1 $0x4  }
0x309: {  	s4 =	simm.s32 @!p1 $0x3C;
	s3 =	sand.u32 $0xFFFFFFFE, s9;
	_ =	swait.ge @p1 [sflag:s2], $0x42  }
0x30a: {  	s5 =	simm.s32 @!p1 $0x0;
	s3 =	sadd.s32 @!p1 $0x4, s3;
	[sflag:s2] =	ssyncset.done @p1 $0x0  }
0x30b: {  	s7 =	simm.s32 @!p1 $0x200;
	[sflag:s2] =	ssyncadd.s32 @p1 $0xFFFFFFBE;
	s2 =	sshll.u32 @!p1 s3, $0x1A  }
0x30c: {  	s3 =	sshll.u32 @!p1 s3, $0xD;
	s2 =	sor.u32 @!p1 s2, s8;
	_ =	swait.eq @!p1 [sflag:s4], $0x1  }
0x30d: {  	s3 =	sor.u32 @!p1 $0x1C04, s3;
	s4 =	simm.s32 @!p1 $0x1C03;
	s2 =	sor.u32 @!p1 $0x80004000, s2  }
0x30e: {  	[spmem:s7], [sflag:s3] =	dma.general @!p1 [spmem:s5], [sflag:s4], length:$0x40, [dreg:$0x0], stride_count:$0x0, ici_dest:s2, dma_misc:DstOpCode:WRITE  }
0x30f: {  	p2 =	slt.s32 s0, $0x2;
	s5 =	simm.s32 @!p1 $0x400;
	s7 =	simm.s32 @!p1 $0x402  }
0x310: {  	[spmem:s7], [sflag:s3] =	dma.general @!p1 [spmem:s5], [sflag:s4], length:$0x2, [dreg:$0x0], stride_count:$0x0, ici_dest:s2, dma_misc:DstOpCode:WRITE  }
.Ltmp42:
0x311: {  	s2 =	simm.s32 @!p1 $0x3;
	(pc) =	sbr.rel @p2 .LBB3_44-.Ltmp42, $4  }
0x312: {  	s3 =	sshll.u32 @!p1 s9, $0xE;
	_ =	swait.ge @!p1 [sflag:s2], $0x42  }
0x313: {  	s4 =	sshll.u32 @!p1 s8, $0x11;
	s3 =	sadd.s32 @!p1 $0x11C3C, s3;
	[sflag:s2] =	ssyncset.done @!p1 $0x0  }
0x314: {  	[sflag:s2] =	ssyncadd.s32 @!p1 $0xFFFFFFBE;
	s2 =	sor.u32 @!p1 s4, s3  }
0x315: {  	s0 =	simm.s32 $0x0;
	[sflag:s2] =	ssyncadd.remote.s32 @!p1 $0xFFFFFFFF  }
0x316: {  	s0 =	simm.s32 $0xE419  }
0x317: {  	v0 =	vld.msk [tilespmem:s0+$0x0], $0x1;
	_ =	sdelay $0x4  }
0x318: {  	(v2sf) =	vpush v0, $0x0;
	_ =	sdelay $0xd  }
0x319: {  	s31 =	sadd.s32 $0xFFFFFFFE, s6  }
0x31a: {  	s6 =	simm.s32 $0x0;
	s0 =	sadd.s32 $0xFFFFFFFF, s31;
	s2 =	spop (v2sf)  }
0x31b: {  	s3 =	simm.s32 $0xE538;
	p1 =	sne.s32 s0, $0x0;
	p2 =	sgt.u32 s2, $0x4E170  }
.Ltmp43:
0x31c: {  	s4 =	simm.s32 $0xE638;
	s5 =	sand.u32 @!p2 $0x7FFF8, s2;
	(pc) =	sbr.rel @!p1 .LBB3_43-.Ltmp43, $4  }
0x31d: {  	s7 =	sadd.s32 @!p2 $0x80, s2;
	s2 =	sand.u32 @!p2 $0x7, s2;
	s6 =	simm.s32 @!p2 $0x400  }
0x31e: {  	s5 =	sadd.s32 @!p2 s1, s5;
	s7 =	sand.u32 @!p2 $0xFFFF8, s7;
	s6 =	sadd.s32 $0x0, s6  }
0x31f: {  	[hbm4b:s5+s2] =	stream.linear.scatter @!p2 [tilespmem:s3], [sflag:$0x5], $0x80, $0x38;
	[tilespmem:$0x1E678] =	vst v63  }
0x320: {  	s5 =	simm.s32 $0xE41A;
	s3 =	simm.s32 @!p2 $0xE5B8;
	s7 =	sadd.s32 @!p2 s1, s7  }
.LBB3_42:
0x321: {  	[hbm4b:s7+s2] =	stream.linear.scatter @!p2 [tilespmem:s3], [sflag:$0x5], $0x80, $0x38;
	[tilespmem:$0x1E678] =	vst v63  }
0x322: {  	s0 =	sadd.s32 $0xFFFFFFFF, s0;
	s3 =	smov.u32 s4;
	v0 =	vld.msk [tilespmem:s5+$0x0], $0x1  }
0x323: {  	p1 =	sne.s32 s0, $0x0;
	_ =	sdelay $0x3  }
0x324: {  	(v2sf) =	vpush v0, $0x0;
	_ =	sdelay $0xe  }
0x325: {  	s4 =	sadd.s32 $0x100, s4;
	s8 =	simm.s32 $0x0;
	s2 =	spop (v2sf)  }
.Ltmp44:
0x326: {  	s5 =	sadd.s32 $0x1, s5;
	p2 =	sgt.u32 s2, $0x4E170;
	(pc) =	sbr.rel @p1 .LBB3_42-.Ltmp44, $4  }
0x327: {  	s8 =	simm.s32 @!p2 $0x400;
	s7 =	sand.u32 @!p2 $0x7FFF8, s2;
	s9 =	sadd.s32 @!p2 $0x80, s2  }
0x328: {  	s2 =	sand.u32 @!p2 $0x7, s2;
	s7 =	sadd.s32 @!p2 s1, s7;
	s9 =	sand.u32 @!p2 $0xFFFF8, s9  }
0x329: {  	[hbm4b:s7+s2] =	stream.linear.scatter @!p2 [tilespmem:s3], [sflag:$0x5], $0x80, $0x38;
	[tilespmem:$0x1E678] =	vst v63  }
0x32a: {  	s6 =	sadd.s32 s6, s8;
	s3 =	sadd.s32 @!p2 $0x80, s3;
	s7 =	sadd.s32 @!p2 s1, s9  }
.LBB3_43:
0x32b: {  	[hbm4b:s7+s2] =	stream.linear.scatter @!p2 [tilespmem:s3], [sflag:$0x5], $0x80, $0x38;
	[tilespmem:$0x1E678] =	vst v63  }
0x32c: {  	s0 =	sshrl.u32 s6, $0x2  }
.LBB3_44:
0x32d: {  	s2 =	simm.s32 $0x5  }
0x32e: {  	_ =	swait.ge [sflag:s2], s0  }
0x32f: {  	s31 =	ssub.s32 $0x0, s0;
	[sflag:s2] =	ssyncset.done $0x0  }
0x330: {  	[sflag:s2] =	ssyncadd.s32 s31  }
0x331: {  	[sflag:s2] =	ssyncpa.u1 $0x1  }
.LBB3_45:
0x332: {  	s0 =	sor.u32 s14, s15  }
0x333: {  	p1 =	sne.s32 s0, $0x0  }
.Ltmp45:
0x334: {  	_ = 	snop;
	(pc) =	sbr.rel @p1 .LBB3_60-.Ltmp45, $3  }
0x335: {  	_ =	sdelay $0x1  }
0x336: {  	[bflag:$0x0] =	sbarrier.arrive $0xFFFF  }
0x337: {  	_ =	sfence  }
0x338: {  	s0 =	simm.s32 $0x7  }
0x339: {  	s2 =	simm.s32 $0x2000;
	s3 =	simm.s32 $0xE418;
	[sflag:s0] =	ssyncpa.u1 $0x0  }
0x33a: {  	[tilespmem:s3], [sflag:$0x7] =	stream.linear.gather [spmem:s2], $0x20, $0x38;
	[tilespmem:$0x1E678] =	vst v63  }
0x33b: {  	s30 =	simm.s32 $0xE438;
	s2 =	simm.s32 $0x0  }
0x33c: {  	[tilespmem:s30], [sflag:$0x7] =	stream.linear.gather [spmem:s2], $0x2000, $0x38;
	[tilespmem:$0x1E678] =	vst v63  }
.Ltmp46:
0x33d: {  	_ = 	snop;
	(pc) =	sbr.rel .LBB3_47-.Ltmp46, $4  }
0x33e: {  	_ =	swait.ge [sflag:s0], $0x2020  }
0x33f: {  	[sflag:s0] =	ssyncset.done $0x0  }
0x340: {  	s31 =	simm.s32 $0x8;
	[sflag:s0] =	ssyncadd.s32 $0xFFFFDFE0  }
0x341: {  	s3 =	simm.s32 $0x0;
	[sflag:s31] =	ssyncpa.u1 $0x0  }
.LBB3_53:
0x342: {  	p1 =	slt.u32 s0, $0x4E171  }
0x343: {  	s4 =	sand.u32 @p1 $0x7FFF8, s0;
	s5 =	sand.u32 @p1 $0x7, s0;
	s0 =	sadd.s32 @p1 $0x80, s0  }
0x344: {  	s6 =	simm.s32 @p1 $0xE308;
	s4 =	sadd.s32 @p1 s1, s4;
	s0 =	sand.u32 @p1 $0xFFFF8, s0  }
0x345: {  	[tilespmem:s6], [sflag:$0x8] =	stream.linear.gather @p1 [hbm4b:s4+s5], $0x80, $0x38;
	[tilespmem:$0x1E678] =	vst v63  }
0x346: {  	s0 =	sadd.s32 @p1 s1, s0;
	s4 =	simm.s32 @p1 $0xE388  }
0x347: {  	[tilespmem:s4], [sflag:$0x8] =	stream.linear.gather @p1 [hbm4b:s0+s5], $0x80, $0x38;
	[tilespmem:$0x1E678] =	vst v63  }
0x348: {  	s0 =	simm.s32 @p1 $0x8  }
0x349: {  	_ =	swait.ge @p1 [sflag:s0], $0x100  }
0x34a: {  	[sflag:s0] =	ssyncset.done @p1 $0x0  }
0x34b: {  	[sflag:s0] =	ssyncadd.s32 @p1 $0xFFFFFF00  }
0x34c: {  	v1 =	vld @p1 [tilespmem:$0xE308];
	_ =	sdelay $0x2  }
0x34d: {  	s0 =	sshll.u32 @p1 s3, $0xA  }
0x34e: {  	s4 =	sshrl.u32 @p1 s0, $0x2  }
0x34f: {  	[tilespmem:s4+$0xE438] =	vst.add.f32.msk @p1 $0xffff, v1  }
0x350: {  	v1 =	vld @p1 [tilespmem:$0xE318];
	_ =	sdelay $0x4  }
0x351: {  	[tilespmem:s4+$0xE448] =	vst.add.f32.msk @p1 $0xffff, v1  }
0x352: {  	v1 =	vld @p1 [tilespmem:$0xE328];
	_ =	sdelay $0x4  }
0x353: {  	[tilespmem:s4+$0xE458] =	vst.add.f32.msk @p1 $0xffff, v1  }
0x354: {  	v1 =	vld @p1 [tilespmem:$0xE338];
	_ =	sdelay $0x4  }
0x355: {  	[tilespmem:s4+$0xE468] =	vst.add.f32.msk @p1 $0xffff, v1  }
0x356: {  	v1 =	vld @p1 [tilespmem:$0xE348];
	_ =	sdelay $0x4  }
0x357: {  	[tilespmem:s4+$0xE478] =	vst.add.f32.msk @p1 $0xffff, v1  }
0x358: {  	v1 =	vld @p1 [tilespmem:$0xE358];
	_ =	sdelay $0x4  }
0x359: {  	[tilespmem:s4+$0xE488] =	vst.add.f32.msk @p1 $0xffff, v1  }
0x35a: {  	v1 =	vld @p1 [tilespmem:$0xE368];
	_ =	sdelay $0x4  }
0x35b: {  	[tilespmem:s4+$0xE498] =	vst.add.f32.msk @p1 $0xffff, v1  }
0x35c: {  	v1 =	vld @p1 [tilespmem:$0xE378];
	_ =	sdelay $0x4  }
0x35d: {  	[tilespmem:s4+$0xE4A8] =	vst.add.f32.msk @p1 $0xffff, v1  }
0x35e: {  	v1 =	vld @p1 [tilespmem:$0xE388];
	_ =	sdelay $0x4  }
0x35f: {  	[tilespmem:s4+$0xE4B8] =	vst.add.f32.msk @p1 $0xffff, v1  }
0x360: {  	v1 =	vld @p1 [tilespmem:$0xE398];
	_ =	sdelay $0x4  }
0x361: {  	[tilespmem:s4+$0xE4C8] =	vst.add.f32.msk @p1 $0xffff, v1  }
0x362: {  	v1 =	vld @p1 [tilespmem:$0xE3A8];
	_ =	sdelay $0x4  }
0x363: {  	[tilespmem:s4+$0xE4D8] =	vst.add.f32.msk @p1 $0xffff, v1  }
0x364: {  	v1 =	vld @p1 [tilespmem:$0xE3B8];
	_ =	sdelay $0x4  }
0x365: {  	[tilespmem:s4+$0xE4E8] =	vst.add.f32.msk @p1 $0xffff, v1  }
0x366: {  	v1 =	vld @p1 [tilespmem:$0xE3C8];
	_ =	sdelay $0x4  }
0x367: {  	[tilespmem:s4+$0xE4F8] =	vst.add.f32.msk @p1 $0xffff, v1  }
0x368: {  	v1 =	vld @p1 [tilespmem:$0xE3D8];
	_ =	sdelay $0x4  }
0x369: {  	[tilespmem:s4+$0xE508] =	vst.add.f32.msk @p1 $0xffff, v1  }
0x36a: {  	v1 =	vld @p1 [tilespmem:$0xE3E8];
	_ =	sdelay $0x4  }
0x36b: {  	[tilespmem:s4+$0xE518] =	vst.add.f32.msk @p1 $0xffff, v1  }
0x36c: {  	v1 =	vld @p1 [tilespmem:$0xE3F8];
	_ =	sdelay $0x3  }
0x36d: {  	s5 =	sshll.u32 @!p1 s3, $0xA  }
0x36e: {  	s5 =	smov.u32 @p1 s0;
	[tilespmem:s4+$0xE528] =	vst.add.f32.msk @p1 $0xffff, v1  }
0x36f: {  	s0 =	sshrl.u32 s5, $0x2;
	[tilespmem:s2+$0xE418] =	vst.msk $0x1, v0  }
0x370: {  	v0 =	vld [tilespmem:s0+$0xE438];
	_ =	sdelay $0x2  }
0x371: {  	s31 =	sshll.u32 s2, $0xA  }
0x372: {  	s4 =	sshra.s32 s31, $0x2  }
0x373: {  	[tilespmem:s4+$0xE438] =	vst v0  }
0x374: {  	v0 =	vld [tilespmem:s0+$0xE448];
	_ =	sdelay $0x4  }
0x375: {  	[tilespmem:s4+$0xE448] =	vst v0  }
0x376: {  	v0 =	vld [tilespmem:s0+$0xE458];
	_ =	sdelay $0x4  }
0x377: {  	[tilespmem:s4+$0xE458] =	vst v0  }
0x378: {  	v0 =	vld [tilespmem:s0+$0xE468];
	_ =	sdelay $0x4  }
0x379: {  	[tilespmem:s4+$0xE468] =	vst v0  }
0x37a: {  	v0 =	vld [tilespmem:s0+$0xE478];
	_ =	sdelay $0x4  }
0x37b: {  	[tilespmem:s4+$0xE478] =	vst v0  }
0x37c: {  	v0 =	vld [tilespmem:s0+$0xE488];
	_ =	sdelay $0x4  }
0x37d: {  	[tilespmem:s4+$0xE488] =	vst v0  }
0x37e: {  	v0 =	vld [tilespmem:s0+$0xE498];
	_ =	sdelay $0x4  }
0x37f: {  	[tilespmem:s4+$0xE498] =	vst v0  }
0x380: {  	v0 =	vld [tilespmem:s0+$0xE4A8];
	_ =	sdelay $0x4  }
0x381: {  	[tilespmem:s4+$0xE4A8] =	vst v0  }
0x382: {  	v0 =	vld [tilespmem:s0+$0xE4B8];
	_ =	sdelay $0x4  }
0x383: {  	[tilespmem:s4+$0xE4B8] =	vst v0  }
0x384: {  	v0 =	vld [tilespmem:s0+$0xE4C8];
	_ =	sdelay $0x4  }
0x385: {  	[tilespmem:s4+$0xE4C8] =	vst v0  }
0x386: {  	v0 =	vld [tilespmem:s0+$0xE4D8];
	_ =	sdelay $0x4  }
0x387: {  	[tilespmem:s4+$0xE4D8] =	vst v0  }
0x388: {  	v0 =	vld [tilespmem:s0+$0xE4E8];
	_ =	sdelay $0x4  }
0x389: {  	[tilespmem:s4+$0xE4E8] =	vst v0  }
0x38a: {  	v0 =	vld [tilespmem:s0+$0xE4F8];
	_ =	sdelay $0x4  }
0x38b: {  	[tilespmem:s4+$0xE4F8] =	vst v0  }
0x38c: {  	v0 =	vld [tilespmem:s0+$0xE508];
	_ =	sdelay $0x4  }
0x38d: {  	[tilespmem:s4+$0xE508] =	vst v0  }
0x38e: {  	v0 =	vld [tilespmem:s0+$0xE518];
	_ =	sdelay $0x4  }
0x38f: {  	[tilespmem:s4+$0xE518] =	vst v0  }
0x390: {  	v0 =	vld [tilespmem:s0+$0xE528];
	_ =	sdelay $0x4  }
0x391: {  	s2 =	sadd.s32 $0x1, s2;
	[tilespmem:s4+$0xE528] =	vst v0  }
.LBB3_54:
0x392: {  	s3 =	sadd.s32 $0x1, s3  }
0x393: {  	p1 =	sne.s32 s3, $0x20  }
.Ltmp47:
0x394: {  	_ = 	snop;
	(pc) =	sbr.rel @!p1 .LBB3_55-.Ltmp47, $1  }
0x395: {  	_ =	sdelay $0x3  }
.LBB3_47:
0x396: {  	v0 =	vld.msk [tilespmem:s3+$0xE418], $0x1;
	_ =	sdelay $0x4  }
0x397: {  	(v2sf) =	vpush v0, $0x0;
	_ =	sdelay $0xe  }
0x398: {  	s0 =	spop (v2sf)  }
0x399: {  	p1 =	seq.s32 s0, $0xFFFFFFFF  }
.Ltmp48:
0x39a: {  	_ = 	snop;
	(pc) =	sbr.rel @p1 .LBB3_54-.Ltmp48, $1  }
0x39b: {  	_ =	sdelay $0x3  }
0x39c: {  	p1 =	slt.s32 s2, $0x1  }
.Ltmp49:
0x39d: {  	_ = 	snop;
	(pc) =	sbr.rel @p1 .LBB3_53-.Ltmp49, $1  }
0x39e: {  	_ =	sdelay $0x3  }
0x39f: {  	s4 =	simm.s32 $0xE418;
	p1 =	por $0x0, $0x0  }
0x3a0: {  	v1 =	vld.msk @!p1 [tilespmem:s4+$0x0], $0x1;
	_ =	sdelay $0x4  }
0x3a1: {  	(v2sf) =	vpush @!p1 v1, $0x0;
	_ =	sdelay $0xd  }
0x3a2: {  	p3 =	sne.s32 s2, $0x1  }
.Ltmp50:
0x3a3: {  	s5 =	spop @!p1 (v2sf);
	(pc) =	sbr.rel @!p3 .LBB3_51-.Ltmp50, $4  }
0x3a4: {  	p2 =	seq.s32 @!p1 s0, s5  }
0x3a5: {  	s5 =	simm.s32 $0x0;
	p2 =	por !p2, p1  }
0x3a6: {  	s7 =	simm.s32 $0xFFFFFFFF;
	s5 =	simm.s32 @p2 $0xFFFFFFFF  }
0x3a7: {  	s6 =	simm.s32 $0x1;
	s5 =	smov.u32 @p1 s7  }
.LBB3_50:
0x3a8: {  	s7 =	smov.u32 s5;
	p1 =	sne.s32 s5, $0xFFFFFFFF  }
0x3a9: {  	s4 =	sadd.s32 $0x1, s4;
	s5 =	smov.u32 s6;
	s6 =	sadd.s32 $0x1, s6  }
0x3aa: {  	p2 =	sne.s32 s2, s6;
	v1 =	vld.msk @!p1 [tilespmem:s4+$0x0], $0x1;
	_ =	sdelay $0x4  }
0x3ab: {  	(v2sf) =	vpush @!p1 v1, $0x0;
	_ =	sdelay $0xe  }
.Ltmp51:
0x3ac: {  	s8 =	spop @!p1 (v2sf);
	(pc) =	sbr.rel @p2 .LBB3_50-.Ltmp51, $4  }
0x3ad: {  	p3 =	seq.s32 @!p1 s0, s8  }
0x3ae: {  	p3 =	por !p3, p1  }
0x3af: {  	s5 =	simm.s32 @p3 $0xFFFFFFFF  }
0x3b0: {  	s5 =	smov.u32 @p1 s7  }
.LBB3_51:
0x3b1: {  	p1 =	seq.s32 s5, $0xFFFFFFFF  }
.Ltmp52:
0x3b2: {  	_ = 	snop;
	(pc) =	sbr.rel @p1 .LBB3_53-.Ltmp52, $1  }
0x3b3: {  	_ =	sdelay $0x3  }
0x3b4: {  	s0 =	sshll.u32 s3, $0x8  }
0x3b5: {  	s0 =	sand.u32 $0x3FFFFF00, s0  }
0x3b6: {  	v0 =	vld [tilespmem:s0+$0xE438];
	_ =	sdelay $0x2  }
0x3b7: {  	s4 =	sshll.u32 s5, $0xA  }
0x3b8: {  	s4 =	sshra.s32 s4, $0x2  }
0x3b9: {  	[tilespmem:s4+$0xE438] =	vst.add.f32.msk $0xffff, v0  }
0x3ba: {  	v0 =	vld [tilespmem:s0+$0xE448];
	_ =	sdelay $0x4  }
0x3bb: {  	[tilespmem:s4+$0xE448] =	vst.add.f32.msk $0xffff, v0  }
0x3bc: {  	v0 =	vld [tilespmem:s0+$0xE458];
	_ =	sdelay $0x4  }
0x3bd: {  	[tilespmem:s4+$0xE458] =	vst.add.f32.msk $0xffff, v0  }
0x3be: {  	v0 =	vld [tilespmem:s0+$0xE468];
	_ =	sdelay $0x4  }
0x3bf: {  	[tilespmem:s4+$0xE468] =	vst.add.f32.msk $0xffff, v0  }
0x3c0: {  	v0 =	vld [tilespmem:s0+$0xE478];
	_ =	sdelay $0x4  }
0x3c1: {  	[tilespmem:s4+$0xE478] =	vst.add.f32.msk $0xffff, v0  }
0x3c2: {  	v0 =	vld [tilespmem:s0+$0xE488];
	_ =	sdelay $0x4  }
0x3c3: {  	[tilespmem:s4+$0xE488] =	vst.add.f32.msk $0xffff, v0  }
0x3c4: {  	v0 =	vld [tilespmem:s0+$0xE498];
	_ =	sdelay $0x4  }
0x3c5: {  	[tilespmem:s4+$0xE498] =	vst.add.f32.msk $0xffff, v0  }
0x3c6: {  	v0 =	vld [tilespmem:s0+$0xE4A8];
	_ =	sdelay $0x4  }
0x3c7: {  	[tilespmem:s4+$0xE4A8] =	vst.add.f32.msk $0xffff, v0  }
0x3c8: {  	v0 =	vld [tilespmem:s0+$0xE4B8];
	_ =	sdelay $0x4  }
0x3c9: {  	[tilespmem:s4+$0xE4B8] =	vst.add.f32.msk $0xffff, v0  }
0x3ca: {  	v0 =	vld [tilespmem:s0+$0xE4C8];
	_ =	sdelay $0x4  }
0x3cb: {  	[tilespmem:s4+$0xE4C8] =	vst.add.f32.msk $0xffff, v0  }
0x3cc: {  	v0 =	vld [tilespmem:s0+$0xE4D8];
	_ =	sdelay $0x4  }
0x3cd: {  	[tilespmem:s4+$0xE4D8] =	vst.add.f32.msk $0xffff, v0  }
0x3ce: {  	v0 =	vld [tilespmem:s0+$0xE4E8];
	_ =	sdelay $0x4  }
0x3cf: {  	[tilespmem:s4+$0xE4E8] =	vst.add.f32.msk $0xffff, v0  }
0x3d0: {  	v0 =	vld [tilespmem:s0+$0xE4F8];
	_ =	sdelay $0x4  }
0x3d1: {  	[tilespmem:s4+$0xE4F8] =	vst.add.f32.msk $0xffff, v0  }
0x3d2: {  	v0 =	vld [tilespmem:s0+$0xE508];
	_ =	sdelay $0x4  }
0x3d3: {  	[tilespmem:s4+$0xE508] =	vst.add.f32.msk $0xffff, v0  }
0x3d4: {  	v0 =	vld [tilespmem:s0+$0xE518];
	_ =	sdelay $0x4  }
0x3d5: {  	[tilespmem:s4+$0xE518] =	vst.add.f32.msk $0xffff, v0  }
0x3d6: {  	v0 =	vld [tilespmem:s0+$0xE528]  }
.Ltmp53:
0x3d7: {  	_ = 	snop;
	(pc) =	sbr.rel .LBB3_54-.Ltmp53, $2  }
0x3d8: {  	_ =	sdelay $0x2  }
0x3d9: {  	[tilespmem:s4+$0xE528] =	vst.add.f32.msk $0xffff, v0  }
.LBB3_55:
0x3da: {  	p1 =	slt.s32 s2, $0x1  }
.Ltmp54:
0x3db: {  	_ = 	snop;
	(pc) =	sbr.rel @p1 .LBB3_59-.Ltmp54, $3  }
0x3dc: {  	_ =	sdelay $0x1  }
0x3dd: {  	s0 =	simm.s32 $0x8  }
0x3de: {  	s4 =	simm.s32 $0x0;
	[sflag:s0] =	ssyncpa.u1 $0x1  }
0x3df: {  	s0 =	simm.s32 $0xE418  }
0x3e0: {  	v0 =	vld.msk [tilespmem:s0+$0x0], $0x1;
	_ =	sdelay $0x4  }
0x3e1: {  	(v2sf) =	vpush v0, $0x0;
	_ =	sdelay $0xe  }
0x3e2: {  	s0 =	sadd.s32 $0xFFFFFFFF, s2;
	s3 =	spop (v2sf)  }
0x3e3: {  	s6 =	simm.s32 $0xE438;
	p1 =	sne.s32 s0, $0x0;
	p2 =	sgt.u32 s3, $0x4E170  }
.Ltmp55:
0x3e4: {  	s2 =	simm.s32 $0xE538;
	s5 =	sand.u32 @!p2 $0x7FFF8, s3;
	(pc) =	sbr.rel @!p1 .LBB3_58-.Ltmp55, $4  }
0x3e5: {  	s7 =	sadd.s32 @!p2 $0x80, s3;
	s4 =	simm.s32 @!p2 $0x400;
	s8 =	sadd.s32 @!p2 s1, s5  }
0x3e6: {  	s5 =	sand.u32 @!p2 $0x7, s3;
	s3 =	simm.s32 $0xE419;
	s7 =	sand.u32 @!p2 $0xFFFF8, s7  }
0x3e7: {  	[hbm4b:s8+s5] =	stream.linear.scatter @!p2 [tilespmem:s6], [sflag:$0x7], $0x80, $0x38;
	[tilespmem:$0x1E678] =	vst v63  }
0x3e8: {  	s4 =	sadd.s32 $0x0, s4;
	s6 =	simm.s32 @!p2 $0xE4B8;
	s7 =	sadd.s32 @!p2 s1, s7  }
.LBB3_57:
0x3e9: {  	[hbm4b:s7+s5] =	stream.linear.scatter @!p2 [tilespmem:s6], [sflag:$0x7], $0x80, $0x38;
	[tilespmem:$0x1E678] =	vst v63  }
0x3ea: {  	s0 =	sadd.s32 $0xFFFFFFFF, s0;
	s6 =	smov.u32 s2;
	v0 =	vld.msk [tilespmem:s3+$0x0], $0x1  }
0x3eb: {  	p1 =	sne.s32 s0, $0x0;
	_ =	sdelay $0x3  }
0x3ec: {  	(v2sf) =	vpush v0, $0x0;
	_ =	sdelay $0xe  }
0x3ed: {  	s2 =	sadd.s32 $0x100, s2;
	s8 =	simm.s32 $0x0;
	s5 =	spop (v2sf)  }
.Ltmp56:
0x3ee: {  	s3 =	sadd.s32 $0x1, s3;
	p2 =	sgt.u32 s5, $0x4E170;
	(pc) =	sbr.rel @p1 .LBB3_57-.Ltmp56, $4  }
0x3ef: {  	s8 =	simm.s32 @!p2 $0x400;
	s7 =	sand.u32 @!p2 $0x7FFF8, s5;
	s9 =	sadd.s32 @!p2 $0x80, s5  }
0x3f0: {  	s5 =	sand.u32 @!p2 $0x7, s5;
	s7 =	sadd.s32 @!p2 s1, s7;
	s9 =	sand.u32 @!p2 $0xFFFF8, s9  }
0x3f1: {  	[hbm4b:s7+s5] =	stream.linear.scatter @!p2 [tilespmem:s6], [sflag:$0x7], $0x80, $0x38;
	[tilespmem:$0x1E678] =	vst v63  }
0x3f2: {  	s4 =	sadd.s32 s4, s8;
	s6 =	sadd.s32 @!p2 $0x80, s6;
	s7 =	sadd.s32 @!p2 s1, s9  }
.LBB3_58:
0x3f3: {  	[hbm4b:s7+s5] =	stream.linear.scatter @!p2 [tilespmem:s6], [sflag:$0x7], $0x80, $0x38;
	[tilespmem:$0x1E678] =	vst v63  }
0x3f4: {  	s4 =	sshrl.u32 s4, $0x2  }
.LBB3_59:
0x3f5: {  	s0 =	simm.s32 $0x7  }
0x3f6: {  	_ =	swait.ge [sflag:s0], s4  }
0x3f7: {  	s1 =	ssub.s32 $0x0, s4;
	[sflag:s0] =	ssyncset.done $0x0  }
0x3f8: {  	[sflag:s0] =	ssyncadd.s32 s1  }
0x3f9: {  	[sflag:s0] =	ssyncpa.u1 $0x1  }
.LBB3_60:
0x3fa: {  	_ =	sfence;
	s0 =	simm.s32 $0x1  }
0x3fb: {  	[sflag:s0] =	ssyncpa.u1 $0x1  }
0x3fc: {  	_ =	strace $0x9000004D  }
0x3fd: {  	[bflag:$0x2] =	sbarrier.arrive $0xFFFF  }
0x3fe: {  	s0 =	rddreg [dreg:$0x3]  }
0x3ff: {  	s0 =	sadd.s32 @!p0 $0x100000, s0  }
0x400: {  	[sflag:s0] =	ssyncadd.tile.s32 @!p0 $0x1;
	_ =	shalt  }
.Lfunc_end3:
_tile_overlayer_lowered:
.L_overlay_start_3:
0x401: {  	(tag) =	ssettag $0x3  }
0x402: {  	s0 =	rddreg [dreg:$0x0];
	s2 =	stileid.u32  }
0x403: {  	s1 =	rddreg [dreg:$0x1];
	p0 =	sne.s32 s2, $0x0  }
0x404: {  	s3 =	rddreg [dreg:$0x2];
	[bflag:$0x3] =	sbarrier.arrive $0xFFFF;
	s2 =	simm.s32 @!p0 $0x1C01  }
0x405: {  	[timem:s3], [sflag:s2] =	dma.local @!p0 [hbm:s0], s1  }
0x406: {  	s0 =	simm.s32 @!p0 $0x1  }
0x407: {  	_ =	swait.ge @!p0 [sflag:s0], s1  }
0x408: {  	s1 =	ssub.s32 @!p0 $0x0, s1;
	[sflag:s0] =	ssyncset.done @!p0 $0x0  }
0x409: {  	[sflag:s0] =	ssyncadd.s32 @!p0 s1  }
0x40a: {  	[bflag:$0x3] =	sbarrier.arrive $0xFFFF  }
0x40b: {  	_ =	shalt  }

// kernel: scatter_offload_async_start.2
scs
__scs_entry_jumppad:
0x0: {  	(pc) =	sbr.rel $0x88, $3  }
0x1: {  	(tag) =	ssettag $0x0;
	lr =	simm.s32 $0x1  }
0x2: {  	[smem:$0x3F89] =	sst lr;
	_ =	strace $0xD0000000  }
0x3: {  	_ = 	snop  }
0x4: {  	_ = 	snop  }
0x5: {  	_ = 	snop  }
0x6: {  	_ = 	snop  }
0x7: {  	_ = 	snop  }
__scs_overlays_trampoline_lowered:
0x8: {  	[smem:$0x3F98] =	sst s0  }
0x9: {  	[smem:$0x3F99] =	sst s1  }
0xa: {  	[smem:$0x3F9A] =	sst s2  }
0xb: {  	[smem:$0x3F9B] =	sst s3  }
0xc: {  	[smem:$0x3F9C] =	sst s4  }
0xd: {  	[smem:$0x3F9D] =	sst s5  }
0xe: {  	[smem:$0x3F9E] =	sst s6  }
0xf: {  	[smem:$0x3F9F] =	sst s7  }
0x10: {  	[smem:$0x3FA0] =	sst s8  }
0x11: {  	[smem:$0x3FA1] =	sst s9;
	s0 =	simm.s32 @!p0 $0x0  }
0x12: {  	s1 =	sld [smem:$0x3F87];
	s0 =	simm.s32 @p0 $0x1  }
0x13: {  	[smem:$0x3FA2] =	sst s0;
	s0 =	simm.s32 @!p1 $0x0  }
0x14: {  	s2 =	sld [smem:$0x3F86];
	s0 =	simm.s32 @p1 $0x1  }
0x15: {  	[smem:$0x3FA3] =	sst s0;
	s0 =	simm.s32 @!p2 $0x0  }
0x16: {  	s3 =	sld [smem:$0x3FDB];
	s0 =	simm.s32 @p2 $0x1  }
0x17: {  	s4 =	simm.s32 $0x1BF5;
	[smem:$0x3FA5] =	sst s0  }
0x18: {  	s0 =	sld [smem:$0x3F88];
	_ =	swait.ge [sflag:s4], $0x0  }
0x19: {  	s7 =	sld [smem:$0x3F89]  }
0x1a: {  	s8 =	sadd.s32 $0xFFFFE003, lr  }
0x1b: {  	s9 =	sadd.s32 $0xFFFFFEF7, lr;
	s5 =	simm.s32 $0xFFFFFFFF;
	p2 =	slt.u32 s8, $0xFFFFF086  }
0x1c: {  	p1 =	slt.u32 s9, $0xF7A;
	s5 =	simm.s32 @!p2 $0x0  }
0x1d: {  	s5 =	simm.s32 @p1 $0x1;
	p0 =	seq.s32 s7, s2  }
0x1e: {  	s7 =	smul.u32 @!p0 $0xF7A, s2;
	p2 =	seq.s32 @!p0 s5, $0x0  }
0x1f: {  	s9 =	smul.u32 $0xF7A, s1;
	s8 =	simm.s32 @!p0 $0x1BF5;
	p2 =	por !p2, p0  }
0x20: {  	[sflag:s8] =	ssyncset.s32 @!p0 $0xFFFFF086;
	s6 =	sadd.s32 @!p0 s3, s7;
	s7 =	simm.s32 @!p0 $0x108  }
0x21: {  	s3 =	sadd.s32 s3, s9;
	s6 =	sadd.s32 @!p0 $0x88, s6;
	s7 =	simm.s32 @p2 $0x1082  }
0x22: {  	[simem:s7], [sflag:s8] =	dma.local @!p0 [hbm:s6], $0xF7A  }
0x23: {  	s9 =	sor.u32 $0xD0000000, s2;
	s6 =	simm.s32 $0x108;
	_ =	swait.ge @!p0 [sflag:s8], $0x0  }
0x24: {  	s3 =	sadd.s32 $0x88, s3;
	s6 =	simm.s32 @!p1 $0x1082;
	[sflag:s4] =	ssyncset.s32 $0xFFFFF086  }
0x25: {  	[simem:s6], [sflag:s4] =	dma.local [hbm:s3], $0xF7A  }
0x26: {  	[smem:$0x3F89] =	sst s1;
	(tag) =	ssettag s2;
	_ =	strace s9  }
0x27: {  	s1 =	sld [smem:$0x3F99]  }
0x28: {  	s2 =	sld [smem:$0x3F9A]  }
0x29: {  	s4 =	sld [smem:$0x3F9C]  }
0x2a: {  	p0 =	seq.s32 s5, $0x0;
	s5 =	sld [smem:$0x3F9D]  }
0x2b: {  	s6 =	sld [smem:$0x3F9E]  }
0x2c: {  	s7 =	sld [smem:$0x3F9F]  }
0x2d: {  	s3 =	simm.s32 $0x108;
	s8 =	sld [smem:$0x3FA0]  }
0x2e: {  	s3 =	simm.s32 @!p0 $0x1082;
	s9 =	sld [smem:$0x3FA1]  }
0x2f: {  	lr =	sadd.s32 s0, s3;
	s0 =	sld [smem:$0x3F98]  }
0x30: {  	s3 =	sld [smem:$0x3F9B]  }
0x31: {  	[smem:$0x3FA4] =	sst s10  }
0x32: {  	s10 =	sld [smem:$0x3FA2];
	_ =	sdelay $0x3  }
0x33: {  	p0 =	seq.s32 s10, $0x1;
	s10 =	sld [smem:$0x3FA4];
	_ =	sdelay $0x3  }
0x34: {  	[smem:$0x3FA4] =	sst s10  }
0x35: {  	s10 =	sld [smem:$0x3FA3];
	_ =	sdelay $0x3  }
0x36: {  	p1 =	seq.s32 s10, $0x1;
	s10 =	sld [smem:$0x3FA4];
	_ =	sdelay $0x3  }
0x37: {  	[smem:$0x3FA4] =	sst s10  }
0x38: {  	s10 =	sld [smem:$0x3FA5]  }
0x39: {  	_ = 	snop;
	(pc) =	sbr.ind lr, $3  }
0x3a: {  	_ = 	snop  }
0x3b: {  	_ = 	snop  }
0x3c: {  	p2 =	seq.s32 s10, $0x1;
	s10 =	sld [smem:$0x3FA4]  }
0x3d: {  	_ =	shalt  }
0x3e: {  	_ =	shalt  }
0x3f: {  	_ =	shalt  }
0x40: {  	_ =	shalt  }
0x41: {  	_ =	shalt  }
0x42: {  	_ =	shalt  }
0x43: {  	_ =	shalt  }
0x44: {  	_ =	shalt  }
0x45: {  	_ =	shalt  }
0x46: {  	_ =	shalt  }
0x47: {  	_ =	shalt  }
0x48: {  	_ =	shalt  }
0x49: {  	_ =	shalt  }
0x4a: {  	_ =	shalt  }
0x4b: {  	_ =	shalt  }
0x4c: {  	_ =	shalt  }
0x4d: {  	_ =	shalt  }
0x4e: {  	_ =	shalt  }
0x4f: {  	_ =	shalt  }
0x50: {  	_ =	shalt  }
0x51: {  	_ =	shalt  }
0x52: {  	_ =	shalt  }
0x53: {  	_ =	shalt  }
0x54: {  	_ =	shalt  }
0x55: {  	_ =	shalt  }
0x56: {  	_ =	shalt  }
0x57: {  	_ =	shalt  }
0x58: {  	_ =	shalt  }
0x59: {  	_ =	shalt  }
0x5a: {  	_ =	shalt  }
0x5b: {  	_ =	shalt  }
0x5c: {  	_ =	shalt  }
0x5d: {  	_ =	shalt  }
0x5e: {  	_ =	shalt  }
0x5f: {  	_ =	shalt  }
0x60: {  	_ =	shalt  }
0x61: {  	_ =	shalt  }
0x62: {  	_ =	shalt  }
0x63: {  	_ =	shalt  }
0x64: {  	_ =	shalt  }
0x65: {  	_ =	shalt  }
0x66: {  	_ =	shalt  }
0x67: {  	_ =	shalt  }
0x68: {  	_ =	shalt  }
0x69: {  	_ =	shalt  }
0x6a: {  	_ =	shalt  }
0x6b: {  	_ =	shalt  }
0x6c: {  	_ =	shalt  }
0x6d: {  	_ =	shalt  }
0x6e: {  	_ =	shalt  }
0x6f: {  	_ =	shalt  }
0x70: {  	_ =	shalt  }
0x71: {  	_ =	shalt  }
0x72: {  	_ =	shalt  }
0x73: {  	_ =	shalt  }
0x74: {  	_ =	shalt  }
0x75: {  	_ =	shalt  }
0x76: {  	_ =	shalt  }
0x77: {  	_ =	shalt  }
0x78: {  	_ =	shalt  }
0x79: {  	_ =	shalt  }
0x7a: {  	_ =	shalt  }
0x7b: {  	_ =	shalt  }
0x7c: {  	_ =	shalt  }
0x7d: {  	_ =	shalt  }
0x7e: {  	_ =	shalt  }
0x7f: {  	_ =	shalt  }
0x80: {  	_ =	shalt  }
0x81: {  	_ =	shalt  }
0x82: {  	_ =	shalt  }
0x83: {  	_ =	shalt  }
0x84: {  	_ =	shalt  }
0x85: {  	_ =	shalt  }
0x86: {  	_ =	shalt  }
0x87: {  	_ =	shalt  }
.Lfunc_end0:
.L_simem_size_0:
called_computation.2_lowered:
.L_overlay_start_0:
0x88: {  	s2 =	sld [smem:$0x3FD9]  }
0x89: {  	s3 =	sld [smem:$0x3FFE];
	_ =	sdelay $0x1  }
0x8a: {  	s1 =	srdreg.scid  }
0x8b: {  	s0 =	sand.u32 $0x1, s1  }
0x8c: {  	s15 =	sshll.u32 s0, $0xA;
	s2 =	sadd.s32 s3, s2  }
0x8d: {  	s2 =	sadd.s32 s2, s15  }
0x8e: {  	[smem:$0x3FB0] =	sst s2  }
0x8f: {  	_ = 	snop  }
0x90: {  	(tm) =	ssettm $0x1  }
0x91: {  	s16 =	sld [smem:$0x3FFB];
	_ =	sdelay $0x3  }
0x92: {  	_ =	strace s16  }
0x93: {  	s2 =	sld [smem:$0x3FFC];
	_ =	sdelay $0x3  }
0x94: {  	_ =	strace s2  }
0x95: {  	s2 =	sld [smem:$0x3FFD];
	_ =	sdelay $0x3  }
0x96: {  	_ =	strace s2  }
0x97: {  	_ =	strace $0x8FFFFFFF  }
0x98: {  	s17 =	sld [smem:$0x3FDB];
	_ =	sdelay $0x1  }
0x99: {  	s18 =	simm.s32 $_scs_section_size  }
0x9a: {  	s4 =	simm.s32 $_size__tile_overlayer_lowered;
	s5 =	simm.s32 $_tile_overlayer_lowered  }
0x9b: {  	s6 =	simm.s32 $0x1BFF;
	s19 =	sshll.u32 s5, $0x1;
	s3 =	sadd.s32 s18, s17  }
0x9c: {  	s20 =	simm.s32 $0x0;
	s4 =	sshll.u32 s4, $0x1;
	s5 =	sadd.s32 s19, s3  }
0x9d: {  	[timem:s20], [sflag:s6] =	dma.local [hbm:s5], s4  }
0x9e: {  	_ =	swait.ge [sflag:s6], s4  }
0x9f: {  	s4 =	ssub.s32 $0x0, s4;
	[sflag:s6] =	ssyncset.done $0x0  }
0xa0: {  	[sflag:s6] =	ssyncadd.s32 s4;
	_ =	sdelay $0x1  }
0xa1: {  	s21 =	simm.s32 $0x1B8B  }
0xa2: {  	_ =	swait.ge [sflag:s21], $0x1  }
0xa3: {  	[sflag:s21] =	ssyncset.done $0x0  }
0xa4: {  	s22 =	sld [smem:$0x3FFE];
	[sflag:s21] =	ssyncadd.s32 $0xFFFFFFFF  }
0xa5: {  	s24 =	simm.s32 $0x1B8E;
	s23 =	sld [smem:$0x0]  }
0xa6: {  	s25 =	simm.s32 $execute0_lowered;
	[smem:$0x3FD2] =	sst s24  }
0xa7: {  	s6 =	sshll.u32 s25, $0x1;
	_ =	strace $0x8000004F;
	[dreg:$0x1] =	wrdreg $0xFFFFFFFF  }
0xa8: {  	s7 =	simm.s32 $_size_execute0_lowered;
	s6 =	sadd.s32 s3, s6;
	[dreg:$0x0] =	wrdreg $0x0  }
0xa9: {  	s7 =	sshll.u32 s7, $0x1;
	[dreg:$0x2] =	wrdreg s6  }
0xaa: {  	[dreg:$0x3] =	wrdreg s7  }
0xab: {  	[dreg:$0x4] =	wrdreg $0xC0  }
0xac: {  	s26 =	simm.s32 $execute1_lowered;
	_ =	task [dreg:s20], $0x5FFFF  }
0xad: {  	s6 =	sshll.u32 s26, $0x1;
	[dreg:$0x1] =	wrdreg $0xFFFFFFFF  }
0xae: {  	s3 =	sadd.s32 s3, s6;
	[dreg:$0x0] =	wrdreg $0x60  }
0xaf: {  	[dreg:$0x2] =	wrdreg s3  }
0xb0: {  	[dreg:$0x3] =	wrdreg s22  }
0xb1: {  	[dreg:$0x4] =	wrdreg $0x9  }
0xb2: {  	_ =	task.clear_ibuf [dreg:s20], $0x5FFFF;
	_ =	strace $0x9000004F  }
0xb3: {  	s28 =	simm.s32 $0x9;
	_ =	strace $0x80000051  }
0xb4: {  	_ =	swait.ge [sflag:s28], $0x1  }
0xb5: {  	[sflag:s28] =	ssyncadd.s32 $0xFFFFFFFF  }
0xb6: {  	_ =	strace $0x90000051  }
0xb7: {  	s3 =	sld [smem:$0x0]  }
0xb8: {  	s6 =	sand.u32 $0xFFFFFFFE, s1  }
0xb9: {  	p0 =	sne.s32 s1, s6  }
0xba: {  	s6 =	sshll.u32 @p0 s6, $0xE  }
0xbb: {  	s6 =	sadd.s32 @p0 $0x11BF3, s6;
	s7 =	sshll.u32 @p0 s3, $0x11  }
0xbc: {  	s6 =	sor.u32 @p0 s7, s6  }
0xbd: {  	[sflag:s6] =	ssyncadd.remote.s32 @p0 $0x1;
	_ =	sdelay $0x1  }
0xbe: {  	s6 =	simm.s32 @p0 $0x1BF3  }
0xbf: {  	_ =	swait.eq @p0 [sflag:s6], $0x1  }
0xc0: {  	[sflag:s6] =	ssyncadd.s32 @p0 $0xFFFFFFFF  }
0xc1: {  	s7 =	sshll.u32 @!p0 s1, $0xE  }
0xc2: {  	s7 =	sor.u32 @!p0 $0x4000, s7;
	s6 =	simm.s32 @!p0 $0x1BF3  }
0xc3: {  	s3 =	sshll.u32 @!p0 s3, $0x11;
	s7 =	sadd.s32 @!p0 $0x11BF3, s7;
	_ =	swait.eq @!p0 [sflag:s6], $0x1  }
0xc4: {  	s3 =	sor.u32 @!p0 s3, s7;
	[sflag:s6] =	ssyncadd.s32 @!p0 $0xFFFFFFFF  }
0xc5: {  	[sflag:s3] =	ssyncadd.remote.s32 @!p0 $0x1  }
0xc6: {  	_ =	strace $0x80000052;
	[dreg:$0x1] =	wrdreg $0xFFFFFFFF  }
0xc7: {  	[dreg:$0x0] =	wrdreg $0x2030  }
0xc8: {  	[dreg:$0x2] =	wrdreg s22  }
0xc9: {  	[dreg:$0x3] =	wrdreg s1  }
0xca: {  	[dreg:$0x4] =	wrdreg s23  }
0xcb: {  	[dreg:$0x5] =	wrdreg $0xA  }
0xcc: {  	_ =	task.clear_ibuf [dreg:s20], $0x6FFFF;
	_ =	strace $0x90000052  }
0xcd: {  	s29 =	simm.s32 $0xA;
	_ =	strace $0x80000054  }
0xce: {  	_ =	swait.ge [sflag:s29], $0x1  }
0xcf: {  	[sflag:s29] =	ssyncadd.s32 $0xFFFFFFFF  }
0xd0: {  	_ =	strace $0x90000054  }
0xd1: {  	_ =	sfence  }
0xd2: {  	s30 =	sld [smem:$0x0];
	_ =	sdelay $0x2  }
0xd3: {  	s31 =	sshll.u32 s1, $0xD;
	s1 =	sshrl.u32 s1, $0x2  }
0xd4: {  	s4 =	sand.u32 $0x4000, s31;
	s1 =	sadd.s32 s1, s30  }
0xd5: {  	s0 =	sor.u32 s4, s0;
	s1 =	sshll.u32 s1, $0x11  }
0xd6: {  	s0 =	sor.u32 s1, s0  }
0xd7: {  	s0 =	sadd.s32 $0x8F2B, s0  }
0xd8: {  	[sflag:s0] =	ssyncadd.remote.s32 $0x1  }
0xd9: {  	_ =	sfence.sel $0xFFFF  }
0xda: {  	[dreg:$0x0] =	wrdreg $0xFFFFFFFF;
	(pc) =	sbr.abs _section_cstart, $3  }
0xdb: {  	[dreg:$0x1] =	wrdreg $0xFFFFFFFF  }
0xdc: {  	_ =	task.clear_ibuf [dreg:s20], $0x2FFFF;
	_ =	strace $0x9FFFFFFF  }
0xdd: {  	(tm) =	ssettm $0x7FFFFFFF  }
tec
execute0_lowered:
.L_overlay_start_1:
0x0: {  	(tag) =	ssettag $0x1  }
0x1: {  	s2 =	rddreg [dreg:$0x0]  }
0x2: {  	s4 =	rddreg [dreg:$0x1]  }
0x3: {  	s3 =	stileid.u32;
	[bflag:$0x3] =	sbarrier.arrive $0xFFFF;
	s1 =	simm.s32 $_size_execute1_lowered  }
0x4: {  	s26 =	srdreg.scid;
	s30 =	simm.s32 $0x1;
	s7 =	simm.s32 $0x2  }
0x5: {  	s12 =	simm.s32 $0x0;
	p0 =	sne.s32 s3, $0x0;
	s0 =	sshll.u32 s1, $0x1  }
0x6: {  	s5 =	simm.s32 @!p0 $0x1C3F;
	s6 =	simm.s32 @!p0 $0x4060;
	[dreg:$0x3] =	wrdreg s0  }
0x7: {  	[timem:s6], [sflag:s5] =	dma.local @!p0 [hbm:s2], s0  }
0x8: {  	s10 =	simm.s32 $0x0;
	s11 =	simm.s32 $0x0;
	s2 =	sshll.u32 s26, $0x6  }
.Ltmp0:
0x9: {  	s3 =	sshll.u32 s3, $0x7;
	s28 =	sand.u32 $0x40, s2;
	(pc) =	sbr.rel .LBB2_1-.Ltmp0, $4  }
0xa: {  	s25 =	sadd.s32 $0x15000, s4;
	_ =	strace $0x80000050;
	s3 =	sor.u32 s3, s28  }
0xb: {  	s29 =	sadd.s32 $0x63200, s4;
	[sflag:s30] =	ssyncpa.u1 $0x0;
	s31 =	ssub.s32 $0x2700, s3  }
0xc: {  	[dreg:$0x4] =	wrdreg s29;
	[sflag:s7] =	ssyncpa.u1 $0x0;
	s6 =	sshrl.u32 s31, $0xB  }
0xd: {  	s9 =	smov.u32 s3;
	[dreg:$0x5] =	wrdreg s3;
	s7 =	sadd.s32 $0x2, s6  }
.LBB2_4:
0xe: {  	_ = 	snop  }
.LBB2_9:
0xf: {  	_ =	sdelay $0x3  }
0x10: {  	[tilespmem:v0+s23+$0x0 ss:$0x1] =	vst.idx.msk @p1 $0xffff, v2  }
0x11: {  	s0 =	sor.u32 s29, s28;
	v2 =	vld.idx.msk @p1 [tilespmem:v1+s15+$0x0 ss:$0x1], $0xffff;
	[tilespmem:v0+s22+$0x0 ss:$0x1] =	vst.idx.msk @p1 $0xffff, v3  }
0x12: {  	s1 =	sand.u32 $0x80, s18;
	v3 =	vld.idx.msk @p1 [tilespmem:v1+s16+$0x0 ss:$0x1], $0xffff;
	[tilespmem:v0+s19+$0x0 ss:$0x1] =	vst.idx.msk @p1 $0xffff, v6;
	s2 =	sand.u32 $0x3B00, s0  }
0x13: {  	v6 =	vld.idx.msk @p1 [tilespmem:v1+s17+$0x0 ss:$0x1], $0xffff;
	[tilespmem:v0+s24+$0x0 ss:$0x1] =	vst.idx.msk @p1 $0xffff, v4;
	s0 =	sand.u32 $0x3B80, s0;
	s1 =	sor.u32 s1, s2  }
0x14: {  	[tilespmem:v0+s21+$0x0 ss:$0x1] =	vst.idx.msk @p1 $0xffff, v5;
	s24 =	sor.u32 $0x410, s0;
	v48 =	vld.idx.msk [tilespmem:v1+s1+$0x0 ss:$0x1], $0xffff  }
0x15: {  	s26 =	sor.u32 $0x420, s0;
	[tilespmem:v0+s20+$0x0 ss:$0x1] =	vst.idx.msk @p1 $0xffff, v7;
	v57 =	vld.idx.msk [tilespmem:v1+s24+$0x0 ss:$0x1], $0xffff  }
0x16: {  	s28 =	sor.u32 $0x430, s0;
	v58 =	vld.idx.msk [tilespmem:v1+s26+$0x0 ss:$0x1], $0xffff;
	[tilespmem:v0+s15+$0x0 ss:$0x1] =	vst.idx.msk @p1 $0xffff, v2  }
0x17: {  	s29 =	sor.u32 $0x440, s0;
	v59 =	vld.idx.msk [tilespmem:v1+s28+$0x0 ss:$0x1], $0xffff;
	[tilespmem:v0+s16+$0x0 ss:$0x1] =	vst.idx.msk @p1 $0xffff, v3  }
0x18: {  	s30 =	sor.u32 $0x450, s0;
	v60 =	vld.idx.msk [tilespmem:v1+s29+$0x0 ss:$0x1], $0xffff;
	[tilespmem:v0+s17+$0x0 ss:$0x1] =	vst.idx.msk @p1 $0xffff, v6  }
0x19: {  	s31 =	sor.u32 $0x460, s0;
	v61 =	vld.idx.msk [tilespmem:v1+s30+$0x0 ss:$0x1], $0xffff;
	[tilespmem:v0+s1+$0x0 ss:$0x1] =	vst.idx.msk $0xffff, v48  }
0x1a: {  	s0 =	sor.u32 $0x470, s0;
	v62 =	vld.idx.msk [tilespmem:v1+s31+$0x0 ss:$0x1], $0xffff;
	[tilespmem:v0+s24+$0x0 ss:$0x1] =	vst.idx.msk $0xffff, v57  }
0x1b: {  	s2 =	sor.u32 $0x400, s1;
	v63 =	vld.idx.msk [tilespmem:v1+s0+$0x0 ss:$0x1], $0xffff;
	[tilespmem:v0+s26+$0x0 ss:$0x1] =	vst.idx.msk $0xffff, v58  }
0x1c: {  	s4 =	sor.u32 $0x10, s1;
	v49 =	vld.idx.msk [tilespmem:v1+s2+$0x0 ss:$0x1], $0xffff;
	[tilespmem:v0+s28+$0x0 ss:$0x1] =	vst.idx.msk $0xffff, v59  }
0x1d: {  	s5 =	sor.u32 $0x20, s1;
	v50 =	vld.idx.msk [tilespmem:v1+s4+$0x0 ss:$0x1], $0xffff;
	[tilespmem:v0+s29+$0x0 ss:$0x1] =	vst.idx.msk $0xffff, v60  }
0x1e: {  	s8 =	sor.u32 $0x30, s1;
	v51 =	vld.idx.msk [tilespmem:v1+s5+$0x0 ss:$0x1], $0xffff;
	[tilespmem:v0+s30+$0x0 ss:$0x1] =	vst.idx.msk $0xffff, v61  }
0x1f: {  	s21 =	sor.u32 $0x40, s1;
	v52 =	vld.idx.msk [tilespmem:v1+s8+$0x0 ss:$0x1], $0xffff;
	[tilespmem:v0+s31+$0x0 ss:$0x1] =	vst.idx.msk $0xffff, v62  }
0x20: {  	s22 =	sor.u32 $0x50, s1;
	v53 =	vld.idx.msk [tilespmem:v1+s21+$0x0 ss:$0x1], $0xffff;
	[tilespmem:v0+s0+$0x0 ss:$0x1] =	vst.idx.msk $0xffff, v63  }
0x21: {  	s23 =	sor.u32 $0x60, s1;
	v54 =	vld.idx.msk [tilespmem:v1+s22+$0x0 ss:$0x1], $0xffff;
	[tilespmem:v0+s2+$0x0 ss:$0x1] =	vst.idx.msk $0xffff, v49  }
0x22: {  	v55 =	vld.idx.msk [tilespmem:v1+s23+$0x0 ss:$0x1], $0xffff;
	s1 =	sor.u32 $0x70, s1;
	[tilespmem:v0+s4+$0x0 ss:$0x1] =	vst.idx.msk $0xffff, v50  }
0x23: {  	v56 =	vld.idx.msk [tilespmem:v1+s1+$0x0 ss:$0x1], $0xffff;
	[tilespmem:v0+s5+$0x0 ss:$0x1] =	vst.idx.msk $0xffff, v51  }
0x24: {  	[tilespmem:v0+s8+$0x0 ss:$0x1] =	vst.idx.msk $0xffff, v52  }
0x25: {  	[tilespmem:v0+s21+$0x0 ss:$0x1] =	vst.idx.msk $0xffff, v53  }
0x26: {  	[tilespmem:v0+s22+$0x0 ss:$0x1] =	vst.idx.msk $0xffff, v54  }
0x27: {  	[tilespmem:v0+s23+$0x0 ss:$0x1] =	vst.idx.msk $0xffff, v55  }
0x28: {  	[tilespmem:v0+s1+$0x0 ss:$0x1] =	vst.idx.msk $0xffff, v56  }
.LBB2_10:
0x29: {  	s0 =	sshll.u32 s10, $0x8;
	s1 =	sshll.u32 s10, $0x7  }
0x2a: {  	s0 =	sand.u32 $0xFFFFF800, s0;
	s1 =	sand.u32 $0x300, s1  }
0x2b: {  	s0 =	sor.u32 s1, s0  }
0x2c: {  	s0 =	sshrl.u32 s0, $0x8  }
0x2d: {  	s28 =	smulhi.u32 $0x1A36E3, s0;
	_ =	sdelay $0x1  }
0x2e: {  	s1 =	sshrl.u32 s28, $0x2  }
0x2f: {  	s1 =	smul.u32 $0x2710, s1  }
0x30: {  	s2 =	sshll.u32 s10, $0x4  }
0x31: {  	s30 =	rddreg [dreg:$0x4];
	s29 =	sand.u32 $0x10, s2;
	s0 =	ssub.s32 s0, s1  }
0x32: {  	s1 =	sadd.s32 s30, s29;
	s0 =	sshll.u32 s0, $0x5  }
0x33: {  	s31 =	simm.s32 $0x0;
	s0 =	sadd.s32 s0, s1  }
0x34: {  	[hbm4b:s0+s31] =	stream.linear.scatter [tilespmem:s14], [sflag:$0x2], s13, $0x38;
	[tilespmem:$0x10000] =	vst v63  }
.LBB2_11:
0x35: {  	p1 =	slt.u32 s11, $0x2  }
0x36: {  	p2 =	sgt.s32 @!p1 s12, $0x26D0  }
0x37: {  	s0 =	smov.u32 s12;
	s1 =	sshra.s32 @!p1 s12, $0x1F;
	p2 =	por !p2, p1  }
0x38: {  	s1 =	sand.u32 @!p1 s1, s12;
	s0 =	simm.s32 @p2 $0x26D0  }
0x39: {  	s0 =	ssub.s32 @!p1 s0, s1  }
0x3a: {  	s0 =	sadd.s32 @!p1 $0xFFFFD930, s0  }
0x3b: {  	s1 =	sshll.u32 @!p1 s0, $0xA  }
0x3c: {  	p2 =	sgt.s32 @!p1 s0, $0x3F;
	s0 =	ssub.s32 @!p1 $0x10000, s1  }
0x3d: {  	s2 =	sadd.s32 $0x800, s9;
	p2 =	por !p2, p1;
	s0 =	sshrl.u32 @!p1 s0, $0x2  }
0x3e: {  	s0 =	simm.s32 @!p2 $0x0;
	p2 =	sgt.s32 s2, $0x270F  }
0x3f: {  	s2 =	smov.u32 @p2 s3;
	p2 =	sne.s32 s11, s7  }
.Ltmp1:
0x40: {  	_ = 	snop;
	(pc) =	sbr.rel @!p2 .LBB2_12-.Ltmp1, $4  }
0x41: {  	s1 =	simm.s32 @!p1 $0x2  }
0x42: {  	s12 =	smov.u32 s10;
	_ =	swait.ge @!p1 [sflag:s1], s0  }
0x43: {  	s10 =	smov.u32 s9;
	s0 =	ssub.s32 @!p1 $0x0, s0;
	[sflag:s1] =	ssyncset.done @!p1 $0x0  }
0x44: {  	s11 =	sadd.s32 $0x1, s11;
	s9 =	smov.u32 s2;
	[sflag:s1] =	ssyncadd.s32 @!p1 s0  }
.LBB2_1:
0x45: {  	p1 =	sgt.u32 s11, s6  }
0x46: {  	s13 =	sshll.u32 @!p1 s9, $0x8;
	s14 =	sshll.u32 @!p1 s9, $0x7  }
0x47: {  	s13 =	sand.u32 @!p1 $0xFFFFF800, s13;
	s14 =	sand.u32 @!p1 $0x300, s14  }
0x48: {  	s13 =	sor.u32 @!p1 s14, s13  }
0x49: {  	s15 =	smov.u32 s9;
	p2 =	sgt.s32 @!p1 s9, $0x26D0;
	s13 =	sshrl.u32 @!p1 s13, $0x8  }
0x4a: {  	s16 =	sshra.s32 @!p1 s9, $0x1F;
	p2 =	por !p2, p1;
	s14 =	smulhi.u32 @!p1 $0x1A36E3, s13  }
0x4b: {  	s16 =	sand.u32 @!p1 s16, s9;
	s15 =	simm.s32 @p2 $0x26D0  }
0x4c: {  	s15 =	ssub.s32 @!p1 s15, s16;
	s16 =	sxor.u32 @!p1 $0xFFFFFFFF, s11;
	s14 =	sshrl.u32 @!p1 s14, $0x2  }
0x4d: {  	s15 =	sadd.s32 @!p1 $0xFFFFD930, s15;
	s16 =	sshll.u32 @!p1 s16, $0xE;
	s14 =	smul.u32 @!p1 $0x2710, s14  }
0x4e: {  	p2 =	sgt.s32 @!p1 s15, $0x3F;
	s16 =	sand.u32 @!p1 $0x4000, s16  }
0x4f: {  	s13 =	ssub.s32 @!p1 s13, s14;
	s14 =	sshll.u32 @!p1 s15, $0xA;
	s15 =	sshll.u32 @!p1 s9, $0x4  }
0x50: {  	p2 =	por !p2, p1;
	s14 =	ssub.s32 @!p1 $0x10000, s14;
	s15 =	sand.u32 @!p1 $0x10, s15  }
0x51: {  	s13 =	sshll.u32 @!p1 s13, $0x5;
	s14 =	sshrl.u32 @!p1 s14, $0x2;
	s15 =	sadd.s32 @!p1 s25, s15  }
0x52: {  	s14 =	simm.s32 @!p2 $0x0;
	s13 =	sadd.s32 @!p1 s13, s15;
	s15 =	simm.s32 @!p1 $0x0  }
0x53: {  	[tilespmem:s16], [sflag:$0x1] =	stream.linear.gather @!p1 [hbm4b:s13+s15], s14, $0x38;
	[tilespmem:$0x10000] =	vst v63  }
0x54: {  	p1 =	seq.s32 s11, $0x0  }
0x55: {  	p2 =	sge.u32 @!p1 s11, s7  }
0x56: {  	p1 =	por p1, p2  }
.Ltmp2:
0x57: {  	_ = 	snop;
	(pc) =	sbr.rel @p1 .LBB2_11-.Ltmp2, $1  }
0x58: {  	_ =	sdelay $0x3  }
0x59: {  	p1 =	sgt.s32 s10, $0x26D0;
	s13 =	smov.u32 s10;
	s14 =	sshra.s32 s10, $0x1F  }
0x5a: {  	s13 =	simm.s32 @!p1 $0x26D0;
	s14 =	sand.u32 s14, s10  }
0x5b: {  	s13 =	ssub.s32 s13, s14  }
0x5c: {  	s13 =	sadd.s32 $0xFFFFD930, s13  }
0x5d: {  	s31 =	sshll.u32 s13, $0xA  }
0x5e: {  	s14 =	ssub.s32 $0x10000, s31  }
0x5f: {  	p1 =	sgt.s32 s13, $0x3F;
	s13 =	sshrl.u32 s14, $0x2;
	s14 =	sadd.s32 $0x40, s10  }
0x60: {  	s13 =	simm.s32 @p1 $0x0;
	p1 =	slt.s32 s14, $0x2710  }
0x61: {  	s14 =	simm.s32 @!p1 $0x2710  }
0x62: {  	s15 =	ssub.s32 s14, s10  }
0x63: {  	p1 =	slt.s32 s15, $0x1  }
.Ltmp3:
0x64: {  	_ = 	snop;
	(pc) =	sbr.rel @p1 .LBB2_10-.Ltmp3, $4  }
0x65: {  	s0 =	simm.s32 $0x1  }
0x66: {  	s16 =	sshll.u32 s11, $0xE;
	_ =	swait.ge [sflag:s0], s13  }
0x67: {  	s16 =	sand.u32 $0x4000, s16;
	s17 =	ssub.s32 $0x0, s13;
	[sflag:s0] =	ssyncset.done $0x0  }
0x68: {  	s14 =	sor.u32 $0x8000, s16;
	[sflag:s0] =	ssyncadd.s32 s17  }
0x69: {  	p2 =	sne.s32 s15, $0x1  }
.Ltmp4:
0x6a: {  	v1 =	vmov s16;
	v0 =	vmov s14;
	(pc) =	sbr.rel @!p2 .LBB2_4-.Ltmp4, $3  }
0x6b: {  	_ =	sdelay $0x1  }
0x6c: {  	s18 =	simm.s32 $0x0;
	s26 =	sadd.s32 $0xFFFFFFFF, s15  }
0x6d: {  	p1 =	por $0x0, $0x0;
	s28 =	sand.u32 $0xFFFFF800, s18;
	s29 =	sand.u32 $0x380, s18  }
0x6e: {  	_ = 	snop  }
0x6f: {  	s15 =	sor.u32 s29, s28  }
0x70: {  	s16 =	sand.u32 $0x80, s18;
	s17 =	sand.u32 $0x3B00, s15  }
0x71: {  	s31 =	sand.u32 $0x3B80, s15;
	s16 =	sor.u32 s16, s17  }
0x72: {  	s19 =	sor.u32 $0x410, s31;
	v2 =	vld.idx.msk [tilespmem:v1+s16+$0x0 ss:$0x1], $0xffff  }
0x73: {  	s17 =	sor.u32 $0x400, s16;
	v6 =	vld.idx.msk [tilespmem:v1+s19+$0x0 ss:$0x1], $0xffff  }
0x74: {  	s5 =	sor.u32 $0x10, s16;
	v3 =	vld.idx.msk [tilespmem:v1+s17+$0x0 ss:$0x1], $0xffff  }
0x75: {  	s8 =	sor.u32 $0x20, s16;
	v4 =	vld.idx.msk [tilespmem:v1+s5+$0x0 ss:$0x1], $0xffff  }
0x76: {  	s28 =	sor.u32 $0x30, s16;
	v5 =	vld.idx.msk [tilespmem:v1+s8+$0x0 ss:$0x1], $0xffff  }
0x77: {  	s29 =	sor.u32 $0x40, s16;
	v7 =	vld.idx.msk [tilespmem:v1+s28+$0x0 ss:$0x1], $0xffff  }
0x78: {  	s30 =	sor.u32 $0x50, s16;
	v8 =	vld.idx.msk [tilespmem:v1+s29+$0x0 ss:$0x1], $0xffff;
	[tilespmem:v0+s16+$0x0 ss:$0x1] =	vst.idx.msk $0xffff, v2  }
0x79: {  	s3 =	smov.u32 s6;
	p2 =	sne.s32 s26, $0x1;
	s23 =	sor.u32 $0x60, s16;
	v9 =	vld.idx.msk [tilespmem:v1+s30+$0x0 ss:$0x1], $0xffff;
	[tilespmem:v0+s17+$0x0 ss:$0x1] =	vst.idx.msk $0xffff, v3  }
.Ltmp5:
0x7a: {  	s6 =	smov.u32 s25;
	s22 =	sor.u32 $0x70, s16;
	v2 =	vld.idx.msk [tilespmem:v1+s23+$0x0 ss:$0x1], $0xffff;
	[tilespmem:v0+s5+$0x0 ss:$0x1] =	vst.idx.msk $0xffff, v4;
	(pc) =	sbr.rel @!p2 .LBB2_6-.Ltmp5, $4  }
0x7b: {  	s25 =	simm.s32 $0x100;
	s18 =	simm.s32 $0x80;
	s24 =	sor.u32 $0x420, s31;
	v3 =	vld.idx.msk [tilespmem:v1+s22+$0x0 ss:$0x1], $0xffff;
	[tilespmem:v0+s8+$0x0 ss:$0x1] =	vst.idx.msk $0xffff, v5  }
0x7c: {  	s26 =	sadd.s32 $0xFFFFFFFF, s26;
	p1 =	por $0x1, $0x1;
	s21 =	sor.u32 $0x430, s31;
	[tilespmem:v0+s28+$0x0 ss:$0x1] =	vst.idx.msk $0xffff, v7;
	v4 =	vld.idx.msk [tilespmem:v1+s24+$0x0 ss:$0x1], $0xffff  }
0x7d: {  	s20 =	sor.u32 $0x440, s31;
	s15 =	sor.u32 $0x450, s31;
	s16 =	sor.u32 $0x460, s31;
	[tilespmem:v0+s29+$0x0 ss:$0x1] =	vst.idx.msk $0xffff, v8;
	v5 =	vld.idx.msk [tilespmem:v1+s21+$0x0 ss:$0x1], $0xffff  }
0x7e: {  	s17 =	sor.u32 $0x470, s31;
	s28 =	sand.u32 $0xFFFFF800, s25;
	s29 =	sand.u32 $0x380, s18;
	[tilespmem:v0+s30+$0x0 ss:$0x1] =	vst.idx.msk $0xffff, v9;
	v7 =	vld.idx.msk [tilespmem:v1+s20+$0x0 ss:$0x1], $0xffff  }
.LBB2_7:
0x7f: {  	p2 =	sne.s32 s26, $0x1;
	s28 =	sor.u32 s29, s28;
	[tilespmem:v0+s23+$0x0 ss:$0x1] =	vst.idx.msk $0xffff, v2;
	v2 =	vld.idx.msk [tilespmem:v1+s15+$0x0 ss:$0x1], $0xffff  }
0x80: {  	s23 =	sand.u32 $0x80, s18;
	s29 =	sand.u32 $0x3B00, s28;
	s28 =	sand.u32 $0x3B80, s28;
	[tilespmem:v0+s22+$0x0 ss:$0x1] =	vst.idx.msk $0xffff, v3;
	v3 =	vld.idx.msk [tilespmem:v1+s16+$0x0 ss:$0x1], $0xffff  }
0x81: {  	s29 =	sor.u32 s23, s29;
	s30 =	sor.u32 $0x420, s28;
	[tilespmem:v0+s19+$0x0 ss:$0x1] =	vst.idx.msk $0xffff, v6;
	s19 =	sor.u32 $0x410, s28;
	v6 =	vld.idx.msk [tilespmem:v1+s17+$0x0 ss:$0x1], $0xffff  }
0x82: {  	v8 =	vld.idx.msk [tilespmem:v1+s29+$0x0 ss:$0x1], $0xffff;
	s31 =	sor.u32 $0x10, s29;
	s0 =	sor.u32 $0x20, s29;
	s1 =	sor.u32 $0x400, s29;
	[tilespmem:v0+s24+$0x0 ss:$0x1] =	vst.idx.msk $0xffff, v4  }
0x83: {  	s8 =	sor.u32 $0x30, s29;
	s4 =	sor.u32 $0x40, s29;
	s2 =	sor.u32 $0x50, s29;
	v4 =	vld.idx.msk [tilespmem:v1+s1+$0x0 ss:$0x1], $0xffff;
	[tilespmem:v0+s21+$0x0 ss:$0x1] =	vst.idx.msk $0xffff, v5  }
0x84: {  	s23 =	sor.u32 $0x60, s29;
	s22 =	sor.u32 $0x70, s29;
	s21 =	sor.u32 $0x430, s28;
	v5 =	vld.idx.msk [tilespmem:v1+s31+$0x0 ss:$0x1], $0xffff;
	[tilespmem:v0+s20+$0x0 ss:$0x1] =	vst.idx.msk $0xffff, v7  }
0x85: {  	s5 =	sor.u32 $0x460, s28;
	s20 =	sor.u32 $0x440, s28;
	v7 =	vld.idx.msk [tilespmem:v1+s0+$0x0 ss:$0x1], $0xffff;
	[tilespmem:v0+s15+$0x0 ss:$0x1] =	vst.idx.msk $0xffff, v2;
	s15 =	sor.u32 $0x450, s28  }
0x86: {  	s24 =	smov.u32 s30;
	s28 =	sor.u32 $0x470, s28;
	v9 =	vld.idx.msk [tilespmem:v1+s8+$0x0 ss:$0x1], $0xffff;
	[tilespmem:v0+s16+$0x0 ss:$0x1] =	vst.idx.msk $0xffff, v3;
	s16 =	smov.u32 s5  }
0x87: {  	v10 =	vld.idx.msk [tilespmem:v1+s4+$0x0 ss:$0x1], $0xffff;
	[tilespmem:v0+s17+$0x0 ss:$0x1] =	vst.idx.msk $0xffff, v6;
	s17 =	smov.u32 s28  }
0x88: {  	[tilespmem:v0+s29+$0x0 ss:$0x1] =	vst.idx.msk $0xffff, v8;
	v8 =	vld.idx.msk [tilespmem:v1+s2+$0x0 ss:$0x1], $0xffff  }
0x89: {  	v2 =	vld.idx.msk [tilespmem:v1+s23+$0x0 ss:$0x1], $0xffff;
	[tilespmem:v0+s1+$0x0 ss:$0x1] =	vst.idx.msk $0xffff, v4  }
.Ltmp6:
0x8a: {  	[tilespmem:v0+s31+$0x0 ss:$0x1] =	vst.idx.msk $0xffff, v5;
	v3 =	vld.idx.msk [tilespmem:v1+s22+$0x0 ss:$0x1], $0xffff;
	(pc) =	sbr.rel @p2 .LBB2_7-.Ltmp6, $4  }
0x8b: {  	[tilespmem:v0+s0+$0x0 ss:$0x1] =	vst.idx.msk $0xffff, v7;
	v6 =	vld.idx.msk [tilespmem:v1+s19+$0x0 ss:$0x1], $0xffff  }
0x8c: {  	[tilespmem:v0+s8+$0x0 ss:$0x1] =	vst.idx.msk $0xffff, v9;
	v4 =	vld.idx.msk [tilespmem:v1+s24+$0x0 ss:$0x1], $0xffff  }
0x8d: {  	s18 =	sadd.s32 $0x80, s18;
	s25 =	sadd.s32 $0x100, s25;
	[tilespmem:v0+s4+$0x0 ss:$0x1] =	vst.idx.msk $0xffff, v10;
	v5 =	vld.idx.msk [tilespmem:v1+s21+$0x0 ss:$0x1], $0xffff  }
0x8e: {  	s26 =	sadd.s32 $0xFFFFFFFF, s26;
	s28 =	sand.u32 $0xFFFFF800, s25;
	s29 =	sand.u32 $0x380, s18;
	[tilespmem:v0+s2+$0x0 ss:$0x1] =	vst.idx.msk $0xffff, v8;
	v7 =	vld.idx.msk [tilespmem:v1+s20+$0x0 ss:$0x1], $0xffff  }
.Ltmp7:
0x8f: {  	(pc) =	sbr.rel .LBB2_9-.Ltmp7, $2  }
0x90: {  	_ =	sdelay $0x2  }
0x91: {  	s25 =	smov.u32 s6;
	s6 =	smov.u32 s3;
	s3 =	rddreg [dreg:$0x5]  }
.LBB2_6:
.Ltmp8:
0x92: {  	(pc) =	sbr.rel .LBB2_9-.Ltmp8, $2  }
0x93: {  	_ =	sdelay $0x2  }
0x94: {  	s25 =	smov.u32 s6;
	s6 =	smov.u32 s3;
	s3 =	rddreg [dreg:$0x5]  }
.LBB2_12:
0x95: {  	_ =	sfence.sel $0x180000  }
0x96: {  	s0 =	simm.s32 $0x1;
	[bflag:$0x0] =	sbarrier.arrive $0xFFFF  }
0x97: {  	s31 =	simm.s32 $0x2;
	[sflag:s0] =	ssyncpa.u1 $0x1  }
0x98: {  	[sflag:s31] =	ssyncpa.u1 $0x1  }
0x99: {  	_ =	strace $0x90000050  }
0x9a: {  	[bflag:$0x2] =	sbarrier.arrive $0xFFFF  }
0x9b: {  	s0 =	rddreg [dreg:$0x2]  }
0x9c: {  	s0 =	sadd.s32 @!p0 $0x100000, s0  }
0x9d: {  	s1 =	rddreg [dreg:$0x3];
	[sflag:s0] =	ssyncadd.tile.s32 @!p0 $0x1;
	s0 =	simm.s32 @!p0 $0x3F  }
0x9e: {  	_ =	swait.ge @!p0 [sflag:s0], s1  }
0x9f: {  	s1 =	ssub.s32 @!p0 $0x0, s1;
	[sflag:s0] =	ssyncset.done @!p0 $0x0  }
0xa0: {  	[sflag:s0] =	ssyncadd.s32 @!p0 s1  }
0xa1: {  	[bflag:$0x3] =	sbarrier.arrive $0xFFFF  }
0xa2: {  	_ =	shalt  }
.Lfunc_end2:
execute1_lowered:
.L_overlay_start_2:
0xa3: {  	(tag) =	ssettag $0x2  }
0xa4: {  	s2 =	rddreg [dreg:$0x0]  }
0xa5: {  	s3 =	rddreg [dreg:$0x1];
	_ =	strace $0x80000053;
	s0 =	simm.s32 $0x1  }
0xa6: {  	s5 =	simm.s32 $0x208;
	v0 =	vimm.s32 $0x0;
	[sflag:s0] =	ssyncpa.u1 $0x0  }
0xa7: {  	[tilespmem:s5+$0x70] =	vst v0  }
0xa8: {  	[tilespmem:s5+$0x60] =	vst v0  }
0xa9: {  	[tilespmem:s5+$0x50] =	vst v0  }
0xaa: {  	[tilespmem:s5+$0x40] =	vst v0  }
0xab: {  	[tilespmem:s5+$0x30] =	vst v0  }
0xac: {  	s1 =	sadd.s32 $0x63200, s2;
	s0 =	sadd.s32 $0xB200, s2;
	s6 =	sadd.s32 $0x500E00, s2;
	[tilespmem:s5+$0x20] =	vst v0  }
0xad: {  	s4 =	sadd.s32 $0x4F7000, s2;
	s10 =	sand.u32 $0x1, s3;
	s2 =	simm.s32 $0x40;
	[tilespmem:s5+$0x10] =	vst v0  }
.LBB3_1:
0xae: {  	s2 =	sadd.s32 $0x40, s2;
	[tilespmem:s5+$0x0] =	vst v0;
	s5 =	sadd.s32 $0x80, s5  }
0xaf: {  	p0 =	slt.u32 s2, $0x3880;
	[tilespmem:s5+$0x70] =	vst v0  }
0xb0: {  	[tilespmem:s5+$0x60] =	vst v0  }
.Ltmp9:
0xb1: {  	[tilespmem:s5+$0x50] =	vst v0;
	(pc) =	sbr.rel @p0 .LBB3_1-.Ltmp9, $4  }
0xb2: {  	[tilespmem:s5+$0x40] =	vst v0  }
0xb3: {  	[tilespmem:s5+$0x30] =	vst v0  }
0xb4: {  	[tilespmem:s5+$0x20] =	vst v0  }
0xb5: {  	[tilespmem:s5+$0x10] =	vst v0  }
0xb6: {  	s11 =	stileid.u32  }
0xb7: {  	s2 =	smul.u32 $0x59, s11  }
0xb8: {  	s3 =	smin.u32 s11, $0x5  }
0xb9: {  	s2 =	sadd.s32 s3, s2  }
0xba: {  	p0 =	slt.u32 s11, $0x5;
	s20 =	smul.u32 $0x70, s2;
	s2 =	simm.s32 $0x2760  }
0xbb: {  	s2 =	simm.s32 @!p0 $0x26F0  }
0xbc: {  	s2 =	sadd.s32 s2, s20  }
0xbd: {  	s8 =	smin.u32 s2, $0x27100  }
0xbe: {  	s26 =	simm.s32 $0x2;
	s2 =	ssub.s32 s8, s20  }
0xbf: {  	s9 =	simm.s32 $0x9;
	s29 =	simm.s32 $0xA;
	p0 =	sgt.s32 s2, $0x0  }
0xc0: {  	s30 =	simm.s32 $0xB;
	s31 =	smul.u32 $0x4E20, s10;
	s2 =	simm.s32 @!p0 $0x0  }
0xc1: {  	[dreg:$0x4] =	wrdreg s10;
	s12 =	simm.s32 $0x1;
	s25 =	smulhi.u32 $0x92492493, s2  }
0xc2: {  	s24 =	simm.s32 $0x0;
	p1 =	por $0x0, $0x0;
	s18 =	simm.s32 $0x80  }
0xc3: {  	s19 =	simm.s32 $0x400;
	s17 =	simm.s32 $0xC;
	s3 =	sshrl.u32 s25, $0x6  }
0xc4: {  	s21 =	simm.s32 $0x0;
	s23 =	simm.s32 $0x0;
	s28 =	smul.u32 $0x70, s3  }
.Ltmp10:
0xc5: {  	[tilespmem:s5+$0x0] =	vst v0;
	v0 =	vimm.s32 $0xFFFFFFFF;
	[sflag:s26] =	ssyncpa.u1 $0x0;
	s16 =	sshll.u32 s11, $0x9;
	(pc) =	sbr.rel .LBB3_3-.Ltmp10, $4  }
0xc6: {  	[tilespmem:$0xE408] =	vst v0;
	[sflag:s9] =	ssyncpa.u1 $0x0;
	p0 =	sne.s32 s2, s28;
	s2 =	simm.s32 $0x1  }
0xc7: {  	s14 =	sadd.s32 s31, s4;
	[sflag:s29] =	ssyncpa.u1 $0x0;
	s2 =	simm.s32 @!p0 $0x0  }
0xc8: {  	s15 =	sadd.s32 s31, s0;
	[sflag:s30] =	ssyncpa.u1 $0x0;
	s13 =	sadd.s32 s2, s3  }
0xc9: {  	v0 =	vlaneseq.u32;
	s22 =	smov.u32 s20;
	p0 =	por $0x1, $0x1;
	s11 =	sadd.s32 $0x1, s13  }
.LBB3_24:
0xca: {  	s2 =	sshrl.u32 s4, $0x2  }
.LBB3_26:
0xcb: {  	_ =	swait.ge [sflag:s17], s2  }
0xcc: {  	s31 =	ssub.s32 $0x0, s2;
	v1 =	vmov s26;
	vm0 =	veq.s32 v0, $0x0;
	[sflag:s17] =	ssyncset.done $0x0  }
0xcd: {  	vm15 =	veq.s32 v0, $0x2;
	v1 =	vsel vm0, s0, v1;
	[sflag:s17] =	ssyncadd.s32 s31  }
0xce: {  	v1 =	vsel vm15, s24, v1;
	[sflag:s17] =	ssyncpa.u1 $0x1  }
0xcf: {  	[tilespmem:$0xE408] =	vst v1  }
.LBB3_27:
0xd0: {  	s0 =	sadd.s32 $0x70, s22  }
0xd1: {  	s2 =	smov.u32 s20;
	p2 =	slt.s32 s0, s8  }
0xd2: {  	s2 =	smov.u32 @p2 s0;
	p2 =	sne.s32 s23, s11  }
.Ltmp11:
0xd3: {  	_ = 	snop;
	(pc) =	sbr.rel @!p2 .LBB3_28-.Ltmp11, $4  }
0xd4: {  	_ = 	snop  }
0xd5: {  	s24 =	smov.u32 s21  }
0xd6: {  	s31 =	sadd.s32 $0x1, s23;
	s21 =	smov.u32 s22;
	p0 =	por !p0, !p0  }
0xd7: {  	p1 =	por !p1, !p1;
	s23 =	smov.u32 s31;
	s22 =	smov.u32 s2  }
.LBB3_3:
0xd8: {  	p2 =	sge.u32 s23, s13  }
0xd9: {  	s0 =	smulhi.u32 @!p2 $0xAAAAAAAB, s23  }
0xda: {  	s2 =	smov.u32 s22;
	p3 =	sgt.s32 @!p2 s22, $0x27090  }
0xdb: {  	s3 =	sshra.s32 @!p2 s22, $0x1F;
	p3 =	por !p3, p2;
	s0 =	sshrl.u32 @!p2 s0, $0x1  }
0xdc: {  	s3 =	sand.u32 @!p2 s3, s22;
	s2 =	simm.s32 @p3 $0x27090;
	s0 =	smul.u32 @!p2 $0x3, s0  }
0xdd: {  	s2 =	ssub.s32 @!p2 s2, s3  }
0xde: {  	s2 =	sadd.s32 @!p2 $0xFFFD8F70, s2;
	s0 =	ssub.s32 @!p2 s23, s0  }
0xdf: {  	s3 =	sshll.u32 @!p2 s2, $0x2;
	p3 =	sgt.s32 @!p2 s2, $0x6F;
	s0 =	smul.u32 @!p2 $0x1C0, s0  }
0xe0: {  	s4 =	sand.u32 @!p2 $0x7, s22;
	s2 =	ssub.s32 @!p2 $0x1C0, s3;
	p3 =	por !p3, p2  }
0xe1: {  	s3 =	sshrl.u32 @!p2 s22, $0x3;
	s2 =	sshrl.u32 @!p2 s2, $0x2;
	s0 =	sshrl.u32 @!p2 s0, $0x2  }
0xe2: {  	s3 =	sadd.s32 @!p2 s3, s14;
	s2 =	simm.s32 @!p3 $0x0;
	s0 =	sadd.s32 @!p2 $0x10448, s0  }
0xe3: {  	[tilespmem:s0], [sflag:$0xA] =	stream.linear.gather @!p2 [hbm4b:s3+s4], s2, $0x38;
	[tilespmem:$0x1E678] =	vst v63  }
0xe4: {  	s2 =	sadd.s32 $0xFFFFFFFF, s23  }
0xe5: {  	p2 =	sge.u32 s2, s13  }
0xe6: {  	p3 =	sgt.s32 @!p2 s21, $0x27090  }
0xe7: {  	s0 =	smov.u32 s21;
	s3 =	sshra.s32 @!p2 s21, $0x1F;
	p3 =	por !p3, p2  }
0xe8: {  	s3 =	sand.u32 @!p2 s3, s21;
	s0 =	simm.s32 @p3 $0x27090  }
0xe9: {  	s0 =	ssub.s32 @!p2 s0, s3  }
0xea: {  	s0 =	sadd.s32 @!p2 $0xFFFD8F70, s0  }
0xeb: {  	s3 =	sshll.u32 @!p2 s0, $0x2  }
0xec: {  	p3 =	sgt.s32 @!p2 s0, $0x6F;
	s0 =	ssub.s32 @!p2 $0x1C0, s3  }
0xed: {  	p3 =	por !p3, p2;
	s0 =	sshrl.u32 @!p2 s0, $0x2  }
0xee: {  	s4 =	simm.s32 @!p2 $0xA;
	s3 =	sand.u32 @!p2 $0x1, s2;
	s0 =	simm.s32 @!p3 $0x0  }
0xef: {  	s3 =	smul.u32 @!p2 $0x1C0, s3;
	_ =	swait.ge @!p2 [sflag:s4], s0  }
0xf0: {  	s5 =	ssub.s32 @!p2 $0x0, s0;
	[sflag:s4] =	ssyncset.done @!p2 $0x0  }
0xf1: {  	s3 =	sshrl.u32 @!p2 s3, $0x2;
	[sflag:s4] =	ssyncadd.s32 @!p2 s5;
	s4 =	sshrl.u32 @!p2 s21, $0x3  }
0xf2: {  	s3 =	sadd.s32 @!p2 $0x10598, s3;
	s5 =	sand.u32 @!p2 $0x7, s21;
	s4 =	sadd.s32 @!p2 s4, s15  }
0xf3: {  	[tilespmem:s3], [sflag:$0xB] =	stream.linear.gather @!p2 [hbm4b:s4+s5], s0, $0x38;
	[tilespmem:$0x1E678] =	vst v63  }
0xf4: {  	s0 =	ssub.s32 @!p2 $0x27100, s21  }
0xf5: {  	p3 =	slt.s32 @!p2 s0, $0x1  }
0xf6: {  	p3 =	por p2, p3  }
.Ltmp12:
0xf7: {  	_ = 	snop;
	(pc) =	sbr.rel @p3 .LBB3_9-.Ltmp12, $1  }
0xf8: {  	_ =	sdelay $0x3  }
0xf9: {  	s3 =	smulhi.u32 $0xAAAAAAAB, s2;
	_ =	sdelay $0x1  }
0xfa: {  	s3 =	sshrl.u32 s3, $0x1  }
0xfb: {  	s3 =	smul.u32 $0x3, s3;
	_ =	sdelay $0x1  }
0xfc: {  	s30 =	ssub.s32 s2, s3  }
0xfd: {  	s4 =	simm.s32 $0x1;
	s2 =	smul.u32 $0x1C0, s30  }
.Ltmp13:
0xfe: {  	s4 =	simm.s32 @!p0 $0x0;
	(pc) =	sbr.rel .LBB3_6-.Ltmp13, $4  }
0xff: {  	s31 =	smul.u32 $0x1C000, s4  }
0x100: {  	p3 =	slt.s32 @!p2 s0, $0x70;
	s2 =	sshrl.u32 s2, $0x2  }
0x101: {  	p2 =	por !p3, p2;
	s3 =	sshrl.u32 s31, $0x2;
	s5 =	sadd.s32 $0x10448, s2  }
0x102: {  	s0 =	simm.s32 @p2 $0x70;
	s4 =	sor.u32 $0x10678, s3;
	s2 =	simm.s32 $0x0;
	v1 =	vmov s5  }
.LBB3_5:
0x103: {  	p2 =	sge.s32 s2, s0  }
.Ltmp14:
0x104: {  	_ = 	snop;
	(pc) =	sbr.rel @p2 .LBB3_9-.Ltmp14, $2  }
0x105: {  	_ =	sdelay $0x2  }
0x106: {  	s4 =	sadd.s32 $0x1000, s4  }
.LBB3_6:
0x107: {  	p2 =	sle.s32 s0, s2  }
.Ltmp15:
0x108: {  	_ = 	snop;
	(pc) =	sbr.rel @p2 .LBB3_5-.Ltmp15, $2  }
0x109: {  	_ =	sdelay $0x2  }
0x10a: {  	s5 =	smov.u32 s2;
	s2 =	sadd.s32 $0x10, s2  }
0x10b: {  	s3 =	ssub.s32 s0, s5  }
0x10c: {  	p2 =	slt.s32 s3, $0x10  }
0x10d: {  	s3 =	simm.s32 @!p2 $0x10  }
0x10e: {  	v2 =	vmov s3  }
0x10f: {  	vm0 =	vgt.s32 v2, v0;
	_ =	sdelay $0x5  }
0x110: {  	v2 =	vld.idx.msk [tilespmem:v1+s5+$0x0 ss:$0x1], vm0;
	_ =	sdelay $0x2  }
0x111: {  	p2 =	slt.s32 s2, s0;
	s3 =	smov.u32 s0  }
0x112: {  	s9 =	smov.u32 s4;
	s25 =	simm.s32 $0x0;
	s3 =	smov.u32 @p2 s2  }
.LBB3_8:
0x113: {  	(v2sf) =	vpush v2, s25;
	_ =	sdelay $0xe  }
0x114: {  	s25 =	sadd.s32 $0x1, s25;
	s10 =	spop (v2sf)  }
0x115: {  	s31 =	sadd.s32 s25, s5;
	s26 =	sshll.u32 s10, $0x8;
	s10 =	sshll.u32 s10, $0x7  }
0x116: {  	p2 =	slt.s32 s31, s3;
	s26 =	sand.u32 $0xFFFFF800, s26;
	s10 =	sand.u32 $0x380, s10  }
.Ltmp16:
0x117: {  	s10 =	sor.u32 s10, s26;
	(pc) =	sbr.rel @p2 .LBB3_8-.Ltmp16, $4  }
0x118: {  	s10 =	sshrl.u32 s10, $0x3  }
0x119: {  	s10 =	sadd.s32 s6, s10  }
0x11a: {  	[tilespmem:s9], [sflag:$0x9] =	stream.strided.gather [hbm4b:s10+s18], $0x100, s19, s18, $0x38;
	[tilespmem:$0x1E678] =	vst v63  }
0x11b: {  	s9 =	sadd.s32 $0x100, s9  }
.Ltmp17:
0x11c: {  	_ = 	snop;
	(pc) =	sbr.rel .LBB3_5-.Ltmp17, $1  }
0x11d: {  	_ =	sdelay $0x3  }
.LBB3_9:
0x11e: {  	p2 =	slt.u32 s23, $0x2  }
.Ltmp18:
0x11f: {  	_ = 	snop;
	(pc) =	sbr.rel @p2 .LBB3_27-.Ltmp18, $1  }
0x120: {  	_ =	sdelay $0x3  }
0x121: {  	p2 =	sgt.s32 s24, $0x27090  }
0x122: {  	s0 =	smov.u32 s24;
	s2 =	sshra.s32 s24, $0x1F;
	s3 =	ssub.s32 $0x27100, s24  }
0x123: {  	s0 =	simm.s32 @!p2 $0x27090;
	s2 =	sand.u32 s2, s24;
	p2 =	slt.s32 s3, $0x70  }
0x124: {  	s0 =	ssub.s32 s0, s2;
	s3 =	simm.s32 @!p2 $0x70  }
0x125: {  	s0 =	sadd.s32 $0xFFFD8F70, s0;
	s9 =	sshll.u32 s3, $0x8  }
0x126: {  	s26 =	simm.s32 $0x9;
	s10 =	sshll.u32 s0, $0x2;
	s2 =	sand.u32 $0x3FFFFF00, s9  }
0x127: {  	p2 =	sgt.s32 s0, $0x6F;
	s25 =	ssub.s32 $0x1C0, s10;
	_ =	swait.ge [sflag:s26], s2  }
0x128: {  	s2 =	ssub.s32 $0x0, s2;
	[sflag:s26] =	ssyncset.done $0x0;
	s0 =	sshrl.u32 s25, $0x2  }
0x129: {  	s29 =	simm.s32 $0xB;
	[sflag:s26] =	ssyncadd.s32 s2;
	s0 =	simm.s32 @p2 $0x0  }
0x12a: {  	_ =	swait.ge [sflag:s29], s0  }
0x12b: {  	s0 =	ssub.s32 $0x0, s0;
	[sflag:s29] =	ssyncset.done $0x0  }
0x12c: {  	[sflag:s29] =	ssyncadd.s32 s0  }
0x12d: {  	v1 =	vld [tilespmem:$0xE408];
	_ =	sdelay $0x4  }
0x12e: {  	(v2sf) =	vpush v1, $0x0  }
0x12f: {  	(v2sf) =	vpush v1, $0x1  }
0x130: {  	(v2sf) =	vpush v1, $0x2;
	_ =	sdelay $0x3  }
0x131: {  	s0 =	sadd.s32 $0x70, s24  }
0x132: {  	s2 =	ssub.s32 $0x4E200, s24;
	p2 =	slt.s32 s8, s0  }
0x133: {  	s0 =	smov.u32 @p2 s8;
	p2 =	sgt.s32 s2, $0x0  }
0x134: {  	s0 =	ssub.s32 s0, s24;
	s2 =	simm.s32 @!p2 $0x0  }
0x135: {  	p2 =	slt.s32 s2, s0  }
0x136: {  	s0 =	smov.u32 @p2 s2  }
0x137: {  	s4 =	simm.s32 $0x1;
	p2 =	slt.s32 s0, $0x1  }
.Ltmp19:
0x138: {  	s4 =	simm.s32 @!p1 $0x0;
	(pc) =	sbr.rel @p2 .LBB3_14-.Ltmp19, $4  }
0x139: {  	s30 =	smul.u32 $0x1C0, s4  }
0x13a: {  	s5 =	spop (v2sf)  }
0x13b: {  	s31 =	sshrl.u32 s30, $0x2;
	s28 =	spop (v2sf)  }
0x13c: {  	s25 =	sadd.s32 $0x10598, s31;
	s24 =	spop (v2sf)  }
0x13d: {  	s2 =	smin.u32 s0, $0x10  }
0x13e: {  	v1 =	vmov s2  }
0x13f: {  	vm1 =	vgt.u32 v1, v0  }
0x140: {  	p3 =	sgt.s32 s0, $0x10  }
.Ltmp20:
0x141: {  	_ = 	snop;
	(pc) =	sbr.rel @!p3 .LBB3_13-.Ltmp20, $2  }
0x142: {  	_ =	sdelay $0x2  }
0x143: {  	s26 =	simm.s32 $0x10;
	s29 =	sadd.s32 $0xFFFFFFF0, s0;
	s2 =	smov.u32 s25;
	vm0 =	vmmov vm1;
	v1 =	vld.msk [tilespmem:s25+$0x0 ss:$0x1], vm1  }
.LBB3_12:
0x144: {  	s3 =	smin.u32 s29, $0x10;
	s26 =	sadd.s32 $0x10, s26  }
0x145: {  	v2 =	vmov s3;
	p3 =	slt.s32 s26, s0  }
0x146: {  	vm1 =	vgt.u32 v2, v0;
	_ =	sdelay $0x1  }
0x147: {  	v2 =	vshll.u32 v1, $0x5;
	v1 =	vshll.u32 v1, $0x4  }
.Ltmp21:
0x148: {  	v2 =	vand.u32 $0xFFFFFF00, v2;
	v1 =	vand.u32 $0x70, v1;
	(pc) =	sbr.rel @p3 .LBB3_12-.Ltmp21, $4  }
0x149: {  	v1 =	vor.u32 v1, v2  }
0x14a: {  	[tilespmem:s2+$0x0] =	vst.msk vm0, v1;
	s2 =	sadd.s32 $0x10, s2;
	vm0 =	vmmov vm1  }
0x14b: {  	v1 =	vld.msk [tilespmem:s2+$0x0 ss:$0x1], vm1  }
0x14c: {  	s29 =	sadd.s32 $0xFFFFFFF0, s29  }
.LBB3_13:
0x14d: {  	_ =	sdelay $0x3  }
0x14e: {  	v2 =	vshll.u32 v1, $0x5;
	v1 =	vshll.u32 v1, $0x4  }
0x14f: {  	v2 =	vand.u32 $0xFFFFFF00, v2;
	v1 =	vand.u32 $0x70, v1  }
0x150: {  	v1 =	vor.u32 v1, v2  }
0x151: {  	[tilespmem:s2+$0x0] =	vst.msk vm0, v1  }
.LBB3_14:
0x152: {  	s2 =	sand.u32 $0x1, s23  }
0x153: {  	s2 =	smul.u32 $0x70, s2  }
0x154: {  	p3 =	sne.s32 s28, $0xFFFFFFFF  }
0x155: {  	v1 =	vld.msk @!p3 [tilespmem:s2+$0x10598], $0x1;
	_ =	sdelay $0x4  }
0x156: {  	(v2sf) =	vpush @!p3 v1, $0x0;
	_ =	sdelay $0xc  }
.Ltmp22:
0x157: {  	_ = 	snop;
	(pc) =	sbr.rel @p2 .LBB3_25-.Ltmp22, $4  }
0x158: {  	_ = 	snop  }
0x159: {  	s31 =	spop @!p3 (v2sf)  }
0x15a: {  	s24 =	simm.s32 @!p3 $0x0;
	s26 =	smov.u32 s31  }
0x15b: {  	[sflag:s17] =	ssyncpa.u1 $0x0;
	s31 =	smov.u32 @p3 s5;
	s26 =	smov.u32 @p3 s28  }
0x15c: {  	v1 =	vld.msk [tilespmem:s25+$0x0], $0x1;
	_ =	sdelay $0x4  }
0x15d: {  	(v2sf) =	vpush v1, $0x0;
	_ =	sdelay $0xe  }
0x15e: {  	s7 =	smov.u32 s11;
	s5 =	spop (v2sf)  }
0x15f: {  	s17 =	smov.u32 s15;
	s2 =	smul.u32 $0x1C000, s4;
	p2 =	seq.s32 s31, s5  }
0x160: {  	s3 =	smov.u32 s31;
	s29 =	ssub.s32 $0x0, s0;
	p3 =	sgt.s32 @!p2 s31, $0x0  }
0x161: {  	s30 =	simm.s32 $0x0;
	s2 =	sshrl.u32 s2, $0x2;
	p3 =	por !p3, p2  }
0x162: {  	s0 =	sadd.s32 $0x1, s29;
	s28 =	sor.u32 $0x106F8, s2;
	s3 =	simm.s32 @p3 $0x0  }
0x163: {  	s2 =	simm.s32 @!p2 $0x1;
	p3 =	seq.s32 s0, $0x0;
	s3 =	smin.u32 @!p2 s3, $0x4E170  }
.Ltmp23:
0x164: {  	s4 =	simm.s32 @!p2 $0x7308;
	s9 =	sand.u32 @!p2 $0x7FFF8, s3;
	(pc) =	sbr.rel @p3 .LBB3_17-.Ltmp23, $4  }
0x165: {  	s10 =	sadd.s32 @!p2 $0x80, s3;
	s11 =	sadd.s32 @!p2 s1, s9;
	s9 =	sand.u32 @!p2 $0x7, s3  }
0x166: {  	[tilespmem:s4], [sflag:$0x2] =	stream.linear.gather @!p2 [hbm4b:s11+s9], $0x80, $0x38;
	[tilespmem:$0x1E678] =	vst v63  }
0x167: {  	s15 =	smov.u32 s14;
	s2 =	smov.u32 @p2 s30;
	s4 =	sand.u32 @!p2 $0xFFFF8, s10  }
0x168: {  	s3 =	simm.s32 @!p2 $0x7388;
	s10 =	sadd.s32 @!p2 s1, s4;
	s4 =	sadd.s32 $0x1, s25  }
.LBB3_16:
0x169: {  	s11 =	smov.u32 s2  }
0x16a: {  	[tilespmem:s3], [sflag:$0x2] =	stream.linear.gather @!p2 [hbm4b:s10+s9], $0x80, $0x38;
	[tilespmem:$0x1E678] =	vst v63  }
0x16b: {  	s0 =	sadd.s32 $0x1, s0;
	s9 =	smov.u32 s5;
	v1 =	vld.msk [tilespmem:s4+$0x0], $0x1  }
0x16c: {  	p3 =	seq.s32 s0, $0x0;
	_ =	sdelay $0x3  }
0x16d: {  	(v2sf) =	vpush v1, $0x0;
	_ =	sdelay $0xe  }
0x16e: {  	s5 =	spop (v2sf)  }
0x16f: {  	p2 =	seq.s32 s9, s5  }
0x170: {  	p4 =	sgt.s32 @!p2 s9, $0x0;
	s3 =	sshll.u32 @!p2 s2, $0xA;
	s2 =	sadd.s32 @!p2 $0x1, s2  }
0x171: {  	p4 =	por !p4, p2;
	s3 =	sshra.s32 @!p2 s3, $0x2;
	s2 =	smov.u32 @p2 s11  }
0x172: {  	s9 =	simm.s32 @p4 $0x0;
	s10 =	sadd.s32 @!p2 $0x7308, s3;
	s3 =	sadd.s32 @!p2 $0x7388, s3  }
.Ltmp24:
0x173: {  	s9 =	smin.u32 @!p2 s9, $0x4E170;
	(pc) =	sbr.rel @!p3 .LBB3_16-.Ltmp24, $4  }
0x174: {  	s11 =	sand.u32 @!p2 $0x7FFF8, s9;
	s14 =	sadd.s32 @!p2 $0x80, s9  }
0x175: {  	s9 =	sand.u32 @!p2 $0x7, s9;
	s11 =	sadd.s32 @!p2 s1, s11;
	s14 =	sand.u32 @!p2 $0xFFFF8, s14  }
0x176: {  	[tilespmem:s10], [sflag:$0x2] =	stream.linear.gather @!p2 [hbm4b:s11+s9], $0x80, $0x38;
	[tilespmem:$0x1E678] =	vst v63  }
0x177: {  	s4 =	sadd.s32 $0x1, s4;
	s10 =	sadd.s32 @!p2 s1, s14  }
.LBB3_17:
0x178: {  	[tilespmem:s3], [sflag:$0x2] =	stream.linear.gather @!p2 [hbm4b:s10+s9], $0x80, $0x38;
	[tilespmem:$0x1E678] =	vst v63  }
0x179: {  	s0 =	sshll.u32 s2, $0x8  }
.Ltmp25:
0x17a: {  	s14 =	simm.s32 $0x2;
	s0 =	sand.u32 $0x3FFFFF00, s0;
	(pc) =	sbr.rel .LBB3_18-.Ltmp25, $4  }
0x17b: {  	_ =	swait.ge [sflag:s14], s0  }
0x17c: {  	s0 =	ssub.s32 $0x0, s0;
	[sflag:s14] =	ssyncset.done $0x0  }
0x17d: {  	s4 =	simm.s32 $0x0;
	s11 =	smov.u32 s7;
	[sflag:s14] =	ssyncadd.s32 s0  }
0x17e: {  	s14 =	smov.u32 s15;
	s15 =	smov.u32 s17;
	s17 =	simm.s32 $0xC  }
.LBB3_19:
0x17f: {  	v1 =	vld [tilespmem:s28+$0xFFFFFF80];
	_ =	sdelay $0x4  }
0x180: {  	[tilespmem:s5+$0x208] =	vst.add.f32.msk $0xffff, v1  }
0x181: {  	v1 =	vld [tilespmem:s28+$0xFFFFFF90];
	_ =	sdelay $0x4  }
0x182: {  	[tilespmem:s5+$0x218] =	vst.add.f32.msk $0xffff, v1  }
0x183: {  	v1 =	vld [tilespmem:s28+$0xFFFFFFA0];
	_ =	sdelay $0x4  }
0x184: {  	[tilespmem:s5+$0x228] =	vst.add.f32.msk $0xffff, v1  }
0x185: {  	v1 =	vld [tilespmem:s28+$0xFFFFFFB0];
	_ =	sdelay $0x4  }
0x186: {  	[tilespmem:s5+$0x238] =	vst.add.f32.msk $0xffff, v1  }
0x187: {  	v1 =	vld [tilespmem:s28+$0xFFFFFFC0];
	_ =	sdelay $0x4  }
0x188: {  	[tilespmem:s5+$0x248] =	vst.add.f32.msk $0xffff, v1  }
0x189: {  	v1 =	vld [tilespmem:s28+$0xFFFFFFD0];
	_ =	sdelay $0x4  }
0x18a: {  	[tilespmem:s5+$0x258] =	vst.add.f32.msk $0xffff, v1  }
0x18b: {  	v1 =	vld [tilespmem:s28+$0xFFFFFFE0];
	_ =	sdelay $0x4  }
0x18c: {  	[tilespmem:s5+$0x268] =	vst.add.f32.msk $0xffff, v1  }
0x18d: {  	v1 =	vld [tilespmem:s28+$0xFFFFFFF0];
	_ =	sdelay $0x4  }
0x18e: {  	[tilespmem:s5+$0x278] =	vst.add.f32.msk $0xffff, v1  }
0x18f: {  	v1 =	vld [tilespmem:s28+$0x0];
	_ =	sdelay $0x4  }
0x190: {  	[tilespmem:s5+$0x288] =	vst.add.f32.msk $0xffff, v1  }
0x191: {  	v1 =	vld [tilespmem:s28+$0x10];
	_ =	sdelay $0x4  }
0x192: {  	[tilespmem:s5+$0x298] =	vst.add.f32.msk $0xffff, v1  }
0x193: {  	v1 =	vld [tilespmem:s28+$0x20];
	_ =	sdelay $0x4  }
0x194: {  	[tilespmem:s5+$0x2A8] =	vst.add.f32.msk $0xffff, v1  }
0x195: {  	v1 =	vld [tilespmem:s28+$0x30];
	_ =	sdelay $0x4  }
0x196: {  	[tilespmem:s5+$0x2B8] =	vst.add.f32.msk $0xffff, v1  }
0x197: {  	v1 =	vld [tilespmem:s28+$0x40];
	_ =	sdelay $0x4  }
0x198: {  	[tilespmem:s5+$0x2C8] =	vst.add.f32.msk $0xffff, v1  }
0x199: {  	v1 =	vld [tilespmem:s28+$0x50];
	_ =	sdelay $0x4  }
0x19a: {  	[tilespmem:s5+$0x2D8] =	vst.add.f32.msk $0xffff, v1  }
0x19b: {  	v1 =	vld [tilespmem:s28+$0x60];
	_ =	sdelay $0x4  }
0x19c: {  	[tilespmem:s5+$0x2E8] =	vst.add.f32.msk $0xffff, v1  }
0x19d: {  	v1 =	vld [tilespmem:s28+$0x70];
	_ =	sdelay $0x4  }
0x19e: {  	[tilespmem:s5+$0x2F8] =	vst.add.f32.msk $0xffff, v1  }
.LBB3_23:
0x19f: {  	s29 =	sadd.s32 $0x1, s29  }
0x1a0: {  	p2 =	seq.s32 s29, $0x0  }
.Ltmp26:
0x1a1: {  	_ = 	snop;
	(pc) =	sbr.rel @p2 .LBB3_24-.Ltmp26, $2  }
0x1a2: {  	_ =	sdelay $0x2  }
0x1a3: {  	s25 =	sadd.s32 $0x1, s25;
	s28 =	sadd.s32 $0x100, s28;
	s31 =	smov.u32 s0  }
.LBB3_18:
0x1a4: {  	v1 =	vld.msk [tilespmem:s25+$0x0], $0x1;
	_ =	sdelay $0x4  }
0x1a5: {  	(v2sf) =	vpush v1, $0x0;
	_ =	sdelay $0xe  }
0x1a6: {  	s0 =	spop (v2sf)  }
0x1a7: {  	p2 =	sne.s32 s31, s0  }
.Ltmp27:
0x1a8: {  	_ = 	snop;
	(pc) =	sbr.rel @!p2 .LBB3_19-.Ltmp27, $3  }
0x1a9: {  	_ =	sdelay $0x1  }
0x1aa: {  	s2 =	sshll.u32 s24, $0xA  }
0x1ab: {  	s5 =	sshra.s32 s2, $0x2  }
0x1ac: {  	p2 =	seq.s32 s31, s26  }
.Ltmp28:
0x1ad: {  	_ = 	snop;
	(pc) =	sbr.rel @!p2 .LBB3_21-.Ltmp28, $1  }
0x1ae: {  	_ =	sdelay $0x3  }
.Ltmp29:
0x1af: {  	s2 =	sadd.s32 $0x208, s5;
	(pc) =	sbr.rel .LBB3_22-.Ltmp29, $4  }
0x1b0: {  	[spmem:s16] =	stream.linear.scatter [tilespmem:s2], [sflag:$0x1], $0x100, $0x38;
	[tilespmem:$0x1E678] =	vst v63  }
0x1b1: {  	_ =	swait.ge [sflag:s12], $0x100  }
0x1b2: {  	[sflag:s12] =	ssyncset.done $0x0  }
0x1b3: {  	[sflag:s12] =	ssyncadd.s32 $0xFFFFFF00  }
.LBB3_21:
0x1b4: {  	s2 =	sshll.u32 s30, $0xA  }
0x1b5: {  	s2 =	sshra.s32 s2, $0x2  }
0x1b6: {  	v1 =	vld [tilespmem:s2+$0x7308];
	_ =	sdelay $0x4  }
0x1b7: {  	[tilespmem:s5+$0x208] =	vst.add.f32.msk $0xffff, v1  }
0x1b8: {  	v1 =	vld [tilespmem:s2+$0x7318];
	_ =	sdelay $0x4  }
0x1b9: {  	[tilespmem:s5+$0x218] =	vst.add.f32.msk $0xffff, v1  }
0x1ba: {  	v1 =	vld [tilespmem:s2+$0x7328];
	_ =	sdelay $0x4  }
0x1bb: {  	[tilespmem:s5+$0x228] =	vst.add.f32.msk $0xffff, v1  }
0x1bc: {  	v1 =	vld [tilespmem:s2+$0x7338];
	_ =	sdelay $0x4  }
0x1bd: {  	[tilespmem:s5+$0x238] =	vst.add.f32.msk $0xffff, v1  }
0x1be: {  	v1 =	vld [tilespmem:s2+$0x7348];
	_ =	sdelay $0x4  }
0x1bf: {  	[tilespmem:s5+$0x248] =	vst.add.f32.msk $0xffff, v1  }
0x1c0: {  	v1 =	vld [tilespmem:s2+$0x7358];
	_ =	sdelay $0x4  }
0x1c1: {  	[tilespmem:s5+$0x258] =	vst.add.f32.msk $0xffff, v1  }
0x1c2: {  	v1 =	vld [tilespmem:s2+$0x7368];
	_ =	sdelay $0x4  }
0x1c3: {  	[tilespmem:s5+$0x268] =	vst.add.f32.msk $0xffff, v1  }
0x1c4: {  	v1 =	vld [tilespmem:s2+$0x7378];
	_ =	sdelay $0x4  }
0x1c5: {  	[tilespmem:s5+$0x278] =	vst.add.f32.msk $0xffff, v1  }
0x1c6: {  	v1 =	vld [tilespmem:s2+$0x7388];
	_ =	sdelay $0x4  }
0x1c7: {  	[tilespmem:s5+$0x288] =	vst.add.f32.msk $0xffff, v1  }
0x1c8: {  	v1 =	vld [tilespmem:s2+$0x7398];
	_ =	sdelay $0x4  }
0x1c9: {  	[tilespmem:s5+$0x298] =	vst.add.f32.msk $0xffff, v1  }
0x1ca: {  	v1 =	vld [tilespmem:s2+$0x73A8];
	_ =	sdelay $0x4  }
0x1cb: {  	[tilespmem:s5+$0x2A8] =	vst.add.f32.msk $0xffff, v1  }
0x1cc: {  	v1 =	vld [tilespmem:s2+$0x73B8];
	_ =	sdelay $0x4  }
0x1cd: {  	[tilespmem:s5+$0x2B8] =	vst.add.f32.msk $0xffff, v1  }
0x1ce: {  	v1 =	vld [tilespmem:s2+$0x73C8];
	_ =	sdelay $0x4  }
0x1cf: {  	[tilespmem:s5+$0x2C8] =	vst.add.f32.msk $0xffff, v1  }
0x1d0: {  	v1 =	vld [tilespmem:s2+$0x73D8];
	_ =	sdelay $0x4  }
0x1d1: {  	[tilespmem:s5+$0x2D8] =	vst.add.f32.msk $0xffff, v1  }
0x1d2: {  	v1 =	vld [tilespmem:s2+$0x73E8];
	_ =	sdelay $0x4  }
0x1d3: {  	[tilespmem:s5+$0x2E8] =	vst.add.f32.msk $0xffff, v1  }
0x1d4: {  	v1 =	vld [tilespmem:s2+$0x73F8];
	_ =	sdelay $0x2  }
0x1d5: {  	p2 =	sgt.u32 s31, $0x4E170  }
0x1d6: {  	s2 =	sand.u32 @!p2 $0x7FFF8, s31  }
0x1d7: {  	s3 =	sadd.s32 $0x208, s5;
	s9 =	sand.u32 @!p2 $0x7, s31;
	s2 =	sadd.s32 @!p2 s1, s2;
	[tilespmem:s5+$0x2F8] =	vst.add.f32.msk $0xffff, v1  }
0x1d8: {  	[hbm4b:s2+s9] =	stream.linear.scatter @!p2 [tilespmem:s3], [sflag:$0xC], $0x80, $0x38;
	[tilespmem:$0x1E678] =	vst v63  }
0x1d9: {  	s2 =	sadd.s32 @!p2 $0x80, s31  }
0x1da: {  	s2 =	sand.u32 @!p2 $0xFFFF8, s2  }
0x1db: {  	s3 =	sadd.s32 $0x288, s5;
	s2 =	sadd.s32 @!p2 s1, s2  }
0x1dc: {  	[hbm4b:s2+s9] =	stream.linear.scatter @!p2 [tilespmem:s3], [sflag:$0xC], $0x80, $0x38;
	[tilespmem:$0x1E678] =	vst v63  }
0x1dd: {  	s2 =	simm.s32 $0x0  }
0x1de: {  	s2 =	simm.s32 @!p2 $0x400  }
0x1df: {  	s4 =	sadd.s32 s2, s4  }
.LBB3_22:
0x1e0: {  	s2 =	sadd.s32 $0x1, s24  }
0x1e1: {  	s3 =	sshrl.u32 s2, $0x4  }
0x1e2: {  	s3 =	smulhi.u32 $0x24924925, s3  }
0x1e3: {  	v1 =	vld [tilespmem:s28+$0xFFFFFF80]  }
0x1e4: {  	s3 =	smul.u32 $0x70, s3;
	_ =	sdelay $0x1  }
0x1e5: {  	s24 =	ssub.s32 s2, s3  }
0x1e6: {  	s2 =	sshll.u32 s24, $0x8  }
0x1e7: {  	[tilespmem:s2+$0x208] =	vst v1  }
0x1e8: {  	v1 =	vld [tilespmem:s28+$0xFFFFFF90];
	_ =	sdelay $0x4  }
0x1e9: {  	[tilespmem:s2+$0x218] =	vst v1  }
0x1ea: {  	v1 =	vld [tilespmem:s28+$0xFFFFFFA0];
	_ =	sdelay $0x4  }
0x1eb: {  	[tilespmem:s2+$0x228] =	vst v1  }
0x1ec: {  	v1 =	vld [tilespmem:s28+$0xFFFFFFB0];
	_ =	sdelay $0x4  }
0x1ed: {  	[tilespmem:s2+$0x238] =	vst v1  }
0x1ee: {  	v1 =	vld [tilespmem:s28+$0xFFFFFFC0];
	_ =	sdelay $0x4  }
0x1ef: {  	[tilespmem:s2+$0x248] =	vst v1  }
0x1f0: {  	v1 =	vld [tilespmem:s28+$0xFFFFFFD0];
	_ =	sdelay $0x4  }
0x1f1: {  	[tilespmem:s2+$0x258] =	vst v1  }
0x1f2: {  	v1 =	vld [tilespmem:s28+$0xFFFFFFE0];
	_ =	sdelay $0x4  }
0x1f3: {  	[tilespmem:s2+$0x268] =	vst v1  }
0x1f4: {  	v1 =	vld [tilespmem:s28+$0xFFFFFFF0];
	_ =	sdelay $0x4  }
0x1f5: {  	[tilespmem:s2+$0x278] =	vst v1  }
0x1f6: {  	v1 =	vld [tilespmem:s28+$0x0];
	_ =	sdelay $0x4  }
0x1f7: {  	[tilespmem:s2+$0x288] =	vst v1  }
0x1f8: {  	v1 =	vld [tilespmem:s28+$0x10];
	_ =	sdelay $0x4  }
0x1f9: {  	[tilespmem:s2+$0x298] =	vst v1  }
0x1fa: {  	v1 =	vld [tilespmem:s28+$0x20];
	_ =	sdelay $0x4  }
0x1fb: {  	[tilespmem:s2+$0x2A8] =	vst v1  }
0x1fc: {  	v1 =	vld [tilespmem:s28+$0x30];
	_ =	sdelay $0x4  }
0x1fd: {  	[tilespmem:s2+$0x2B8] =	vst v1  }
0x1fe: {  	v1 =	vld [tilespmem:s28+$0x40];
	_ =	sdelay $0x4  }
0x1ff: {  	[tilespmem:s2+$0x2C8] =	vst v1  }
0x200: {  	v1 =	vld [tilespmem:s28+$0x50];
	_ =	sdelay $0x4  }
0x201: {  	[tilespmem:s2+$0x2D8] =	vst v1  }
0x202: {  	v1 =	vld [tilespmem:s28+$0x60];
	_ =	sdelay $0x4  }
0x203: {  	[tilespmem:s2+$0x2E8] =	vst v1  }
0x204: {  	v1 =	vld [tilespmem:s28+$0x70]  }
.Ltmp30:
0x205: {  	_ = 	snop;
	(pc) =	sbr.rel .LBB3_23-.Ltmp30, $2  }
0x206: {  	_ =	sdelay $0x2  }
0x207: {  	s30 =	sadd.s32 $0x1, s30;
	[tilespmem:s2+$0x2F8] =	vst v1  }
.LBB3_25:
.Ltmp31:
0x208: {  	(pc) =	sbr.rel .LBB3_26-.Ltmp31, $4  }
0x209: {  	_ = 	snop  }
0x20a: {  	s0 =	simm.s32 $0x2  }
0x20b: {  	_ =	swait.ge [sflag:s0], $0x0  }
0x20c: {  	s2 =	simm.s32 $0x0;
	[sflag:s0] =	ssyncset.done $0x0;
	s0 =	smov.u32 s31  }
.LBB3_28:
0x20d: {  	_ =	sfence.sel $0x180000  }
0x20e: {  	s0 =	simm.s32 $0x9;
	[bflag:$0x0] =	sbarrier.arrive $0xFFFF  }
0x20f: {  	s24 =	simm.s32 $0xA;
	[sflag:s0] =	ssyncpa.u1 $0x1  }
0x210: {  	s25 =	simm.s32 $0xB;
	[sflag:s24] =	ssyncpa.u1 $0x1  }
0x211: {  	s26 =	simm.s32 $0x2;
	[sflag:s25] =	ssyncpa.u1 $0x1  }
0x212: {  	[sflag:s26] =	ssyncpa.u1 $0x1  }
0x213: {  	v0 =	vld [tilespmem:$0xE408];
	_ =	sdelay $0x4  }
0x214: {  	(v2sf) =	vpush v0, $0x0  }
0x215: {  	(v2sf) =	vpush v0, $0x1;
	_ =	sdelay $0x1  }
0x216: {  	(v2sf) =	vpush v0, $0x2;
	_ =	sdelay $0xb  }
0x217: {  	s0 =	spop (v2sf)  }
0x218: {  	s2 =	spop (v2sf)  }
0x219: {  	s3 =	smov.u32 s0;
	p0 =	sne.s32 s0, s2  }
0x21a: {  	s4 =	spop (v2sf);
	s3 =	simm.s32 @!p0 $0xFFFFFFFF  }
0x21b: {  	v2 =	vimm.s32 $0x1;
	v3 =	vlaneseq.u32;
	p0 =	seq.s32 s4, $0xFFFFFFFF;
	v1 =	vmov s3  }
0x21c: {  	s15 =	stileid.u32;
	v0 =	vperm.xlane v0, v2;
	p1 =	sne.s32 @!p0 s0, s2;
	v1 =	vperm.xlane v1, v3  }
0x21d: {  	vm0 =	vcmask $0x3F04;
	s6 =	simm.s32 $0xE408;
	s0 =	simm.s32 @!p0 $0x1;
	p1 =	por !p1, p0  }
0x21e: {  	s3 =	sshll.u32 s15, $0x1;
	s2 =	sshll.u32 @!p0 s4, $0xA;
	s0 =	simm.s32 @p1 $0x0;
	v0 =	vsel vm0, v1, v0  }
0x21f: {  	s5 =	sor.u32 $0x2000, s3;
	s2 =	sshra.s32 @!p0 s2, $0x2;
	s0 =	sor.u32 @!p0 s0, s3;
	[tilespmem:$0xE408] =	vst v0  }
0x220: {  	[spmem:s5] =	stream.linear.scatter [tilespmem:s6], [sflag:$0x1], $0x2, $0x38;
	[tilespmem:$0x1E678] =	vst v63  }
0x221: {  	s2 =	sadd.s32 @!p0 $0x208, s2;
	s0 =	sshll.u32 @!p0 s0, $0x8  }
0x222: {  	[spmem:s0] =	stream.linear.scatter @!p0 [tilespmem:s2], [sflag:$0x1], $0x100, $0x38;
	[tilespmem:$0x1E678] =	vst v63  }
0x223: {  	s0 =	simm.s32 @!p0 $0x102  }
0x224: {  	s28 =	simm.s32 $0x1;
	s0 =	simm.s32 @p0 $0x2  }
0x225: {  	_ =	swait.ge [sflag:s28], s0  }
0x226: {  	s0 =	ssub.s32 $0x0, s0;
	[sflag:s28] =	ssyncset.done $0x0  }
0x227: {  	p0 =	sne.s32 s15, $0x0;
	[sflag:s28] =	ssyncadd.s32 s0  }
.Ltmp32:
0x228: {  	_ =	sfence.stream.spmem;
	(pc) =	sbr.rel @p0 .LBB3_45-.Ltmp32, $4  }
0x229: {  	s29 =	simm.s32 $0x3;
	[bflag:$0x0] =	sbarrier.arrive $0xFFFF  }
0x22a: {  	s30 =	simm.s32 $0x4;
	[sflag:s29] =	ssyncpa.u1 $0x1  }
0x22b: {  	s31 =	simm.s32 $0x3C;
	[sflag:s30] =	ssyncpa.u1 $0x1  }
0x22c: {  	s14 =	rddreg [dreg:$0x4];
	[sflag:s31] =	ssyncpa.u1 $0x1  }
0x22d: {  	_ =	sfence.stream.spmem;
	s0 =	simm.s32 $0x5  }
0x22e: {  	s2 =	simm.s32 $0x2000;
	s3 =	simm.s32 $0xE418;
	[sflag:s0] =	ssyncpa.u1 $0x0  }
0x22f: {  	[tilespmem:s3], [sflag:$0x5] =	stream.linear.gather [spmem:s2], $0x20, $0x38;
	[tilespmem:$0x1E678] =	vst v63  }
0x230: {  	s26 =	simm.s32 $0x0;
	s28 =	simm.s32 $0xE438  }
0x231: {  	[tilespmem:s28], [sflag:$0x5] =	stream.linear.gather [spmem:s26], $0x2000, $0x38;
	[tilespmem:$0x1E678] =	vst v63  }
0x232: {  	_ =	swait.ge [sflag:s0], $0x2020  }
0x233: {  	[sflag:s0] =	ssyncset.done $0x0  }
0x234: {  	s29 =	simm.s32 $0x0;
	[sflag:s0] =	ssyncadd.s32 $0xFFFFDFE0  }
0x235: {  	v0 =	vld.msk [tilespmem:s29+$0xE418], $0x1;
	_ =	sdelay $0x1  }
0x236: {  	s30 =	simm.s32 $0x1  }
0x237: {  	v1 =	vld.msk [tilespmem:s30+$0xE418], $0x1;
	_ =	sdelay $0x1  }
0x238: {  	(v2sf) =	vpush v0, $0x0;
	_ =	sdelay $0x2  }
0x239: {  	(v2sf) =	vpush v1, $0x0;
	_ =	sdelay $0x2  }
0x23a: {  	s31 =	simm.s32 $0x2  }
0x23b: {  	v0 =	vld.msk [tilespmem:s31+$0xE418], $0x1;
	_ =	sdelay $0x2  }
0x23c: {  	s2 =	simm.s32 $0xFFFFFFFF;
	s3 =	simm.s32 $0xFFFFFFFF;
	s0 =	simm.s32 $0xC  }
.LBB3_30:
0x23d: {  	s4 =	smov.u32 s3;
	s5 =	smov.u32 s2  }
0x23e: {  	s2 =	sshra.s32 s0, $0x2;
	p1 =	sne.s32 s0, $0x7C;
	s0 =	sadd.s32 $0x4, s0;
	(v2sf) =	vpush v0, $0x0  }
0x23f: {  	v0 =	vld.msk [tilespmem:s2+$0xE418], $0x1  }
.Ltmp33:
0x240: {  	(pc) =	sbr.rel @p1 .LBB3_30-.Ltmp33, $4  }
0x241: {  	s3 =	spop (v2sf)  }
0x242: {  	p2 =	sne.s32 s5, $0xFFFFFFFF;
	s2 =	smov.u32 s3  }
0x243: {  	p3 =	seq.s32 s3, $0xFFFFFFFF;
	s2 =	smov.u32 @p2 s5  }
0x244: {  	s3 =	smov.u32 @p3 s4;
	s2 =	smov.u32 @p3 s5  }
0x245: {  	(v2sf) =	vpush v0, $0x0;
	_ =	sdelay $0x8  }
0x246: {  	s0 =	spop (v2sf)  }
0x247: {  	p1 =	sne.s32 s2, $0xFFFFFFFF;
	s9 =	simm.s32 $0x6;
	s4 =	smov.u32 s0  }
0x248: {  	s6 =	simm.s32 $0x0;
	p2 =	seq.s32 s0, $0xFFFFFFFF;
	s4 =	smov.u32 @p1 s2  }
0x249: {  	s10 =	simm.s32 $0xE308;
	s4 =	smov.u32 @p2 s2;
	s2 =	spop (v2sf)  }
0x24a: {  	s0 =	smov.u32 @p2 s3;
	p1 =	sne.s32 s4, $0xFFFFFFFF;
	s5 =	smov.u32 s2  }
.Ltmp34:
0x24b: {  	p2 =	seq.s32 s2, $0xFFFFFFFF;
	s5 =	smov.u32 @p1 s4;
	(pc) =	sbr.rel .LBB3_32-.Ltmp34, $4  }
0x24c: {  	s11 =	simm.s32 $0xE388;
	s5 =	smov.u32 @p2 s4;
	s7 =	spop (v2sf)  }
0x24d: {  	s12 =	simm.s32 $0x0;
	p1 =	sne.s32 s5, $0xFFFFFFFF;
	s8 =	smov.u32 s7  }
0x24e: {  	s2 =	smov.u32 @p2 s0;
	p2 =	seq.s32 s7, $0xFFFFFFFF;
	s8 =	smov.u32 @p1 s5  }
0x24f: {  	[sflag:s9] =	ssyncpa.u1 $0x0;
	s7 =	smov.u32 @p2 s2;
	s8 =	smov.u32 @p2 s5  }
.LBB3_38:
0x250: {  	p1 =	sgt.u32 s0, $0x4E170  }
0x251: {  	p2 =	seq.s32 @!p1 s0, s8  }
0x252: {  	p1 =	por p1, p2  }
0x253: {  	p2 =	sne.s32 @!p1 s0, s7  }
0x254: {  	p1 =	por p1, !p2  }
0x255: {  	s0 =	sshll.u32 @p1 s12, $0xA  }
0x256: {  	s2 =	sand.u32 @!p1 $0x7FFF8, s0;
	s3 =	sand.u32 @!p1 $0x7, s0;
	s0 =	sadd.s32 @!p1 $0x80, s0  }
0x257: {  	s2 =	sadd.s32 @!p1 s1, s2;
	s0 =	sand.u32 @!p1 $0xFFFF8, s0  }
0x258: {  	[tilespmem:s10], [sflag:$0x6] =	stream.linear.gather @!p1 [hbm4b:s2+s3], $0x80, $0x38;
	[tilespmem:$0x1E678] =	vst v63  }
0x259: {  	s0 =	sadd.s32 @!p1 s1, s0  }
0x25a: {  	[tilespmem:s11], [sflag:$0x6] =	stream.linear.gather @!p1 [hbm4b:s0+s3], $0x80, $0x38;
	[tilespmem:$0x1E678] =	vst v63  }
0x25b: {  	_ =	swait.ge @!p1 [sflag:s9], $0x100  }
0x25c: {  	[sflag:s9] =	ssyncset.done @!p1 $0x0  }
0x25d: {  	[sflag:s9] =	ssyncadd.s32 @!p1 $0xFFFFFF00  }
0x25e: {  	v1 =	vld @!p1 [tilespmem:$0xE308];
	_ =	sdelay $0x2  }
0x25f: {  	s0 =	sshll.u32 @!p1 s12, $0xA  }
0x260: {  	s2 =	sshrl.u32 @!p1 s0, $0x2  }
0x261: {  	[tilespmem:s2+$0xE438] =	vst.add.f32.msk @!p1 $0xffff, v1  }
0x262: {  	v1 =	vld @!p1 [tilespmem:$0xE318];
	_ =	sdelay $0x4  }
0x263: {  	[tilespmem:s2+$0xE448] =	vst.add.f32.msk @!p1 $0xffff, v1  }
0x264: {  	v1 =	vld @!p1 [tilespmem:$0xE328];
	_ =	sdelay $0x4  }
0x265: {  	[tilespmem:s2+$0xE458] =	vst.add.f32.msk @!p1 $0xffff, v1  }
0x266: {  	v1 =	vld @!p1 [tilespmem:$0xE338];
	_ =	sdelay $0x4  }
0x267: {  	[tilespmem:s2+$0xE468] =	vst.add.f32.msk @!p1 $0xffff, v1  }
0x268: {  	v1 =	vld @!p1 [tilespmem:$0xE348];
	_ =	sdelay $0x4  }
0x269: {  	[tilespmem:s2+$0xE478] =	vst.add.f32.msk @!p1 $0xffff, v1  }
0x26a: {  	v1 =	vld @!p1 [tilespmem:$0xE358];
	_ =	sdelay $0x4  }
0x26b: {  	[tilespmem:s2+$0xE488] =	vst.add.f32.msk @!p1 $0xffff, v1  }
0x26c: {  	v1 =	vld @!p1 [tilespmem:$0xE368];
	_ =	sdelay $0x4  }
0x26d: {  	[tilespmem:s2+$0xE498] =	vst.add.f32.msk @!p1 $0xffff, v1  }
0x26e: {  	v1 =	vld @!p1 [tilespmem:$0xE378];
	_ =	sdelay $0x4  }
0x26f: {  	[tilespmem:s2+$0xE4A8] =	vst.add.f32.msk @!p1 $0xffff, v1  }
0x270: {  	v1 =	vld @!p1 [tilespmem:$0xE388];
	_ =	sdelay $0x4  }
0x271: {  	[tilespmem:s2+$0xE4B8] =	vst.add.f32.msk @!p1 $0xffff, v1  }
0x272: {  	v1 =	vld @!p1 [tilespmem:$0xE398];
	_ =	sdelay $0x4  }
0x273: {  	[tilespmem:s2+$0xE4C8] =	vst.add.f32.msk @!p1 $0xffff, v1  }
0x274: {  	v1 =	vld @!p1 [tilespmem:$0xE3A8];
	_ =	sdelay $0x4  }
0x275: {  	[tilespmem:s2+$0xE4D8] =	vst.add.f32.msk @!p1 $0xffff, v1  }
0x276: {  	v1 =	vld @!p1 [tilespmem:$0xE3B8];
	_ =	sdelay $0x4  }
0x277: {  	[tilespmem:s2+$0xE4E8] =	vst.add.f32.msk @!p1 $0xffff, v1  }
0x278: {  	v1 =	vld @!p1 [tilespmem:$0xE3C8];
	_ =	sdelay $0x4  }
0x279: {  	[tilespmem:s2+$0xE4F8] =	vst.add.f32.msk @!p1 $0xffff, v1  }
0x27a: {  	v1 =	vld @!p1 [tilespmem:$0xE3D8];
	_ =	sdelay $0x4  }
0x27b: {  	[tilespmem:s2+$0xE508] =	vst.add.f32.msk @!p1 $0xffff, v1  }
0x27c: {  	v1 =	vld @!p1 [tilespmem:$0xE3E8];
	_ =	sdelay $0x4  }
0x27d: {  	[tilespmem:s2+$0xE518] =	vst.add.f32.msk @!p1 $0xffff, v1  }
0x27e: {  	v1 =	vld @!p1 [tilespmem:$0xE3F8];
	_ =	sdelay $0x4  }
0x27f: {  	[tilespmem:s2+$0xE528] =	vst.add.f32.msk @!p1 $0xffff, v1  }
0x280: {  	s0 =	sshrl.u32 s0, $0x2;
	[tilespmem:s6+$0xE418] =	vst.msk $0x1, v0  }
0x281: {  	v0 =	vld [tilespmem:s0+$0xE438];
	_ =	sdelay $0x2  }
0x282: {  	s31 =	sshll.u32 s6, $0xA  }
0x283: {  	s2 =	sshra.s32 s31, $0x2  }
0x284: {  	[tilespmem:s2+$0xE438] =	vst v0  }
0x285: {  	v0 =	vld [tilespmem:s0+$0xE448];
	_ =	sdelay $0x4  }
0x286: {  	[tilespmem:s2+$0xE448] =	vst v0  }
0x287: {  	v0 =	vld [tilespmem:s0+$0xE458];
	_ =	sdelay $0x4  }
0x288: {  	[tilespmem:s2+$0xE458] =	vst v0  }
0x289: {  	v0 =	vld [tilespmem:s0+$0xE468];
	_ =	sdelay $0x4  }
0x28a: {  	[tilespmem:s2+$0xE468] =	vst v0  }
0x28b: {  	v0 =	vld [tilespmem:s0+$0xE478];
	_ =	sdelay $0x4  }
0x28c: {  	[tilespmem:s2+$0xE478] =	vst v0  }
0x28d: {  	v0 =	vld [tilespmem:s0+$0xE488];
	_ =	sdelay $0x4  }
0x28e: {  	[tilespmem:s2+$0xE488] =	vst v0  }
0x28f: {  	v0 =	vld [tilespmem:s0+$0xE498];
	_ =	sdelay $0x4  }
0x290: {  	[tilespmem:s2+$0xE498] =	vst v0  }
0x291: {  	v0 =	vld [tilespmem:s0+$0xE4A8];
	_ =	sdelay $0x4  }
0x292: {  	[tilespmem:s2+$0xE4A8] =	vst v0  }
0x293: {  	v0 =	vld [tilespmem:s0+$0xE4B8];
	_ =	sdelay $0x4  }
0x294: {  	[tilespmem:s2+$0xE4B8] =	vst v0  }
0x295: {  	v0 =	vld [tilespmem:s0+$0xE4C8];
	_ =	sdelay $0x4  }
0x296: {  	[tilespmem:s2+$0xE4C8] =	vst v0  }
0x297: {  	v0 =	vld [tilespmem:s0+$0xE4D8];
	_ =	sdelay $0x4  }
0x298: {  	[tilespmem:s2+$0xE4D8] =	vst v0  }
0x299: {  	v0 =	vld [tilespmem:s0+$0xE4E8];
	_ =	sdelay $0x4  }
0x29a: {  	[tilespmem:s2+$0xE4E8] =	vst v0  }
0x29b: {  	v0 =	vld [tilespmem:s0+$0xE4F8];
	_ =	sdelay $0x4  }
0x29c: {  	[tilespmem:s2+$0xE4F8] =	vst v0  }
0x29d: {  	v0 =	vld [tilespmem:s0+$0xE508];
	_ =	sdelay $0x4  }
0x29e: {  	[tilespmem:s2+$0xE508] =	vst v0  }
0x29f: {  	v0 =	vld [tilespmem:s0+$0xE518];
	_ =	sdelay $0x4  }
0x2a0: {  	[tilespmem:s2+$0xE518] =	vst v0  }
0x2a1: {  	v0 =	vld [tilespmem:s0+$0xE528];
	_ =	sdelay $0x4  }
0x2a2: {  	s6 =	sadd.s32 $0x1, s6;
	[tilespmem:s2+$0xE528] =	vst v0  }
.LBB3_39:
0x2a3: {  	s12 =	sadd.s32 $0x1, s12  }
0x2a4: {  	p1 =	sne.s32 s12, $0x20  }
.Ltmp35:
0x2a5: {  	_ = 	snop;
	(pc) =	sbr.rel @!p1 .LBB3_40-.Ltmp35, $1  }
0x2a6: {  	_ =	sdelay $0x3  }
.LBB3_32:
0x2a7: {  	v0 =	vld.msk [tilespmem:s12+$0xE418], $0x1;
	_ =	sdelay $0x4  }
0x2a8: {  	(v2sf) =	vpush v0, $0x0;
	_ =	sdelay $0xe  }
0x2a9: {  	s0 =	spop (v2sf)  }
0x2aa: {  	p1 =	seq.s32 s0, $0xFFFFFFFF  }
.Ltmp36:
0x2ab: {  	_ = 	snop;
	(pc) =	sbr.rel @p1 .LBB3_39-.Ltmp36, $1  }
0x2ac: {  	_ =	sdelay $0x3  }
0x2ad: {  	p1 =	slt.s32 s6, $0x1  }
.Ltmp37:
0x2ae: {  	_ = 	snop;
	(pc) =	sbr.rel @p1 .LBB3_38-.Ltmp37, $1  }
0x2af: {  	_ =	sdelay $0x3  }
0x2b0: {  	s4 =	simm.s32 $0xE418;
	p1 =	por $0x0, $0x0  }
0x2b1: {  	v1 =	vld.msk @!p1 [tilespmem:s4+$0x0], $0x1;
	_ =	sdelay $0x4  }
0x2b2: {  	(v2sf) =	vpush @!p1 v1, $0x0;
	_ =	sdelay $0xd  }
0x2b3: {  	p3 =	sne.s32 s6, $0x1  }
.Ltmp38:
0x2b4: {  	s2 =	spop @!p1 (v2sf);
	(pc) =	sbr.rel @!p3 .LBB3_36-.Ltmp38, $4  }
0x2b5: {  	p2 =	seq.s32 @!p1 s0, s2  }
0x2b6: {  	s5 =	simm.s32 $0x0;
	p2 =	por !p2, p1  }
0x2b7: {  	s2 =	simm.s32 $0xFFFFFFFF;
	s5 =	simm.s32 @p2 $0xFFFFFFFF  }
0x2b8: {  	s13 =	simm.s32 $0x1;
	s5 =	smov.u32 @p1 s2  }
.LBB3_35:
0x2b9: {  	s2 =	smov.u32 s5;
	p1 =	sne.s32 s5, $0xFFFFFFFF  }
0x2ba: {  	s4 =	sadd.s32 $0x1, s4;
	s5 =	smov.u32 s13;
	s13 =	sadd.s32 $0x1, s13  }
0x2bb: {  	p2 =	sne.s32 s6, s13;
	v1 =	vld.msk @!p1 [tilespmem:s4+$0x0], $0x1;
	_ =	sdelay $0x4  }
0x2bc: {  	(v2sf) =	vpush @!p1 v1, $0x0;
	_ =	sdelay $0xe  }
.Ltmp39:
0x2bd: {  	s3 =	spop @!p1 (v2sf);
	(pc) =	sbr.rel @p2 .LBB3_35-.Ltmp39, $4  }
0x2be: {  	p3 =	seq.s32 @!p1 s0, s3  }
0x2bf: {  	p3 =	por !p3, p1  }
0x2c0: {  	s5 =	simm.s32 @p3 $0xFFFFFFFF  }
0x2c1: {  	s5 =	smov.u32 @p1 s2  }
.LBB3_36:
0x2c2: {  	p1 =	seq.s32 s5, $0xFFFFFFFF  }
.Ltmp40:
0x2c3: {  	_ = 	snop;
	(pc) =	sbr.rel @p1 .LBB3_38-.Ltmp40, $1  }
0x2c4: {  	_ =	sdelay $0x3  }
0x2c5: {  	s0 =	sshll.u32 s12, $0x8  }
0x2c6: {  	s0 =	sand.u32 $0x3FFFFF00, s0  }
0x2c7: {  	v0 =	vld [tilespmem:s0+$0xE438];
	_ =	sdelay $0x2  }
0x2c8: {  	s2 =	sshll.u32 s5, $0xA  }
0x2c9: {  	s2 =	sshra.s32 s2, $0x2  }
0x2ca: {  	[tilespmem:s2+$0xE438] =	vst.add.f32.msk $0xffff, v0  }
0x2cb: {  	v0 =	vld [tilespmem:s0+$0xE448];
	_ =	sdelay $0x4  }
0x2cc: {  	[tilespmem:s2+$0xE448] =	vst.add.f32.msk $0xffff, v0  }
0x2cd: {  	v0 =	vld [tilespmem:s0+$0xE458];
	_ =	sdelay $0x4  }
0x2ce: {  	[tilespmem:s2+$0xE458] =	vst.add.f32.msk $0xffff, v0  }
0x2cf: {  	v0 =	vld [tilespmem:s0+$0xE468];
	_ =	sdelay $0x4  }
0x2d0: {  	[tilespmem:s2+$0xE468] =	vst.add.f32.msk $0xffff, v0  }
0x2d1: {  	v0 =	vld [tilespmem:s0+$0xE478];
	_ =	sdelay $0x4  }
0x2d2: {  	[tilespmem:s2+$0xE478] =	vst.add.f32.msk $0xffff, v0  }
0x2d3: {  	v0 =	vld [tilespmem:s0+$0xE488];
	_ =	sdelay $0x4  }
0x2d4: {  	[tilespmem:s2+$0xE488] =	vst.add.f32.msk $0xffff, v0  }
0x2d5: {  	v0 =	vld [tilespmem:s0+$0xE498];
	_ =	sdelay $0x4  }
0x2d6: {  	[tilespmem:s2+$0xE498] =	vst.add.f32.msk $0xffff, v0  }
0x2d7: {  	v0 =	vld [tilespmem:s0+$0xE4A8];
	_ =	sdelay $0x4  }
0x2d8: {  	[tilespmem:s2+$0xE4A8] =	vst.add.f32.msk $0xffff, v0  }
0x2d9: {  	v0 =	vld [tilespmem:s0+$0xE4B8];
	_ =	sdelay $0x4  }
0x2da: {  	[tilespmem:s2+$0xE4B8] =	vst.add.f32.msk $0xffff, v0  }
0x2db: {  	v0 =	vld [tilespmem:s0+$0xE4C8];
	_ =	sdelay $0x4  }
0x2dc: {  	[tilespmem:s2+$0xE4C8] =	vst.add.f32.msk $0xffff, v0  }
0x2dd: {  	v0 =	vld [tilespmem:s0+$0xE4D8];
	_ =	sdelay $0x4  }
0x2de: {  	[tilespmem:s2+$0xE4D8] =	vst.add.f32.msk $0xffff, v0  }
0x2df: {  	v0 =	vld [tilespmem:s0+$0xE4E8];
	_ =	sdelay $0x4  }
0x2e0: {  	[tilespmem:s2+$0xE4E8] =	vst.add.f32.msk $0xffff, v0  }
0x2e1: {  	v0 =	vld [tilespmem:s0+$0xE4F8];
	_ =	sdelay $0x4  }
0x2e2: {  	[tilespmem:s2+$0xE4F8] =	vst.add.f32.msk $0xffff, v0  }
0x2e3: {  	v0 =	vld [tilespmem:s0+$0xE508];
	_ =	sdelay $0x4  }
0x2e4: {  	[tilespmem:s2+$0xE508] =	vst.add.f32.msk $0xffff, v0  }
0x2e5: {  	v0 =	vld [tilespmem:s0+$0xE518];
	_ =	sdelay $0x4  }
0x2e6: {  	[tilespmem:s2+$0xE518] =	vst.add.f32.msk $0xffff, v0  }
0x2e7: {  	v0 =	vld [tilespmem:s0+$0xE528]  }
.Ltmp41:
0x2e8: {  	_ = 	snop;
	(pc) =	sbr.rel .LBB3_39-.Ltmp41, $2  }
0x2e9: {  	_ =	sdelay $0x2  }
0x2ea: {  	[tilespmem:s2+$0xE528] =	vst.add.f32.msk $0xffff, v0  }
.LBB3_40:
0x2eb: {  	s0 =	simm.s32 $0x6;
	p1 =	seq.s32 s6, $0x0  }
0x2ec: {  	[sflag:s0] =	ssyncpa.u1 $0x1;
	v0 =	vimm.s32 @p1 $0xFFFFFFFF  }
0x2ed: {  	s0 =	sadd.s32 $0xFFFFFFFF, s6;
	[tilespmem:$0x10438] =	vst @p1 v0  }
0x2ee: {  	v0 =	vld.msk @!p1 [tilespmem:s0+$0xE418], $0x1;
	_ =	sdelay $0x1  }
0x2ef: {  	v1 =	vld.msk @!p1 [tilespmem:$0xE418], $0x1;
	_ =	sdelay $0x2  }
0x2f0: {  	p2 =	seq.s32 @!p1 s0, $0x0;
	v0 =	vbroadcast @!p1 v0, $0x0  }
0x2f1: {  	vm0 =	vmmov @!p1 $0x1;
	p2 =	por !p2, p1  }
0x2f2: {  	v1 =	vnsel @!p1 vm0, $0xFFFFFFFF, v1;
	vm0 =	vcmask @!p1 $0x308;
	v0 =	vpsel !p2, $0xFFFFFFFF, v0  }
0x2f3: {  	p2 =	sne.s32 @!p1 s8, s7;
	v0 =	vsel @!p1 vm0, v1, v0  }
0x2f4: {  	s2 =	simm.s32 @!p1 $0xE438;
	s3 =	simm.s32 @!p1 $0x0;
	p3 =	por !p2, p1;
	[tilespmem:$0x10438] =	vst @!p1 v0  }
0x2f5: {  	[spmem:s3] =	stream.linear.scatter @!p1 [tilespmem:s2], [sflag:$0x1], $0x100, $0x38;
	[tilespmem:$0x1E678] =	vst v63  }
0x2f6: {  	s2 =	sshll.u32 @!p3 s0, $0xA  }
0x2f7: {  	s2 =	sshra.s32 @!p3 s2, $0x2  }
0x2f8: {  	s3 =	simm.s32 @!p3 $0x100;
	s2 =	sadd.s32 @!p3 $0xE438, s2  }
0x2f9: {  	[spmem:s3] =	stream.linear.scatter @!p3 [tilespmem:s2], [sflag:$0x1], $0x100, $0x38;
	[tilespmem:$0x1E678] =	vst v63  }
0x2fa: {  	s2 =	simm.s32 @!p3 $0x1  }
0x2fb: {  	_ =	swait.ge @!p3 [sflag:s2], $0x200  }
0x2fc: {  	p1 =	por p2, p1;
	[sflag:s2] =	ssyncset.done @!p3 $0x0  }
0x2fd: {  	[sflag:s2] =	ssyncadd.s32 @!p3 $0xFFFFFE00;
	s2 =	simm.s32 @!p1 $0x1  }
0x2fe: {  	_ =	swait.ge @!p1 [sflag:s2], $0x100  }
0x2ff: {  	s29 =	simm.s32 $0x10438;
	[sflag:s2] =	ssyncset.done @!p1 $0x0  }
0x300: {  	s30 =	simm.s32 $0x2000;
	s31 =	simm.s32 $0x1;
	[sflag:s2] =	ssyncadd.s32 @!p1 $0xFFFFFF00  }
0x301: {  	[spmem:s30] =	stream.linear.scatter [tilespmem:s29], [sflag:$0x1], $0x10, $0x38;
	[tilespmem:$0x1E678] =	vst v63  }
0x302: {  	_ =	swait.ge [sflag:s31], $0x10  }
0x303: {  	[sflag:s31] =	ssyncset.done $0x0  }
0x304: {  	p1 =	seq.s32 s14, $0x0;
	s9 =	rddreg [dreg:$0x1];
	[sflag:s31] =	ssyncadd.s32 $0xFFFFFFF0  }
0x305: {  	s3 =	sshll.u32 @p1 s9, $0xE;
	s8 =	rddreg [dreg:$0x2]  }
0x306: {  	s2 =	sadd.s32 @p1 $0x15C3C, s3;
	s3 =	sshll.u32 @p1 s8, $0x11  }
0x307: {  	_ =	sfence.stream.spmem;
	s2 =	sor.u32 @p1 s3, s2  }
0x308: {  	[sflag:s2] =	ssyncadd.remote.s32 @p1 $0x1;
	s2 =	simm.s32 @p1 $0x4  }
0x309: {  	s4 =	simm.s32 @!p1 $0x3C;
	s3 =	sand.u32 $0xFFFFFFFE, s9;
	_ =	swait.ge @p1 [sflag:s2], $0x42  }
0x30a: {  	s5 =	simm.s32 @!p1 $0x0;
	s3 =	sadd.s32 @!p1 $0x4, s3;
	[sflag:s2] =	ssyncset.done @p1 $0x0  }
0x30b: {  	s7 =	simm.s32 @!p1 $0x200;
	[sflag:s2] =	ssyncadd.s32 @p1 $0xFFFFFFBE;
	s2 =	sshll.u32 @!p1 s3, $0x1A  }
0x30c: {  	s3 =	sshll.u32 @!p1 s3, $0xD;
	s2 =	sor.u32 @!p1 s2, s8;
	_ =	swait.eq @!p1 [sflag:s4], $0x1  }
0x30d: {  	s3 =	sor.u32 @!p1 $0x1C04, s3;
	s4 =	simm.s32 @!p1 $0x1C03;
	s2 =	sor.u32 @!p1 $0x80004000, s2  }
0x30e: {  	[spmem:s7], [sflag:s3] =	dma.general @!p1 [spmem:s5], [sflag:s4], length:$0x40, [dreg:$0x0], stride_count:$0x0, ici_dest:s2, dma_misc:DstOpCode:WRITE  }
0x30f: {  	p2 =	slt.s32 s0, $0x2;
	s5 =	simm.s32 @!p1 $0x400;
	s7 =	simm.s32 @!p1 $0x402  }
0x310: {  	[spmem:s7], [sflag:s3] =	dma.general @!p1 [spmem:s5], [sflag:s4], length:$0x2, [dreg:$0x0], stride_count:$0x0, ici_dest:s2, dma_misc:DstOpCode:WRITE  }
.Ltmp42:
0x311: {  	s2 =	simm.s32 @!p1 $0x3;
	(pc) =	sbr.rel @p2 .LBB3_44-.Ltmp42, $4  }
0x312: {  	s3 =	sshll.u32 @!p1 s9, $0xE;
	_ =	swait.ge @!p1 [sflag:s2], $0x42  }
0x313: {  	s4 =	sshll.u32 @!p1 s8, $0x11;
	s3 =	sadd.s32 @!p1 $0x11C3C, s3;
	[sflag:s2] =	ssyncset.done @!p1 $0x0  }
0x314: {  	[sflag:s2] =	ssyncadd.s32 @!p1 $0xFFFFFFBE;
	s2 =	sor.u32 @!p1 s4, s3  }
0x315: {  	s0 =	simm.s32 $0x0;
	[sflag:s2] =	ssyncadd.remote.s32 @!p1 $0xFFFFFFFF  }
0x316: {  	s0 =	simm.s32 $0xE419  }
0x317: {  	v0 =	vld.msk [tilespmem:s0+$0x0], $0x1;
	_ =	sdelay $0x4  }
0x318: {  	(v2sf) =	vpush v0, $0x0;
	_ =	sdelay $0xd  }
0x319: {  	s31 =	sadd.s32 $0xFFFFFFFE, s6  }
0x31a: {  	s6 =	simm.s32 $0x0;
	s0 =	sadd.s32 $0xFFFFFFFF, s31;
	s2 =	spop (v2sf)  }
0x31b: {  	s3 =	simm.s32 $0xE538;
	p1 =	sne.s32 s0, $0x0;
	p2 =	sgt.u32 s2, $0x4E170  }
.Ltmp43:
0x31c: {  	s4 =	simm.s32 $0xE638;
	s5 =	sand.u32 @!p2 $0x7FFF8, s2;
	(pc) =	sbr.rel @!p1 .LBB3_43-.Ltmp43, $4  }
0x31d: {  	s7 =	sadd.s32 @!p2 $0x80, s2;
	s2 =	sand.u32 @!p2 $0x7, s2;
	s6 =	simm.s32 @!p2 $0x400  }
0x31e: {  	s5 =	sadd.s32 @!p2 s1, s5;
	s7 =	sand.u32 @!p2 $0xFFFF8, s7;
	s6 =	sadd.s32 $0x0, s6  }
0x31f: {  	[hbm4b:s5+s2] =	stream.linear.scatter @!p2 [tilespmem:s3], [sflag:$0x5], $0x80, $0x38;
	[tilespmem:$0x1E678] =	vst v63  }
0x320: {  	s5 =	simm.s32 $0xE41A;
	s3 =	simm.s32 @!p2 $0xE5B8;
	s7 =	sadd.s32 @!p2 s1, s7  }
.LBB3_42:
0x321: {  	[hbm4b:s7+s2] =	stream.linear.scatter @!p2 [tilespmem:s3], [sflag:$0x5], $0x80, $0x38;
	[tilespmem:$0x1E678] =	vst v63  }
0x322: {  	s0 =	sadd.s32 $0xFFFFFFFF, s0;
	s3 =	smov.u32 s4;
	v0 =	vld.msk [tilespmem:s5+$0x0], $0x1  }
0x323: {  	p1 =	sne.s32 s0, $0x0;
	_ =	sdelay $0x3  }
0x324: {  	(v2sf) =	vpush v0, $0x0;
	_ =	sdelay $0xe  }
0x325: {  	s4 =	sadd.s32 $0x100, s4;
	s8 =	simm.s32 $0x0;
	s2 =	spop (v2sf)  }
.Ltmp44:
0x326: {  	s5 =	sadd.s32 $0x1, s5;
	p2 =	sgt.u32 s2, $0x4E170;
	(pc) =	sbr.rel @p1 .LBB3_42-.Ltmp44, $4  }
0x327: {  	s8 =	simm.s32 @!p2 $0x400;
	s7 =	sand.u32 @!p2 $0x7FFF8, s2;
	s9 =	sadd.s32 @!p2 $0x80, s2  }
0x328: {  	s2 =	sand.u32 @!p2 $0x7, s2;
	s7 =	sadd.s32 @!p2 s1, s7;
	s9 =	sand.u32 @!p2 $0xFFFF8, s9  }
0x329: {  	[hbm4b:s7+s2] =	stream.linear.scatter @!p2 [tilespmem:s3], [sflag:$0x5], $0x80, $0x38;
	[tilespmem:$0x1E678] =	vst v63  }
0x32a: {  	s6 =	sadd.s32 s6, s8;
	s3 =	sadd.s32 @!p2 $0x80, s3;
	s7 =	sadd.s32 @!p2 s1, s9  }
.LBB3_43:
0x32b: {  	[hbm4b:s7+s2] =	stream.linear.scatter @!p2 [tilespmem:s3], [sflag:$0x5], $0x80, $0x38;
	[tilespmem:$0x1E678] =	vst v63  }
0x32c: {  	s0 =	sshrl.u32 s6, $0x2  }
.LBB3_44:
0x32d: {  	s2 =	simm.s32 $0x5  }
0x32e: {  	_ =	swait.ge [sflag:s2], s0  }
0x32f: {  	s31 =	ssub.s32 $0x0, s0;
	[sflag:s2] =	ssyncset.done $0x0  }
0x330: {  	[sflag:s2] =	ssyncadd.s32 s31  }
0x331: {  	[sflag:s2] =	ssyncpa.u1 $0x1  }
.LBB3_45:
0x332: {  	s0 =	sor.u32 s14, s15  }
0x333: {  	p1 =	sne.s32 s0, $0x0  }
.Ltmp45:
0x334: {  	_ = 	snop;
	(pc) =	sbr.rel @p1 .LBB3_60-.Ltmp45, $3  }
0x335: {  	_ =	sdelay $0x1  }
0x336: {  	[bflag:$0x0] =	sbarrier.arrive $0xFFFF  }
0x337: {  	_ =	sfence  }
0x338: {  	s0 =	simm.s32 $0x7  }
0x339: {  	s2 =	simm.s32 $0x2000;
	s3 =	simm.s32 $0xE418;
	[sflag:s0] =	ssyncpa.u1 $0x0  }
0x33a: {  	[tilespmem:s3], [sflag:$0x7] =	stream.linear.gather [spmem:s2], $0x20, $0x38;
	[tilespmem:$0x1E678] =	vst v63  }
0x33b: {  	s30 =	simm.s32 $0xE438;
	s2 =	simm.s32 $0x0  }
0x33c: {  	[tilespmem:s30], [sflag:$0x7] =	stream.linear.gather [spmem:s2], $0x2000, $0x38;
	[tilespmem:$0x1E678] =	vst v63  }
.Ltmp46:
0x33d: {  	_ = 	snop;
	(pc) =	sbr.rel .LBB3_47-.Ltmp46, $4  }
0x33e: {  	_ =	swait.ge [sflag:s0], $0x2020  }
0x33f: {  	[sflag:s0] =	ssyncset.done $0x0  }
0x340: {  	s31 =	simm.s32 $0x8;
	[sflag:s0] =	ssyncadd.s32 $0xFFFFDFE0  }
0x341: {  	s3 =	simm.s32 $0x0;
	[sflag:s31] =	ssyncpa.u1 $0x0  }
.LBB3_53:
0x342: {  	p1 =	slt.u32 s0, $0x4E171  }
0x343: {  	s4 =	sand.u32 @p1 $0x7FFF8, s0;
	s5 =	sand.u32 @p1 $0x7, s0;
	s0 =	sadd.s32 @p1 $0x80, s0  }
0x344: {  	s6 =	simm.s32 @p1 $0xE308;
	s4 =	sadd.s32 @p1 s1, s4;
	s0 =	sand.u32 @p1 $0xFFFF8, s0  }
0x345: {  	[tilespmem:s6], [sflag:$0x8] =	stream.linear.gather @p1 [hbm4b:s4+s5], $0x80, $0x38;
	[tilespmem:$0x1E678] =	vst v63  }
0x346: {  	s0 =	sadd.s32 @p1 s1, s0;
	s4 =	simm.s32 @p1 $0xE388  }
0x347: {  	[tilespmem:s4], [sflag:$0x8] =	stream.linear.gather @p1 [hbm4b:s0+s5], $0x80, $0x38;
	[tilespmem:$0x1E678] =	vst v63  }
0x348: {  	s0 =	simm.s32 @p1 $0x8  }
0x349: {  	_ =	swait.ge @p1 [sflag:s0], $0x100  }
0x34a: {  	[sflag:s0] =	ssyncset.done @p1 $0x0  }
0x34b: {  	[sflag:s0] =	ssyncadd.s32 @p1 $0xFFFFFF00  }
0x34c: {  	v1 =	vld @p1 [tilespmem:$0xE308];
	_ =	sdelay $0x2  }
0x34d: {  	s0 =	sshll.u32 @p1 s3, $0xA  }
0x34e: {  	s4 =	sshrl.u32 @p1 s0, $0x2  }
0x34f: {  	[tilespmem:s4+$0xE438] =	vst.add.f32.msk @p1 $0xffff, v1  }
0x350: {  	v1 =	vld @p1 [tilespmem:$0xE318];
	_ =	sdelay $0x4  }
0x351: {  	[tilespmem:s4+$0xE448] =	vst.add.f32.msk @p1 $0xffff, v1  }
0x352: {  	v1 =	vld @p1 [tilespmem:$0xE328];
	_ =	sdelay $0x4  }
0x353: {  	[tilespmem:s4+$0xE458] =	vst.add.f32.msk @p1 $0xffff, v1  }
0x354: {  	v1 =	vld @p1 [tilespmem:$0xE338];
	_ =	sdelay $0x4  }
0x355: {  	[tilespmem:s4+$0xE468] =	vst.add.f32.msk @p1 $0xffff, v1  }
0x356: {  	v1 =	vld @p1 [tilespmem:$0xE348];
	_ =	sdelay $0x4  }
0x357: {  	[tilespmem:s4+$0xE478] =	vst.add.f32.msk @p1 $0xffff, v1  }
0x358: {  	v1 =	vld @p1 [tilespmem:$0xE358];
	_ =	sdelay $0x4  }
0x359: {  	[tilespmem:s4+$0xE488] =	vst.add.f32.msk @p1 $0xffff, v1  }
0x35a: {  	v1 =	vld @p1 [tilespmem:$0xE368];
	_ =	sdelay $0x4  }
0x35b: {  	[tilespmem:s4+$0xE498] =	vst.add.f32.msk @p1 $0xffff, v1  }
0x35c: {  	v1 =	vld @p1 [tilespmem:$0xE378];
	_ =	sdelay $0x4  }
0x35d: {  	[tilespmem:s4+$0xE4A8] =	vst.add.f32.msk @p1 $0xffff, v1  }
0x35e: {  	v1 =	vld @p1 [tilespmem:$0xE388];
	_ =	sdelay $0x4  }
0x35f: {  	[tilespmem:s4+$0xE4B8] =	vst.add.f32.msk @p1 $0xffff, v1  }
0x360: {  	v1 =	vld @p1 [tilespmem:$0xE398];
	_ =	sdelay $0x4  }
0x361: {  	[tilespmem:s4+$0xE4C8] =	vst.add.f32.msk @p1 $0xffff, v1  }
0x362: {  	v1 =	vld @p1 [tilespmem:$0xE3A8];
	_ =	sdelay $0x4  }
0x363: {  	[tilespmem:s4+$0xE4D8] =	vst.add.f32.msk @p1 $0xffff, v1  }
0x364: {  	v1 =	vld @p1 [tilespmem:$0xE3B8];
	_ =	sdelay $0x4  }
0x365: {  	[tilespmem:s4+$0xE4E8] =	vst.add.f32.msk @p1 $0xffff, v1  }
0x366: {  	v1 =	vld @p1 [tilespmem:$0xE3C8];
	_ =	sdelay $0x4  }
0x367: {  	[tilespmem:s4+$0xE4F8] =	vst.add.f32.msk @p1 $0xffff, v1  }
0x368: {  	v1 =	vld @p1 [tilespmem:$0xE3D8];
	_ =	sdelay $0x4  }
0x369: {  	[tilespmem:s4+$0xE508] =	vst.add.f32.msk @p1 $0xffff, v1  }
0x36a: {  	v1 =	vld @p1 [tilespmem:$0xE3E8];
	_ =	sdelay $0x4  }
0x36b: {  	[tilespmem:s4+$0xE518] =	vst.add.f32.msk @p1 $0xffff, v1  }
0x36c: {  	v1 =	vld @p1 [tilespmem:$0xE3F8];
	_ =	sdelay $0x3  }
0x36d: {  	s5 =	sshll.u32 @!p1 s3, $0xA  }
0x36e: {  	s5 =	smov.u32 @p1 s0;
	[tilespmem:s4+$0xE528] =	vst.add.f32.msk @p1 $0xffff, v1  }
0x36f: {  	s0 =	sshrl.u32 s5, $0x2;
	[tilespmem:s2+$0xE418] =	vst.msk $0x1, v0  }
0x370: {  	v0 =	vld [tilespmem:s0+$0xE438];
	_ =	sdelay $0x2  }
0x371: {  	s31 =	sshll.u32 s2, $0xA  }
0x372: {  	s4 =	sshra.s32 s31, $0x2  }
0x373: {  	[tilespmem:s4+$0xE438] =	vst v0  }
0x374: {  	v0 =	vld [tilespmem:s0+$0xE448];
	_ =	sdelay $0x4  }
0x375: {  	[tilespmem:s4+$0xE448] =	vst v0  }
0x376: {  	v0 =	vld [tilespmem:s0+$0xE458];
	_ =	sdelay $0x4  }
0x377: {  	[tilespmem:s4+$0xE458] =	vst v0  }
0x378: {  	v0 =	vld [tilespmem:s0+$0xE468];
	_ =	sdelay $0x4  }
0x379: {  	[tilespmem:s4+$0xE468] =	vst v0  }
0x37a: {  	v0 =	vld [tilespmem:s0+$0xE478];
	_ =	sdelay $0x4  }
0x37b: {  	[tilespmem:s4+$0xE478] =	vst v0  }
0x37c: {  	v0 =	vld [tilespmem:s0+$0xE488];
	_ =	sdelay $0x4  }
0x37d: {  	[tilespmem:s4+$0xE488] =	vst v0  }
0x37e: {  	v0 =	vld [tilespmem:s0+$0xE498];
	_ =	sdelay $0x4  }
0x37f: {  	[tilespmem:s4+$0xE498] =	vst v0  }
0x380: {  	v0 =	vld [tilespmem:s0+$0xE4A8];
	_ =	sdelay $0x4  }
0x381: {  	[tilespmem:s4+$0xE4A8] =	vst v0  }
0x382: {  	v0 =	vld [tilespmem:s0+$0xE4B8];
	_ =	sdelay $0x4  }
0x383: {  	[tilespmem:s4+$0xE4B8] =	vst v0  }
0x384: {  	v0 =	vld [tilespmem:s0+$0xE4C8];
	_ =	sdelay $0x4  }
0x385: {  	[tilespmem:s4+$0xE4C8] =	vst v0  }
0x386: {  	v0 =	vld [tilespmem:s0+$0xE4D8];
	_ =	sdelay $0x4  }
0x387: {  	[tilespmem:s4+$0xE4D8] =	vst v0  }
0x388: {  	v0 =	vld [tilespmem:s0+$0xE4E8];
	_ =	sdelay $0x4  }
0x389: {  	[tilespmem:s4+$0xE4E8] =	vst v0  }
0x38a: {  	v0 =	vld [tilespmem:s0+$0xE4F8];
	_ =	sdelay $0x4  }
0x38b: {  	[tilespmem:s4+$0xE4F8] =	vst v0  }
0x38c: {  	v0 =	vld [tilespmem:s0+$0xE508];
	_ =	sdelay $0x4  }
0x38d: {  	[tilespmem:s4+$0xE508] =	vst v0  }
0x38e: {  	v0 =	vld [tilespmem:s0+$0xE518];
	_ =	sdelay $0x4  }
0x38f: {  	[tilespmem:s4+$0xE518] =	vst v0  }
0x390: {  	v0 =	vld [tilespmem:s0+$0xE528];
	_ =	sdelay $0x4  }
0x391: {  	s2 =	sadd.s32 $0x1, s2;
	[tilespmem:s4+$0xE528] =	vst v0  }
.LBB3_54:
0x392: {  	s3 =	sadd.s32 $0x1, s3  }
0x393: {  	p1 =	sne.s32 s3, $0x20  }
.Ltmp47:
0x394: {  	_ = 	snop;
	(pc) =	sbr.rel @!p1 .LBB3_55-.Ltmp47, $1  }
0x395: {  	_ =	sdelay $0x3  }
.LBB3_47:
0x396: {  	v0 =	vld.msk [tilespmem:s3+$0xE418], $0x1;
	_ =	sdelay $0x4  }
0x397: {  	(v2sf) =	vpush v0, $0x0;
	_ =	sdelay $0xe  }
0x398: {  	s0 =	spop (v2sf)  }
0x399: {  	p1 =	seq.s32 s0, $0xFFFFFFFF  }
.Ltmp48:
0x39a: {  	_ = 	snop;
	(pc) =	sbr.rel @p1 .LBB3_54-.Ltmp48, $1  }
0x39b: {  	_ =	sdelay $0x3  }
0x39c: {  	p1 =	slt.s32 s2, $0x1  }
.Ltmp49:
0x39d: {  	_ = 	snop;
	(pc) =	sbr.rel @p1 .LBB3_53-.Ltmp49, $1  }
0x39e: {  	_ =	sdelay $0x3  }
0x39f: {  	s4 =	simm.s32 $0xE418;
	p1 =	por $0x0, $0x0  }
0x3a0: {  	v1 =	vld.msk @!p1 [tilespmem:s4+$0x0], $0x1;
	_ =	sdelay $0x4  }
0x3a1: {  	(v2sf) =	vpush @!p1 v1, $0x0;
	_ =	sdelay $0xd  }
0x3a2: {  	p3 =	sne.s32 s2, $0x1  }
.Ltmp50:
0x3a3: {  	s5 =	spop @!p1 (v2sf);
	(pc) =	sbr.rel @!p3 .LBB3_51-.Ltmp50, $4  }
0x3a4: {  	p2 =	seq.s32 @!p1 s0, s5  }
0x3a5: {  	s5 =	simm.s32 $0x0;
	p2 =	por !p2, p1  }
0x3a6: {  	s7 =	simm.s32 $0xFFFFFFFF;
	s5 =	simm.s32 @p2 $0xFFFFFFFF  }
0x3a7: {  	s6 =	simm.s32 $0x1;
	s5 =	smov.u32 @p1 s7  }
.LBB3_50:
0x3a8: {  	s7 =	smov.u32 s5;
	p1 =	sne.s32 s5, $0xFFFFFFFF  }
0x3a9: {  	s4 =	sadd.s32 $0x1, s4;
	s5 =	smov.u32 s6;
	s6 =	sadd.s32 $0x1, s6  }
0x3aa: {  	p2 =	sne.s32 s2, s6;
	v1 =	vld.msk @!p1 [tilespmem:s4+$0x0], $0x1;
	_ =	sdelay $0x4  }
0x3ab: {  	(v2sf) =	vpush @!p1 v1, $0x0;
	_ =	sdelay $0xe  }
.Ltmp51:
0x3ac: {  	s8 =	spop @!p1 (v2sf);
	(pc) =	sbr.rel @p2 .LBB3_50-.Ltmp51, $4  }
0x3ad: {  	p3 =	seq.s32 @!p1 s0, s8  }
0x3ae: {  	p3 =	por !p3, p1  }
0x3af: {  	s5 =	simm.s32 @p3 $0xFFFFFFFF  }
0x3b0: {  	s5 =	smov.u32 @p1 s7  }
.LBB3_51:
0x3b1: {  	p1 =	seq.s32 s5, $0xFFFFFFFF  }
.Ltmp52:
0x3b2: {  	_ = 	snop;
	(pc) =	sbr.rel @p1 .LBB3_53-.Ltmp52, $1  }
0x3b3: {  	_ =	sdelay $0x3  }
0x3b4: {  	s0 =	sshll.u32 s3, $0x8  }
0x3b5: {  	s0 =	sand.u32 $0x3FFFFF00, s0  }
0x3b6: {  	v0 =	vld [tilespmem:s0+$0xE438];
	_ =	sdelay $0x2  }
0x3b7: {  	s4 =	sshll.u32 s5, $0xA  }
0x3b8: {  	s4 =	sshra.s32 s4, $0x2  }
0x3b9: {  	[tilespmem:s4+$0xE438] =	vst.add.f32.msk $0xffff, v0  }
0x3ba: {  	v0 =	vld [tilespmem:s0+$0xE448];
	_ =	sdelay $0x4  }
0x3bb: {  	[tilespmem:s4+$0xE448] =	vst.add.f32.msk $0xffff, v0  }
0x3bc: {  	v0 =	vld [tilespmem:s0+$0xE458];
	_ =	sdelay $0x4  }
0x3bd: {  	[tilespmem:s4+$0xE458] =	vst.add.f32.msk $0xffff, v0  }
0x3be: {  	v0 =	vld [tilespmem:s0+$0xE468];
	_ =	sdelay $0x4  }
0x3bf: {  	[tilespmem:s4+$0xE468] =	vst.add.f32.msk $0xffff, v0  }
0x3c0: {  	v0 =	vld [tilespmem:s0+$0xE478];
	_ =	sdelay $0x4  }
0x3c1: {  	[tilespmem:s4+$0xE478] =	vst.add.f32.msk $0xffff, v0  }
0x3c2: {  	v0 =	vld [tilespmem:s0+$0xE488];
	_ =	sdelay $0x4  }
0x3c3: {  	[tilespmem:s4+$0xE488] =	vst.add.f32.msk $0xffff, v0  }
0x3c4: {  	v0 =	vld [tilespmem:s0+$0xE498];
	_ =	sdelay $0x4  }
0x3c5: {  	[tilespmem:s4+$0xE498] =	vst.add.f32.msk $0xffff, v0  }
0x3c6: {  	v0 =	vld [tilespmem:s0+$0xE4A8];
	_ =	sdelay $0x4  }
0x3c7: {  	[tilespmem:s4+$0xE4A8] =	vst.add.f32.msk $0xffff, v0  }
0x3c8: {  	v0 =	vld [tilespmem:s0+$0xE4B8];
	_ =	sdelay $0x4  }
0x3c9: {  	[tilespmem:s4+$0xE4B8] =	vst.add.f32.msk $0xffff, v0  }
0x3ca: {  	v0 =	vld [tilespmem:s0+$0xE4C8];
	_ =	sdelay $0x4  }
0x3cb: {  	[tilespmem:s4+$0xE4C8] =	vst.add.f32.msk $0xffff, v0  }
0x3cc: {  	v0 =	vld [tilespmem:s0+$0xE4D8];
	_ =	sdelay $0x4  }
0x3cd: {  	[tilespmem:s4+$0xE4D8] =	vst.add.f32.msk $0xffff, v0  }
0x3ce: {  	v0 =	vld [tilespmem:s0+$0xE4E8];
	_ =	sdelay $0x4  }
0x3cf: {  	[tilespmem:s4+$0xE4E8] =	vst.add.f32.msk $0xffff, v0  }
0x3d0: {  	v0 =	vld [tilespmem:s0+$0xE4F8];
	_ =	sdelay $0x4  }
0x3d1: {  	[tilespmem:s4+$0xE4F8] =	vst.add.f32.msk $0xffff, v0  }
0x3d2: {  	v0 =	vld [tilespmem:s0+$0xE508];
	_ =	sdelay $0x4  }
0x3d3: {  	[tilespmem:s4+$0xE508] =	vst.add.f32.msk $0xffff, v0  }
0x3d4: {  	v0 =	vld [tilespmem:s0+$0xE518];
	_ =	sdelay $0x4  }
0x3d5: {  	[tilespmem:s4+$0xE518] =	vst.add.f32.msk $0xffff, v0  }
0x3d6: {  	v0 =	vld [tilespmem:s0+$0xE528]  }
.Ltmp53:
0x3d7: {  	_ = 	snop;
	(pc) =	sbr.rel .LBB3_54-.Ltmp53, $2  }
0x3d8: {  	_ =	sdelay $0x2  }
0x3d9: {  	[tilespmem:s4+$0xE528] =	vst.add.f32.msk $0xffff, v0  }
.LBB3_55:
0x3da: {  	p1 =	slt.s32 s2, $0x1  }
.Ltmp54:
0x3db: {  	_ = 	snop;
	(pc) =	sbr.rel @p1 .LBB3_59-.Ltmp54, $3  }
0x3dc: {  	_ =	sdelay $0x1  }
0x3dd: {  	s0 =	simm.s32 $0x8  }
0x3de: {  	s4 =	simm.s32 $0x0;
	[sflag:s0] =	ssyncpa.u1 $0x1  }
0x3df: {  	s0 =	simm.s32 $0xE418  }
0x3e0: {  	v0 =	vld.msk [tilespmem:s0+$0x0], $0x1;
	_ =	sdelay $0x4  }
0x3e1: {  	(v2sf) =	vpush v0, $0x0;
	_ =	sdelay $0xe  }
0x3e2: {  	s0 =	sadd.s32 $0xFFFFFFFF, s2;
	s3 =	spop (v2sf)  }
0x3e3: {  	s6 =	simm.s32 $0xE438;
	p1 =	sne.s32 s0, $0x0;
	p2 =	sgt.u32 s3, $0x4E170  }
.Ltmp55:
0x3e4: {  	s2 =	simm.s32 $0xE538;
	s5 =	sand.u32 @!p2 $0x7FFF8, s3;
	(pc) =	sbr.rel @!p1 .LBB3_58-.Ltmp55, $4  }
0x3e5: {  	s7 =	sadd.s32 @!p2 $0x80, s3;
	s4 =	simm.s32 @!p2 $0x400;
	s8 =	sadd.s32 @!p2 s1, s5  }
0x3e6: {  	s5 =	sand.u32 @!p2 $0x7, s3;
	s3 =	simm.s32 $0xE419;
	s7 =	sand.u32 @!p2 $0xFFFF8, s7  }
0x3e7: {  	[hbm4b:s8+s5] =	stream.linear.scatter @!p2 [tilespmem:s6], [sflag:$0x7], $0x80, $0x38;
	[tilespmem:$0x1E678] =	vst v63  }
0x3e8: {  	s4 =	sadd.s32 $0x0, s4;
	s6 =	simm.s32 @!p2 $0xE4B8;
	s7 =	sadd.s32 @!p2 s1, s7  }
.LBB3_57:
0x3e9: {  	[hbm4b:s7+s5] =	stream.linear.scatter @!p2 [tilespmem:s6], [sflag:$0x7], $0x80, $0x38;
	[tilespmem:$0x1E678] =	vst v63  }
0x3ea: {  	s0 =	sadd.s32 $0xFFFFFFFF, s0;
	s6 =	smov.u32 s2;
	v0 =	vld.msk [tilespmem:s3+$0x0], $0x1  }
0x3eb: {  	p1 =	sne.s32 s0, $0x0;
	_ =	sdelay $0x3  }
0x3ec: {  	(v2sf) =	vpush v0, $0x0;
	_ =	sdelay $0xe  }
0x3ed: {  	s2 =	sadd.s32 $0x100, s2;
	s8 =	simm.s32 $0x0;
	s5 =	spop (v2sf)  }
.Ltmp56:
0x3ee: {  	s3 =	sadd.s32 $0x1, s3;
	p2 =	sgt.u32 s5, $0x4E170;
	(pc) =	sbr.rel @p1 .LBB3_57-.Ltmp56, $4  }
0x3ef: {  	s8 =	simm.s32 @!p2 $0x400;
	s7 =	sand.u32 @!p2 $0x7FFF8, s5;
	s9 =	sadd.s32 @!p2 $0x80, s5  }
0x3f0: {  	s5 =	sand.u32 @!p2 $0x7, s5;
	s7 =	sadd.s32 @!p2 s1, s7;
	s9 =	sand.u32 @!p2 $0xFFFF8, s9  }
0x3f1: {  	[hbm4b:s7+s5] =	stream.linear.scatter @!p2 [tilespmem:s6], [sflag:$0x7], $0x80, $0x38;
	[tilespmem:$0x1E678] =	vst v63  }
0x3f2: {  	s4 =	sadd.s32 s4, s8;
	s6 =	sadd.s32 @!p2 $0x80, s6;
	s7 =	sadd.s32 @!p2 s1, s9  }
.LBB3_58:
0x3f3: {  	[hbm4b:s7+s5] =	stream.linear.scatter @!p2 [tilespmem:s6], [sflag:$0x7], $0x80, $0x38;
	[tilespmem:$0x1E678] =	vst v63  }
0x3f4: {  	s4 =	sshrl.u32 s4, $0x2  }
.LBB3_59:
0x3f5: {  	s0 =	simm.s32 $0x7  }
0x3f6: {  	_ =	swait.ge [sflag:s0], s4  }
0x3f7: {  	s1 =	ssub.s32 $0x0, s4;
	[sflag:s0] =	ssyncset.done $0x0  }
0x3f8: {  	[sflag:s0] =	ssyncadd.s32 s1  }
0x3f9: {  	[sflag:s0] =	ssyncpa.u1 $0x1  }
.LBB3_60:
0x3fa: {  	_ =	sfence;
	s0 =	simm.s32 $0x1  }
0x3fb: {  	[sflag:s0] =	ssyncpa.u1 $0x1  }
0x3fc: {  	_ =	strace $0x90000053  }
0x3fd: {  	[bflag:$0x2] =	sbarrier.arrive $0xFFFF  }
0x3fe: {  	s0 =	rddreg [dreg:$0x3]  }
0x3ff: {  	s0 =	sadd.s32 @!p0 $0x100000, s0  }
0x400: {  	[sflag:s0] =	ssyncadd.tile.s32 @!p0 $0x1;
	_ =	shalt  }
.Lfunc_end3:
_tile_overlayer_lowered:
.L_overlay_start_3:
0x401: {  	(tag) =	ssettag $0x3  }
0x402: {  	s0 =	rddreg [dreg:$0x0];
	s2 =	stileid.u32  }
0x403: {  	s1 =	rddreg [dreg:$0x1];
	p0 =	sne.s32 s2, $0x0  }
0x404: {  	s3 =	rddreg [dreg:$0x2];
	[bflag:$0x3] =	sbarrier.arrive $0xFFFF;
	s2 =	simm.s32 @!p0 $0x1C01  }
0x405: {  	[timem:s3], [sflag:s2] =	dma.local @!p0 [hbm:s0], s1  }
0x406: {  	s0 =	simm.s32 @!p0 $0x1  }
0x407: {  	_ =	swait.ge @!p0 [sflag:s0], s1  }
0x408: {  	s1 =	ssub.s32 @!p0 $0x0, s1;
	[sflag:s0] =	ssyncset.done @!p0 $0x0  }
0x409: {  	[sflag:s0] =	ssyncadd.s32 @!p0 s1  }
0x40a: {  	[bflag:$0x3] =	sbarrier.arrive $0xFFFF  }
0x40b: {  	_ =	shalt  }

// kernel: scatter_offload_async_start
scs
__scs_entry_jumppad:
0x0: {  	(pc) =	sbr.rel $0x88, $3  }
0x1: {  	(tag) =	ssettag $0x0;
	lr =	simm.s32 $0x1  }
0x2: {  	[smem:$0x3F89] =	sst lr;
	_ =	strace $0xD0000000  }
0x3: {  	_ = 	snop  }
0x4: {  	_ = 	snop  }
0x5: {  	_ = 	snop  }
0x6: {  	_ = 	snop  }
0x7: {  	_ = 	snop  }
__scs_overlays_trampoline_lowered:
0x8: {  	[smem:$0x3F98] =	sst s0  }
0x9: {  	[smem:$0x3F99] =	sst s1  }
0xa: {  	[smem:$0x3F9A] =	sst s2  }
0xb: {  	[smem:$0x3F9B] =	sst s3  }
0xc: {  	[smem:$0x3F9C] =	sst s4  }
0xd: {  	[smem:$0x3F9D] =	sst s5  }
0xe: {  	[smem:$0x3F9E] =	sst s6  }
0xf: {  	[smem:$0x3F9F] =	sst s7  }
0x10: {  	[smem:$0x3FA0] =	sst s8  }
0x11: {  	[smem:$0x3FA1] =	sst s9;
	s0 =	simm.s32 @!p0 $0x0  }
0x12: {  	s1 =	sld [smem:$0x3F87];
	s0 =	simm.s32 @p0 $0x1  }
0x13: {  	[smem:$0x3FA2] =	sst s0;
	s0 =	simm.s32 @!p1 $0x0  }
0x14: {  	s2 =	sld [smem:$0x3F86];
	s0 =	simm.s32 @p1 $0x1  }
0x15: {  	[smem:$0x3FA3] =	sst s0;
	s0 =	simm.s32 @!p2 $0x0  }
0x16: {  	s3 =	sld [smem:$0x3FDB];
	s0 =	simm.s32 @p2 $0x1  }
0x17: {  	s4 =	simm.s32 $0x1BF5;
	[smem:$0x3FA5] =	sst s0  }
0x18: {  	s0 =	sld [smem:$0x3F88];
	_ =	swait.ge [sflag:s4], $0x0  }
0x19: {  	s7 =	sld [smem:$0x3F89]  }
0x1a: {  	s8 =	sadd.s32 $0xFFFFE003, lr  }
0x1b: {  	s9 =	sadd.s32 $0xFFFFFEF7, lr;
	s5 =	simm.s32 $0xFFFFFFFF;
	p2 =	slt.u32 s8, $0xFFFFF086  }
0x1c: {  	p1 =	slt.u32 s9, $0xF7A;
	s5 =	simm.s32 @!p2 $0x0  }
0x1d: {  	s5 =	simm.s32 @p1 $0x1;
	p0 =	seq.s32 s7, s2  }
0x1e: {  	s7 =	smul.u32 @!p0 $0xF7A, s2;
	p2 =	seq.s32 @!p0 s5, $0x0  }
0x1f: {  	s9 =	smul.u32 $0xF7A, s1;
	s8 =	simm.s32 @!p0 $0x1BF5;
	p2 =	por !p2, p0  }
0x20: {  	[sflag:s8] =	ssyncset.s32 @!p0 $0xFFFFF086;
	s6 =	sadd.s32 @!p0 s3, s7;
	s7 =	simm.s32 @!p0 $0x108  }
0x21: {  	s3 =	sadd.s32 s3, s9;
	s6 =	sadd.s32 @!p0 $0x88, s6;
	s7 =	simm.s32 @p2 $0x1082  }
0x22: {  	[simem:s7], [sflag:s8] =	dma.local @!p0 [hbm:s6], $0xF7A  }
0x23: {  	s9 =	sor.u32 $0xD0000000, s2;
	s6 =	simm.s32 $0x108;
	_ =	swait.ge @!p0 [sflag:s8], $0x0  }
0x24: {  	s3 =	sadd.s32 $0x88, s3;
	s6 =	simm.s32 @!p1 $0x1082;
	[sflag:s4] =	ssyncset.s32 $0xFFFFF086  }
0x25: {  	[simem:s6], [sflag:s4] =	dma.local [hbm:s3], $0xF7A  }
0x26: {  	[smem:$0x3F89] =	sst s1;
	(tag) =	ssettag s2;
	_ =	strace s9  }
0x27: {  	s1 =	sld [smem:$0x3F99]  }
0x28: {  	s2 =	sld [smem:$0x3F9A]  }
0x29: {  	s4 =	sld [smem:$0x3F9C]  }
0x2a: {  	p0 =	seq.s32 s5, $0x0;
	s5 =	sld [smem:$0x3F9D]  }
0x2b: {  	s6 =	sld [smem:$0x3F9E]  }
0x2c: {  	s7 =	sld [smem:$0x3F9F]  }
0x2d: {  	s3 =	simm.s32 $0x108;
	s8 =	sld [smem:$0x3FA0]  }
0x2e: {  	s3 =	simm.s32 @!p0 $0x1082;
	s9 =	sld [smem:$0x3FA1]  }
0x2f: {  	lr =	sadd.s32 s0, s3;
	s0 =	sld [smem:$0x3F98]  }
0x30: {  	s3 =	sld [smem:$0x3F9B]  }
0x31: {  	[smem:$0x3FA4] =	sst s10  }
0x32: {  	s10 =	sld [smem:$0x3FA2];
	_ =	sdelay $0x3  }
0x33: {  	p0 =	seq.s32 s10, $0x1;
	s10 =	sld [smem:$0x3FA4];
	_ =	sdelay $0x3  }
0x34: {  	[smem:$0x3FA4] =	sst s10  }
0x35: {  	s10 =	sld [smem:$0x3FA3];
	_ =	sdelay $0x3  }
0x36: {  	p1 =	seq.s32 s10, $0x1;
	s10 =	sld [smem:$0x3FA4];
	_ =	sdelay $0x3  }
0x37: {  	[smem:$0x3FA4] =	sst s10  }
0x38: {  	s10 =	sld [smem:$0x3FA5]  }
0x39: {  	_ = 	snop;
	(pc) =	sbr.ind lr, $3  }
0x3a: {  	_ = 	snop  }
0x3b: {  	_ = 	snop  }
0x3c: {  	p2 =	seq.s32 s10, $0x1;
	s10 =	sld [smem:$0x3FA4]  }
0x3d: {  	_ =	shalt  }
0x3e: {  	_ =	shalt  }
0x3f: {  	_ =	shalt  }
0x40: {  	_ =	shalt  }
0x41: {  	_ =	shalt  }
0x42: {  	_ =	shalt  }
0x43: {  	_ =	shalt  }
0x44: {  	_ =	shalt  }
0x45: {  	_ =	shalt  }
0x46: {  	_ =	shalt  }
0x47: {  	_ =	shalt  }
0x48: {  	_ =	shalt  }
0x49: {  	_ =	shalt  }
0x4a: {  	_ =	shalt  }
0x4b: {  	_ =	shalt  }
0x4c: {  	_ =	shalt  }
0x4d: {  	_ =	shalt  }
0x4e: {  	_ =	shalt  }
0x4f: {  	_ =	shalt  }
0x50: {  	_ =	shalt  }
0x51: {  	_ =	shalt  }
0x52: {  	_ =	shalt  }
0x53: {  	_ =	shalt  }
0x54: {  	_ =	shalt  }
0x55: {  	_ =	shalt  }
0x56: {  	_ =	shalt  }
0x57: {  	_ =	shalt  }
0x58: {  	_ =	shalt  }
0x59: {  	_ =	shalt  }
0x5a: {  	_ =	shalt  }
0x5b: {  	_ =	shalt  }
0x5c: {  	_ =	shalt  }
0x5d: {  	_ =	shalt  }
0x5e: {  	_ =	shalt  }
0x5f: {  	_ =	shalt  }
0x60: {  	_ =	shalt  }
0x61: {  	_ =	shalt  }
0x62: {  	_ =	shalt  }
0x63: {  	_ =	shalt  }
0x64: {  	_ =	shalt  }
0x65: {  	_ =	shalt  }
0x66: {  	_ =	shalt  }
0x67: {  	_ =	shalt  }
0x68: {  	_ =	shalt  }
0x69: {  	_ =	shalt  }
0x6a: {  	_ =	shalt  }
0x6b: {  	_ =	shalt  }
0x6c: {  	_ =	shalt  }
0x6d: {  	_ =	shalt  }
0x6e: {  	_ =	shalt  }
0x6f: {  	_ =	shalt  }
0x70: {  	_ =	shalt  }
0x71: {  	_ =	shalt  }
0x72: {  	_ =	shalt  }
0x73: {  	_ =	shalt  }
0x74: {  	_ =	shalt  }
0x75: {  	_ =	shalt  }
0x76: {  	_ =	shalt  }
0x77: {  	_ =	shalt  }
0x78: {  	_ =	shalt  }
0x79: {  	_ =	shalt  }
0x7a: {  	_ =	shalt  }
0x7b: {  	_ =	shalt  }
0x7c: {  	_ =	shalt  }
0x7d: {  	_ =	shalt  }
0x7e: {  	_ =	shalt  }
0x7f: {  	_ =	shalt  }
0x80: {  	_ =	shalt  }
0x81: {  	_ =	shalt  }
0x82: {  	_ =	shalt  }
0x83: {  	_ =	shalt  }
0x84: {  	_ =	shalt  }
0x85: {  	_ =	shalt  }
0x86: {  	_ =	shalt  }
0x87: {  	_ =	shalt  }
.Lfunc_end0:
.L_simem_size_0:
called_computation_lowered:
.L_overlay_start_0:
0x88: {  	s2 =	sld [smem:$0x3FD9]  }
0x89: {  	s3 =	sld [smem:$0x3FFE];
	_ =	sdelay $0x1  }
0x8a: {  	s1 =	srdreg.scid  }
0x8b: {  	s0 =	sand.u32 $0x1, s1  }
0x8c: {  	s13 =	sshll.u32 s0, $0xA;
	s2 =	sadd.s32 s3, s2  }
0x8d: {  	s2 =	sadd.s32 s2, s13  }
0x8e: {  	[smem:$0x3FB0] =	sst s2  }
0x8f: {  	_ = 	snop  }
0x90: {  	s2 =	sld [smem:$0x3FD0];
	_ =	sdelay $0x2  }
0x91: {  	s14 =	simm.s32 $0xB;
	s4 =	simm.s32 $0x10  }
0x92: {  	[smem:s4], [sflag:s14] =	dma.local [hbm:s2], $0x1  }
0x93: {  	_ =	swait.eq [sflag:s14], $0x1  }
0x94: {  	[sflag:s14] =	ssyncset.done $0x0  }
0x95: {  	[sflag:s14] =	ssyncadd.s32 $0xFFFFFFFF  }
0x96: {  	s15 =	sld [smem:$0x11];
	(tm) =	ssettm $0x1  }
0x97: {  	s16 =	sld [smem:$0x3FFB];
	_ =	sdelay $0x3  }
0x98: {  	_ =	strace s16  }
0x99: {  	s3 =	sld [smem:$0x3FFC];
	_ =	sdelay $0x3  }
0x9a: {  	_ =	strace s3  }
0x9b: {  	s3 =	sld [smem:$0x3FFD];
	_ =	sdelay $0x3  }
0x9c: {  	_ =	strace s3  }
0x9d: {  	_ =	strace $0x8FFFFFFF  }
0x9e: {  	s17 =	sld [smem:$0x3FDB];
	_ =	sdelay $0x1  }
0x9f: {  	s18 =	simm.s32 $_scs_section_size  }
0xa0: {  	s5 =	simm.s32 $_size__tile_overlayer_lowered;
	s6 =	simm.s32 $_tile_overlayer_lowered  }
0xa1: {  	s21 =	simm.s32 $0x1BFF;
	s20 =	sshll.u32 s6, $0x1;
	s3 =	sadd.s32 s18, s17  }
0xa2: {  	s7 =	simm.s32 $0x0;
	s19 =	sshll.u32 s5, $0x1;
	s5 =	sadd.s32 s20, s3  }
0xa3: {  	[timem:s7], [sflag:s21] =	dma.local [hbm:s5], s19  }
0xa4: {  	_ =	swait.ge [sflag:s21], s19  }
0xa5: {  	s4 =	ssub.s32 $0x0, s19;
	[sflag:s21] =	ssyncset.done $0x0  }
0xa6: {  	[sflag:s21] =	ssyncadd.s32 s4;
	_ =	sdelay $0x1  }
0xa7: {  	s22 =	simm.s32 $0x1B8B  }
0xa8: {  	_ =	swait.ge [sflag:s22], $0x1  }
0xa9: {  	[sflag:s22] =	ssyncset.done $0x0  }
0xaa: {  	s23 =	sld [smem:$0x3FFE];
	[sflag:s22] =	ssyncadd.s32 $0xFFFFFFFF  }
0xab: {  	s25 =	simm.s32 $0x1B8E;
	s24 =	sld [smem:$0x0]  }
0xac: {  	s26 =	simm.s32 $execute0_lowered;
	[smem:$0x3FD2] =	sst s25  }
0xad: {  	s6 =	sshll.u32 s26, $0x1;
	_ =	strace $0x80000046;
	[dreg:$0x1] =	wrdreg $0xFFFFFFFF  }
0xae: {  	s28 =	simm.s32 $_size_execute0_lowered;
	s3 =	sadd.s32 s3, s6;
	[dreg:$0x0] =	wrdreg $0x0  }
0xaf: {  	s6 =	sshll.u32 s28, $0x1;
	[dreg:$0x2] =	wrdreg s3  }
0xb0: {  	[dreg:$0x3] =	wrdreg s6  }
0xb1: {  	[dreg:$0x4] =	wrdreg $0xC0  }
0xb2: {  	_ =	task [dreg:s7], $0x5FFFF  }
0xb3: {  	[dreg:$0x1] =	wrdreg $0xFFFFFFFF  }
0xb4: {  	[dreg:$0x0] =	wrdreg $0x60  }
0xb5: {  	[dreg:$0x2] =	wrdreg s15  }
0xb6: {  	[dreg:$0x3] =	wrdreg s23  }
0xb7: {  	[dreg:$0x4] =	wrdreg s1  }
0xb8: {  	[dreg:$0x5] =	wrdreg s24  }
0xb9: {  	[dreg:$0x6] =	wrdreg $0x9  }
0xba: {  	_ =	task.clear_ibuf [dreg:s7], $0x7FFFF;
	_ =	strace $0x90000046  }
0xbb: {  	s29 =	simm.s32 $0x9;
	_ =	strace $0x80000048  }
0xbc: {  	_ =	swait.ge [sflag:s29], $0x1  }
0xbd: {  	[sflag:s29] =	ssyncadd.s32 $0xFFFFFFFF  }
0xbe: {  	_ =	strace $0x90000048  }
0xbf: {  	_ =	sfence  }
0xc0: {  	s30 =	sld [smem:$0x0];
	_ =	sdelay $0x2  }
0xc1: {  	s31 =	sshll.u32 s1, $0xD;
	s1 =	sshrl.u32 s1, $0x2  }
0xc2: {  	s3 =	sand.u32 $0x4000, s31;
	s1 =	sadd.s32 s1, s30  }
0xc3: {  	s0 =	sor.u32 s3, s0;
	s1 =	sshll.u32 s1, $0x11  }
0xc4: {  	s0 =	sor.u32 s1, s0  }
0xc5: {  	s0 =	sadd.s32 $0x8F2B, s0  }
0xc6: {  	[sflag:s0] =	ssyncadd.remote.s32 $0x1  }
0xc7: {  	_ =	sfence.sel $0xFFFF  }
0xc8: {  	[dreg:$0x0] =	wrdreg $0xFFFFFFFF;
	(pc) =	sbr.abs _section_cstart, $3  }
0xc9: {  	[dreg:$0x1] =	wrdreg $0xFFFFFFFF  }
0xca: {  	_ =	task.clear_ibuf [dreg:s7], $0x2FFFF;
	_ =	strace $0x9FFFFFFF  }
0xcb: {  	(tm) =	ssettm $0x7FFFFFFF  }
tec
execute0_lowered:
.L_overlay_start_1:
0x0: {  	(tag) =	ssettag $0x1  }
0x1: {  	s1 =	rddreg [dreg:$0x0]  }
0x2: {  	s2 =	rddreg [dreg:$0x1]  }
0x3: {  	s3 =	rddreg [dreg:$0x2];
	_ =	strace $0x80000047;
	s0 =	simm.s32 $0x1  }
0x4: {  	v0 =	vimm.s32 $0x0;
	[sflag:s0] =	ssyncpa.u1 $0x0;
	s0 =	simm.s32 $0x108  }
0x5: {  	[tilespmem:s0+$0x70] =	vst v0  }
0x6: {  	[tilespmem:s0+$0x60] =	vst v0  }
0x7: {  	[tilespmem:s0+$0x50] =	vst v0  }
0x8: {  	[tilespmem:s0+$0x40] =	vst v0  }
0x9: {  	[tilespmem:s0+$0x30] =	vst v0  }
0xa: {  	s15 =	sadd.s32 $0xB200, s2;
	s6 =	sadd.s32 $0x15000, s2;
	[tilespmem:s0+$0x20] =	vst v0  }
0xb: {  	s14 =	sadd.s32 $0x4F7000, s2;
	s5 =	sand.u32 $0x1, s3;
	s3 =	simm.s32 $0x40;
	[tilespmem:s0+$0x10] =	vst v0  }
.LBB2_1:
0xc: {  	s3 =	sadd.s32 $0x40, s3;
	[tilespmem:s0+$0x0] =	vst v0;
	s0 =	sadd.s32 $0x80, s0  }
0xd: {  	p0 =	slt.u32 s3, $0x3C40;
	[tilespmem:s0+$0x70] =	vst v0  }
0xe: {  	[tilespmem:s0+$0x60] =	vst v0  }
.Ltmp0:
0xf: {  	[tilespmem:s0+$0x50] =	vst v0;
	(pc) =	sbr.rel @p0 .LBB2_1-.Ltmp0, $4  }
0x10: {  	[tilespmem:s0+$0x40] =	vst v0  }
0x11: {  	[tilespmem:s0+$0x30] =	vst v0  }
0x12: {  	[tilespmem:s0+$0x20] =	vst v0  }
0x13: {  	[tilespmem:s0+$0x10] =	vst v0  }
0x14: {  	s9 =	stileid.u32  }
0x15: {  	s2 =	smul.u32 $0x29, s9  }
0x16: {  	s3 =	smin.u32 s9, $0xB  }
0x17: {  	s2 =	sadd.s32 s3, s2  }
0x18: {  	p0 =	slt.u32 s9, $0xB;
	s7 =	smul.u32 $0xF0, s2;
	s2 =	simm.s32 $0x2760  }
0x19: {  	s2 =	simm.s32 @!p0 $0x2670  }
0x1a: {  	s2 =	sadd.s32 s2, s7  }
0x1b: {  	s8 =	smin.u32 s2, $0x27100  }
0x1c: {  	s2 =	ssub.s32 s8, s7  }
0x1d: {  	p0 =	sgt.s32 s2, $0x0  }
0x1e: {  	s29 =	simm.s32 $0x2;
	s10 =	simm.s32 $0x9;
	s2 =	simm.s32 @!p0 $0x0  }
0x1f: {  	s4 =	simm.s32 $0xA;
	s11 =	simm.s32 $0xB;
	s28 =	smulhi.u32 $0x88888889, s2  }
0x20: {  	[dreg:$0x5] =	wrdreg s5;
	s31 =	smul.u32 $0x4E20, s5;
	s12 =	simm.s32 $0x1  }
0x21: {  	s22 =	simm.s32 $0x0;
	s18 =	simm.s32 $0xC;
	s30 =	sshrl.u32 s28, $0x7  }
0x22: {  	s20 =	simm.s32 $0x0;
	s21 =	simm.s32 $0x0;
	s3 =	smul.u32 $0xF0, s30  }
.Ltmp1:
0x23: {  	[tilespmem:s0+$0x0] =	vst v0;
	v0 =	vimm.s32 $0xFFFFFFFF;
	[sflag:s29] =	ssyncpa.u1 $0x0;
	s16 =	sshll.u32 s9, $0x8;
	(pc) =	sbr.rel .LBB2_3-.Ltmp1, $4  }
0x24: {  	[tilespmem:$0xF208] =	vst v0;
	[sflag:s10] =	ssyncpa.u1 $0x0;
	p0 =	sne.s32 s2, s3;
	s2 =	simm.s32 $0x1  }
0x25: {  	s14 =	sadd.s32 s31, s14;
	[sflag:s4] =	ssyncpa.u1 $0x0;
	s2 =	simm.s32 @!p0 $0x0  }
0x26: {  	s15 =	sadd.s32 s31, s15;
	[sflag:s11] =	ssyncpa.u1 $0x0;
	s13 =	sadd.s32 s2, s30  }
0x27: {  	v0 =	vlaneseq.u32;
	s19 =	smov.u32 s7;
	p0 =	por $0x0, $0x0;
	s17 =	sadd.s32 $0x1, s13  }
.LBB2_18:
0x28: {  	s0 =	sshrl.u32 s31, $0x2  }
.LBB2_20:
0x29: {  	_ =	swait.ge [sflag:s18], s0  }
0x2a: {  	s31 =	ssub.s32 $0x0, s0;
	v1 =	vmov s24;
	vm0 =	veq.s32 v0, $0x0;
	[sflag:s18] =	ssyncset.done $0x0  }
0x2b: {  	vm15 =	veq.s32 v0, $0x2;
	v1 =	vsel vm0, s30, v1;
	[sflag:s18] =	ssyncadd.s32 s31  }
0x2c: {  	v1 =	vsel vm15, s22, v1;
	[sflag:s18] =	ssyncpa.u1 $0x1  }
0x2d: {  	[tilespmem:$0xF208] =	vst v1  }
.LBB2_21:
0x2e: {  	s0 =	sadd.s32 $0xF0, s19  }
0x2f: {  	s2 =	smov.u32 s7;
	p1 =	slt.s32 s0, s8  }
0x30: {  	s2 =	smov.u32 @p1 s0;
	p1 =	sne.s32 s21, s17  }
.Ltmp2:
0x31: {  	_ = 	snop;
	(pc) =	sbr.rel @!p1 .LBB2_22-.Ltmp2, $3  }
0x32: {  	_ =	sdelay $0x1  }
0x33: {  	s22 =	smov.u32 s20;
	s31 =	sadd.s32 $0x1, s21;
	s20 =	smov.u32 s19  }
0x34: {  	p0 =	por !p0, !p0;
	s21 =	smov.u32 s31;
	s19 =	smov.u32 s2  }
.LBB2_3:
0x35: {  	p1 =	sge.u32 s21, s13  }
0x36: {  	s0 =	smulhi.u32 @!p1 $0xAAAAAAAB, s21  }
0x37: {  	s2 =	smov.u32 s19;
	p2 =	sgt.s32 @!p1 s19, $0x27010  }
0x38: {  	s3 =	sshra.s32 @!p1 s19, $0x1F;
	p2 =	por !p2, p1;
	s0 =	sshrl.u32 @!p1 s0, $0x1  }
0x39: {  	s3 =	sand.u32 @!p1 s3, s19;
	s2 =	simm.s32 @p2 $0x27010;
	s0 =	smul.u32 @!p1 $0x3, s0  }
0x3a: {  	s2 =	ssub.s32 @!p1 s2, s3  }
0x3b: {  	s2 =	sadd.s32 @!p1 $0xFFFD8FF0, s2;
	s0 =	ssub.s32 @!p1 s21, s0  }
0x3c: {  	s3 =	sshll.u32 @!p1 s2, $0x2;
	p2 =	sgt.s32 @!p1 s2, $0xEF;
	s0 =	smul.u32 @!p1 $0x3C0, s0  }
0x3d: {  	s4 =	sand.u32 @!p1 $0x7, s19;
	s2 =	ssub.s32 @!p1 $0x3C0, s3;
	p2 =	por !p2, p1  }
0x3e: {  	s3 =	sshrl.u32 @!p1 s19, $0x3;
	s2 =	sshrl.u32 @!p1 s2, $0x2;
	s0 =	sshrl.u32 @!p1 s0, $0x2  }
0x3f: {  	s3 =	sadd.s32 @!p1 s3, s14;
	s2 =	simm.s32 @!p2 $0x0;
	s0 =	sadd.s32 @!p1 $0x10248, s0  }
0x40: {  	[tilespmem:s0], [sflag:$0xA] =	stream.linear.gather @!p1 [hbm4b:s3+s4], s2, $0x38;
	[tilespmem:$0x1F6F8] =	vst v63  }
0x41: {  	s0 =	sadd.s32 $0xFFFFFFFF, s21  }
0x42: {  	p1 =	sge.u32 s0, s13  }
0x43: {  	p2 =	sgt.s32 @!p1 s20, $0x27010  }
0x44: {  	s2 =	smov.u32 s20;
	s3 =	sshra.s32 @!p1 s20, $0x1F;
	p2 =	por !p2, p1  }
0x45: {  	s3 =	sand.u32 @!p1 s3, s20;
	s2 =	simm.s32 @p2 $0x27010  }
0x46: {  	s2 =	ssub.s32 @!p1 s2, s3  }
0x47: {  	s2 =	sadd.s32 @!p1 $0xFFFD8FF0, s2  }
0x48: {  	s4 =	sand.u32 @!p1 $0x1, s0;
	s3 =	sshll.u32 @!p1 s2, $0x2  }
0x49: {  	p2 =	sgt.s32 @!p1 s2, $0xEF;
	s2 =	ssub.s32 @!p1 $0x3C0, s3;
	s3 =	smulhi.u32 @!p1 $0xAAAAAAAB, s0  }
0x4a: {  	s23 =	smul.u32 @!p1 $0x3C0, s4;
	p2 =	por !p2, p1;
	s2 =	sshrl.u32 @!p1 s2, $0x2  }
0x4b: {  	s5 =	simm.s32 @!p1 $0xA;
	s2 =	simm.s32 @!p2 $0x0;
	s3 =	sshrl.u32 @!p1 s3, $0x1  }
0x4c: {  	s23 =	sshrl.u32 @!p1 s23, $0x2;
	_ =	swait.ge @!p1 [sflag:s5], s2;
	s3 =	smul.u32 @!p1 $0x3, s3  }
0x4d: {  	s23 =	sadd.s32 @!p1 $0x10518, s23;
	s24 =	ssub.s32 @!p1 $0x0, s2;
	[sflag:s5] =	ssyncset.done @!p1 $0x0  }
0x4e: {  	[sflag:s5] =	ssyncadd.s32 @!p1 s24;
	s5 =	sshrl.u32 @!p1 s20, $0x3;
	s0 =	ssub.s32 @!p1 s0, s3  }
0x4f: {  	s24 =	sand.u32 @!p1 $0x7, s20;
	s5 =	sadd.s32 @!p1 s5, s15;
	s0 =	smul.u32 @!p1 $0x3C0, s0  }
0x50: {  	[tilespmem:s23], [sflag:$0xB] =	stream.linear.gather @!p1 [hbm4b:s5+s24], s2, $0x38;
	[tilespmem:$0x1F6F8] =	vst v63  }
0x51: {  	s3 =	ssub.s32 @!p1 $0x27100, s20;
	s2 =	smul.u32 @!p1 $0x1E000, s4  }
0x52: {  	p2 =	slt.s32 @!p1 s3, $0xF0  }
0x53: {  	p2 =	por !p2, p1;
	s0 =	sshrl.u32 @!p1 s0, $0x2;
	s2 =	sshrl.u32 @!p1 s2, $0x2  }
0x54: {  	s3 =	simm.s32 @p2 $0xF0;
	s0 =	sadd.s32 @!p1 $0x10248, s0;
	s2 =	sor.u32 @!p1 $0x106F8, s2  }
0x55: {  	[tilespmem:s2], [sflag:$0x9] =	stream.indirect.gather @!p1 [hbm4b:s6+s3], $0x80, s0, s3, $0xb8;
	[tilespmem:$0x1F6F8] =	vst v63  }
0x56: {  	p1 =	slt.u32 s21, $0x2  }
.Ltmp3:
0x57: {  	_ = 	snop;
	(pc) =	sbr.rel @p1 .LBB2_21-.Ltmp3, $1  }
0x58: {  	_ =	sdelay $0x3  }
0x59: {  	p1 =	sgt.s32 s22, $0x27010  }
0x5a: {  	s0 =	smov.u32 s22;
	s2 =	sshra.s32 s22, $0x1F;
	s3 =	ssub.s32 $0x27100, s22  }
0x5b: {  	s0 =	simm.s32 @!p1 $0x27010;
	s2 =	sand.u32 s2, s22;
	p1 =	slt.s32 s3, $0xF0  }
0x5c: {  	s0 =	ssub.s32 s0, s2;
	s3 =	simm.s32 @!p1 $0xF0  }
0x5d: {  	s0 =	sadd.s32 $0xFFFD8FF0, s0;
	s25 =	sshll.u32 s3, $0x7  }
0x5e: {  	s26 =	sshll.u32 s0, $0x2;
	s2 =	sand.u32 $0x3FFFFF80, s25  }
0x5f: {  	p1 =	sgt.s32 s0, $0xEF;
	s29 =	ssub.s32 $0x3C0, s26;
	_ =	swait.ge [sflag:s10], s2  }
0x60: {  	s2 =	ssub.s32 $0x0, s2;
	[sflag:s10] =	ssyncset.done $0x0;
	s0 =	sshrl.u32 s29, $0x2  }
0x61: {  	[sflag:s10] =	ssyncadd.s32 s2;
	s0 =	simm.s32 @p1 $0x0  }
0x62: {  	_ =	swait.ge [sflag:s11], s0  }
0x63: {  	s0 =	ssub.s32 $0x0, s0;
	[sflag:s11] =	ssyncset.done $0x0  }
0x64: {  	[sflag:s11] =	ssyncadd.s32 s0  }
0x65: {  	v1 =	vld [tilespmem:$0xF208];
	_ =	sdelay $0x4  }
0x66: {  	(v2sf) =	vpush v1, $0x0  }
0x67: {  	(v2sf) =	vpush v1, $0x1  }
0x68: {  	(v2sf) =	vpush v1, $0x2;
	_ =	sdelay $0x3  }
0x69: {  	s0 =	sadd.s32 $0xF0, s22  }
0x6a: {  	s2 =	ssub.s32 $0x4E200, s22;
	p1 =	slt.s32 s8, s0  }
0x6b: {  	s0 =	smov.u32 @p1 s8;
	p1 =	sgt.s32 s2, $0x0  }
0x6c: {  	s26 =	ssub.s32 s0, s22;
	s2 =	simm.s32 @!p1 $0x0  }
0x6d: {  	p1 =	slt.s32 s2, s26  }
0x6e: {  	s26 =	smov.u32 @p1 s2  }
0x6f: {  	s25 =	simm.s32 $0x1;
	p1 =	slt.s32 s26, $0x1  }
.Ltmp4:
0x70: {  	s25 =	simm.s32 @!p0 $0x0;
	(pc) =	sbr.rel @p1 .LBB2_8-.Ltmp4, $4  }
0x71: {  	s31 =	smul.u32 $0x3C0, s25  }
0x72: {  	s28 =	spop (v2sf)  }
0x73: {  	s0 =	sshrl.u32 s31, $0x2;
	s30 =	spop (v2sf)  }
0x74: {  	s23 =	sadd.s32 $0x10518, s0;
	s22 =	spop (v2sf)  }
0x75: {  	s0 =	smin.u32 s26, $0x10  }
0x76: {  	v1 =	vmov s0  }
0x77: {  	p2 =	sgt.s32 s26, $0x10;
	vm1 =	vgt.u32 v1, v0  }
.Ltmp5:
0x78: {  	_ = 	snop;
	(pc) =	sbr.rel @!p2 .LBB2_7-.Ltmp5, $2  }
0x79: {  	_ =	sdelay $0x2  }
0x7a: {  	s4 =	simm.s32 $0x10;
	s24 =	sadd.s32 $0xFFFFFFF0, s26;
	s0 =	smov.u32 s23;
	vm0 =	vmmov vm1  }
.LBB2_6:
0x7b: {  	s2 =	smin.u32 s24, $0x10;
	s4 =	sadd.s32 $0x10, s4;
	v1 =	vld.msk [tilespmem:s0+$0x0 ss:$0x1], vm1  }
0x7c: {  	v2 =	vmov s2;
	p2 =	slt.s32 s4, s26  }
0x7d: {  	vm1 =	vgt.u32 v2, v0  }
.Ltmp6:
0x7e: {  	(pc) =	sbr.rel @p2 .LBB2_6-.Ltmp6, $3  }
0x7f: {  	_ =	sdelay $0x1  }
0x80: {  	v1 =	vshll.u32 v1, $0x4  }
0x81: {  	s24 =	sadd.s32 $0xFFFFFFF0, s24;
	[tilespmem:s0+$0x0] =	vst.msk vm0, v1;
	s0 =	sadd.s32 $0x10, s0;
	vm0 =	vmmov vm1  }
.LBB2_7:
0x82: {  	_ =	sdelay $0x4  }
0x83: {  	v1 =	vld.msk [tilespmem:s0+$0x0 ss:$0x1], vm1;
	_ =	sdelay $0x4  }
0x84: {  	v1 =	vshll.u32 v1, $0x4  }
0x85: {  	[tilespmem:s0+$0x0] =	vst.msk vm0, v1  }
.LBB2_8:
0x86: {  	s0 =	sand.u32 $0x1, s21  }
0x87: {  	s0 =	smul.u32 $0xF0, s0  }
0x88: {  	p2 =	sne.s32 s30, $0xFFFFFFFF  }
0x89: {  	v1 =	vld.msk @!p2 [tilespmem:s0+$0x10518], $0x1;
	_ =	sdelay $0x4  }
0x8a: {  	(v2sf) =	vpush @!p2 v1, $0x0;
	_ =	sdelay $0xc  }
.Ltmp7:
0x8b: {  	_ = 	snop;
	(pc) =	sbr.rel @p1 .LBB2_19-.Ltmp7, $4  }
0x8c: {  	_ = 	snop  }
0x8d: {  	s29 =	spop @!p2 (v2sf)  }
0x8e: {  	s22 =	simm.s32 @!p2 $0x0;
	s24 =	smov.u32 s29  }
0x8f: {  	[sflag:s18] =	ssyncpa.u1 $0x0;
	s29 =	smov.u32 @p2 s28;
	s24 =	smov.u32 @p2 s30  }
0x90: {  	v1 =	vld.msk [tilespmem:s23+$0x0], $0x1;
	_ =	sdelay $0x4  }
0x91: {  	(v2sf) =	vpush v1, $0x0;
	_ =	sdelay $0xe  }
0x92: {  	s2 =	smul.u32 $0x1E000, s25;
	s0 =	spop (v2sf)  }
0x93: {  	s26 =	ssub.s32 $0x0, s26;
	p1 =	seq.s32 s29, s0  }
0x94: {  	s30 =	sadd.s32 $0x1, s26;
	s2 =	sshrl.u32 s2, $0x2;
	p2 =	sgt.s32 @!p1 s29, $0x0  }
0x95: {  	s25 =	sor.u32 $0x10738, s2;
	s2 =	smov.u32 s29;
	p2 =	por !p2, p1  }
0x96: {  	s2 =	simm.s32 @p2 $0x0;
	p2 =	seq.s32 s30, $0x0  }
.Ltmp8:
0x97: {  	_ = 	snop;
	(pc) =	sbr.rel @p2 .LBB2_11-.Ltmp8, $4  }
0x98: {  	_ = 	snop  }
0x99: {  	s28 =	simm.s32 $0x0;
	s31 =	sadd.s32 $0x1, s23;
	s2 =	smin.u32 @!p1 s2, $0x270F0  }
0x9a: {  	s4 =	simm.s32 @!p1 $0x1;
	s5 =	simm.s32 @!p1 $0x7988;
	s3 =	sand.u32 @!p1 $0x3FFF8, s2  }
0x9b: {  	s4 =	smov.u32 @p1 s28;
	s2 =	sand.u32 @!p1 $0x7, s2;
	s3 =	sadd.s32 @!p1 s1, s3  }
.LBB2_10:
0x9c: {  	s9 =	smov.u32 s4  }
0x9d: {  	[tilespmem:s5], [sflag:$0x2] =	stream.linear.gather @!p1 [hbm4b:s3+s2], $0x80, $0x38;
	[tilespmem:$0x1F6F8] =	vst v63  }
0x9e: {  	s30 =	sadd.s32 $0x1, s30;
	s2 =	smov.u32 s0;
	v1 =	vld.msk [tilespmem:s31+$0x0], $0x1  }
0x9f: {  	p2 =	seq.s32 s30, $0x0;
	_ =	sdelay $0x3  }
0xa0: {  	(v2sf) =	vpush v1, $0x0;
	_ =	sdelay $0xe  }
0xa1: {  	s0 =	spop (v2sf)  }
0xa2: {  	p1 =	seq.s32 s2, s0  }
0xa3: {  	p3 =	sgt.s32 @!p1 s2, $0x0;
	s3 =	sshll.u32 @!p1 s4, $0x9;
	s4 =	sadd.s32 @!p1 $0x1, s4  }
.Ltmp9:
0xa4: {  	p3 =	por !p3, p1;
	s3 =	sshra.s32 @!p1 s3, $0x2;
	(pc) =	sbr.rel @!p2 .LBB2_10-.Ltmp9, $4  }
0xa5: {  	s4 =	smov.u32 @p1 s9;
	s2 =	simm.s32 @p3 $0x0;
	s5 =	sadd.s32 @!p1 $0x7988, s3  }
0xa6: {  	s2 =	smin.u32 @!p1 s2, $0x270F0  }
0xa7: {  	s3 =	sand.u32 @!p1 $0x3FFF8, s2;
	s2 =	sand.u32 @!p1 $0x7, s2  }
0xa8: {  	s31 =	sadd.s32 $0x1, s31;
	s3 =	sadd.s32 @!p1 s1, s3  }
.LBB2_11:
0xa9: {  	[tilespmem:s5], [sflag:$0x2] =	stream.linear.gather @!p1 [hbm4b:s3+s2], $0x80, $0x38;
	[tilespmem:$0x1F6F8] =	vst v63  }
.Ltmp10:
0xaa: {  	s0 =	sshll.u32 s4, $0x7;
	(pc) =	sbr.rel .LBB2_12-.Ltmp10, $4  }
0xab: {  	s30 =	simm.s32 $0x2;
	s0 =	sand.u32 $0x3FFFFF80, s0  }
0xac: {  	_ =	swait.ge [sflag:s30], s0  }
0xad: {  	s0 =	ssub.s32 $0x0, s0;
	[sflag:s30] =	ssyncset.done $0x0  }
0xae: {  	s31 =	simm.s32 $0x0;
	[sflag:s30] =	ssyncadd.s32 s0  }
.LBB2_13:
0xaf: {  	v1 =	vld [tilespmem:s25+$0xFFFFFFC0];
	_ =	sdelay $0x3  }
0xb0: {  	s0 =	sshra.s32 s0, $0x2  }
0xb1: {  	[tilespmem:s0+$0x108] =	vst.add.f32.msk $0xffff, v1  }
0xb2: {  	v1 =	vld [tilespmem:s25+$0xFFFFFFD0];
	_ =	sdelay $0x4  }
0xb3: {  	[tilespmem:s0+$0x118] =	vst.add.f32.msk $0xffff, v1  }
0xb4: {  	v1 =	vld [tilespmem:s25+$0xFFFFFFE0];
	_ =	sdelay $0x4  }
0xb5: {  	[tilespmem:s0+$0x128] =	vst.add.f32.msk $0xffff, v1  }
0xb6: {  	v1 =	vld [tilespmem:s25+$0xFFFFFFF0];
	_ =	sdelay $0x4  }
0xb7: {  	[tilespmem:s0+$0x138] =	vst.add.f32.msk $0xffff, v1  }
0xb8: {  	v1 =	vld [tilespmem:s25+$0x0];
	_ =	sdelay $0x4  }
0xb9: {  	[tilespmem:s0+$0x148] =	vst.add.f32.msk $0xffff, v1  }
0xba: {  	v1 =	vld [tilespmem:s25+$0x10];
	_ =	sdelay $0x4  }
0xbb: {  	[tilespmem:s0+$0x158] =	vst.add.f32.msk $0xffff, v1  }
0xbc: {  	v1 =	vld [tilespmem:s25+$0x20];
	_ =	sdelay $0x4  }
0xbd: {  	[tilespmem:s0+$0x168] =	vst.add.f32.msk $0xffff, v1  }
0xbe: {  	v1 =	vld [tilespmem:s25+$0x30];
	_ =	sdelay $0x4  }
0xbf: {  	[tilespmem:s0+$0x178] =	vst.add.f32.msk $0xffff, v1  }
.LBB2_17:
0xc0: {  	s26 =	sadd.s32 $0x1, s26  }
0xc1: {  	p1 =	seq.s32 s26, $0x0  }
.Ltmp11:
0xc2: {  	_ = 	snop;
	(pc) =	sbr.rel @p1 .LBB2_18-.Ltmp11, $2  }
0xc3: {  	_ =	sdelay $0x2  }
0xc4: {  	s23 =	sadd.s32 $0x1, s23;
	s25 =	sadd.s32 $0x80, s25;
	s29 =	smov.u32 s30  }
.LBB2_12:
0xc5: {  	v1 =	vld.msk [tilespmem:s23+$0x0], $0x1;
	_ =	sdelay $0x4  }
0xc6: {  	(v2sf) =	vpush v1, $0x0;
	_ =	sdelay $0xe  }
0xc7: {  	s30 =	spop (v2sf)  }
0xc8: {  	p1 =	sne.s32 s29, s30  }
.Ltmp12:
0xc9: {  	_ = 	snop;
	(pc) =	sbr.rel @!p1 .LBB2_13-.Ltmp12, $2  }
0xca: {  	_ =	sdelay $0x2  }
0xcb: {  	s0 =	sshll.u32 s22, $0x9  }
0xcc: {  	p1 =	seq.s32 s29, s24  }
.Ltmp13:
0xcd: {  	_ = 	snop;
	(pc) =	sbr.rel @!p1 .LBB2_15-.Ltmp13, $1  }
0xce: {  	_ =	sdelay $0x3  }
0xcf: {  	s0 =	sshra.s32 s0, $0x2  }
.Ltmp14:
0xd0: {  	s0 =	sadd.s32 $0x108, s0;
	(pc) =	sbr.rel .LBB2_16-.Ltmp14, $4  }
0xd1: {  	[spmem:s16] =	stream.linear.scatter [tilespmem:s0], [sflag:$0x1], $0x80, $0x38;
	[tilespmem:$0x1F6F8] =	vst v63  }
0xd2: {  	_ =	swait.ge [sflag:s12], $0x80  }
0xd3: {  	[sflag:s12] =	ssyncset.done $0x0  }
0xd4: {  	[sflag:s12] =	ssyncadd.s32 $0xFFFFFF80  }
.LBB2_15:
0xd5: {  	s2 =	sshll.u32 s28, $0x9  }
0xd6: {  	s2 =	sshra.s32 s2, $0x2  }
0xd7: {  	v1 =	vld [tilespmem:s2+$0x7988];
	_ =	sdelay $0x3  }
0xd8: {  	s0 =	sshra.s32 s0, $0x2  }
0xd9: {  	[tilespmem:s0+$0x108] =	vst.add.f32.msk $0xffff, v1  }
0xda: {  	v1 =	vld [tilespmem:s2+$0x7998];
	_ =	sdelay $0x4  }
0xdb: {  	[tilespmem:s0+$0x118] =	vst.add.f32.msk $0xffff, v1  }
0xdc: {  	v1 =	vld [tilespmem:s2+$0x79A8];
	_ =	sdelay $0x4  }
0xdd: {  	[tilespmem:s0+$0x128] =	vst.add.f32.msk $0xffff, v1  }
0xde: {  	v1 =	vld [tilespmem:s2+$0x79B8];
	_ =	sdelay $0x4  }
0xdf: {  	[tilespmem:s0+$0x138] =	vst.add.f32.msk $0xffff, v1  }
0xe0: {  	v1 =	vld [tilespmem:s2+$0x79C8];
	_ =	sdelay $0x4  }
0xe1: {  	[tilespmem:s0+$0x148] =	vst.add.f32.msk $0xffff, v1  }
0xe2: {  	v1 =	vld [tilespmem:s2+$0x79D8];
	_ =	sdelay $0x4  }
0xe3: {  	[tilespmem:s0+$0x158] =	vst.add.f32.msk $0xffff, v1  }
0xe4: {  	v1 =	vld [tilespmem:s2+$0x79E8];
	_ =	sdelay $0x4  }
0xe5: {  	[tilespmem:s0+$0x168] =	vst.add.f32.msk $0xffff, v1  }
0xe6: {  	v1 =	vld [tilespmem:s2+$0x79F8];
	_ =	sdelay $0x2  }
0xe7: {  	p1 =	sgt.u32 s29, $0x270F0  }
0xe8: {  	s2 =	sand.u32 @!p1 $0x3FFF8, s29  }
0xe9: {  	s3 =	sadd.s32 $0x108, s0;
	[tilespmem:s0+$0x178] =	vst.add.f32.msk $0xffff, v1;
	s0 =	sadd.s32 @!p1 s1, s2;
	s2 =	sand.u32 @!p1 $0x7, s29  }
0xea: {  	[hbm4b:s0+s2] =	stream.linear.scatter @!p1 [tilespmem:s3], [sflag:$0xC], $0x80, $0x38;
	[tilespmem:$0x1F6F8] =	vst v63  }
0xeb: {  	s0 =	simm.s32 $0x0  }
0xec: {  	s0 =	simm.s32 @!p1 $0x200  }
0xed: {  	s31 =	sadd.s32 s0, s31  }
.LBB2_16:
0xee: {  	s0 =	sadd.s32 $0x1, s22  }
0xef: {  	s2 =	smulhi.u32 $0x88888889, s0;
	_ =	sdelay $0x1  }
0xf0: {  	v1 =	vld [tilespmem:s25+$0xFFFFFFC0];
	s2 =	sshrl.u32 s2, $0x7  }
0xf1: {  	s2 =	smul.u32 $0xF0, s2;
	_ =	sdelay $0x1  }
0xf2: {  	s22 =	ssub.s32 s0, s2  }
0xf3: {  	s0 =	sshll.u32 s22, $0x7  }
0xf4: {  	[tilespmem:s0+$0x108] =	vst v1  }
0xf5: {  	v1 =	vld [tilespmem:s25+$0xFFFFFFD0];
	_ =	sdelay $0x4  }
0xf6: {  	[tilespmem:s0+$0x118] =	vst v1  }
0xf7: {  	v1 =	vld [tilespmem:s25+$0xFFFFFFE0];
	_ =	sdelay $0x4  }
0xf8: {  	[tilespmem:s0+$0x128] =	vst v1  }
0xf9: {  	v1 =	vld [tilespmem:s25+$0xFFFFFFF0];
	_ =	sdelay $0x4  }
0xfa: {  	[tilespmem:s0+$0x138] =	vst v1  }
0xfb: {  	v1 =	vld [tilespmem:s25+$0x0];
	_ =	sdelay $0x4  }
0xfc: {  	[tilespmem:s0+$0x148] =	vst v1  }
0xfd: {  	v1 =	vld [tilespmem:s25+$0x10];
	_ =	sdelay $0x4  }
0xfe: {  	[tilespmem:s0+$0x158] =	vst v1  }
0xff: {  	v1 =	vld [tilespmem:s25+$0x20];
	_ =	sdelay $0x4  }
0x100: {  	[tilespmem:s0+$0x168] =	vst v1  }
0x101: {  	v1 =	vld [tilespmem:s25+$0x30]  }
.Ltmp15:
0x102: {  	_ = 	snop;
	(pc) =	sbr.rel .LBB2_17-.Ltmp15, $2  }
0x103: {  	_ =	sdelay $0x2  }
0x104: {  	s28 =	sadd.s32 $0x1, s28;
	[tilespmem:s0+$0x178] =	vst v1  }
.LBB2_19:
.Ltmp16:
0x105: {  	(pc) =	sbr.rel .LBB2_20-.Ltmp16, $4  }
0x106: {  	_ = 	snop  }
0x107: {  	s0 =	simm.s32 $0x2  }
0x108: {  	_ =	swait.ge [sflag:s0], $0x0  }
0x109: {  	s30 =	smov.u32 s29;
	[sflag:s0] =	ssyncset.done $0x0;
	s0 =	simm.s32 $0x0  }
.LBB2_22:
0x10a: {  	_ =	sfence.sel $0x180000  }
0x10b: {  	s0 =	simm.s32 $0x9;
	[bflag:$0x0] =	sbarrier.arrive $0xFFFF  }
0x10c: {  	s24 =	simm.s32 $0xA;
	[sflag:s0] =	ssyncpa.u1 $0x1  }
0x10d: {  	s25 =	simm.s32 $0xB;
	[sflag:s24] =	ssyncpa.u1 $0x1  }
0x10e: {  	s26 =	simm.s32 $0x2;
	[sflag:s25] =	ssyncpa.u1 $0x1  }
0x10f: {  	[sflag:s26] =	ssyncpa.u1 $0x1  }
0x110: {  	v0 =	vld [tilespmem:$0xF208];
	_ =	sdelay $0x4  }
0x111: {  	(v2sf) =	vpush v0, $0x0  }
0x112: {  	(v2sf) =	vpush v0, $0x1;
	_ =	sdelay $0x1  }
0x113: {  	(v2sf) =	vpush v0, $0x2;
	_ =	sdelay $0xb  }
0x114: {  	s0 =	spop (v2sf)  }
0x115: {  	s2 =	spop (v2sf)  }
0x116: {  	s3 =	smov.u32 s0;
	p0 =	sne.s32 s0, s2  }
0x117: {  	s4 =	spop (v2sf);
	s3 =	simm.s32 @!p0 $0xFFFFFFFF  }
0x118: {  	v2 =	vimm.s32 $0x1;
	v3 =	vlaneseq.u32;
	p0 =	seq.s32 s4, $0xFFFFFFFF;
	v1 =	vmov s3  }
0x119: {  	s16 =	stileid.u32;
	v0 =	vperm.xlane v0, v2;
	p1 =	sne.s32 @!p0 s0, s2;
	v1 =	vperm.xlane v1, v3  }
0x11a: {  	vm0 =	vcmask $0x3F04;
	s6 =	simm.s32 $0xF208;
	s0 =	simm.s32 @!p0 $0x1;
	p1 =	por !p1, p0  }
0x11b: {  	s3 =	sshll.u32 s16, $0x1;
	s2 =	sshll.u32 @!p0 s4, $0x9;
	s0 =	simm.s32 @p1 $0x0;
	v0 =	vsel vm0, v1, v0  }
0x11c: {  	s5 =	sor.u32 $0x1000, s3;
	s2 =	sshra.s32 @!p0 s2, $0x2;
	s0 =	sor.u32 @!p0 s0, s3;
	[tilespmem:$0xF208] =	vst v0  }
0x11d: {  	[spmem:s5] =	stream.linear.scatter [tilespmem:s6], [sflag:$0x1], $0x2, $0x38;
	[tilespmem:$0x1F6F8] =	vst v63  }
0x11e: {  	s2 =	sadd.s32 @!p0 $0x108, s2;
	s0 =	sshll.u32 @!p0 s0, $0x7  }
0x11f: {  	[spmem:s0] =	stream.linear.scatter @!p0 [tilespmem:s2], [sflag:$0x1], $0x80, $0x38;
	[tilespmem:$0x1F6F8] =	vst v63  }
0x120: {  	s0 =	simm.s32 @!p0 $0x82  }
0x121: {  	s28 =	simm.s32 $0x1;
	s0 =	simm.s32 @p0 $0x2  }
0x122: {  	_ =	swait.ge [sflag:s28], s0  }
0x123: {  	s0 =	ssub.s32 $0x0, s0;
	[sflag:s28] =	ssyncset.done $0x0  }
0x124: {  	p0 =	sne.s32 s16, $0x0;
	[sflag:s28] =	ssyncadd.s32 s0  }
.Ltmp17:
0x125: {  	_ =	sfence.stream.spmem;
	(pc) =	sbr.rel @p0 .LBB2_39-.Ltmp17, $4  }
0x126: {  	s29 =	simm.s32 $0x3;
	[bflag:$0x0] =	sbarrier.arrive $0xFFFF  }
0x127: {  	s30 =	simm.s32 $0x4;
	[sflag:s29] =	ssyncpa.u1 $0x1  }
0x128: {  	s31 =	simm.s32 $0x3C;
	[sflag:s30] =	ssyncpa.u1 $0x1  }
0x129: {  	s15 =	rddreg [dreg:$0x5];
	[sflag:s31] =	ssyncpa.u1 $0x1  }
0x12a: {  	_ =	sfence.stream.spmem;
	s0 =	simm.s32 $0x5  }
0x12b: {  	s2 =	simm.s32 $0x1000;
	s3 =	simm.s32 $0xF218;
	[sflag:s0] =	ssyncpa.u1 $0x0  }
0x12c: {  	[tilespmem:s3], [sflag:$0x5] =	stream.linear.gather [spmem:s2], $0x20, $0x38;
	[tilespmem:$0x1F6F8] =	vst v63  }
0x12d: {  	s26 =	simm.s32 $0x0;
	s28 =	simm.s32 $0xF238  }
0x12e: {  	[tilespmem:s28], [sflag:$0x5] =	stream.linear.gather [spmem:s26], $0x1000, $0x38;
	[tilespmem:$0x1F6F8] =	vst v63  }
0x12f: {  	_ =	swait.ge [sflag:s0], $0x1020  }
0x130: {  	[sflag:s0] =	ssyncset.done $0x0  }
0x131: {  	s29 =	simm.s32 $0x0;
	[sflag:s0] =	ssyncadd.s32 $0xFFFFEFE0  }
0x132: {  	v0 =	vld.msk [tilespmem:s29+$0xF218], $0x1;
	_ =	sdelay $0x1  }
0x133: {  	s30 =	simm.s32 $0x1  }
0x134: {  	v1 =	vld.msk [tilespmem:s30+$0xF218], $0x1;
	_ =	sdelay $0x1  }
0x135: {  	(v2sf) =	vpush v0, $0x0;
	_ =	sdelay $0x2  }
0x136: {  	(v2sf) =	vpush v1, $0x0;
	_ =	sdelay $0x2  }
0x137: {  	s31 =	simm.s32 $0x2  }
0x138: {  	v0 =	vld.msk [tilespmem:s31+$0xF218], $0x1;
	_ =	sdelay $0x2  }
0x139: {  	s4 =	simm.s32 $0xFFFFFFFF;
	s5 =	simm.s32 $0xFFFFFFFF;
	s0 =	simm.s32 $0xC  }
.LBB2_24:
0x13a: {  	s2 =	smov.u32 s5;
	s3 =	smov.u32 s4  }
0x13b: {  	s4 =	sshra.s32 s0, $0x2;
	p1 =	sne.s32 s0, $0x7C;
	s0 =	sadd.s32 $0x4, s0;
	(v2sf) =	vpush v0, $0x0  }
0x13c: {  	v0 =	vld.msk [tilespmem:s4+$0xF218], $0x1  }
.Ltmp18:
0x13d: {  	(pc) =	sbr.rel @p1 .LBB2_24-.Ltmp18, $4  }
0x13e: {  	s5 =	spop (v2sf)  }
0x13f: {  	p2 =	sne.s32 s3, $0xFFFFFFFF;
	s4 =	smov.u32 s5  }
0x140: {  	p3 =	seq.s32 s5, $0xFFFFFFFF;
	s4 =	smov.u32 @p2 s3  }
0x141: {  	s5 =	smov.u32 @p3 s2;
	s4 =	smov.u32 @p3 s3  }
0x142: {  	(v2sf) =	vpush v0, $0x0;
	_ =	sdelay $0x8  }
0x143: {  	s0 =	spop (v2sf)  }
0x144: {  	p1 =	sne.s32 s4, $0xFFFFFFFF;
	s2 =	smov.u32 s0  }
0x145: {  	s9 =	simm.s32 $0x6;
	p2 =	seq.s32 s0, $0xFFFFFFFF;
	s2 =	smov.u32 @p1 s4  }
0x146: {  	s6 =	simm.s32 $0x0;
	s2 =	smov.u32 @p2 s4;
	s3 =	spop (v2sf)  }
0x147: {  	s0 =	smov.u32 @p2 s5;
	p1 =	sne.s32 s2, $0xFFFFFFFF;
	s4 =	smov.u32 s3  }
.Ltmp19:
0x148: {  	p2 =	seq.s32 s3, $0xFFFFFFFF;
	s4 =	smov.u32 @p1 s2;
	(pc) =	sbr.rel .LBB2_26-.Ltmp19, $4  }
0x149: {  	s10 =	simm.s32 $0xF188;
	s4 =	smov.u32 @p2 s2;
	s7 =	spop (v2sf)  }
0x14a: {  	s11 =	simm.s32 $0x0;
	p1 =	sne.s32 s4, $0xFFFFFFFF;
	s8 =	smov.u32 s7  }
0x14b: {  	s3 =	smov.u32 @p2 s0;
	p2 =	seq.s32 s7, $0xFFFFFFFF;
	s8 =	smov.u32 @p1 s4  }
0x14c: {  	[sflag:s9] =	ssyncpa.u1 $0x0;
	s7 =	smov.u32 @p2 s3;
	s8 =	smov.u32 @p2 s4  }
.LBB2_32:
0x14d: {  	p1 =	sgt.u32 s12, $0x270F0  }
0x14e: {  	p2 =	seq.s32 @!p1 s12, s8  }
0x14f: {  	p1 =	por p1, p2  }
0x150: {  	p2 =	sne.s32 @!p1 s12, s7  }
0x151: {  	p1 =	por p1, !p2  }
0x152: {  	s0 =	sshll.u32 @p1 s11, $0x9  }
0x153: {  	s0 =	sand.u32 @!p1 $0x3FFF8, s12  }
0x154: {  	s2 =	sand.u32 @!p1 $0x7, s12;
	s0 =	sadd.s32 @!p1 s1, s0  }
0x155: {  	[tilespmem:s10], [sflag:$0x6] =	stream.linear.gather @!p1 [hbm4b:s0+s2], $0x80, $0x38;
	[tilespmem:$0x1F6F8] =	vst v63  }
0x156: {  	_ =	swait.ge @!p1 [sflag:s9], $0x80  }
0x157: {  	[sflag:s9] =	ssyncset.done @!p1 $0x0  }
0x158: {  	[sflag:s9] =	ssyncadd.s32 @!p1 $0xFFFFFF80  }
0x159: {  	v1 =	vld @!p1 [tilespmem:$0xF188];
	_ =	sdelay $0x2  }
0x15a: {  	s0 =	sshll.u32 @!p1 s11, $0x9  }
0x15b: {  	s2 =	sshrl.u32 @!p1 s0, $0x2  }
0x15c: {  	[tilespmem:s2+$0xF238] =	vst.add.f32.msk @!p1 $0xffff, v1  }
0x15d: {  	v1 =	vld @!p1 [tilespmem:$0xF198];
	_ =	sdelay $0x4  }
0x15e: {  	[tilespmem:s2+$0xF248] =	vst.add.f32.msk @!p1 $0xffff, v1  }
0x15f: {  	v1 =	vld @!p1 [tilespmem:$0xF1A8];
	_ =	sdelay $0x4  }
0x160: {  	[tilespmem:s2+$0xF258] =	vst.add.f32.msk @!p1 $0xffff, v1  }
0x161: {  	v1 =	vld @!p1 [tilespmem:$0xF1B8];
	_ =	sdelay $0x4  }
0x162: {  	[tilespmem:s2+$0xF268] =	vst.add.f32.msk @!p1 $0xffff, v1  }
0x163: {  	v1 =	vld @!p1 [tilespmem:$0xF1C8];
	_ =	sdelay $0x4  }
0x164: {  	[tilespmem:s2+$0xF278] =	vst.add.f32.msk @!p1 $0xffff, v1  }
0x165: {  	v1 =	vld @!p1 [tilespmem:$0xF1D8];
	_ =	sdelay $0x4  }
0x166: {  	[tilespmem:s2+$0xF288] =	vst.add.f32.msk @!p1 $0xffff, v1  }
0x167: {  	v1 =	vld @!p1 [tilespmem:$0xF1E8];
	_ =	sdelay $0x4  }
0x168: {  	[tilespmem:s2+$0xF298] =	vst.add.f32.msk @!p1 $0xffff, v1  }
0x169: {  	v1 =	vld @!p1 [tilespmem:$0xF1F8];
	_ =	sdelay $0x4  }
0x16a: {  	[tilespmem:s2+$0xF2A8] =	vst.add.f32.msk @!p1 $0xffff, v1  }
0x16b: {  	s0 =	sshrl.u32 s0, $0x2;
	[tilespmem:s6+$0xF218] =	vst.msk $0x1, v0  }
0x16c: {  	v0 =	vld [tilespmem:s0+$0xF238];
	_ =	sdelay $0x2  }
0x16d: {  	s31 =	sshll.u32 s6, $0x9  }
0x16e: {  	s2 =	sshra.s32 s31, $0x2  }
0x16f: {  	[tilespmem:s2+$0xF238] =	vst v0  }
0x170: {  	v0 =	vld [tilespmem:s0+$0xF248];
	_ =	sdelay $0x4  }
0x171: {  	[tilespmem:s2+$0xF248] =	vst v0  }
0x172: {  	v0 =	vld [tilespmem:s0+$0xF258];
	_ =	sdelay $0x4  }
0x173: {  	[tilespmem:s2+$0xF258] =	vst v0  }
0x174: {  	v0 =	vld [tilespmem:s0+$0xF268];
	_ =	sdelay $0x4  }
0x175: {  	[tilespmem:s2+$0xF268] =	vst v0  }
0x176: {  	v0 =	vld [tilespmem:s0+$0xF278];
	_ =	sdelay $0x4  }
0x177: {  	[tilespmem:s2+$0xF278] =	vst v0  }
0x178: {  	v0 =	vld [tilespmem:s0+$0xF288];
	_ =	sdelay $0x4  }
0x179: {  	[tilespmem:s2+$0xF288] =	vst v0  }
0x17a: {  	v0 =	vld [tilespmem:s0+$0xF298];
	_ =	sdelay $0x4  }
0x17b: {  	[tilespmem:s2+$0xF298] =	vst v0  }
0x17c: {  	v0 =	vld [tilespmem:s0+$0xF2A8];
	_ =	sdelay $0x4  }
0x17d: {  	s6 =	sadd.s32 $0x1, s6;
	[tilespmem:s2+$0xF2A8] =	vst v0  }
.LBB2_33:
0x17e: {  	s11 =	sadd.s32 $0x1, s11  }
0x17f: {  	p1 =	sne.s32 s11, $0x20  }
.Ltmp20:
0x180: {  	_ = 	snop;
	(pc) =	sbr.rel @!p1 .LBB2_34-.Ltmp20, $1  }
0x181: {  	_ =	sdelay $0x3  }
.LBB2_26:
0x182: {  	v0 =	vld.msk [tilespmem:s11+$0xF218], $0x1;
	_ =	sdelay $0x4  }
0x183: {  	(v2sf) =	vpush v0, $0x0;
	_ =	sdelay $0xe  }
0x184: {  	s12 =	spop (v2sf)  }
0x185: {  	p1 =	seq.s32 s12, $0xFFFFFFFF  }
.Ltmp21:
0x186: {  	_ = 	snop;
	(pc) =	sbr.rel @p1 .LBB2_33-.Ltmp21, $1  }
0x187: {  	_ =	sdelay $0x3  }
0x188: {  	p1 =	slt.s32 s6, $0x1  }
.Ltmp22:
0x189: {  	_ = 	snop;
	(pc) =	sbr.rel @p1 .LBB2_32-.Ltmp22, $1  }
0x18a: {  	_ =	sdelay $0x3  }
0x18b: {  	s13 =	simm.s32 $0xF218;
	p1 =	por $0x0, $0x0  }
0x18c: {  	v1 =	vld.msk @!p1 [tilespmem:s13+$0x0], $0x1;
	_ =	sdelay $0x4  }
0x18d: {  	(v2sf) =	vpush @!p1 v1, $0x0;
	_ =	sdelay $0xd  }
0x18e: {  	p3 =	sne.s32 s6, $0x1  }
.Ltmp23:
0x18f: {  	s0 =	spop @!p1 (v2sf);
	(pc) =	sbr.rel @!p3 .LBB2_30-.Ltmp23, $4  }
0x190: {  	p2 =	seq.s32 @!p1 s12, s0  }
0x191: {  	s14 =	simm.s32 $0x0;
	p2 =	por !p2, p1  }
0x192: {  	s2 =	simm.s32 $0xFFFFFFFF;
	s14 =	simm.s32 @p2 $0xFFFFFFFF  }
0x193: {  	s0 =	simm.s32 $0x1;
	s14 =	smov.u32 @p1 s2  }
.LBB2_29:
0x194: {  	s2 =	smov.u32 s14;
	p1 =	sne.s32 s14, $0xFFFFFFFF  }
0x195: {  	s13 =	sadd.s32 $0x1, s13;
	s14 =	smov.u32 s0;
	s0 =	sadd.s32 $0x1, s0  }
0x196: {  	p2 =	sne.s32 s6, s0;
	v1 =	vld.msk @!p1 [tilespmem:s13+$0x0], $0x1;
	_ =	sdelay $0x4  }
0x197: {  	(v2sf) =	vpush @!p1 v1, $0x0;
	_ =	sdelay $0xe  }
.Ltmp24:
0x198: {  	s3 =	spop @!p1 (v2sf);
	(pc) =	sbr.rel @p2 .LBB2_29-.Ltmp24, $4  }
0x199: {  	p3 =	seq.s32 @!p1 s12, s3  }
0x19a: {  	p3 =	por !p3, p1  }
0x19b: {  	s14 =	simm.s32 @p3 $0xFFFFFFFF  }
0x19c: {  	s14 =	smov.u32 @p1 s2  }
.LBB2_30:
0x19d: {  	p1 =	seq.s32 s14, $0xFFFFFFFF  }
.Ltmp25:
0x19e: {  	_ = 	snop;
	(pc) =	sbr.rel @p1 .LBB2_32-.Ltmp25, $1  }
0x19f: {  	_ =	sdelay $0x3  }
0x1a0: {  	s0 =	sshll.u32 s11, $0x7  }
0x1a1: {  	s0 =	sand.u32 $0x3FFFFF80, s0  }
0x1a2: {  	v0 =	vld [tilespmem:s0+$0xF238];
	_ =	sdelay $0x2  }
0x1a3: {  	s2 =	sshll.u32 s14, $0x9  }
0x1a4: {  	s2 =	sshra.s32 s2, $0x2  }
0x1a5: {  	[tilespmem:s2+$0xF238] =	vst.add.f32.msk $0xffff, v0  }
0x1a6: {  	v0 =	vld [tilespmem:s0+$0xF248];
	_ =	sdelay $0x4  }
0x1a7: {  	[tilespmem:s2+$0xF248] =	vst.add.f32.msk $0xffff, v0  }
0x1a8: {  	v0 =	vld [tilespmem:s0+$0xF258];
	_ =	sdelay $0x4  }
0x1a9: {  	[tilespmem:s2+$0xF258] =	vst.add.f32.msk $0xffff, v0  }
0x1aa: {  	v0 =	vld [tilespmem:s0+$0xF268];
	_ =	sdelay $0x4  }
0x1ab: {  	[tilespmem:s2+$0xF268] =	vst.add.f32.msk $0xffff, v0  }
0x1ac: {  	v0 =	vld [tilespmem:s0+$0xF278];
	_ =	sdelay $0x4  }
0x1ad: {  	[tilespmem:s2+$0xF278] =	vst.add.f32.msk $0xffff, v0  }
0x1ae: {  	v0 =	vld [tilespmem:s0+$0xF288];
	_ =	sdelay $0x4  }
0x1af: {  	[tilespmem:s2+$0xF288] =	vst.add.f32.msk $0xffff, v0  }
0x1b0: {  	v0 =	vld [tilespmem:s0+$0xF298];
	_ =	sdelay $0x4  }
0x1b1: {  	[tilespmem:s2+$0xF298] =	vst.add.f32.msk $0xffff, v0  }
0x1b2: {  	v0 =	vld [tilespmem:s0+$0xF2A8]  }
.Ltmp26:
0x1b3: {  	_ = 	snop;
	(pc) =	sbr.rel .LBB2_33-.Ltmp26, $2  }
0x1b4: {  	_ =	sdelay $0x2  }
0x1b5: {  	[tilespmem:s2+$0xF2A8] =	vst.add.f32.msk $0xffff, v0  }
.LBB2_34:
0x1b6: {  	s0 =	simm.s32 $0x6;
	p1 =	seq.s32 s6, $0x0  }
0x1b7: {  	[sflag:s0] =	ssyncpa.u1 $0x1;
	v0 =	vimm.s32 @p1 $0xFFFFFFFF  }
0x1b8: {  	s9 =	sadd.s32 $0xFFFFFFFF, s6;
	[tilespmem:$0x10238] =	vst @p1 v0  }
0x1b9: {  	v0 =	vld.msk @!p1 [tilespmem:s9+$0xF218], $0x1;
	_ =	sdelay $0x1  }
0x1ba: {  	v1 =	vld.msk @!p1 [tilespmem:$0xF218], $0x1;
	_ =	sdelay $0x2  }
0x1bb: {  	p2 =	seq.s32 @!p1 s9, $0x0;
	v0 =	vbroadcast @!p1 v0, $0x0  }
0x1bc: {  	vm0 =	vmmov @!p1 $0x1;
	p2 =	por !p2, p1  }
0x1bd: {  	v1 =	vnsel @!p1 vm0, $0xFFFFFFFF, v1;
	vm0 =	vcmask @!p1 $0x308;
	v0 =	vpsel !p2, $0xFFFFFFFF, v0  }
0x1be: {  	p2 =	sne.s32 @!p1 s8, s7;
	v0 =	vsel @!p1 vm0, v1, v0  }
0x1bf: {  	s0 =	simm.s32 @!p1 $0xF238;
	s2 =	simm.s32 @!p1 $0x0;
	p3 =	por !p2, p1;
	[tilespmem:$0x10238] =	vst @!p1 v0  }
0x1c0: {  	[spmem:s2] =	stream.linear.scatter @!p1 [tilespmem:s0], [sflag:$0x1], $0x80, $0x38;
	[tilespmem:$0x1F6F8] =	vst v63  }
0x1c1: {  	s0 =	sshll.u32 @!p3 s9, $0x9  }
0x1c2: {  	s0 =	sshra.s32 @!p3 s0, $0x2  }
0x1c3: {  	s2 =	simm.s32 @!p3 $0x80;
	s0 =	sadd.s32 @!p3 $0xF238, s0  }
0x1c4: {  	[spmem:s2] =	stream.linear.scatter @!p3 [tilespmem:s0], [sflag:$0x1], $0x80, $0x38;
	[tilespmem:$0x1F6F8] =	vst v63  }
0x1c5: {  	s0 =	simm.s32 @!p3 $0x1  }
0x1c6: {  	_ =	swait.ge @!p3 [sflag:s0], $0x100  }
0x1c7: {  	p1 =	por p2, p1;
	[sflag:s0] =	ssyncset.done @!p3 $0x0  }
0x1c8: {  	[sflag:s0] =	ssyncadd.s32 @!p3 $0xFFFFFF00;
	s0 =	simm.s32 @!p1 $0x1  }
0x1c9: {  	_ =	swait.ge @!p1 [sflag:s0], $0x80  }
0x1ca: {  	s29 =	simm.s32 $0x10238;
	[sflag:s0] =	ssyncset.done @!p1 $0x0  }
0x1cb: {  	s30 =	simm.s32 $0x1000;
	s31 =	simm.s32 $0x1;
	[sflag:s0] =	ssyncadd.s32 @!p1 $0xFFFFFF80  }
0x1cc: {  	[spmem:s30] =	stream.linear.scatter [tilespmem:s29], [sflag:$0x1], $0x10, $0x38;
	[tilespmem:$0x1F6F8] =	vst v63  }
0x1cd: {  	_ =	swait.ge [sflag:s31], $0x10  }
0x1ce: {  	[sflag:s31] =	ssyncset.done $0x0  }
0x1cf: {  	p1 =	seq.s32 s15, $0x0;
	s8 =	rddreg [dreg:$0x2];
	[sflag:s31] =	ssyncadd.s32 $0xFFFFFFF0  }
0x1d0: {  	s2 =	sshll.u32 @p1 s8, $0xE;
	s7 =	rddreg [dreg:$0x3]  }
0x1d1: {  	s0 =	sadd.s32 @p1 $0x15C3C, s2;
	s2 =	sshll.u32 @p1 s7, $0x11  }
0x1d2: {  	_ =	sfence.stream.spmem;
	s0 =	sor.u32 @p1 s2, s0  }
0x1d3: {  	[sflag:s0] =	ssyncadd.remote.s32 @p1 $0x1;
	s0 =	simm.s32 @p1 $0x4  }
0x1d4: {  	s3 =	simm.s32 @!p1 $0x3C;
	s2 =	sand.u32 $0xFFFFFFFE, s8;
	_ =	swait.ge @p1 [sflag:s0], $0x22  }
0x1d5: {  	s4 =	simm.s32 @!p1 $0x0;
	s2 =	sadd.s32 @!p1 $0x4, s2;
	[sflag:s0] =	ssyncset.done @p1 $0x0  }
0x1d6: {  	s5 =	simm.s32 @!p1 $0x100;
	[sflag:s0] =	ssyncadd.s32 @p1 $0xFFFFFFDE;
	s0 =	sshll.u32 @!p1 s2, $0x1A  }
0x1d7: {  	s2 =	sshll.u32 @!p1 s2, $0xD;
	s0 =	sor.u32 @!p1 s0, s7;
	_ =	swait.eq @!p1 [sflag:s3], $0x1  }
0x1d8: {  	s2 =	sor.u32 @!p1 $0x1C04, s2;
	s3 =	simm.s32 @!p1 $0x1C03;
	s0 =	sor.u32 @!p1 $0x80004000, s0  }
0x1d9: {  	[spmem:s5], [sflag:s2] =	dma.general @!p1 [spmem:s4], [sflag:s3], length:$0x20, [dreg:$0x0], stride_count:$0x0, ici_dest:s0, dma_misc:DstOpCode:WRITE  }
0x1da: {  	p2 =	slt.s32 s9, $0x2;
	s4 =	simm.s32 @!p1 $0x200;
	s5 =	simm.s32 @!p1 $0x202  }
0x1db: {  	[spmem:s5], [sflag:s2] =	dma.general @!p1 [spmem:s4], [sflag:s3], length:$0x2, [dreg:$0x0], stride_count:$0x0, ici_dest:s0, dma_misc:DstOpCode:WRITE  }
.Ltmp27:
0x1dc: {  	s0 =	simm.s32 @!p1 $0x3;
	(pc) =	sbr.rel @p2 .LBB2_38-.Ltmp27, $4  }
0x1dd: {  	s2 =	sshll.u32 @!p1 s8, $0xE;
	_ =	swait.ge @!p1 [sflag:s0], $0x22  }
0x1de: {  	s3 =	sshll.u32 @!p1 s7, $0x11;
	s2 =	sadd.s32 @!p1 $0x11C3C, s2;
	[sflag:s0] =	ssyncset.done @!p1 $0x0  }
0x1df: {  	[sflag:s0] =	ssyncadd.s32 @!p1 $0xFFFFFFDE;
	s0 =	sor.u32 @!p1 s3, s2  }
0x1e0: {  	[sflag:s0] =	ssyncadd.remote.s32 @!p1 $0xFFFFFFFF;
	s0 =	simm.s32 $0x0  }
0x1e1: {  	s0 =	simm.s32 $0xF219  }
0x1e2: {  	v0 =	vld.msk [tilespmem:s0+$0x0], $0x1;
	_ =	sdelay $0x4  }
0x1e3: {  	(v2sf) =	vpush v0, $0x0;
	_ =	sdelay $0xb  }
0x1e4: {  	s31 =	sadd.s32 $0xFFFFFFFE, s6  }
0x1e5: {  	s0 =	sadd.s32 $0xFFFFFFFF, s31  }
0x1e6: {  	p2 =	sne.s32 s0, $0x0  }
.Ltmp28:
0x1e7: {  	s2 =	spop (v2sf);
	(pc) =	sbr.rel @!p2 .LBB2_37-.Ltmp28, $4  }
0x1e8: {  	s4 =	simm.s32 $0xF2B8;
	s7 =	simm.s32 $0x0;
	p1 =	sgt.u32 s2, $0x270F0  }
0x1e9: {  	s5 =	simm.s32 $0x0;
	s6 =	simm.s32 $0xF21A;
	s3 =	sand.u32 @!p1 $0x3FFF8, s2  }
0x1ea: {  	s2 =	sand.u32 @!p1 $0x7, s2;
	s7 =	simm.s32 @!p1 $0x200;
	s3 =	sadd.s32 @!p1 s1, s3  }
0x1eb: {  	[hbm4b:s3+s2] =	stream.linear.scatter @!p1 [tilespmem:s4], [sflag:$0x5], $0x80, $0x38;
	[tilespmem:$0x1F6F8] =	vst v63  }
.LBB2_36:
0x1ec: {  	v0 =	vld.msk [tilespmem:s6+$0x0], $0x1;
	s0 =	sadd.s32 $0xFFFFFFFF, s0;
	s5 =	sadd.s32 s5, s7  }
0x1ed: {  	p1 =	sne.s32 s0, $0x0;
	_ =	sdelay $0x3  }
0x1ee: {  	(v2sf) =	vpush v0, $0x0;
	_ =	sdelay $0xe  }
.Ltmp29:
0x1ef: {  	s2 =	spop (v2sf);
	(pc) =	sbr.rel @p1 .LBB2_36-.Ltmp29, $4  }
0x1f0: {  	s7 =	simm.s32 $0x0;
	p2 =	sgt.u32 s2, $0x270F0  }
0x1f1: {  	s4 =	sadd.s32 $0x80, s4;
	s7 =	simm.s32 @!p2 $0x200;
	s3 =	sand.u32 @!p2 $0x3FFF8, s2  }
0x1f2: {  	s6 =	sadd.s32 $0x1, s6;
	s2 =	sand.u32 @!p2 $0x7, s2;
	s3 =	sadd.s32 @!p2 s1, s3  }
0x1f3: {  	[hbm4b:s3+s2] =	stream.linear.scatter @!p2 [tilespmem:s4], [sflag:$0x5], $0x80, $0x38;
	[tilespmem:$0x1F6F8] =	vst v63  }
.LBB2_37:
0x1f4: {  	s0 =	sadd.s32 s5, s7  }
0x1f5: {  	s0 =	sshrl.u32 s0, $0x2  }
.LBB2_38:
0x1f6: {  	s2 =	simm.s32 $0x5  }
0x1f7: {  	_ =	swait.ge [sflag:s2], s0  }
0x1f8: {  	s31 =	ssub.s32 $0x0, s0;
	[sflag:s2] =	ssyncset.done $0x0  }
0x1f9: {  	[sflag:s2] =	ssyncadd.s32 s31  }
0x1fa: {  	[sflag:s2] =	ssyncpa.u1 $0x1  }
.LBB2_39:
0x1fb: {  	s0 =	sor.u32 s15, s16  }
0x1fc: {  	p1 =	sne.s32 s0, $0x0  }
.Ltmp30:
0x1fd: {  	_ = 	snop;
	(pc) =	sbr.rel @p1 .LBB2_54-.Ltmp30, $3  }
0x1fe: {  	_ =	sdelay $0x1  }
0x1ff: {  	[bflag:$0x0] =	sbarrier.arrive $0xFFFF  }
0x200: {  	_ =	sfence  }
0x201: {  	s0 =	simm.s32 $0x7  }
0x202: {  	s2 =	simm.s32 $0x1000;
	s3 =	simm.s32 $0xF218;
	[sflag:s0] =	ssyncpa.u1 $0x0  }
0x203: {  	[tilespmem:s3], [sflag:$0x7] =	stream.linear.gather [spmem:s2], $0x20, $0x38;
	[tilespmem:$0x1F6F8] =	vst v63  }
0x204: {  	s30 =	simm.s32 $0xF238;
	s2 =	simm.s32 $0x0  }
0x205: {  	[tilespmem:s30], [sflag:$0x7] =	stream.linear.gather [spmem:s2], $0x1000, $0x38;
	[tilespmem:$0x1F6F8] =	vst v63  }
.Ltmp31:
0x206: {  	_ = 	snop;
	(pc) =	sbr.rel .LBB2_41-.Ltmp31, $4  }
0x207: {  	_ =	swait.ge [sflag:s0], $0x1020  }
0x208: {  	[sflag:s0] =	ssyncset.done $0x0  }
0x209: {  	s31 =	simm.s32 $0x8;
	[sflag:s0] =	ssyncadd.s32 $0xFFFFEFE0  }
0x20a: {  	s3 =	simm.s32 $0x0;
	[sflag:s31] =	ssyncpa.u1 $0x0  }
.LBB2_47:
0x20b: {  	p1 =	slt.u32 s4, $0x270F1  }
0x20c: {  	s0 =	sand.u32 @p1 $0x3FFF8, s4  }
0x20d: {  	s4 =	sand.u32 @p1 $0x7, s4;
	s5 =	simm.s32 @p1 $0xF188;
	s0 =	sadd.s32 @p1 s1, s0  }
0x20e: {  	[tilespmem:s5], [sflag:$0x8] =	stream.linear.gather @p1 [hbm4b:s0+s4], $0x80, $0x38;
	[tilespmem:$0x1F6F8] =	vst v63  }
0x20f: {  	s0 =	simm.s32 @p1 $0x8  }
0x210: {  	_ =	swait.ge @p1 [sflag:s0], $0x80  }
0x211: {  	[sflag:s0] =	ssyncset.done @p1 $0x0  }
0x212: {  	[sflag:s0] =	ssyncadd.s32 @p1 $0xFFFFFF80  }
0x213: {  	v1 =	vld @p1 [tilespmem:$0xF188];
	_ =	sdelay $0x2  }
0x214: {  	s0 =	sshll.u32 @p1 s3, $0x9  }
0x215: {  	s4 =	sshrl.u32 @p1 s0, $0x2  }
0x216: {  	[tilespmem:s4+$0xF238] =	vst.add.f32.msk @p1 $0xffff, v1  }
0x217: {  	v1 =	vld @p1 [tilespmem:$0xF198];
	_ =	sdelay $0x4  }
0x218: {  	[tilespmem:s4+$0xF248] =	vst.add.f32.msk @p1 $0xffff, v1  }
0x219: {  	v1 =	vld @p1 [tilespmem:$0xF1A8];
	_ =	sdelay $0x4  }
0x21a: {  	[tilespmem:s4+$0xF258] =	vst.add.f32.msk @p1 $0xffff, v1  }
0x21b: {  	v1 =	vld @p1 [tilespmem:$0xF1B8];
	_ =	sdelay $0x4  }
0x21c: {  	[tilespmem:s4+$0xF268] =	vst.add.f32.msk @p1 $0xffff, v1  }
0x21d: {  	v1 =	vld @p1 [tilespmem:$0xF1C8];
	_ =	sdelay $0x4  }
0x21e: {  	[tilespmem:s4+$0xF278] =	vst.add.f32.msk @p1 $0xffff, v1  }
0x21f: {  	v1 =	vld @p1 [tilespmem:$0xF1D8];
	_ =	sdelay $0x4  }
0x220: {  	[tilespmem:s4+$0xF288] =	vst.add.f32.msk @p1 $0xffff, v1  }
0x221: {  	v1 =	vld @p1 [tilespmem:$0xF1E8];
	_ =	sdelay $0x4  }
0x222: {  	[tilespmem:s4+$0xF298] =	vst.add.f32.msk @p1 $0xffff, v1  }
0x223: {  	v1 =	vld @p1 [tilespmem:$0xF1F8];
	_ =	sdelay $0x3  }
0x224: {  	s5 =	sshll.u32 @!p1 s3, $0x9  }
0x225: {  	s5 =	smov.u32 @p1 s0;
	[tilespmem:s4+$0xF2A8] =	vst.add.f32.msk @p1 $0xffff, v1  }
0x226: {  	s0 =	sshrl.u32 s5, $0x2;
	[tilespmem:s2+$0xF218] =	vst.msk $0x1, v0  }
0x227: {  	v0 =	vld [tilespmem:s0+$0xF238];
	_ =	sdelay $0x2  }
0x228: {  	s31 =	sshll.u32 s2, $0x9  }
0x229: {  	s4 =	sshra.s32 s31, $0x2  }
0x22a: {  	[tilespmem:s4+$0xF238] =	vst v0  }
0x22b: {  	v0 =	vld [tilespmem:s0+$0xF248];
	_ =	sdelay $0x4  }
0x22c: {  	[tilespmem:s4+$0xF248] =	vst v0  }
0x22d: {  	v0 =	vld [tilespmem:s0+$0xF258];
	_ =	sdelay $0x4  }
0x22e: {  	[tilespmem:s4+$0xF258] =	vst v0  }
0x22f: {  	v0 =	vld [tilespmem:s0+$0xF268];
	_ =	sdelay $0x4  }
0x230: {  	[tilespmem:s4+$0xF268] =	vst v0  }
0x231: {  	v0 =	vld [tilespmem:s0+$0xF278];
	_ =	sdelay $0x4  }
0x232: {  	[tilespmem:s4+$0xF278] =	vst v0  }
0x233: {  	v0 =	vld [tilespmem:s0+$0xF288];
	_ =	sdelay $0x4  }
0x234: {  	[tilespmem:s4+$0xF288] =	vst v0  }
0x235: {  	v0 =	vld [tilespmem:s0+$0xF298];
	_ =	sdelay $0x4  }
0x236: {  	[tilespmem:s4+$0xF298] =	vst v0  }
0x237: {  	v0 =	vld [tilespmem:s0+$0xF2A8];
	_ =	sdelay $0x4  }
0x238: {  	s2 =	sadd.s32 $0x1, s2;
	[tilespmem:s4+$0xF2A8] =	vst v0  }
.LBB2_48:
0x239: {  	s3 =	sadd.s32 $0x1, s3  }
0x23a: {  	p1 =	sne.s32 s3, $0x20  }
.Ltmp32:
0x23b: {  	_ = 	snop;
	(pc) =	sbr.rel @!p1 .LBB2_49-.Ltmp32, $1  }
0x23c: {  	_ =	sdelay $0x3  }
.LBB2_41:
0x23d: {  	v0 =	vld.msk [tilespmem:s3+$0xF218], $0x1;
	_ =	sdelay $0x4  }
0x23e: {  	(v2sf) =	vpush v0, $0x0;
	_ =	sdelay $0xe  }
0x23f: {  	s4 =	spop (v2sf)  }
0x240: {  	p1 =	seq.s32 s4, $0xFFFFFFFF  }
.Ltmp33:
0x241: {  	_ = 	snop;
	(pc) =	sbr.rel @p1 .LBB2_48-.Ltmp33, $1  }
0x242: {  	_ =	sdelay $0x3  }
0x243: {  	p1 =	slt.s32 s2, $0x1  }
.Ltmp34:
0x244: {  	_ = 	snop;
	(pc) =	sbr.rel @p1 .LBB2_47-.Ltmp34, $1  }
0x245: {  	_ =	sdelay $0x3  }
0x246: {  	s5 =	simm.s32 $0xF218;
	p1 =	por $0x0, $0x0  }
0x247: {  	v1 =	vld.msk @!p1 [tilespmem:s5+$0x0], $0x1;
	_ =	sdelay $0x4  }
0x248: {  	(v2sf) =	vpush @!p1 v1, $0x0;
	_ =	sdelay $0xd  }
0x249: {  	p3 =	sne.s32 s2, $0x1  }
.Ltmp35:
0x24a: {  	s0 =	spop @!p1 (v2sf);
	(pc) =	sbr.rel @!p3 .LBB2_45-.Ltmp35, $4  }
0x24b: {  	p2 =	seq.s32 @!p1 s4, s0  }
0x24c: {  	s6 =	simm.s32 $0x0;
	p2 =	por !p2, p1  }
0x24d: {  	s7 =	simm.s32 $0xFFFFFFFF;
	s6 =	simm.s32 @p2 $0xFFFFFFFF  }
0x24e: {  	s0 =	simm.s32 $0x1;
	s6 =	smov.u32 @p1 s7  }
.LBB2_44:
0x24f: {  	s7 =	smov.u32 s6;
	p1 =	sne.s32 s6, $0xFFFFFFFF  }
0x250: {  	s5 =	sadd.s32 $0x1, s5;
	s6 =	smov.u32 s0;
	s0 =	sadd.s32 $0x1, s0  }
0x251: {  	p2 =	sne.s32 s2, s0;
	v1 =	vld.msk @!p1 [tilespmem:s5+$0x0], $0x1;
	_ =	sdelay $0x4  }
0x252: {  	(v2sf) =	vpush @!p1 v1, $0x0;
	_ =	sdelay $0xe  }
.Ltmp36:
0x253: {  	s8 =	spop @!p1 (v2sf);
	(pc) =	sbr.rel @p2 .LBB2_44-.Ltmp36, $4  }
0x254: {  	p3 =	seq.s32 @!p1 s4, s8  }
0x255: {  	p3 =	por !p3, p1  }
0x256: {  	s6 =	simm.s32 @p3 $0xFFFFFFFF  }
0x257: {  	s6 =	smov.u32 @p1 s7  }
.LBB2_45:
0x258: {  	p1 =	seq.s32 s6, $0xFFFFFFFF  }
.Ltmp37:
0x259: {  	_ = 	snop;
	(pc) =	sbr.rel @p1 .LBB2_47-.Ltmp37, $1  }
0x25a: {  	_ =	sdelay $0x3  }
0x25b: {  	s0 =	sshll.u32 s3, $0x7  }
0x25c: {  	s0 =	sand.u32 $0x3FFFFF80, s0  }
0x25d: {  	v0 =	vld [tilespmem:s0+$0xF238];
	_ =	sdelay $0x2  }
0x25e: {  	s4 =	sshll.u32 s6, $0x9  }
0x25f: {  	s4 =	sshra.s32 s4, $0x2  }
0x260: {  	[tilespmem:s4+$0xF238] =	vst.add.f32.msk $0xffff, v0  }
0x261: {  	v0 =	vld [tilespmem:s0+$0xF248];
	_ =	sdelay $0x4  }
0x262: {  	[tilespmem:s4+$0xF248] =	vst.add.f32.msk $0xffff, v0  }
0x263: {  	v0 =	vld [tilespmem:s0+$0xF258];
	_ =	sdelay $0x4  }
0x264: {  	[tilespmem:s4+$0xF258] =	vst.add.f32.msk $0xffff, v0  }
0x265: {  	v0 =	vld [tilespmem:s0+$0xF268];
	_ =	sdelay $0x4  }
0x266: {  	[tilespmem:s4+$0xF268] =	vst.add.f32.msk $0xffff, v0  }
0x267: {  	v0 =	vld [tilespmem:s0+$0xF278];
	_ =	sdelay $0x4  }
0x268: {  	[tilespmem:s4+$0xF278] =	vst.add.f32.msk $0xffff, v0  }
0x269: {  	v0 =	vld [tilespmem:s0+$0xF288];
	_ =	sdelay $0x4  }
0x26a: {  	[tilespmem:s4+$0xF288] =	vst.add.f32.msk $0xffff, v0  }
0x26b: {  	v0 =	vld [tilespmem:s0+$0xF298];
	_ =	sdelay $0x4  }
0x26c: {  	[tilespmem:s4+$0xF298] =	vst.add.f32.msk $0xffff, v0  }
0x26d: {  	v0 =	vld [tilespmem:s0+$0xF2A8]  }
.Ltmp38:
0x26e: {  	_ = 	snop;
	(pc) =	sbr.rel .LBB2_48-.Ltmp38, $2  }
0x26f: {  	_ =	sdelay $0x2  }
0x270: {  	[tilespmem:s4+$0xF2A8] =	vst.add.f32.msk $0xffff, v0  }
.LBB2_49:
0x271: {  	p1 =	slt.s32 s2, $0x1  }
.Ltmp39:
0x272: {  	_ = 	snop;
	(pc) =	sbr.rel @p1 .LBB2_53-.Ltmp39, $3  }
0x273: {  	_ =	sdelay $0x1  }
0x274: {  	s0 =	simm.s32 $0x8  }
0x275: {  	s3 =	simm.s32 $0x0;
	[sflag:s0] =	ssyncpa.u1 $0x1  }
0x276: {  	s0 =	simm.s32 $0xF218  }
0x277: {  	v0 =	vld.msk [tilespmem:s0+$0x0], $0x1;
	_ =	sdelay $0x4  }
0x278: {  	(v2sf) =	vpush v0, $0x0;
	_ =	sdelay $0xe  }
0x279: {  	s0 =	sadd.s32 $0xFFFFFFFF, s2;
	s5 =	spop (v2sf)  }
0x27a: {  	p2 =	sne.s32 s0, $0x0;
	p1 =	sgt.u32 s5, $0x270F0  }
.Ltmp40:
0x27b: {  	s6 =	sand.u32 @!p1 $0x3FFF8, s5;
	(pc) =	sbr.rel @!p2 .LBB2_52-.Ltmp40, $4  }
0x27c: {  	s4 =	simm.s32 $0xF238;
	s5 =	sand.u32 @!p1 $0x7, s5;
	s2 =	sadd.s32 @!p1 s1, s6  }
0x27d: {  	[hbm4b:s2+s5] =	stream.linear.scatter @!p1 [tilespmem:s4], [sflag:$0x7], $0x80, $0x38;
	[tilespmem:$0x1F6F8] =	vst v63  }
0x27e: {  	s5 =	simm.s32 $0x0  }
0x27f: {  	s2 =	simm.s32 $0xF219;
	s5 =	simm.s32 @!p1 $0x200  }
.LBB2_51:
0x280: {  	v0 =	vld.msk [tilespmem:s2+$0x0], $0x1;
	s0 =	sadd.s32 $0xFFFFFFFF, s0;
	s3 =	sadd.s32 s3, s5  }
0x281: {  	p1 =	sne.s32 s0, $0x0;
	_ =	sdelay $0x3  }
0x282: {  	(v2sf) =	vpush v0, $0x0;
	_ =	sdelay $0xe  }
.Ltmp41:
0x283: {  	s6 =	spop (v2sf);
	(pc) =	sbr.rel @p1 .LBB2_51-.Ltmp41, $4  }
0x284: {  	s5 =	simm.s32 $0x0;
	p2 =	sgt.u32 s6, $0x270F0  }
0x285: {  	s4 =	sadd.s32 $0x80, s4;
	s5 =	simm.s32 @!p2 $0x200;
	s7 =	sand.u32 @!p2 $0x3FFF8, s6  }
0x286: {  	s2 =	sadd.s32 $0x1, s2;
	s6 =	sand.u32 @!p2 $0x7, s6;
	s7 =	sadd.s32 @!p2 s1, s7  }
0x287: {  	[hbm4b:s7+s6] =	stream.linear.scatter @!p2 [tilespmem:s4], [sflag:$0x7], $0x80, $0x38;
	[tilespmem:$0x1F6F8] =	vst v63  }
.LBB2_52:
0x288: {  	s0 =	sadd.s32 s3, s5  }
0x289: {  	s3 =	sshrl.u32 s0, $0x2  }
.LBB2_53:
0x28a: {  	s0 =	simm.s32 $0x7  }
0x28b: {  	_ =	swait.ge [sflag:s0], s3  }
0x28c: {  	s1 =	ssub.s32 $0x0, s3;
	[sflag:s0] =	ssyncset.done $0x0  }
0x28d: {  	[sflag:s0] =	ssyncadd.s32 s1  }
0x28e: {  	[sflag:s0] =	ssyncpa.u1 $0x1  }
.LBB2_54:
0x28f: {  	_ =	sfence;
	s0 =	simm.s32 $0x1  }
0x290: {  	[sflag:s0] =	ssyncpa.u1 $0x1  }
0x291: {  	_ =	strace $0x90000047  }
0x292: {  	[bflag:$0x2] =	sbarrier.arrive $0xFFFF  }
0x293: {  	s0 =	rddreg [dreg:$0x4]  }
0x294: {  	s0 =	sadd.s32 @!p0 $0x100000, s0  }
0x295: {  	[sflag:s0] =	ssyncadd.tile.s32 @!p0 $0x1;
	_ =	shalt  }
.Lfunc_end2:
_tile_overlayer_lowered:
.L_overlay_start_2:
0x296: {  	(tag) =	ssettag $0x2  }
0x297: {  	s0 =	rddreg [dreg:$0x0];
	s2 =	stileid.u32  }
0x298: {  	s1 =	rddreg [dreg:$0x1];
	p0 =	sne.s32 s2, $0x0  }
0x299: {  	s3 =	rddreg [dreg:$0x2];
	[bflag:$0x3] =	sbarrier.arrive $0xFFFF;
	s2 =	simm.s32 @!p0 $0x1C01  }
0x29a: {  	[timem:s3], [sflag:s2] =	dma.local @!p0 [hbm:s0], s1  }
0x29b: {  	s0 =	simm.s32 @!p0 $0x1  }
0x29c: {  	_ =	swait.ge @!p0 [sflag:s0], s1  }
0x29d: {  	s1 =	ssub.s32 @!p0 $0x0, s1;
	[sflag:s0] =	ssyncset.done @!p0 $0x0  }
0x29e: {  	[sflag:s0] =	ssyncadd.s32 @!p0 s1  }
0x29f: {  	[bflag:$0x3] =	sbarrier.arrive $0xFFFF  }
0x2a0: {  	_ =	shalt  }

</sc_bundles>
